<compile_context>
chip_gen: v7x
topology: tpu7x:2x2x1
jax: 0.10.2.dev20260603
libtpu: 0.0.44.dev20260713+nightly
codegen_flags: <defaults>
</compile_context>

<pallas_src>
import jax
import jax.numpy as jnp
from jax import lax
from jax.experimental import pallas as pl
from jax.experimental.pallas import tpu as pltpu
from jax.experimental.pallas import tpu_sc as plsc

NC = 2
NS = 16
CHUNK = 50


def _mesh():
    return plsc.VectorSubcoreMesh(core_axis_name="c", subcore_axis_name="s")


NBUF = 4


def _agg_kernel(n_nodes, n_edges, d):
    nchunk = n_edges // (NC * NS * CHUNK)
    nseg = 5
    nhalf = nchunk // nseg
    ngroup = nhalf // NBUF
    rpt = n_nodes // NS

    def body(h_hbm, h3d_hbm, src_hbm, dst_hbm, zero_hbm, out_hbm,
             idxs, idxd, r0, r1, r2, r3, acc,
             g0, g1, g2, g3, s0, s1, s2, s3):
        bufs = [r0, r1, r2, r3]
        gsems = [g0, g1, g2, g3]
        ssems = [s0, s1, s2, s3]
        c = lax.axis_index("c")
        s = lax.axis_index("s")

        base_row = (c * NS + s) * nchunk

        @pl.when(c == 0)
        def _():
            pltpu.sync_copy(h3d_hbm.at[s], acc.at[pl.ds(s * rpt, rpt)])

        @pl.when(c != 0)
        def _():
            pltpu.sync_copy(zero_hbm, acc.at[pl.ds(s * rpt, rpt)])

        plsc.subcore_barrier()

        for half in range(nseg):
            pltpu.sync_copy(
                src_hbm.at[pl.ds(base_row + half * nhalf, nhalf)], idxs)
            pltpu.sync_copy(
                dst_hbm.at[pl.ds(base_row + half * nhalf, nhalf)], idxd)

            for b in range(NBUF):
                pltpu.async_copy(h_hbm.at[idxs.at[b]], bufs[b], gsems[b])

            def group(g, _):
                j0 = g * NBUF
                for b in range(NBUF):
                    pltpu.make_async_copy(
                        h_hbm.at[idxs.at[j0 + b]], bufs[b], gsems[b]).wait()
                    pltpu.async_copy(
                        bufs[b], acc.at[idxd.at[j0 + b]], ssems[b], add=True)
                for b in range(NBUF):
                    pltpu.make_async_copy(
                        bufs[b], acc.at[idxd.at[j0 + b]], ssems[b]).wait()

                    @pl.when(g < ngroup - 1)
                    def _(b=b):
                        pltpu.async_copy(
                            h_hbm.at[idxs.at[j0 + NBUF + b]], bufs[b],
                            gsems[b])
                return 0
            lax.fori_loop(0, ngroup, group, 0)

        plsc.subcore_barrier()
        pltpu.sync_copy(acc.at[pl.ds(s * rpt, rpt)], out_hbm.at[c, s])

    return pl.kernel(
        body,
        out_type=jax.ShapeDtypeStruct((NC, NS, rpt, d), jnp.float32),
        mesh=_mesh(),
        scratch_types=[
            pltpu.VMEM((nhalf, CHUNK), jnp.int32),
            pltpu.VMEM((nhalf, CHUNK), jnp.int32),
            pltpu.VMEM((CHUNK, d), jnp.float32),
            pltpu.VMEM((CHUNK, d), jnp.float32),
            pltpu.VMEM((CHUNK, d), jnp.float32),
            pltpu.VMEM((CHUNK, d), jnp.float32),
            pltpu.VMEM_SHARED((n_nodes, d), jnp.float32),
            pltpu.SemaphoreType.DMA,
            pltpu.SemaphoreType.DMA,
            pltpu.SemaphoreType.DMA,
            pltpu.SemaphoreType.DMA,
            pltpu.SemaphoreType.DMA,
            pltpu.SemaphoreType.DMA,
            pltpu.SemaphoreType.DMA,
            pltpu.SemaphoreType.DMA,
        ],
    )


def _tc1a_body(x_ref, w_ref, h_ref):
    h_ref[...] = jnp.dot(x_ref[...], w_ref[...],
                         preferred_element_type=jnp.float32)


def _tc1b_body(h_ref, deg_ref, hp_ref, dinv_ref):
    dinv = lax.rsqrt(deg_ref[...] + 1.0)
    hp_ref[...] = h_ref[...] * dinv
    dinv_ref[...] = dinv


def _tc2_body(t0_ref, t1_ref, dinv_ref, b1_ref, w2_ref, p1_ref, pb1_ref,
              p2_ref, pb2_ref, z_ref, gp_ref, proj_ref):
    dinv = dinv_ref[...]
    z = dinv * (t0_ref[...] + t1_ref[...]) + b1_ref[...]
    z_ref[...] = z
    h = jnp.maximum(z, 0.0)
    gp_ref[...] = dinv * jnp.dot(h, w2_ref[...],
                                 preferred_element_type=jnp.float32)
    t = jnp.maximum(
        jnp.dot(z, p1_ref[...], preferred_element_type=jnp.float32)
        + pb1_ref[...], 0.0)
    proj_ref[...] = (jnp.dot(t, p2_ref[...], preferred_element_type=jnp.float32)
                     + pb2_ref[...])


def _tc3_body(u0_ref, u1_ref, dinv_ref, b2_ref, out_ref):
    out_ref[...] = (dinv_ref[...] * (u0_ref[...] + u1_ref[...])
                    + b2_ref[...])


def kernel(x, edge_index, W1, b1, W2, b2, P1, pb1, P2, pb2):
    n = x.shape[0]
    d_in = x.shape[1]
    d_hid = W1.shape[1]
    e = edge_index.shape[1]
    rpt = n // NS

    src2d = edge_index[0].reshape(e // CHUNK, CHUNK)
    dst2d = edge_index[1].reshape(e // CHUNK, CHUNK)
    zero_d = jnp.zeros((rpt, d_hid), jnp.float32)

    deg = jnp.zeros((n,), jnp.float32).at[edge_index[1]].add(1.0)
    degcol = deg[:, None]

    br = 1000
    grid = (n // br,)
    row = pl.BlockSpec((br, d_hid), lambda i: (i, 0))
    col = pl.BlockSpec((br, 1), lambda i: (i, 0))
    mat = pl.BlockSpec((d_hid, d_hid), lambda i: (0, 0))
    vec = pl.BlockSpec((1, d_hid), lambda i: (0, 0))

    h1 = pl.pallas_call(
        _tc1a_body,
        grid=grid,
        in_specs=[row, mat],
        out_specs=row,
        out_shape=jax.ShapeDtypeStruct((n, d_hid), jnp.float32),
    )(x, W1)

    hp, dinv = pl.pallas_call(
        _tc1b_body,
        grid=grid,
        in_specs=[row, col],
        out_specs=[row, col],
        out_shape=[jax.ShapeDtypeStruct((n, d_hid), jnp.float32),
                   jax.ShapeDtypeStruct((n, 1), jnp.float32)],
    )(h1, degcol)

    t = _agg_kernel(n, e, d_hid)(
        hp, hp.reshape(NS, rpt, d_hid), src2d, dst2d, zero_d)

    z, gp, proj = pl.pallas_call(
        _tc2_body,
        grid=grid,
        in_specs=[row, row, col, vec, mat, mat, vec, mat, vec],
        out_specs=[row, row, row],
        out_shape=[jax.ShapeDtypeStruct((n, d_hid), jnp.float32),
                   jax.ShapeDtypeStruct((n, d_in), jnp.float32),
                   jax.ShapeDtypeStruct((n, d_hid), jnp.float32)],
    )(t.reshape(NC, n, d_hid)[0], t.reshape(NC, n, d_hid)[1], dinv,
      b1.reshape(1, d_hid), W2, P1, pb1.reshape(1, d_hid),
      P2, pb2.reshape(1, d_hid))

    u = _agg_kernel(n, e, d_in)(
        gp, gp.reshape(NS, rpt, d_in), src2d, dst2d, zero_d)

    out2 = pl.pallas_call(
        _tc3_body,
        grid=grid,
        in_specs=[row, row, col, vec],
        out_specs=row,
        out_shape=jax.ShapeDtypeStruct((n, d_in), jnp.float32),
    )(u.reshape(NC, n, d_in)[0], u.reshape(NC, n, d_in)[1], dinv,
      b2.reshape(1, d_in))

    return (out2, z, proj)

# --- scband reference (transcript-rebuilt; emitter-appended) ---
"""Pipeline reference for scband-gcnencoder-64785286693470 (READ-ONLY COPY).

The authoritative reference and input builder live on the scoring server;
editing this copy changes nothing except your own understanding.
"""

import jax, jax.numpy as jnp
import numpy as np

N_NODES = 10000
D_IN = 128
D_HID = 128
N_EDGES = 320000


def gcn_conv(x, edge_index, W, b, num_nodes):
    # PyG-style GCNConv: add self loops, symmetric normalization D^-1/2 (A+I) D^-1/2, then X W + bias
    src = edge_index[0]
    dst = edge_index[1]
    loop = jnp.arange(num_nodes, dtype=edge_index.dtype)
    src = jnp.concatenate([src, loop])
    dst = jnp.concatenate([dst, loop])
    deg = jnp.zeros((num_nodes,), dtype=x.dtype).at[dst].add(1.0)
    deg_inv_sqrt = jnp.where(deg > 0, jax.lax.rsqrt(deg), 0.0)
    norm = deg_inv_sqrt[src] * deg_inv_sqrt[dst]
    h = x @ W
    msg = h[src] * norm[:, None]
    out = jnp.zeros((num_nodes, h.shape[1]), dtype=h.dtype).at[dst].add(msg)
    return out + b


def projector(z, P1, pb1, P2, pb2):
    h = jax.nn.relu(z @ P1 + pb1)
    return h @ P2 + pb2


def setup_inputs(seed: int = 0) -> dict:
    key = jax.random.key(seed)
    ks = jax.random.split(key, 10)
    x = jax.random.normal(ks[0], (N_NODES, D_IN), dtype=jnp.float32)
    edge_index = jax.random.randint(ks[1], (2, N_EDGES), 0, N_NODES, dtype=jnp.int64 if jax.config.jax_enable_x64 else jnp.int32).astype(jnp.int32)
    s1 = 1.0 / np.sqrt(D_IN)
    s2 = 1.0 / np.sqrt(D_HID)
    W1 = jax.random.uniform(ks[2], (D_IN, D_HID), jnp.float32, -s1, s1)
    b1 = jnp.zeros((D_HID,), jnp.float32)
    W2 = jax.random.uniform(ks[3], (D_HID, D_IN), jnp.float32, -s2, s2)
    b2 = jnp.zeros((D_IN,), jnp.float32)
    P1 = jax.random.uniform(ks[4], (D_HID, D_HID), jnp.float32, -s2, s2)
    pb1 = jnp.zeros((D_HID,), jnp.float32)
    P2 = jax.random.uniform(ks[5], (D_HID, D_HID), jnp.float32, -s2, s2)
    pb2 = jnp.zeros((D_HID,), jnp.float32)
    return {"x": x, "edge_index": edge_index, "W1": W1, "b1": b1, "W2": W2, "b2": b2, "P1": P1, "pb1": pb1, "P2": P2, "pb2": pb2}


def reference(x, edge_index, W1, b1, W2, b2, P1, pb1, P2, pb2):
    z = gcn_conv(x, edge_index, W1, b1, N_NODES)
    h = jax.nn.relu(z)
    out2 = gcn_conv(h, edge_index, W2, b2, N_NODES)
    proj = projector(z, P1, pb1, P2, pb2)
    return (out2, z, proj)

if __name__ == "__main__":
    import jax
    _d = setup_inputs()
    print(jax.jit(kernel)(*tuple(_d.values())))

</pallas_src>

<mosaic_0001>
#map = affine_map<(d0, d1) -> (0, 0)>
#map1 = affine_map<(d0, d1) -> (0, 0, 0)>
#map2 = affine_map<(d0, d1) -> (0, 0, 0, 0)>
module attributes {stable_mosaic.version = 14 : i64} {
  func.func @body(%arg0: i32, %arg1: i32, %arg2: memref<10000x128xf32, #tpu.memory_space<hbm>>, %arg3: memref<16x625x128xf32, #tpu.memory_space<hbm>>, %arg4: memref<6400x50xi32, #tpu.memory_space<hbm>>, %arg5: memref<6400x50xi32, #tpu.memory_space<hbm>>, %arg6: memref<625x128xf32, #tpu.memory_space<hbm>>, %arg7: memref<2x16x625x128xf32, #tpu.memory_space<hbm>>, %arg8: memref<40x50xi32, #tpu.memory_space<vmem>>, %arg9: memref<40x50xi32, #tpu.memory_space<vmem>>, %arg10: memref<50x128xf32, #tpu.memory_space<vmem>>, %arg11: memref<50x128xf32, #tpu.memory_space<vmem>>, %arg12: memref<50x128xf32, #tpu.memory_space<vmem>>, %arg13: memref<50x128xf32, #tpu.memory_space<vmem>>, %arg14: memref<10000x128xf32, #tpu.memory_space<vmem_shared>>, %arg15: memref<!tpu.dma_semaphore, #tpu.memory_space<semaphore_mem>>, %arg16: memref<!tpu.dma_semaphore, #tpu.memory_space<semaphore_mem>>, %arg17: memref<!tpu.dma_semaphore, #tpu.memory_space<semaphore_mem>>, %arg18: memref<!tpu.dma_semaphore, #tpu.memory_space<semaphore_mem>>, %arg19: memref<!tpu.dma_semaphore, #tpu.memory_space<semaphore_mem>>, %arg20: memref<!tpu.dma_semaphore, #tpu.memory_space<semaphore_mem>>, %arg21: memref<!tpu.dma_semaphore, #tpu.memory_space<semaphore_mem>>, %arg22: memref<!tpu.dma_semaphore, #tpu.memory_space<semaphore_mem>>) attributes {dimension_semantics = [#tpu.dimension_semantics<core_parallel>, #tpu.dimension_semantics<subcore_parallel>], iteration_bounds = array<i64: 2, 16>, scalar_prefetch = 0 : i64, scratch_operands = 15 : i64, tpu.core_type = #tpu.core_type<sc_vector_subcore>, window_params = [{transform_indices = #map}, {transform_indices = #map1}, {transform_indices = #map}, {transform_indices = #map}, {transform_indices = #map}, {transform_indices = #map2}]} {
    %mul3A = arith.constant 16 : i32
    %mul3A_0 = arith.muli %arg0, %mul3A : i32
    %add3A = arith.addi %mul3A_0, %arg1 : i32
    %mul3A_1 = arith.constant 200 : i32
    %mul3A_2 = arith.muli %add3A, %mul3A_1 : i32
    %eq3A = arith.constant 0 : i32
    %eq3A_3 = arith.cmpi eq, %arg0, %eq3A : i32
    %convert_element_type3A = arith.extui %eq3A_3 : i1 to i32
    %cond3A = arith.constant 0 : i32
    %cond3A_4 = arith.cmpi ne, %convert_element_type3A, %cond3A : i32
    scf.if %cond3A_4 {
      %mul3A_205 = arith.constant 625 : i32
      %mul3A_206 = arith.muli %arg1, %mul3A_205 : i32
      "tpu.region"() ({
        %run_scoped3A = tpu.sem_alloc : memref<!tpu.dma_semaphore, #tpu.memory_space<semaphore_mem>>
        %dma_start3A_207 = arith.constant 0 : i32
        %dma_start3A_208 = tpu.memref_slice %arg14[%mul3A_206, %dma_start3A_207] : memref<10000x128xf32, #tpu.memory_space<vmem_shared>> -> memref<625x128xf32, #tpu.memory_space<vmem_shared>>
        %dma_start3A_209 = arith.constant 0 : i32
        %dma_start3A_210 = arith.constant 0 : i32
        %dma_start3A_211 = tpu.memref_slice %arg3[%arg1, %dma_start3A_209, %dma_start3A_210] : memref<16x625x128xf32, #tpu.memory_space<hbm>> -> memref<1x625x128xf32, #tpu.memory_space<hbm>>
        %dma_start3A_212 = tpu.memref_squeeze %dma_start3A_211 : memref<1x625x128xf32, #tpu.memory_space<hbm>> -> memref<625x128xf32, #tpu.memory_space<hbm>>
        tpu.enqueue_dma source(%dma_start3A_212 : memref<625x128xf32, #tpu.memory_space<hbm>>) target(%dma_start3A_208 : memref<625x128xf32, #tpu.memory_space<vmem_shared>>) target_semaphore(%run_scoped3A : memref<!tpu.dma_semaphore, #tpu.memory_space<semaphore_mem>>)
        %dma_wait3A = arith.constant 0 : i32
        %dma_wait3A_213 = tpu.memref_slice %arg14[%mul3A_206, %dma_wait3A] : memref<10000x128xf32, #tpu.memory_space<vmem_shared>> -> memref<625x128xf32, #tpu.memory_space<vmem_shared>>
        %dma_wait3A_214 = arith.constant 0 : i32
        %dma_wait3A_215 = arith.constant 0 : i32
        %dma_wait3A_216 = tpu.memref_slice %arg3[%arg1, %dma_wait3A_214, %dma_wait3A_215] : memref<16x625x128xf32, #tpu.memory_space<hbm>> -> memref<1x625x128xf32, #tpu.memory_space<hbm>>
        %dma_wait3A_217 = tpu.memref_squeeze %dma_wait3A_216 : memref<1x625x128xf32, #tpu.memory_space<hbm>> -> memref<625x128xf32, #tpu.memory_space<hbm>>
        tpu.wait_dma2 semaphore(%run_scoped3A : memref<!tpu.dma_semaphore, #tpu.memory_space<semaphore_mem>>) src(%dma_wait3A_217 : memref<625x128xf32, #tpu.memory_space<hbm>>) dst(%dma_wait3A_213 : memref<625x128xf32, #tpu.memory_space<vmem_shared>>)
        tpu.yield
      }) : () -> ()
    } else {
    }
    %ne3A = arith.constant 0 : i32
    %ne3A_5 = arith.cmpi ne, %arg0, %ne3A : i32
    %convert_element_type3A_6 = arith.extui %ne3A_5 : i1 to i32
    %cond3A_7 = arith.constant 0 : i32
    %cond3A_8 = arith.cmpi ne, %convert_element_type3A_6, %cond3A_7 : i32
    scf.if %cond3A_8 {
      %mul3A_205 = arith.constant 625 : i32
      %mul3A_206 = arith.muli %arg1, %mul3A_205 : i32
      "tpu.region"() ({
        %run_scoped3A = tpu.sem_alloc : memref<!tpu.dma_semaphore, #tpu.memory_space<semaphore_mem>>
        %dma_start3A_207 = arith.constant 0 : i32
        %dma_start3A_208 = tpu.memref_slice %arg14[%mul3A_206, %dma_start3A_207] : memref<10000x128xf32, #tpu.memory_space<vmem_shared>> -> memref<625x128xf32, #tpu.memory_space<vmem_shared>>
        tpu.enqueue_dma source(%arg6 : memref<625x128xf32, #tpu.memory_space<hbm>>) target(%dma_start3A_208 : memref<625x128xf32, #tpu.memory_space<vmem_shared>>) target_semaphore(%run_scoped3A : memref<!tpu.dma_semaphore, #tpu.memory_space<semaphore_mem>>)
        %dma_wait3A = arith.constant 0 : i32
        %dma_wait3A_209 = tpu.memref_slice %arg14[%mul3A_206, %dma_wait3A] : memref<10000x128xf32, #tpu.memory_space<vmem_shared>> -> memref<625x128xf32, #tpu.memory_space<vmem_shared>>
        tpu.wait_dma2 semaphore(%run_scoped3A : memref<!tpu.dma_semaphore, #tpu.memory_space<semaphore_mem>>) src(%arg6 : memref<625x128xf32, #tpu.memory_space<hbm>>) dst(%dma_wait3A_209 : memref<625x128xf32, #tpu.memory_space<vmem_shared>>)
        tpu.yield
      }) : () -> ()
    } else {
    }
    %barrier3A = arith.constant 0 : index
    tpu.barrier barrier_id(%barrier3A)
    %add3A_9 = arith.constant 0 : i32
    %add3A_10 = arith.addi %mul3A_2, %add3A_9 : i32
    "tpu.region"() ({
      %run_scoped3A = tpu.sem_alloc : memref<!tpu.dma_semaphore, #tpu.memory_space<semaphore_mem>>
      %dma_start3A_205 = arith.constant 0 : i32
      %dma_start3A_206 = tpu.memref_slice %arg4[%add3A_10, %dma_start3A_205] : memref<6400x50xi32, #tpu.memory_space<hbm>> -> memref<40x50xi32, #tpu.memory_space<hbm>>
      %dma_start3A_207 = arith.constant 0 : i32
      %dma_start3A_208 = tpu.memref_slice %arg4[%add3A_10, %dma_start3A_207] : memref<6400x50xi32, #tpu.memory_space<hbm>> -> memref<40x50xi32, #tpu.memory_space<hbm>>
      tpu.enqueue_dma source(%dma_start3A_208 : memref<40x50xi32, #tpu.memory_space<hbm>>) target(%arg8 : memref<40x50xi32, #tpu.memory_space<vmem>>) target_semaphore(%run_scoped3A : memref<!tpu.dma_semaphore, #tpu.memory_space<semaphore_mem>>)
      %dma_wait3A = arith.constant 0 : i32
      %dma_wait3A_209 = tpu.memref_slice %arg4[%add3A_10, %dma_wait3A] : memref<6400x50xi32, #tpu.memory_space<hbm>> -> memref<40x50xi32, #tpu.memory_space<hbm>>
      %dma_wait3A_210 = arith.constant 0 : i32
      %dma_wait3A_211 = tpu.memref_slice %arg4[%add3A_10, %dma_wait3A_210] : memref<6400x50xi32, #tpu.memory_space<hbm>> -> memref<40x50xi32, #tpu.memory_space<hbm>>
      tpu.wait_dma2 semaphore(%run_scoped3A : memref<!tpu.dma_semaphore, #tpu.memory_space<semaphore_mem>>) src(%dma_wait3A_211 : memref<40x50xi32, #tpu.memory_space<hbm>>) dst(%arg8 : memref<40x50xi32, #tpu.memory_space<vmem>>)
      tpu.yield
    }) : () -> ()
    %add3A_11 = arith.constant 0 : i32
    %add3A_12 = arith.addi %mul3A_2, %add3A_11 : i32
    "tpu.region"() ({
      %run_scoped3A = tpu.sem_alloc : memref<!tpu.dma_semaphore, #tpu.memory_space<semaphore_mem>>
      %dma_start3A_205 = arith.constant 0 : i32
      %dma_start3A_206 = tpu.memref_slice %arg5[%add3A_12, %dma_start3A_205] : memref<6400x50xi32, #tpu.memory_space<hbm>> -> memref<40x50xi32, #tpu.memory_space<hbm>>
      %dma_start3A_207 = arith.constant 0 : i32
      %dma_start3A_208 = tpu.memref_slice %arg5[%add3A_12, %dma_start3A_207] : memref<6400x50xi32, #tpu.memory_space<hbm>> -> memref<40x50xi32, #tpu.memory_space<hbm>>
      tpu.enqueue_dma source(%dma_start3A_208 : memref<40x50xi32, #tpu.memory_space<hbm>>) target(%arg9 : memref<40x50xi32, #tpu.memory_space<vmem>>) target_semaphore(%run_scoped3A : memref<!tpu.dma_semaphore, #tpu.memory_space<semaphore_mem>>)
      %dma_wait3A = arith.constant 0 : i32
      %dma_wait3A_209 = tpu.memref_slice %arg5[%add3A_12, %dma_wait3A] : memref<6400x50xi32, #tpu.memory_space<hbm>> -> memref<40x50xi32, #tpu.memory_space<hbm>>
      %dma_wait3A_210 = arith.constant 0 : i32
      %dma_wait3A_211 = tpu.memref_slice %arg5[%add3A_12, %dma_wait3A_210] : memref<6400x50xi32, #tpu.memory_space<hbm>> -> memref<40x50xi32, #tpu.memory_space<hbm>>
      tpu.wait_dma2 semaphore(%run_scoped3A : memref<!tpu.dma_semaphore, #tpu.memory_space<semaphore_mem>>) src(%dma_wait3A_211 : memref<40x50xi32, #tpu.memory_space<hbm>>) dst(%arg9 : memref<40x50xi32, #tpu.memory_space<vmem>>)
      tpu.yield
    }) : () -> ()
    %dma_start3A = arith.constant 0 : i32
    %dma_start3A_13 = arith.constant 0 : i32
    %dma_start3A_14 = tpu.memref_slice %arg8[%dma_start3A, %dma_start3A_13] : memref<40x50xi32, #tpu.memory_space<vmem>> -> memref<1x50xi32, #tpu.memory_space<vmem>>
    %dma_start3A_15 = tpu.memref_squeeze %dma_start3A_14 : memref<1x50xi32, #tpu.memory_space<vmem>> -> memref<50xi32, #tpu.memory_space<vmem>>
    %dma_start3A_16 = arith.constant 0 : i32
    %dma_start3A_17 = arith.constant 0 : i32
    %dma_start3A_18 = tpu.memref_slice %arg2[%dma_start3A_16, %dma_start3A_17] : memref<10000x128xf32, #tpu.memory_space<hbm>> -> memref<10000x128xf32, #tpu.memory_space<hbm>>
    tpu.enqueue_indirect_dma source(%dma_start3A_18 : memref<10000x128xf32, #tpu.memory_space<hbm>>) target(%arg10 : memref<50x128xf32, #tpu.memory_space<vmem>>) offsets(%dma_start3A_15 : memref<50xi32, #tpu.memory_space<vmem>>) semaphore(%arg15 : memref<!tpu.dma_semaphore, #tpu.memory_space<semaphore_mem>>)
    %dma_start3A_19 = arith.constant 1 : i32
    %dma_start3A_20 = arith.constant 0 : i32
    %dma_start3A_21 = tpu.memref_slice %arg8[%dma_start3A_19, %dma_start3A_20] : memref<40x50xi32, #tpu.memory_space<vmem>> -> memref<1x50xi32, #tpu.memory_space<vmem>>
    %dma_start3A_22 = tpu.memref_squeeze %dma_start3A_21 : memref<1x50xi32, #tpu.memory_space<vmem>> -> memref<50xi32, #tpu.memory_space<vmem>>
    %dma_start3A_23 = arith.constant 0 : i32
    %dma_start3A_24 = arith.constant 0 : i32
    %dma_start3A_25 = tpu.memref_slice %arg2[%dma_start3A_23, %dma_start3A_24] : memref<10000x128xf32, #tpu.memory_space<hbm>> -> memref<10000x128xf32, #tpu.memory_space<hbm>>
    tpu.enqueue_indirect_dma source(%dma_start3A_25 : memref<10000x128xf32, #tpu.memory_space<hbm>>) target(%arg11 : memref<50x128xf32, #tpu.memory_space<vmem>>) offsets(%dma_start3A_22 : memref<50xi32, #tpu.memory_space<vmem>>) semaphore(%arg16 : memref<!tpu.dma_semaphore, #tpu.memory_space<semaphore_mem>>)
    %dma_start3A_26 = arith.constant 2 : i32
    %dma_start3A_27 = arith.constant 0 : i32
    %dma_start3A_28 = tpu.memref_slice %arg8[%dma_start3A_26, %dma_start3A_27] : memref<40x50xi32, #tpu.memory_space<vmem>> -> memref<1x50xi32, #tpu.memory_space<vmem>>
    %dma_start3A_29 = tpu.memref_squeeze %dma_start3A_28 : memref<1x50xi32, #tpu.memory_space<vmem>> -> memref<50xi32, #tpu.memory_space<vmem>>
    %dma_start3A_30 = arith.constant 0 : i32
    %dma_start3A_31 = arith.constant 0 : i32
    %dma_start3A_32 = tpu.memref_slice %arg2[%dma_start3A_30, %dma_start3A_31] : memref<10000x128xf32, #tpu.memory_space<hbm>> -> memref<10000x128xf32, #tpu.memory_space<hbm>>
    tpu.enqueue_indirect_dma source(%dma_start3A_32 : memref<10000x128xf32, #tpu.memory_space<hbm>>) target(%arg12 : memref<50x128xf32, #tpu.memory_space<vmem>>) offsets(%dma_start3A_29 : memref<50xi32, #tpu.memory_space<vmem>>) semaphore(%arg17 : memref<!tpu.dma_semaphore, #tpu.memory_space<semaphore_mem>>)
    %dma_start3A_33 = arith.constant 3 : i32
    %dma_start3A_34 = arith.constant 0 : i32
    %dma_start3A_35 = tpu.memref_slice %arg8[%dma_start3A_33, %dma_start3A_34] : memref<40x50xi32, #tpu.memory_space<vmem>> -> memref<1x50xi32, #tpu.memory_space<vmem>>
    %dma_start3A_36 = tpu.memref_squeeze %dma_start3A_35 : memref<1x50xi32, #tpu.memory_space<vmem>> -> memref<50xi32, #tpu.memory_space<vmem>>
    %dma_start3A_37 = arith.constant 0 : i32
    %dma_start3A_38 = arith.constant 0 : i32
    %dma_start3A_39 = tpu.memref_slice %arg2[%dma_start3A_37, %dma_start3A_38] : memref<10000x128xf32, #tpu.memory_space<hbm>> -> memref<10000x128xf32, #tpu.memory_space<hbm>>
    tpu.enqueue_indirect_dma source(%dma_start3A_39 : memref<10000x128xf32, #tpu.memory_space<hbm>>) target(%arg13 : memref<50x128xf32, #tpu.memory_space<vmem>>) offsets(%dma_start3A_36 : memref<50xi32, #tpu.memory_space<vmem>>) semaphore(%arg18 : memref<!tpu.dma_semaphore, #tpu.memory_space<semaphore_mem>>)
    %scan3A = arith.constant 0 : i32
    %scan3A_40 = arith.constant 0 : i32
    %scan3A_41 = arith.constant 10 : i32
    %scan3A_42 = arith.addi %scan3A_40, %scan3A_41 : i32
    %scan3A_43 = arith.constant 1 : i32
    %scan3A_44 = scf.for %scan3A_205 = %scan3A_40 to %scan3A_42 step %scan3A_43 iter_args(%scan3A_206 = %scan3A) -> (i32)  : i32 {
      %mul3A_207 = arith.constant 4 : i32
      %mul3A_208 = arith.muli %scan3A_205, %mul3A_207 : i32
      %add3A_209 = arith.constant 0 : i32
      %add3A_210 = arith.addi %mul3A_208, %add3A_209 : i32
      %dma_wait3A = arith.constant 0 : i32
      %dma_wait3A_211 = tpu.memref_slice %arg8[%add3A_210, %dma_wait3A] : memref<40x50xi32, #tpu.memory_space<vmem>> -> memref<1x50xi32, #tpu.memory_space<vmem>>
      %dma_wait3A_212 = tpu.memref_squeeze %dma_wait3A_211 : memref<1x50xi32, #tpu.memory_space<vmem>> -> memref<50xi32, #tpu.memory_space<vmem>>
      %dma_wait3A_213 = arith.constant 0 : i32
      %dma_wait3A_214 = arith.constant 0 : i32
      %dma_wait3A_215 = tpu.memref_slice %arg2[%dma_wait3A_213, %dma_wait3A_214] : memref<10000x128xf32, #tpu.memory_space<hbm>> -> memref<10000x128xf32, #tpu.memory_space<hbm>>
      tpu.wait_indirect_dma semaphore(%arg15 : memref<!tpu.dma_semaphore, #tpu.memory_space<semaphore_mem>>) src(%dma_wait3A_215 : memref<10000x128xf32, #tpu.memory_space<hbm>>) dst(%arg10 : memref<50x128xf32, #tpu.memory_space<vmem>>)
      %add3A_216 = arith.constant 0 : i32
      %add3A_217 = arith.addi %mul3A_208, %add3A_216 : i32
      %dma_start3A_218 = arith.constant 0 : i32
      %dma_start3A_219 = tpu.memref_slice %arg9[%add3A_217, %dma_start3A_218] : memref<40x50xi32, #tpu.memory_space<vmem>> -> memref<1x50xi32, #tpu.memory_space<vmem>>
      %dma_start3A_220 = tpu.memref_squeeze %dma_start3A_219 : memref<1x50xi32, #tpu.memory_space<vmem>> -> memref<50xi32, #tpu.memory_space<vmem>>
      %dma_start3A_221 = arith.constant 0 : i32
      %dma_start3A_222 = arith.constant 0 : i32
      %dma_start3A_223 = tpu.memref_slice %arg14[%dma_start3A_221, %dma_start3A_222] : memref<10000x128xf32, #tpu.memory_space<vmem_shared>> -> memref<10000x128xf32, #tpu.memory_space<vmem_shared>>
      tpu.enqueue_indirect_dma source(%arg10 : memref<50x128xf32, #tpu.memory_space<vmem>>) target(%dma_start3A_223 : memref<10000x128xf32, #tpu.memory_space<vmem_shared>>) offsets(%dma_start3A_220 : memref<50xi32, #tpu.memory_space<vmem>>) semaphore(%arg19 : memref<!tpu.dma_semaphore, #tpu.memory_space<semaphore_mem>>) {add = true}
      %add3A_224 = arith.constant 1 : i32
      %add3A_225 = arith.addi %mul3A_208, %add3A_224 : i32
      %dma_wait3A_226 = arith.constant 0 : i32
      %dma_wait3A_227 = tpu.memref_slice %arg8[%add3A_225, %dma_wait3A_226] : memref<40x50xi32, #tpu.memory_space<vmem>> -> memref<1x50xi32, #tpu.memory_space<vmem>>
      %dma_wait3A_228 = tpu.memref_squeeze %dma_wait3A_227 : memref<1x50xi32, #tpu.memory_space<vmem>> -> memref<50xi32, #tpu.memory_space<vmem>>
      %dma_wait3A_229 = arith.constant 0 : i32
      %dma_wait3A_230 = arith.constant 0 : i32
      %dma_wait3A_231 = tpu.memref_slice %arg2[%dma_wait3A_229, %dma_wait3A_230] : memref<10000x128xf32, #tpu.memory_space<hbm>> -> memref<10000x128xf32, #tpu.memory_space<hbm>>
      tpu.wait_indirect_dma semaphore(%arg16 : memref<!tpu.dma_semaphore, #tpu.memory_space<semaphore_mem>>) src(%dma_wait3A_231 : memref<10000x128xf32, #tpu.memory_space<hbm>>) dst(%arg11 : memref<50x128xf32, #tpu.memory_space<vmem>>)
      %add3A_232 = arith.constant 1 : i32
      %add3A_233 = arith.addi %mul3A_208, %add3A_232 : i32
      %dma_start3A_234 = arith.constant 0 : i32
      %dma_start3A_235 = tpu.memref_slice %arg9[%add3A_233, %dma_start3A_234] : memref<40x50xi32, #tpu.memory_space<vmem>> -> memref<1x50xi32, #tpu.memory_space<vmem>>
      %dma_start3A_236 = tpu.memref_squeeze %dma_start3A_235 : memref<1x50xi32, #tpu.memory_space<vmem>> -> memref<50xi32, #tpu.memory_space<vmem>>
      %dma_start3A_237 = arith.constant 0 : i32
      %dma_start3A_238 = arith.constant 0 : i32
      %dma_start3A_239 = tpu.memref_slice %arg14[%dma_start3A_237, %dma_start3A_238] : memref<10000x128xf32, #tpu.memory_space<vmem_shared>> -> memref<10000x128xf32, #tpu.memory_space<vmem_shared>>
      tpu.enqueue_indirect_dma source(%arg11 : memref<50x128xf32, #tpu.memory_space<vmem>>) target(%dma_start3A_239 : memref<10000x128xf32, #tpu.memory_space<vmem_shared>>) offsets(%dma_start3A_236 : memref<50xi32, #tpu.memory_space<vmem>>) semaphore(%arg20 : memref<!tpu.dma_semaphore, #tpu.memory_space<semaphore_mem>>) {add = true}
      %add3A_240 = arith.constant 2 : i32
      %add3A_241 = arith.addi %mul3A_208, %add3A_240 : i32
      %dma_wait3A_242 = arith.constant 0 : i32
      %dma_wait3A_243 = tpu.memref_slice %arg8[%add3A_241, %dma_wait3A_242] : memref<40x50xi32, #tpu.memory_space<vmem>> -> memref<1x50xi32, #tpu.memory_space<vmem>>
      %dma_wait3A_244 = tpu.memref_squeeze %dma_wait3A_243 : memref<1x50xi32, #tpu.memory_space<vmem>> -> memref<50xi32, #tpu.memory_space<vmem>>
      %dma_wait3A_245 = arith.constant 0 : i32
      %dma_wait3A_246 = arith.constant 0 : i32
      %dma_wait3A_247 = tpu.memref_slice %arg2[%dma_wait3A_245, %dma_wait3A_246] : memref<10000x128xf32, #tpu.memory_space<hbm>> -> memref<10000x128xf32, #tpu.memory_space<hbm>>
      tpu.wait_indirect_dma semaphore(%arg17 : memref<!tpu.dma_semaphore, #tpu.memory_space<semaphore_mem>>) src(%dma_wait3A_247 : memref<10000x128xf32, #tpu.memory_space<hbm>>) dst(%arg12 : memref<50x128xf32, #tpu.memory_space<vmem>>)
      %add3A_248 = arith.constant 2 : i32
      %add3A_249 = arith.addi %mul3A_208, %add3A_248 : i32
      %dma_start3A_250 = arith.constant 0 : i32
      %dma_start3A_251 = tpu.memref_slice %arg9[%add3A_249, %dma_start3A_250] : memref<40x50xi32, #tpu.memory_space<vmem>> -> memref<1x50xi32, #tpu.memory_space<vmem>>
      %dma_start3A_252 = tpu.memref_squeeze %dma_start3A_251 : memref<1x50xi32, #tpu.memory_space<vmem>> -> memref<50xi32, #tpu.memory_space<vmem>>
      %dma_start3A_253 = arith.constant 0 : i32
      %dma_start3A_254 = arith.constant 0 : i32
      %dma_start3A_255 = tpu.memref_slice %arg14[%dma_start3A_253, %dma_start3A_254] : memref<10000x128xf32, #tpu.memory_space<vmem_shared>> -> memref<10000x128xf32, #tpu.memory_space<vmem_shared>>
      tpu.enqueue_indirect_dma source(%arg12 : memref<50x128xf32, #tpu.memory_space<vmem>>) target(%dma_start3A_255 : memref<10000x128xf32, #tpu.memory_space<vmem_shared>>) offsets(%dma_start3A_252 : memref<50xi32, #tpu.memory_space<vmem>>) semaphore(%arg21 : memref<!tpu.dma_semaphore, #tpu.memory_space<semaphore_mem>>) {add = true}
      %add3A_256 = arith.constant 3 : i32
      %add3A_257 = arith.addi %mul3A_208, %add3A_256 : i32
      %dma_wait3A_258 = arith.constant 0 : i32
      %dma_wait3A_259 = tpu.memref_slice %arg8[%add3A_257, %dma_wait3A_258] : memref<40x50xi32, #tpu.memory_space<vmem>> -> memref<1x50xi32, #tpu.memory_space<vmem>>
      %dma_wait3A_260 = tpu.memref_squeeze %dma_wait3A_259 : memref<1x50xi32, #tpu.memory_space<vmem>> -> memref<50xi32, #tpu.memory_space<vmem>>
      %dma_wait3A_261 = arith.constant 0 : i32
      %dma_wait3A_262 = arith.constant 0 : i32
      %dma_wait3A_263 = tpu.memref_slice %arg2[%dma_wait3A_261, %dma_wait3A_262] : memref<10000x128xf32, #tpu.memory_space<hbm>> -> memref<10000x128xf32, #tpu.memory_space<hbm>>
      tpu.wait_indirect_dma semaphore(%arg18 : memref<!tpu.dma_semaphore, #tpu.memory_space<semaphore_mem>>) src(%dma_wait3A_263 : memref<10000x128xf32, #tpu.memory_space<hbm>>) dst(%arg13 : memref<50x128xf32, #tpu.memory_space<vmem>>)
      %add3A_264 = arith.constant 3 : i32
      %add3A_265 = arith.addi %mul3A_208, %add3A_264 : i32
      %dma_start3A_266 = arith.constant 0 : i32
      %dma_start3A_267 = tpu.memref_slice %arg9[%add3A_265, %dma_start3A_266] : memref<40x50xi32, #tpu.memory_space<vmem>> -> memref<1x50xi32, #tpu.memory_space<vmem>>
      %dma_start3A_268 = tpu.memref_squeeze %dma_start3A_267 : memref<1x50xi32, #tpu.memory_space<vmem>> -> memref<50xi32, #tpu.memory_space<vmem>>
      %dma_start3A_269 = arith.constant 0 : i32
      %dma_start3A_270 = arith.constant 0 : i32
      %dma_start3A_271 = tpu.memref_slice %arg14[%dma_start3A_269, %dma_start3A_270] : memref<10000x128xf32, #tpu.memory_space<vmem_shared>> -> memref<10000x128xf32, #tpu.memory_space<vmem_shared>>
      tpu.enqueue_indirect_dma source(%arg13 : memref<50x128xf32, #tpu.memory_space<vmem>>) target(%dma_start3A_271 : memref<10000x128xf32, #tpu.memory_space<vmem_shared>>) offsets(%dma_start3A_268 : memref<50xi32, #tpu.memory_space<vmem>>) semaphore(%arg22 : memref<!tpu.dma_semaphore, #tpu.memory_space<semaphore_mem>>) {add = true}
      %add3A_272 = arith.constant 0 : i32
      %add3A_273 = arith.addi %mul3A_208, %add3A_272 : i32
      %dma_wait3A_274 = arith.constant 0 : i32
      %dma_wait3A_275 = tpu.memref_slice %arg9[%add3A_273, %dma_wait3A_274] : memref<40x50xi32, #tpu.memory_space<vmem>> -> memref<1x50xi32, #tpu.memory_space<vmem>>
      %dma_wait3A_276 = tpu.memref_squeeze %dma_wait3A_275 : memref<1x50xi32, #tpu.memory_space<vmem>> -> memref<50xi32, #tpu.memory_space<vmem>>
      %dma_wait3A_277 = arith.constant 0 : i32
      %dma_wait3A_278 = arith.constant 0 : i32
      %dma_wait3A_279 = tpu.memref_slice %arg14[%dma_wait3A_277, %dma_wait3A_278] : memref<10000x128xf32, #tpu.memory_space<vmem_shared>> -> memref<10000x128xf32, #tpu.memory_space<vmem_shared>>
      tpu.wait_indirect_dma semaphore(%arg19 : memref<!tpu.dma_semaphore, #tpu.memory_space<semaphore_mem>>) src(%arg10 : memref<50x128xf32, #tpu.memory_space<vmem>>) dst(%dma_wait3A_279 : memref<10000x128xf32, #tpu.memory_space<vmem_shared>>)
      %lt3A = arith.constant 9 : i32
      %lt3A_280 = arith.cmpi slt, %scan3A_205, %lt3A : i32
      %convert_element_type3A_281 = arith.extui %lt3A_280 : i1 to i32
      %cond3A_282 = arith.constant 0 : i32
      %cond3A_283 = arith.cmpi ne, %convert_element_type3A_281, %cond3A_282 : i32
      scf.if %cond3A_283 {
        %add3A_324 = arith.constant 4 : i32
        %add3A_325 = arith.addi %mul3A_208, %add3A_324 : i32
        %add3A_326 = arith.constant 0 : i32
        %add3A_327 = arith.addi %add3A_325, %add3A_326 : i32
        %dma_start3A_328 = arith.constant 0 : i32
        %dma_start3A_329 = tpu.memref_slice %arg8[%add3A_327, %dma_start3A_328] : memref<40x50xi32, #tpu.memory_space<vmem>> -> memref<1x50xi32, #tpu.memory_space<vmem>>
        %dma_start3A_330 = tpu.memref_squeeze %dma_start3A_329 : memref<1x50xi32, #tpu.memory_space<vmem>> -> memref<50xi32, #tpu.memory_space<vmem>>
        %dma_start3A_331 = arith.constant 0 : i32
        %dma_start3A_332 = arith.constant 0 : i32
        %dma_start3A_333 = tpu.memref_slice %arg2[%dma_start3A_331, %dma_start3A_332] : memref<10000x128xf32, #tpu.memory_space<hbm>> -> memref<10000x128xf32, #tpu.memory_space<hbm>>
        tpu.enqueue_indirect_dma source(%dma_start3A_333 : memref<10000x128xf32, #tpu.memory_space<hbm>>) target(%arg10 : memref<50x128xf32, #tpu.memory_space<vmem>>) offsets(%dma_start3A_330 : memref<50xi32, #tpu.memory_space<vmem>>) semaphore(%arg15 : memref<!tpu.dma_semaphore, #tpu.memory_space<semaphore_mem>>)
      } else {
      }
      %add3A_284 = arith.constant 1 : i32
      %add3A_285 = arith.addi %mul3A_208, %add3A_284 : i32
      %dma_wait3A_286 = arith.constant 0 : i32
      %dma_wait3A_287 = tpu.memref_slice %arg9[%add3A_285, %dma_wait3A_286] : memref<40x50xi32, #tpu.memory_space<vmem>> -> memref<1x50xi32, #tpu.memory_space<vmem>>
      %dma_wait3A_288 = tpu.memref_squeeze %dma_wait3A_287 : memref<1x50xi32, #tpu.memory_space<vmem>> -> memref<50xi32, #tpu.memory_space<vmem>>
      %dma_wait3A_289 = arith.constant 0 : i32
      %dma_wait3A_290 = arith.constant 0 : i32
      %dma_wait3A_291 = tpu.memref_slice %arg14[%dma_wait3A_289, %dma_wait3A_290] : memref<10000x128xf32, #tpu.memory_space<vmem_shared>> -> memref<10000x128xf32, #tpu.memory_space<vmem_shared>>
      tpu.wait_indirect_dma semaphore(%arg20 : memref<!tpu.dma_semaphore, #tpu.memory_space<semaphore_mem>>) src(%arg11 : memref<50x128xf32, #tpu.memory_space<vmem>>) dst(%dma_wait3A_291 : memref<10000x128xf32, #tpu.memory_space<vmem_shared>>)
      %lt3A_292 = arith.constant 9 : i32
      %lt3A_293 = arith.cmpi slt, %scan3A_205, %lt3A_292 : i32
      %convert_element_type3A_294 = arith.extui %lt3A_293 : i1 to i32
      %cond3A_295 = arith.constant 0 : i32
      %cond3A_296 = arith.cmpi ne, %convert_element_type3A_294, %cond3A_295 : i32
      scf.if %cond3A_296 {
        %add3A_324 = arith.constant 4 : i32
        %add3A_325 = arith.addi %mul3A_208, %add3A_324 : i32
        %add3A_326 = arith.constant 1 : i32
        %add3A_327 = arith.addi %add3A_325, %add3A_326 : i32
        %dma_start3A_328 = arith.constant 0 : i32
        %dma_start3A_329 = tpu.memref_slice %arg8[%add3A_327, %dma_start3A_328] : memref<40x50xi32, #tpu.memory_space<vmem>> -> memref<1x50xi32, #tpu.memory_space<vmem>>
        %dma_start3A_330 = tpu.memref_squeeze %dma_start3A_329 : memref<1x50xi32, #tpu.memory_space<vmem>> -> memref<50xi32, #tpu.memory_space<vmem>>
        %dma_start3A_331 = arith.constant 0 : i32
        %dma_start3A_332 = arith.constant 0 : i32
        %dma_start3A_333 = tpu.memref_slice %arg2[%dma_start3A_331, %dma_start3A_332] : memref<10000x128xf32, #tpu.memory_space<hbm>> -> memref<10000x128xf32, #tpu.memory_space<hbm>>
        tpu.enqueue_indirect_dma source(%dma_start3A_333 : memref<10000x128xf32, #tpu.memory_space<hbm>>) target(%arg11 : memref<50x128xf32, #tpu.memory_space<vmem>>) offsets(%dma_start3A_330 : memref<50xi32, #tpu.memory_space<vmem>>) semaphore(%arg16 : memref<!tpu.dma_semaphore, #tpu.memory_space<semaphore_mem>>)
      } else {
      }
      %add3A_297 = arith.constant 2 : i32
      %add3A_298 = arith.addi %mul3A_208, %add3A_297 : i32
      %dma_wait3A_299 = arith.constant 0 : i32
      %dma_wait3A_300 = tpu.memref_slice %arg9[%add3A_298, %dma_wait3A_299] : memref<40x50xi32, #tpu.memory_space<vmem>> -> memref<1x50xi32, #tpu.memory_space<vmem>>
      %dma_wait3A_301 = tpu.memref_squeeze %dma_wait3A_300 : memref<1x50xi32, #tpu.memory_space<vmem>> -> memref<50xi32, #tpu.memory_space<vmem>>
      %dma_wait3A_302 = arith.constant 0 : i32
      %dma_wait3A_303 = arith.constant 0 : i32
      %dma_wait3A_304 = tpu.memref_slice %arg14[%dma_wait3A_302, %dma_wait3A_303] : memref<10000x128xf32, #tpu.memory_space<vmem_shared>> -> memref<10000x128xf32, #tpu.memory_space<vmem_shared>>
      tpu.wait_indirect_dma semaphore(%arg21 : memref<!tpu.dma_semaphore, #tpu.memory_space<semaphore_mem>>) src(%arg12 : memref<50x128xf32, #tpu.memory_space<vmem>>) dst(%dma_wait3A_304 : memref<10000x128xf32, #tpu.memory_space<vmem_shared>>)
      %lt3A_305 = arith.constant 9 : i32
      %lt3A_306 = arith.cmpi slt, %scan3A_205, %lt3A_305 : i32
      %convert_element_type3A_307 = arith.extui %lt3A_306 : i1 to i32
      %cond3A_308 = arith.constant 0 : i32
      %cond3A_309 = arith.cmpi ne, %convert_element_type3A_307, %cond3A_308 : i32
      scf.if %cond3A_309 {
        %add3A_324 = arith.constant 4 : i32
        %add3A_325 = arith.addi %mul3A_208, %add3A_324 : i32
        %add3A_326 = arith.constant 2 : i32
        %add3A_327 = arith.addi %add3A_325, %add3A_326 : i32
        %dma_start3A_328 = arith.constant 0 : i32
        %dma_start3A_329 = tpu.memref_slice %arg8[%add3A_327, %dma_start3A_328] : memref<40x50xi32, #tpu.memory_space<vmem>> -> memref<1x50xi32, #tpu.memory_space<vmem>>
        %dma_start3A_330 = tpu.memref_squeeze %dma_start3A_329 : memref<1x50xi32, #tpu.memory_space<vmem>> -> memref<50xi32, #tpu.memory_space<vmem>>
        %dma_start3A_331 = arith.constant 0 : i32
        %dma_start3A_332 = arith.constant 0 : i32
        %dma_start3A_333 = tpu.memref_slice %arg2[%dma_start3A_331, %dma_start3A_332] : memref<10000x128xf32, #tpu.memory_space<hbm>> -> memref<10000x128xf32, #tpu.memory_space<hbm>>
        tpu.enqueue_indirect_dma source(%dma_start3A_333 : memref<10000x128xf32, #tpu.memory_space<hbm>>) target(%arg12 : memref<50x128xf32, #tpu.memory_space<vmem>>) offsets(%dma_start3A_330 : memref<50xi32, #tpu.memory_space<vmem>>) semaphore(%arg17 : memref<!tpu.dma_semaphore, #tpu.memory_space<semaphore_mem>>)
      } else {
      }
      %add3A_310 = arith.constant 3 : i32
      %add3A_311 = arith.addi %mul3A_208, %add3A_310 : i32
      %dma_wait3A_312 = arith.constant 0 : i32
      %dma_wait3A_313 = tpu.memref_slice %arg9[%add3A_311, %dma_wait3A_312] : memref<40x50xi32, #tpu.memory_space<vmem>> -> memref<1x50xi32, #tpu.memory_space<vmem>>
      %dma_wait3A_314 = tpu.memref_squeeze %dma_wait3A_313 : memref<1x50xi32, #tpu.memory_space<vmem>> -> memref<50xi32, #tpu.memory_space<vmem>>
      %dma_wait3A_315 = arith.constant 0 : i32
      %dma_wait3A_316 = arith.constant 0 : i32
      %dma_wait3A_317 = tpu.memref_slice %arg14[%dma_wait3A_315, %dma_wait3A_316] : memref<10000x128xf32, #tpu.memory_space<vmem_shared>> -> memref<10000x128xf32, #tpu.memory_space<vmem_shared>>
      tpu.wait_indirect_dma semaphore(%arg22 : memref<!tpu.dma_semaphore, #tpu.memory_space<semaphore_mem>>) src(%arg13 : memref<50x128xf32, #tpu.memory_space<vmem>>) dst(%dma_wait3A_317 : memref<10000x128xf32, #tpu.memory_space<vmem_shared>>)
      %lt3A_318 = arith.constant 9 : i32
      %lt3A_319 = arith.cmpi slt, %scan3A_205, %lt3A_318 : i32
      %convert_element_type3A_320 = arith.extui %lt3A_319 : i1 to i32
      %cond3A_321 = arith.constant 0 : i32
      %cond3A_322 = arith.cmpi ne, %convert_element_type3A_320, %cond3A_321 : i32
      scf.if %cond3A_322 {
        %add3A_324 = arith.constant 4 : i32
        %add3A_325 = arith.addi %mul3A_208, %add3A_324 : i32
        %add3A_326 = arith.constant 3 : i32
        %add3A_327 = arith.addi %add3A_325, %add3A_326 : i32
        %dma_start3A_328 = arith.constant 0 : i32
        %dma_start3A_329 = tpu.memref_slice %arg8[%add3A_327, %dma_start3A_328] : memref<40x50xi32, #tpu.memory_space<vmem>> -> memref<1x50xi32, #tpu.memory_space<vmem>>
        %dma_start3A_330 = tpu.memref_squeeze %dma_start3A_329 : memref<1x50xi32, #tpu.memory_space<vmem>> -> memref<50xi32, #tpu.memory_space<vmem>>
        %dma_start3A_331 = arith.constant 0 : i32
        %dma_start3A_332 = arith.constant 0 : i32
        %dma_start3A_333 = tpu.memref_slice %arg2[%dma_start3A_331, %dma_start3A_332] : memref<10000x128xf32, #tpu.memory_space<hbm>> -> memref<10000x128xf32, #tpu.memory_space<hbm>>
        tpu.enqueue_indirect_dma source(%dma_start3A_333 : memref<10000x128xf32, #tpu.memory_space<hbm>>) target(%arg13 : memref<50x128xf32, #tpu.memory_space<vmem>>) offsets(%dma_start3A_330 : memref<50xi32, #tpu.memory_space<vmem>>) semaphore(%arg18 : memref<!tpu.dma_semaphore, #tpu.memory_space<semaphore_mem>>)
      } else {
      }
      %scan3A_323 = arith.constant 0 : i32
      scf.yield %scan3A_323 : i32
    }
    %scan3A_45 = arith.constant 10 : i32
    %add3A_46 = arith.constant 40 : i32
    %add3A_47 = arith.addi %mul3A_2, %add3A_46 : i32
    "tpu.region"() ({
      %run_scoped3A = tpu.sem_alloc : memref<!tpu.dma_semaphore, #tpu.memory_space<semaphore_mem>>
      %dma_start3A_205 = arith.constant 0 : i32
      %dma_start3A_206 = tpu.memref_slice %arg4[%add3A_47, %dma_start3A_205] : memref<6400x50xi32, #tpu.memory_space<hbm>> -> memref<40x50xi32, #tpu.memory_space<hbm>>
      %dma_start3A_207 = arith.constant 0 : i32
      %dma_start3A_208 = tpu.memref_slice %arg4[%add3A_47, %dma_start3A_207] : memref<6400x50xi32, #tpu.memory_space<hbm>> -> memref<40x50xi32, #tpu.memory_space<hbm>>
      tpu.enqueue_dma source(%dma_start3A_208 : memref<40x50xi32, #tpu.memory_space<hbm>>) target(%arg8 : memref<40x50xi32, #tpu.memory_space<vmem>>) target_semaphore(%run_scoped3A : memref<!tpu.dma_semaphore, #tpu.memory_space<semaphore_mem>>)
      %dma_wait3A = arith.constant 0 : i32
      %dma_wait3A_209 = tpu.memref_slice %arg4[%add3A_47, %dma_wait3A] : memref<6400x50xi32, #tpu.memory_space<hbm>> -> memref<40x50xi32, #tpu.memory_space<hbm>>
      %dma_wait3A_210 = arith.constant 0 : i32
      %dma_wait3A_211 = tpu.memref_slice %arg4[%add3A_47, %dma_wait3A_210] : memref<6400x50xi32, #tpu.memory_space<hbm>> -> memref<40x50xi32, #tpu.memory_space<hbm>>
      tpu.wait_dma2 semaphore(%run_scoped3A : memref<!tpu.dma_semaphore, #tpu.memory_space<semaphore_mem>>) src(%dma_wait3A_211 : memref<40x50xi32, #tpu.memory_space<hbm>>) dst(%arg8 : memref<40x50xi32, #tpu.memory_space<vmem>>)
      tpu.yield
    }) : () -> ()
    %add3A_48 = arith.constant 40 : i32
    %add3A_49 = arith.addi %mul3A_2, %add3A_48 : i32
    "tpu.region"() ({
      %run_scoped3A = tpu.sem_alloc : memref<!tpu.dma_semaphore, #tpu.memory_space<semaphore_mem>>
      %dma_start3A_205 = arith.constant 0 : i32
      %dma_start3A_206 = tpu.memref_slice %arg5[%add3A_49, %dma_start3A_205] : memref<6400x50xi32, #tpu.memory_space<hbm>> -> memref<40x50xi32, #tpu.memory_space<hbm>>
      %dma_start3A_207 = arith.constant 0 : i32
      %dma_start3A_208 = tpu.memref_slice %arg5[%add3A_49, %dma_start3A_207] : memref<6400x50xi32, #tpu.memory_space<hbm>> -> memref<40x50xi32, #tpu.memory_space<hbm>>
      tpu.enqueue_dma source(%dma_start3A_208 : memref<40x50xi32, #tpu.memory_space<hbm>>) target(%arg9 : memref<40x50xi32, #tpu.memory_space<vmem>>) target_semaphore(%run_scoped3A : memref<!tpu.dma_semaphore, #tpu.memory_space<semaphore_mem>>)
      %dma_wait3A = arith.constant 0 : i32
      %dma_wait3A_209 = tpu.memref_slice %arg5[%add3A_49, %dma_wait3A] : memref<6400x50xi32, #tpu.memory_space<hbm>> -> memref<40x50xi32, #tpu.memory_space<hbm>>
      %dma_wait3A_210 = arith.constant 0 : i32
      %dma_wait3A_211 = tpu.memref_slice %arg5[%add3A_49, %dma_wait3A_210] : memref<6400x50xi32, #tpu.memory_space<hbm>> -> memref<40x50xi32, #tpu.memory_space<hbm>>
      tpu.wait_dma2 semaphore(%run_scoped3A : memref<!tpu.dma_semaphore, #tpu.memory_space<semaphore_mem>>) src(%dma_wait3A_211 : memref<40x50xi32, #tpu.memory_space<hbm>>) dst(%arg9 : memref<40x50xi32, #tpu.memory_space<vmem>>)
      tpu.yield
    }) : () -> ()
    %dma_start3A_50 = arith.constant 0 : i32
    %dma_start3A_51 = arith.constant 0 : i32
    %dma_start3A_52 = tpu.memref_slice %arg8[%dma_start3A_50, %dma_start3A_51] : memref<40x50xi32, #tpu.memory_space<vmem>> -> memref<1x50xi32, #tpu.memory_space<vmem>>
    %dma_start3A_53 = tpu.memref_squeeze %dma_start3A_52 : memref<1x50xi32, #tpu.memory_space<vmem>> -> memref<50xi32, #tpu.memory_space<vmem>>
    %dma_start3A_54 = arith.constant 0 : i32
    %dma_start3A_55 = arith.constant 0 : i32
    %dma_start3A_56 = tpu.memref_slice %arg2[%dma_start3A_54, %dma_start3A_55] : memref<10000x128xf32, #tpu.memory_space<hbm>> -> memref<10000x128xf32, #tpu.memory_space<hbm>>
    tpu.enqueue_indirect_dma source(%dma_start3A_56 : memref<10000x128xf32, #tpu.memory_space<hbm>>) target(%arg10 : memref<50x128xf32, #tpu.memory_space<vmem>>) offsets(%dma_start3A_53 : memref<50xi32, #tpu.memory_space<vmem>>) semaphore(%arg15 : memref<!tpu.dma_semaphore, #tpu.memory_space<semaphore_mem>>)
    %dma_start3A_57 = arith.constant 1 : i32
    %dma_start3A_58 = arith.constant 0 : i32
    %dma_start3A_59 = tpu.memref_slice %arg8[%dma_start3A_57, %dma_start3A_58] : memref<40x50xi32, #tpu.memory_space<vmem>> -> memref<1x50xi32, #tpu.memory_space<vmem>>
    %dma_start3A_60 = tpu.memref_squeeze %dma_start3A_59 : memref<1x50xi32, #tpu.memory_space<vmem>> -> memref<50xi32, #tpu.memory_space<vmem>>
    %dma_start3A_61 = arith.constant 0 : i32
    %dma_start3A_62 = arith.constant 0 : i32
    %dma_start3A_63 = tpu.memref_slice %arg2[%dma_start3A_61, %dma_start3A_62] : memref<10000x128xf32, #tpu.memory_space<hbm>> -> memref<10000x128xf32, #tpu.memory_space<hbm>>
    tpu.enqueue_indirect_dma source(%dma_start3A_63 : memref<10000x128xf32, #tpu.memory_space<hbm>>) target(%arg11 : memref<50x128xf32, #tpu.memory_space<vmem>>) offsets(%dma_start3A_60 : memref<50xi32, #tpu.memory_space<vmem>>) semaphore(%arg16 : memref<!tpu.dma_semaphore, #tpu.memory_space<semaphore_mem>>)
    %dma_start3A_64 = arith.constant 2 : i32
    %dma_start3A_65 = arith.constant 0 : i32
    %dma_start3A_66 = tpu.memref_slice %arg8[%dma_start3A_64, %dma_start3A_65] : memref<40x50xi32, #tpu.memory_space<vmem>> -> memref<1x50xi32, #tpu.memory_space<vmem>>
    %dma_start3A_67 = tpu.memref_squeeze %dma_start3A_66 : memref<1x50xi32, #tpu.memory_space<vmem>> -> memref<50xi32, #tpu.memory_space<vmem>>
    %dma_start3A_68 = arith.constant 0 : i32
    %dma_start3A_69 = arith.constant 0 : i32
    %dma_start3A_70 = tpu.memref_slice %arg2[%dma_start3A_68, %dma_start3A_69] : memref<10000x128xf32, #tpu.memory_space<hbm>> -> memref<10000x128xf32, #tpu.memory_space<hbm>>
    tpu.enqueue_indirect_dma source(%dma_start3A_70 : memref<10000x128xf32, #tpu.memory_space<hbm>>) target(%arg12 : memref<50x128xf32, #tpu.memory_space<vmem>>) offsets(%dma_start3A_67 : memref<50xi32, #tpu.memory_space<vmem>>) semaphore(%arg17 : memref<!tpu.dma_semaphore, #tpu.memory_space<semaphore_mem>>)
    %dma_start3A_71 = arith.constant 3 : i32
    %dma_start3A_72 = arith.constant 0 : i32
    %dma_start3A_73 = tpu.memref_slice %arg8[%dma_start3A_71, %dma_start3A_72] : memref<40x50xi32, #tpu.memory_space<vmem>> -> memref<1x50xi32, #tpu.memory_space<vmem>>
    %dma_start3A_74 = tpu.memref_squeeze %dma_start3A_73 : memref<1x50xi32, #tpu.memory_space<vmem>> -> memref<50xi32, #tpu.memory_space<vmem>>
    %dma_start3A_75 = arith.constant 0 : i32
    %dma_start3A_76 = arith.constant 0 : i32
    %dma_start3A_77 = tpu.memref_slice %arg2[%dma_start3A_75, %dma_start3A_76] : memref<10000x128xf32, #tpu.memory_space<hbm>> -> memref<10000x128xf32, #tpu.memory_space<hbm>>
    tpu.enqueue_indirect_dma source(%dma_start3A_77 : memref<10000x128xf32, #tpu.memory_space<hbm>>) target(%arg13 : memref<50x128xf32, #tpu.memory_space<vmem>>) offsets(%dma_start3A_74 : memref<50xi32, #tpu.memory_space<vmem>>) semaphore(%arg18 : memref<!tpu.dma_semaphore, #tpu.memory_space<semaphore_mem>>)
    %scan3A_78 = arith.constant 0 : i32
    %scan3A_79 = arith.constant 0 : i32
    %scan3A_80 = arith.constant 10 : i32
    %scan3A_81 = arith.addi %scan3A_79, %scan3A_80 : i32
    %scan3A_82 = arith.constant 1 : i32
    %scan3A_83 = scf.for %scan3A_205 = %scan3A_79 to %scan3A_81 step %scan3A_82 iter_args(%scan3A_206 = %scan3A_78) -> (i32)  : i32 {
      %mul3A_207 = arith.constant 4 : i32
      %mul3A_208 = arith.muli %scan3A_205, %mul3A_207 : i32
      %add3A_209 = arith.constant 0 : i32
      %add3A_210 = arith.addi %mul3A_208, %add3A_209 : i32
      %dma_wait3A = arith.constant 0 : i32
      %dma_wait3A_211 = tpu.memref_slice %arg8[%add3A_210, %dma_wait3A] : memref<40x50xi32, #tpu.memory_space<vmem>> -> memref<1x50xi32, #tpu.memory_space<vmem>>
      %dma_wait3A_212 = tpu.memref_squeeze %dma_wait3A_211 : memref<1x50xi32, #tpu.memory_space<vmem>> -> memref<50xi32, #tpu.memory_space<vmem>>
      %dma_wait3A_213 = arith.constant 0 : i32
      %dma_wait3A_214 = arith.constant 0 : i32
      %dma_wait3A_215 = tpu.memref_slice %arg2[%dma_wait3A_213, %dma_wait3A_214] : memref<10000x128xf32, #tpu.memory_space<hbm>> -> memref<10000x128xf32, #tpu.memory_space<hbm>>
      tpu.wait_indirect_dma semaphore(%arg15 : memref<!tpu.dma_semaphore, #tpu.memory_space<semaphore_mem>>) src(%dma_wait3A_215 : memref<10000x128xf32, #tpu.memory_space<hbm>>) dst(%arg10 : memref<50x128xf32, #tpu.memory_space<vmem>>)
      %add3A_216 = arith.constant 0 : i32
      %add3A_217 = arith.addi %mul3A_208, %add3A_216 : i32
      %dma_start3A_218 = arith.constant 0 : i32
      %dma_start3A_219 = tpu.memref_slice %arg9[%add3A_217, %dma_start3A_218] : memref<40x50xi32, #tpu.memory_space<vmem>> -> memref<1x50xi32, #tpu.memory_space<vmem>>
      %dma_start3A_220 = tpu.memref_squeeze %dma_start3A_219 : memref<1x50xi32, #tpu.memory_space<vmem>> -> memref<50xi32, #tpu.memory_space<vmem>>
      %dma_start3A_221 = arith.constant 0 : i32
      %dma_start3A_222 = arith.constant 0 : i32
      %dma_start3A_223 = tpu.memref_slice %arg14[%dma_start3A_221, %dma_start3A_222] : memref<10000x128xf32, #tpu.memory_space<vmem_shared>> -> memref<10000x128xf32, #tpu.memory_space<vmem_shared>>
      tpu.enqueue_indirect_dma source(%arg10 : memref<50x128xf32, #tpu.memory_space<vmem>>) target(%dma_start3A_223 : memref<10000x128xf32, #tpu.memory_space<vmem_shared>>) offsets(%dma_start3A_220 : memref<50xi32, #tpu.memory_space<vmem>>) semaphore(%arg19 : memref<!tpu.dma_semaphore, #tpu.memory_space<semaphore_mem>>) {add = true}
      %add3A_224 = arith.constant 1 : i32
      %add3A_225 = arith.addi %mul3A_208, %add3A_224 : i32
      %dma_wait3A_226 = arith.constant 0 : i32
      %dma_wait3A_227 = tpu.memref_slice %arg8[%add3A_225, %dma_wait3A_226] : memref<40x50xi32, #tpu.memory_space<vmem>> -> memref<1x50xi32, #tpu.memory_space<vmem>>
      %dma_wait3A_228 = tpu.memref_squeeze %dma_wait3A_227 : memref<1x50xi32, #tpu.memory_space<vmem>> -> memref<50xi32, #tpu.memory_space<vmem>>
      %dma_wait3A_229 = arith.constant 0 : i32
      %dma_wait3A_230 = arith.constant 0 : i32
      %dma_wait3A_231 = tpu.memref_slice %arg2[%dma_wait3A_229, %dma_wait3A_230] : memref<10000x128xf32, #tpu.memory_space<hbm>> -> memref<10000x128xf32, #tpu.memory_space<hbm>>
      tpu.wait_indirect_dma semaphore(%arg16 : memref<!tpu.dma_semaphore, #tpu.memory_space<semaphore_mem>>) src(%dma_wait3A_231 : memref<10000x128xf32, #tpu.memory_space<hbm>>) dst(%arg11 : memref<50x128xf32, #tpu.memory_space<vmem>>)
      %add3A_232 = arith.constant 1 : i32
      %add3A_233 = arith.addi %mul3A_208, %add3A_232 : i32
      %dma_start3A_234 = arith.constant 0 : i32
      %dma_start3A_235 = tpu.memref_slice %arg9[%add3A_233, %dma_start3A_234] : memref<40x50xi32, #tpu.memory_space<vmem>> -> memref<1x50xi32, #tpu.memory_space<vmem>>
      %dma_start3A_236 = tpu.memref_squeeze %dma_start3A_235 : memref<1x50xi32, #tpu.memory_space<vmem>> -> memref<50xi32, #tpu.memory_space<vmem>>
      %dma_start3A_237 = arith.constant 0 : i32
      %dma_start3A_238 = arith.constant 0 : i32
      %dma_start3A_239 = tpu.memref_slice %arg14[%dma_start3A_237, %dma_start3A_238] : memref<10000x128xf32, #tpu.memory_space<vmem_shared>> -> memref<10000x128xf32, #tpu.memory_space<vmem_shared>>
      tpu.enqueue_indirect_dma source(%arg11 : memref<50x128xf32, #tpu.memory_space<vmem>>) target(%dma_start3A_239 : memref<10000x128xf32, #tpu.memory_space<vmem_shared>>) offsets(%dma_start3A_236 : memref<50xi32, #tpu.memory_space<vmem>>) semaphore(%arg20 : memref<!tpu.dma_semaphore, #tpu.memory_space<semaphore_mem>>) {add = true}
      %add3A_240 = arith.constant 2 : i32
      %add3A_241 = arith.addi %mul3A_208, %add3A_240 : i32
      %dma_wait3A_242 = arith.constant 0 : i32
      %dma_wait3A_243 = tpu.memref_slice %arg8[%add3A_241, %dma_wait3A_242] : memref<40x50xi32, #tpu.memory_space<vmem>> -> memref<1x50xi32, #tpu.memory_space<vmem>>
      %dma_wait3A_244 = tpu.memref_squeeze %dma_wait3A_243 : memref<1x50xi32, #tpu.memory_space<vmem>> -> memref<50xi32, #tpu.memory_space<vmem>>
      %dma_wait3A_245 = arith.constant 0 : i32
      %dma_wait3A_246 = arith.constant 0 : i32
      %dma_wait3A_247 = tpu.memref_slice %arg2[%dma_wait3A_245, %dma_wait3A_246] : memref<10000x128xf32, #tpu.memory_space<hbm>> -> memref<10000x128xf32, #tpu.memory_space<hbm>>
      tpu.wait_indirect_dma semaphore(%arg17 : memref<!tpu.dma_semaphore, #tpu.memory_space<semaphore_mem>>) src(%dma_wait3A_247 : memref<10000x128xf32, #tpu.memory_space<hbm>>) dst(%arg12 : memref<50x128xf32, #tpu.memory_space<vmem>>)
      %add3A_248 = arith.constant 2 : i32
      %add3A_249 = arith.addi %mul3A_208, %add3A_248 : i32
      %dma_start3A_250 = arith.constant 0 : i32
      %dma_start3A_251 = tpu.memref_slice %arg9[%add3A_249, %dma_start3A_250] : memref<40x50xi32, #tpu.memory_space<vmem>> -> memref<1x50xi32, #tpu.memory_space<vmem>>
      %dma_start3A_252 = tpu.memref_squeeze %dma_start3A_251 : memref<1x50xi32, #tpu.memory_space<vmem>> -> memref<50xi32, #tpu.memory_space<vmem>>
      %dma_start3A_253 = arith.constant 0 : i32
      %dma_start3A_254 = arith.constant 0 : i32
      %dma_start3A_255 = tpu.memref_slice %arg14[%dma_start3A_253, %dma_start3A_254] : memref<10000x128xf32, #tpu.memory_space<vmem_shared>> -> memref<10000x128xf32, #tpu.memory_space<vmem_shared>>
      tpu.enqueue_indirect_dma source(%arg12 : memref<50x128xf32, #tpu.memory_space<vmem>>) target(%dma_start3A_255 : memref<10000x128xf32, #tpu.memory_space<vmem_shared>>) offsets(%dma_start3A_252 : memref<50xi32, #tpu.memory_space<vmem>>) semaphore(%arg21 : memref<!tpu.dma_semaphore, #tpu.memory_space<semaphore_mem>>) {add = true}
      %add3A_256 = arith.constant 3 : i32
      %add3A_257 = arith.addi %mul3A_208, %add3A_256 : i32
      %dma_wait3A_258 = arith.constant 0 : i32
      %dma_wait3A_259 = tpu.memref_slice %arg8[%add3A_257, %dma_wait3A_258] : memref<40x50xi32, #tpu.memory_space<vmem>> -> memref<1x50xi32, #tpu.memory_space<vmem>>
      %dma_wait3A_260 = tpu.memref_squeeze %dma_wait3A_259 : memref<1x50xi32, #tpu.memory_space<vmem>> -> memref<50xi32, #tpu.memory_space<vmem>>
      %dma_wait3A_261 = arith.constant 0 : i32
      %dma_wait3A_262 = arith.constant 0 : i32
      %dma_wait3A_263 = tpu.memref_slice %arg2[%dma_wait3A_261, %dma_wait3A_262] : memref<10000x128xf32, #tpu.memory_space<hbm>> -> memref<10000x128xf32, #tpu.memory_space<hbm>>
      tpu.wait_indirect_dma semaphore(%arg18 : memref<!tpu.dma_semaphore, #tpu.memory_space<semaphore_mem>>) src(%dma_wait3A_263 : memref<10000x128xf32, #tpu.memory_space<hbm>>) dst(%arg13 : memref<50x128xf32, #tpu.memory_space<vmem>>)
      %add3A_264 = arith.constant 3 : i32
      %add3A_265 = arith.addi %mul3A_208, %add3A_264 : i32
      %dma_start3A_266 = arith.constant 0 : i32
      %dma_start3A_267 = tpu.memref_slice %arg9[%add3A_265, %dma_start3A_266] : memref<40x50xi32, #tpu.memory_space<vmem>> -> memref<1x50xi32, #tpu.memory_space<vmem>>
      %dma_start3A_268 = tpu.memref_squeeze %dma_start3A_267 : memref<1x50xi32, #tpu.memory_space<vmem>> -> memref<50xi32, #tpu.memory_space<vmem>>
      %dma_start3A_269 = arith.constant 0 : i32
      %dma_start3A_270 = arith.constant 0 : i32
      %dma_start3A_271 = tpu.memref_slice %arg14[%dma_start3A_269, %dma_start3A_270] : memref<10000x128xf32, #tpu.memory_space<vmem_shared>> -> memref<10000x128xf32, #tpu.memory_space<vmem_shared>>
      tpu.enqueue_indirect_dma source(%arg13 : memref<50x128xf32, #tpu.memory_space<vmem>>) target(%dma_start3A_271 : memref<10000x128xf32, #tpu.memory_space<vmem_shared>>) offsets(%dma_start3A_268 : memref<50xi32, #tpu.memory_space<vmem>>) semaphore(%arg22 : memref<!tpu.dma_semaphore, #tpu.memory_space<semaphore_mem>>) {add = true}
      %add3A_272 = arith.constant 0 : i32
      %add3A_273 = arith.addi %mul3A_208, %add3A_272 : i32
      %dma_wait3A_274 = arith.constant 0 : i32
      %dma_wait3A_275 = tpu.memref_slice %arg9[%add3A_273, %dma_wait3A_274] : memref<40x50xi32, #tpu.memory_space<vmem>> -> memref<1x50xi32, #tpu.memory_space<vmem>>
      %dma_wait3A_276 = tpu.memref_squeeze %dma_wait3A_275 : memref<1x50xi32, #tpu.memory_space<vmem>> -> memref<50xi32, #tpu.memory_space<vmem>>
      %dma_wait3A_277 = arith.constant 0 : i32
      %dma_wait3A_278 = arith.constant 0 : i32
      %dma_wait3A_279 = tpu.memref_slice %arg14[%dma_wait3A_277, %dma_wait3A_278] : memref<10000x128xf32, #tpu.memory_space<vmem_shared>> -> memref<10000x128xf32, #tpu.memory_space<vmem_shared>>
      tpu.wait_indirect_dma semaphore(%arg19 : memref<!tpu.dma_semaphore, #tpu.memory_space<semaphore_mem>>) src(%arg10 : memref<50x128xf32, #tpu.memory_space<vmem>>) dst(%dma_wait3A_279 : memref<10000x128xf32, #tpu.memory_space<vmem_shared>>)
      %lt3A = arith.constant 9 : i32
      %lt3A_280 = arith.cmpi slt, %scan3A_205, %lt3A : i32
      %convert_element_type3A_281 = arith.extui %lt3A_280 : i1 to i32
      %cond3A_282 = arith.constant 0 : i32
      %cond3A_283 = arith.cmpi ne, %convert_element_type3A_281, %cond3A_282 : i32
      scf.if %cond3A_283 {
        %add3A_324 = arith.constant 4 : i32
        %add3A_325 = arith.addi %mul3A_208, %add3A_324 : i32
        %add3A_326 = arith.constant 0 : i32
        %add3A_327 = arith.addi %add3A_325, %add3A_326 : i32
        %dma_start3A_328 = arith.constant 0 : i32
        %dma_start3A_329 = tpu.memref_slice %arg8[%add3A_327, %dma_start3A_328] : memref<40x50xi32, #tpu.memory_space<vmem>> -> memref<1x50xi32, #tpu.memory_space<vmem>>
        %dma_start3A_330 = tpu.memref_squeeze %dma_start3A_329 : memref<1x50xi32, #tpu.memory_space<vmem>> -> memref<50xi32, #tpu.memory_space<vmem>>
        %dma_start3A_331 = arith.constant 0 : i32
        %dma_start3A_332 = arith.constant 0 : i32
        %dma_start3A_333 = tpu.memref_slice %arg2[%dma_start3A_331, %dma_start3A_332] : memref<10000x128xf32, #tpu.memory_space<hbm>> -> memref<10000x128xf32, #tpu.memory_space<hbm>>
        tpu.enqueue_indirect_dma source(%dma_start3A_333 : memref<10000x128xf32, #tpu.memory_space<hbm>>) target(%arg10 : memref<50x128xf32, #tpu.memory_space<vmem>>) offsets(%dma_start3A_330 : memref<50xi32, #tpu.memory_space<vmem>>) semaphore(%arg15 : memref<!tpu.dma_semaphore, #tpu.memory_space<semaphore_mem>>)
      } else {
      }
      %add3A_284 = arith.constant 1 : i32
      %add3A_285 = arith.addi %mul3A_208, %add3A_284 : i32
      %dma_wait3A_286 = arith.constant 0 : i32
      %dma_wait3A_287 = tpu.memref_slice %arg9[%add3A_285, %dma_wait3A_286] : memref<40x50xi32, #tpu.memory_space<vmem>> -> memref<1x50xi32, #tpu.memory_space<vmem>>
      %dma_wait3A_288 = tpu.memref_squeeze %dma_wait3A_287 : memref<1x50xi32, #tpu.memory_space<vmem>> -> memref<50xi32, #tpu.memory_space<vmem>>
      %dma_wait3A_289 = arith.constant 0 : i32
      %dma_wait3A_290 = arith.constant 0 : i32
      %dma_wait3A_291 = tpu.memref_slice %arg14[%dma_wait3A_289, %dma_wait3A_290] : memref<10000x128xf32, #tpu.memory_space<vmem_shared>> -> memref<10000x128xf32, #tpu.memory_space<vmem_shared>>
      tpu.wait_indirect_dma semaphore(%arg20 : memref<!tpu.dma_semaphore, #tpu.memory_space<semaphore_mem>>) src(%arg11 : memref<50x128xf32, #tpu.memory_space<vmem>>) dst(%dma_wait3A_291 : memref<10000x128xf32, #tpu.memory_space<vmem_shared>>)
      %lt3A_292 = arith.constant 9 : i32
      %lt3A_293 = arith.cmpi slt, %scan3A_205, %lt3A_292 : i32
      %convert_element_type3A_294 = arith.extui %lt3A_293 : i1 to i32
      %cond3A_295 = arith.constant 0 : i32
      %cond3A_296 = arith.cmpi ne, %convert_element_type3A_294, %cond3A_295 : i32
      scf.if %cond3A_296 {
        %add3A_324 = arith.constant 4 : i32
        %add3A_325 = arith.addi %mul3A_208, %add3A_324 : i32
        %add3A_326 = arith.constant 1 : i32
        %add3A_327 = arith.addi %add3A_325, %add3A_326 : i32
        %dma_start3A_328 = arith.constant 0 : i32
        %dma_start3A_329 = tpu.memref_slice %arg8[%add3A_327, %dma_start3A_328] : memref<40x50xi32, #tpu.memory_space<vmem>> -> memref<1x50xi32, #tpu.memory_space<vmem>>
        %dma_start3A_330 = tpu.memref_squeeze %dma_start3A_329 : memref<1x50xi32, #tpu.memory_space<vmem>> -> memref<50xi32, #tpu.memory_space<vmem>>
        %dma_start3A_331 = arith.constant 0 : i32
        %dma_start3A_332 = arith.constant 0 : i32
        %dma_start3A_333 = tpu.memref_slice %arg2[%dma_start3A_331, %dma_start3A_332] : memref<10000x128xf32, #tpu.memory_space<hbm>> -> memref<10000x128xf32, #tpu.memory_space<hbm>>
        tpu.enqueue_indirect_dma source(%dma_start3A_333 : memref<10000x128xf32, #tpu.memory_space<hbm>>) target(%arg11 : memref<50x128xf32, #tpu.memory_space<vmem>>) offsets(%dma_start3A_330 : memref<50xi32, #tpu.memory_space<vmem>>) semaphore(%arg16 : memref<!tpu.dma_semaphore, #tpu.memory_space<semaphore_mem>>)
      } else {
      }
      %add3A_297 = arith.constant 2 : i32
      %add3A_298 = arith.addi %mul3A_208, %add3A_297 : i32
      %dma_wait3A_299 = arith.constant 0 : i32
      %dma_wait3A_300 = tpu.memref_slice %arg9[%add3A_298, %dma_wait3A_299] : memref<40x50xi32, #tpu.memory_space<vmem>> -> memref<1x50xi32, #tpu.memory_space<vmem>>
      %dma_wait3A_301 = tpu.memref_squeeze %dma_wait3A_300 : memref<1x50xi32, #tpu.memory_space<vmem>> -> memref<50xi32, #tpu.memory_space<vmem>>
      %dma_wait3A_302 = arith.constant 0 : i32
      %dma_wait3A_303 = arith.constant 0 : i32
      %dma_wait3A_304 = tpu.memref_slice %arg14[%dma_wait3A_302, %dma_wait3A_303] : memref<10000x128xf32, #tpu.memory_space<vmem_shared>> -> memref<10000x128xf32, #tpu.memory_space<vmem_shared>>
      tpu.wait_indirect_dma semaphore(%arg21 : memref<!tpu.dma_semaphore, #tpu.memory_space<semaphore_mem>>) src(%arg12 : memref<50x128xf32, #tpu.memory_space<vmem>>) dst(%dma_wait3A_304 : memref<10000x128xf32, #tpu.memory_space<vmem_shared>>)
      %lt3A_305 = arith.constant 9 : i32
      %lt3A_306 = arith.cmpi slt, %scan3A_205, %lt3A_305 : i32
      %convert_element_type3A_307 = arith.extui %lt3A_306 : i1 to i32
      %cond3A_308 = arith.constant 0 : i32
      %cond3A_309 = arith.cmpi ne, %convert_element_type3A_307, %cond3A_308 : i32
      scf.if %cond3A_309 {
        %add3A_324 = arith.constant 4 : i32
        %add3A_325 = arith.addi %mul3A_208, %add3A_324 : i32
        %add3A_326 = arith.constant 2 : i32
        %add3A_327 = arith.addi %add3A_325, %add3A_326 : i32
        %dma_start3A_328 = arith.constant 0 : i32
        %dma_start3A_329 = tpu.memref_slice %arg8[%add3A_327, %dma_start3A_328] : memref<40x50xi32, #tpu.memory_space<vmem>> -> memref<1x50xi32, #tpu.memory_space<vmem>>
        %dma_start3A_330 = tpu.memref_squeeze %dma_start3A_329 : memref<1x50xi32, #tpu.memory_space<vmem>> -> memref<50xi32, #tpu.memory_space<vmem>>
        %dma_start3A_331 = arith.constant 0 : i32
        %dma_start3A_332 = arith.constant 0 : i32
        %dma_start3A_333 = tpu.memref_slice %arg2[%dma_start3A_331, %dma_start3A_332] : memref<10000x128xf32, #tpu.memory_space<hbm>> -> memref<10000x128xf32, #tpu.memory_space<hbm>>
        tpu.enqueue_indirect_dma source(%dma_start3A_333 : memref<10000x128xf32, #tpu.memory_space<hbm>>) target(%arg12 : memref<50x128xf32, #tpu.memory_space<vmem>>) offsets(%dma_start3A_330 : memref<50xi32, #tpu.memory_space<vmem>>) semaphore(%arg17 : memref<!tpu.dma_semaphore, #tpu.memory_space<semaphore_mem>>)
      } else {
      }
      %add3A_310 = arith.constant 3 : i32
      %add3A_311 = arith.addi %mul3A_208, %add3A_310 : i32
      %dma_wait3A_312 = arith.constant 0 : i32
      %dma_wait3A_313 = tpu.memref_slice %arg9[%add3A_311, %dma_wait3A_312] : memref<40x50xi32, #tpu.memory_space<vmem>> -> memref<1x50xi32, #tpu.memory_space<vmem>>
      %dma_wait3A_314 = tpu.memref_squeeze %dma_wait3A_313 : memref<1x50xi32, #tpu.memory_space<vmem>> -> memref<50xi32, #tpu.memory_space<vmem>>
      %dma_wait3A_315 = arith.constant 0 : i32
      %dma_wait3A_316 = arith.constant 0 : i32
      %dma_wait3A_317 = tpu.memref_slice %arg14[%dma_wait3A_315, %dma_wait3A_316] : memref<10000x128xf32, #tpu.memory_space<vmem_shared>> -> memref<10000x128xf32, #tpu.memory_space<vmem_shared>>
      tpu.wait_indirect_dma semaphore(%arg22 : memref<!tpu.dma_semaphore, #tpu.memory_space<semaphore_mem>>) src(%arg13 : memref<50x128xf32, #tpu.memory_space<vmem>>) dst(%dma_wait3A_317 : memref<10000x128xf32, #tpu.memory_space<vmem_shared>>)
      %lt3A_318 = arith.constant 9 : i32
      %lt3A_319 = arith.cmpi slt, %scan3A_205, %lt3A_318 : i32
      %convert_element_type3A_320 = arith.extui %lt3A_319 : i1 to i32
      %cond3A_321 = arith.constant 0 : i32
      %cond3A_322 = arith.cmpi ne, %convert_element_type3A_320, %cond3A_321 : i32
      scf.if %cond3A_322 {
        %add3A_324 = arith.constant 4 : i32
        %add3A_325 = arith.addi %mul3A_208, %add3A_324 : i32
        %add3A_326 = arith.constant 3 : i32
        %add3A_327 = arith.addi %add3A_325, %add3A_326 : i32
        %dma_start3A_328 = arith.constant 0 : i32
        %dma_start3A_329 = tpu.memref_slice %arg8[%add3A_327, %dma_start3A_328] : memref<40x50xi32, #tpu.memory_space<vmem>> -> memref<1x50xi32, #tpu.memory_space<vmem>>
        %dma_start3A_330 = tpu.memref_squeeze %dma_start3A_329 : memref<1x50xi32, #tpu.memory_space<vmem>> -> memref<50xi32, #tpu.memory_space<vmem>>
        %dma_start3A_331 = arith.constant 0 : i32
        %dma_start3A_332 = arith.constant 0 : i32
        %dma_start3A_333 = tpu.memref_slice %arg2[%dma_start3A_331, %dma_start3A_332] : memref<10000x128xf32, #tpu.memory_space<hbm>> -> memref<10000x128xf32, #tpu.memory_space<hbm>>
        tpu.enqueue_indirect_dma source(%dma_start3A_333 : memref<10000x128xf32, #tpu.memory_space<hbm>>) target(%arg13 : memref<50x128xf32, #tpu.memory_space<vmem>>) offsets(%dma_start3A_330 : memref<50xi32, #tpu.memory_space<vmem>>) semaphore(%arg18 : memref<!tpu.dma_semaphore, #tpu.memory_space<semaphore_mem>>)
      } else {
      }
      %scan3A_323 = arith.constant 0 : i32
      scf.yield %scan3A_323 : i32
    }
    %scan3A_84 = arith.constant 10 : i32
    %add3A_85 = arith.constant 80 : i32
    %add3A_86 = arith.addi %mul3A_2, %add3A_85 : i32
    "tpu.region"() ({
      %run_scoped3A = tpu.sem_alloc : memref<!tpu.dma_semaphore, #tpu.memory_space<semaphore_mem>>
      %dma_start3A_205 = arith.constant 0 : i32
      %dma_start3A_206 = tpu.memref_slice %arg4[%add3A_86, %dma_start3A_205] : memref<6400x50xi32, #tpu.memory_space<hbm>> -> memref<40x50xi32, #tpu.memory_space<hbm>>
      %dma_start3A_207 = arith.constant 0 : i32
      %dma_start3A_208 = tpu.memref_slice %arg4[%add3A_86, %dma_start3A_207] : memref<6400x50xi32, #tpu.memory_space<hbm>> -> memref<40x50xi32, #tpu.memory_space<hbm>>
      tpu.enqueue_dma source(%dma_start3A_208 : memref<40x50xi32, #tpu.memory_space<hbm>>) target(%arg8 : memref<40x50xi32, #tpu.memory_space<vmem>>) target_semaphore(%run_scoped3A : memref<!tpu.dma_semaphore, #tpu.memory_space<semaphore_mem>>)
      %dma_wait3A = arith.constant 0 : i32
      %dma_wait3A_209 = tpu.memref_slice %arg4[%add3A_86, %dma_wait3A] : memref<6400x50xi32, #tpu.memory_space<hbm>> -> memref<40x50xi32, #tpu.memory_space<hbm>>
      %dma_wait3A_210 = arith.constant 0 : i32
      %dma_wait3A_211 = tpu.memref_slice %arg4[%add3A_86, %dma_wait3A_210] : memref<6400x50xi32, #tpu.memory_space<hbm>> -> memref<40x50xi32, #tpu.memory_space<hbm>>
      tpu.wait_dma2 semaphore(%run_scoped3A : memref<!tpu.dma_semaphore, #tpu.memory_space<semaphore_mem>>) src(%dma_wait3A_211 : memref<40x50xi32, #tpu.memory_space<hbm>>) dst(%arg8 : memref<40x50xi32, #tpu.memory_space<vmem>>)
      tpu.yield
    }) : () -> ()
    %add3A_87 = arith.constant 80 : i32
    %add3A_88 = arith.addi %mul3A_2, %add3A_87 : i32
    "tpu.region"() ({
      %run_scoped3A = tpu.sem_alloc : memref<!tpu.dma_semaphore, #tpu.memory_space<semaphore_mem>>
      %dma_start3A_205 = arith.constant 0 : i32
      %dma_start3A_206 = tpu.memref_slice %arg5[%add3A_88, %dma_start3A_205] : memref<6400x50xi32, #tpu.memory_space<hbm>> -> memref<40x50xi32, #tpu.memory_space<hbm>>
      %dma_start3A_207 = arith.constant 0 : i32
      %dma_start3A_208 = tpu.memref_slice %arg5[%add3A_88, %dma_start3A_207] : memref<6400x50xi32, #tpu.memory_space<hbm>> -> memref<40x50xi32, #tpu.memory_space<hbm>>
      tpu.enqueue_dma source(%dma_start3A_208 : memref<40x50xi32, #tpu.memory_space<hbm>>) target(%arg9 : memref<40x50xi32, #tpu.memory_space<vmem>>) target_semaphore(%run_scoped3A : memref<!tpu.dma_semaphore, #tpu.memory_space<semaphore_mem>>)
      %dma_wait3A = arith.constant 0 : i32
      %dma_wait3A_209 = tpu.memref_slice %arg5[%add3A_88, %dma_wait3A] : memref<6400x50xi32, #tpu.memory_space<hbm>> -> memref<40x50xi32, #tpu.memory_space<hbm>>
      %dma_wait3A_210 = arith.constant 0 : i32
      %dma_wait3A_211 = tpu.memref_slice %arg5[%add3A_88, %dma_wait3A_210] : memref<6400x50xi32, #tpu.memory_space<hbm>> -> memref<40x50xi32, #tpu.memory_space<hbm>>
      tpu.wait_dma2 semaphore(%run_scoped3A : memref<!tpu.dma_semaphore, #tpu.memory_space<semaphore_mem>>) src(%dma_wait3A_211 : memref<40x50xi32, #tpu.memory_space<hbm>>) dst(%arg9 : memref<40x50xi32, #tpu.memory_space<vmem>>)
      tpu.yield
    }) : () -> ()
    %dma_start3A_89 = arith.constant 0 : i32
    %dma_start3A_90 = arith.constant 0 : i32
    %dma_start3A_91 = tpu.memref_slice %arg8[%dma_start3A_89, %dma_start3A_90] : memref<40x50xi32, #tpu.memory_space<vmem>> -> memref<1x50xi32, #tpu.memory_space<vmem>>
    %dma_start3A_92 = tpu.memref_squeeze %dma_start3A_91 : memref<1x50xi32, #tpu.memory_space<vmem>> -> memref<50xi32, #tpu.memory_space<vmem>>
    %dma_start3A_93 = arith.constant 0 : i32
    %dma_start3A_94 = arith.constant 0 : i32
    %dma_start3A_95 = tpu.memref_slice %arg2[%dma_start3A_93, %dma_start3A_94] : memref<10000x128xf32, #tpu.memory_space<hbm>> -> memref<10000x128xf32, #tpu.memory_space<hbm>>
    tpu.enqueue_indirect_dma source(%dma_start3A_95 : memref<10000x128xf32, #tpu.memory_space<hbm>>) target(%arg10 : memref<50x128xf32, #tpu.memory_space<vmem>>) offsets(%dma_start3A_92 : memref<50xi32, #tpu.memory_space<vmem>>) semaphore(%arg15 : memref<!tpu.dma_semaphore, #tpu.memory_space<semaphore_mem>>)
    %dma_start3A_96 = arith.constant 1 : i32
    %dma_start3A_97 = arith.constant 0 : i32
    %dma_start3A_98 = tpu.memref_slice %arg8[%dma_start3A_96, %dma_start3A_97] : memref<40x50xi32, #tpu.memory_space<vmem>> -> memref<1x50xi32, #tpu.memory_space<vmem>>
    %dma_start3A_99 = tpu.memref_squeeze %dma_start3A_98 : memref<1x50xi32, #tpu.memory_space<vmem>> -> memref<50xi32, #tpu.memory_space<vmem>>
    %dma_start3A_100 = arith.constant 0 : i32
    %dma_start3A_101 = arith.constant 0 : i32
    %dma_start3A_102 = tpu.memref_slice %arg2[%dma_start3A_100, %dma_start3A_101] : memref<10000x128xf32, #tpu.memory_space<hbm>> -> memref<10000x128xf32, #tpu.memory_space<hbm>>
    tpu.enqueue_indirect_dma source(%dma_start3A_102 : memref<10000x128xf32, #tpu.memory_space<hbm>>) target(%arg11 : memref<50x128xf32, #tpu.memory_space<vmem>>) offsets(%dma_start3A_99 : memref<50xi32, #tpu.memory_space<vmem>>) semaphore(%arg16 : memref<!tpu.dma_semaphore, #tpu.memory_space<semaphore_mem>>)
    %dma_start3A_103 = arith.constant 2 : i32
    %dma_start3A_104 = arith.constant 0 : i32
    %dma_start3A_105 = tpu.memref_slice %arg8[%dma_start3A_103, %dma_start3A_104] : memref<40x50xi32, #tpu.memory_space<vmem>> -> memref<1x50xi32, #tpu.memory_space<vmem>>
    %dma_start3A_106 = tpu.memref_squeeze %dma_start3A_105 : memref<1x50xi32, #tpu.memory_space<vmem>> -> memref<50xi32, #tpu.memory_space<vmem>>
    %dma_start3A_107 = arith.constant 0 : i32
    %dma_start3A_108 = arith.constant 0 : i32
    %dma_start3A_109 = tpu.memref_slice %arg2[%dma_start3A_107, %dma_start3A_108] : memref<10000x128xf32, #tpu.memory_space<hbm>> -> memref<10000x128xf32, #tpu.memory_space<hbm>>
    tpu.enqueue_indirect_dma source(%dma_start3A_109 : memref<10000x128xf32, #tpu.memory_space<hbm>>) target(%arg12 : memref<50x128xf32, #tpu.memory_space<vmem>>) offsets(%dma_start3A_106 : memref<50xi32, #tpu.memory_space<vmem>>) semaphore(%arg17 : memref<!tpu.dma_semaphore, #tpu.memory_space<semaphore_mem>>)
    %dma_start3A_110 = arith.constant 3 : i32
    %dma_start3A_111 = arith.constant 0 : i32
    %dma_start3A_112 = tpu.memref_slice %arg8[%dma_start3A_110, %dma_start3A_111] : memref<40x50xi32, #tpu.memory_space<vmem>> -> memref<1x50xi32, #tpu.memory_space<vmem>>
    %dma_start3A_113 = tpu.memref_squeeze %dma_start3A_112 : memref<1x50xi32, #tpu.memory_space<vmem>> -> memref<50xi32, #tpu.memory_space<vmem>>
    %dma_start3A_114 = arith.constant 0 : i32
    %dma_start3A_115 = arith.constant 0 : i32
    %dma_start3A_116 = tpu.memref_slice %arg2[%dma_start3A_114, %dma_start3A_115] : memref<10000x128xf32, #tpu.memory_space<hbm>> -> memref<10000x128xf32, #tpu.memory_space<hbm>>
    tpu.enqueue_indirect_dma source(%dma_start3A_116 : memref<10000x128xf32, #tpu.memory_space<hbm>>) target(%arg13 : memref<50x128xf32, #tpu.memory_space<vmem>>) offsets(%dma_start3A_113 : memref<50xi32, #tpu.memory_space<vmem>>) semaphore(%arg18 : memref<!tpu.dma_semaphore, #tpu.memory_space<semaphore_mem>>)
    %scan3A_117 = arith.constant 0 : i32
    %scan3A_118 = arith.constant 0 : i32
    %scan3A_119 = arith.constant 10 : i32
    %scan3A_120 = arith.addi %scan3A_118, %scan3A_119 : i32
    %scan3A_121 = arith.constant 1 : i32
    %scan3A_122 = scf.for %scan3A_205 = %scan3A_118 to %scan3A_120 step %scan3A_121 iter_args(%scan3A_206 = %scan3A_117) -> (i32)  : i32 {
      %mul3A_207 = arith.constant 4 : i32
      %mul3A_208 = arith.muli %scan3A_205, %mul3A_207 : i32
      %add3A_209 = arith.constant 0 : i32
      %add3A_210 = arith.addi %mul3A_208, %add3A_209 : i32
      %dma_wait3A = arith.constant 0 : i32
      %dma_wait3A_211 = tpu.memref_slice %arg8[%add3A_210, %dma_wait3A] : memref<40x50xi32, #tpu.memory_space<vmem>> -> memref<1x50xi32, #tpu.memory_space<vmem>>
      %dma_wait3A_212 = tpu.memref_squeeze %dma_wait3A_211 : memref<1x50xi32, #tpu.memory_space<vmem>> -> memref<50xi32, #tpu.memory_space<vmem>>
      %dma_wait3A_213 = arith.constant 0 : i32
      %dma_wait3A_214 = arith.constant 0 : i32
      %dma_wait3A_215 = tpu.memref_slice %arg2[%dma_wait3A_213, %dma_wait3A_214] : memref<10000x128xf32, #tpu.memory_space<hbm>> -> memref<10000x128xf32, #tpu.memory_space<hbm>>
      tpu.wait_indirect_dma semaphore(%arg15 : memref<!tpu.dma_semaphore, #tpu.memory_space<semaphore_mem>>) src(%dma_wait3A_215 : memref<10000x128xf32, #tpu.memory_space<hbm>>) dst(%arg10 : memref<50x128xf32, #tpu.memory_space<vmem>>)
      %add3A_216 = arith.constant 0 : i32
      %add3A_217 = arith.addi %mul3A_208, %add3A_216 : i32
      %dma_start3A_218 = arith.constant 0 : i32
      %dma_start3A_219 = tpu.memref_slice %arg9[%add3A_217, %dma_start3A_218] : memref<40x50xi32, #tpu.memory_space<vmem>> -> memref<1x50xi32, #tpu.memory_space<vmem>>
      %dma_start3A_220 = tpu.memref_squeeze %dma_start3A_219 : memref<1x50xi32, #tpu.memory_space<vmem>> -> memref<50xi32, #tpu.memory_space<vmem>>
      %dma_start3A_221 = arith.constant 0 : i32
      %dma_start3A_222 = arith.constant 0 : i32
      %dma_start3A_223 = tpu.memref_slice %arg14[%dma_start3A_221, %dma_start3A_222] : memref<10000x128xf32, #tpu.memory_space<vmem_shared>> -> memref<10000x128xf32, #tpu.memory_space<vmem_shared>>
      tpu.enqueue_indirect_dma source(%arg10 : memref<50x128xf32, #tpu.memory_space<vmem>>) target(%dma_start3A_223 : memref<10000x128xf32, #tpu.memory_space<vmem_shared>>) offsets(%dma_start3A_220 : memref<50xi32, #tpu.memory_space<vmem>>) semaphore(%arg19 : memref<!tpu.dma_semaphore, #tpu.memory_space<semaphore_mem>>) {add = true}
      %add3A_224 = arith.constant 1 : i32
      %add3A_225 = arith.addi %mul3A_208, %add3A_224 : i32
      %dma_wait3A_226 = arith.constant 0 : i32
      %dma_wait3A_227 = tpu.memref_slice %arg8[%add3A_225, %dma_wait3A_226] : memref<40x50xi32, #tpu.memory_space<vmem>> -> memref<1x50xi32, #tpu.memory_space<vmem>>
      %dma_wait3A_228 = tpu.memref_squeeze %dma_wait3A_227 : memref<1x50xi32, #tpu.memory_space<vmem>> -> memref<50xi32, #tpu.memory_space<vmem>>
      %dma_wait3A_229 = arith.constant 0 : i32
      %dma_wait3A_230 = arith.constant 0 : i32
      %dma_wait3A_231 = tpu.memref_slice %arg2[%dma_wait3A_229, %dma_wait3A_230] : memref<10000x128xf32, #tpu.memory_space<hbm>> -> memref<10000x128xf32, #tpu.memory_space<hbm>>
      tpu.wait_indirect_dma semaphore(%arg16 : memref<!tpu.dma_semaphore, #tpu.memory_space<semaphore_mem>>) src(%dma_wait3A_231 : memref<10000x128xf32, #tpu.memory_space<hbm>>) dst(%arg11 : memref<50x128xf32, #tpu.memory_space<vmem>>)
      %add3A_232 = arith.constant 1 : i32
      %add3A_233 = arith.addi %mul3A_208, %add3A_232 : i32
      %dma_start3A_234 = arith.constant 0 : i32
      %dma_start3A_235 = tpu.memref_slice %arg9[%add3A_233, %dma_start3A_234] : memref<40x50xi32, #tpu.memory_space<vmem>> -> memref<1x50xi32, #tpu.memory_space<vmem>>
      %dma_start3A_236 = tpu.memref_squeeze %dma_start3A_235 : memref<1x50xi32, #tpu.memory_space<vmem>> -> memref<50xi32, #tpu.memory_space<vmem>>
      %dma_start3A_237 = arith.constant 0 : i32
      %dma_start3A_238 = arith.constant 0 : i32
      %dma_start3A_239 = tpu.memref_slice %arg14[%dma_start3A_237, %dma_start3A_238] : memref<10000x128xf32, #tpu.memory_space<vmem_shared>> -> memref<10000x128xf32, #tpu.memory_space<vmem_shared>>
      tpu.enqueue_indirect_dma source(%arg11 : memref<50x128xf32, #tpu.memory_space<vmem>>) target(%dma_start3A_239 : memref<10000x128xf32, #tpu.memory_space<vmem_shared>>) offsets(%dma_start3A_236 : memref<50xi32, #tpu.memory_space<vmem>>) semaphore(%arg20 : memref<!tpu.dma_semaphore, #tpu.memory_space<semaphore_mem>>) {add = true}
      %add3A_240 = arith.constant 2 : i32
      %add3A_241 = arith.addi %mul3A_208, %add3A_240 : i32
      %dma_wait3A_242 = arith.constant 0 : i32
      %dma_wait3A_243 = tpu.memref_slice %arg8[%add3A_241, %dma_wait3A_242] : memref<40x50xi32, #tpu.memory_space<vmem>> -> memref<1x50xi32, #tpu.memory_space<vmem>>
      %dma_wait3A_244 = tpu.memref_squeeze %dma_wait3A_243 : memref<1x50xi32, #tpu.memory_space<vmem>> -> memref<50xi32, #tpu.memory_space<vmem>>
      %dma_wait3A_245 = arith.constant 0 : i32
      %dma_wait3A_246 = arith.constant 0 : i32
      %dma_wait3A_247 = tpu.memref_slice %arg2[%dma_wait3A_245, %dma_wait3A_246] : memref<10000x128xf32, #tpu.memory_space<hbm>> -> memref<10000x128xf32, #tpu.memory_space<hbm>>
      tpu.wait_indirect_dma semaphore(%arg17 : memref<!tpu.dma_semaphore, #tpu.memory_space<semaphore_mem>>) src(%dma_wait3A_247 : memref<10000x128xf32, #tpu.memory_space<hbm>>) dst(%arg12 : memref<50x128xf32, #tpu.memory_space<vmem>>)
      %add3A_248 = arith.constant 2 : i32
      %add3A_249 = arith.addi %mul3A_208, %add3A_248 : i32
      %dma_start3A_250 = arith.constant 0 : i32
      %dma_start3A_251 = tpu.memref_slice %arg9[%add3A_249, %dma_start3A_250] : memref<40x50xi32, #tpu.memory_space<vmem>> -> memref<1x50xi32, #tpu.memory_space<vmem>>
      %dma_start3A_252 = tpu.memref_squeeze %dma_start3A_251 : memref<1x50xi32, #tpu.memory_space<vmem>> -> memref<50xi32, #tpu.memory_space<vmem>>
      %dma_start3A_253 = arith.constant 0 : i32
      %dma_start3A_254 = arith.constant 0 : i32
      %dma_start3A_255 = tpu.memref_slice %arg14[%dma_start3A_253, %dma_start3A_254] : memref<10000x128xf32, #tpu.memory_space<vmem_shared>> -> memref<10000x128xf32, #tpu.memory_space<vmem_shared>>
      tpu.enqueue_indirect_dma source(%arg12 : memref<50x128xf32, #tpu.memory_space<vmem>>) target(%dma_start3A_255 : memref<10000x128xf32, #tpu.memory_space<vmem_shared>>) offsets(%dma_start3A_252 : memref<50xi32, #tpu.memory_space<vmem>>) semaphore(%arg21 : memref<!tpu.dma_semaphore, #tpu.memory_space<semaphore_mem>>) {add = true}
      %add3A_256 = arith.constant 3 : i32
      %add3A_257 = arith.addi %mul3A_208, %add3A_256 : i32
      %dma_wait3A_258 = arith.constant 0 : i32
      %dma_wait3A_259 = tpu.memref_slice %arg8[%add3A_257, %dma_wait3A_258] : memref<40x50xi32, #tpu.memory_space<vmem>> -> memref<1x50xi32, #tpu.memory_space<vmem>>
      %dma_wait3A_260 = tpu.memref_squeeze %dma_wait3A_259 : memref<1x50xi32, #tpu.memory_space<vmem>> -> memref<50xi32, #tpu.memory_space<vmem>>
      %dma_wait3A_261 = arith.constant 0 : i32
      %dma_wait3A_262 = arith.constant 0 : i32
      %dma_wait3A_263 = tpu.memref_slice %arg2[%dma_wait3A_261, %dma_wait3A_262] : memref<10000x128xf32, #tpu.memory_space<hbm>> -> memref<10000x128xf32, #tpu.memory_space<hbm>>
      tpu.wait_indirect_dma semaphore(%arg18 : memref<!tpu.dma_semaphore, #tpu.memory_space<semaphore_mem>>) src(%dma_wait3A_263 : memref<10000x128xf32, #tpu.memory_space<hbm>>) dst(%arg13 : memref<50x128xf32, #tpu.memory_space<vmem>>)
      %add3A_264 = arith.constant 3 : i32
      %add3A_265 = arith.addi %mul3A_208, %add3A_264 : i32
      %dma_start3A_266 = arith.constant 0 : i32
      %dma_start3A_267 = tpu.memref_slice %arg9[%add3A_265, %dma_start3A_266] : memref<40x50xi32, #tpu.memory_space<vmem>> -> memref<1x50xi32, #tpu.memory_space<vmem>>
      %dma_start3A_268 = tpu.memref_squeeze %dma_start3A_267 : memref<1x50xi32, #tpu.memory_space<vmem>> -> memref<50xi32, #tpu.memory_space<vmem>>
      %dma_start3A_269 = arith.constant 0 : i32
      %dma_start3A_270 = arith.constant 0 : i32
      %dma_start3A_271 = tpu.memref_slice %arg14[%dma_start3A_269, %dma_start3A_270] : memref<10000x128xf32, #tpu.memory_space<vmem_shared>> -> memref<10000x128xf32, #tpu.memory_space<vmem_shared>>
      tpu.enqueue_indirect_dma source(%arg13 : memref<50x128xf32, #tpu.memory_space<vmem>>) target(%dma_start3A_271 : memref<10000x128xf32, #tpu.memory_space<vmem_shared>>) offsets(%dma_start3A_268 : memref<50xi32, #tpu.memory_space<vmem>>) semaphore(%arg22 : memref<!tpu.dma_semaphore, #tpu.memory_space<semaphore_mem>>) {add = true}
      %add3A_272 = arith.constant 0 : i32
      %add3A_273 = arith.addi %mul3A_208, %add3A_272 : i32
      %dma_wait3A_274 = arith.constant 0 : i32
      %dma_wait3A_275 = tpu.memref_slice %arg9[%add3A_273, %dma_wait3A_274] : memref<40x50xi32, #tpu.memory_space<vmem>> -> memref<1x50xi32, #tpu.memory_space<vmem>>
      %dma_wait3A_276 = tpu.memref_squeeze %dma_wait3A_275 : memref<1x50xi32, #tpu.memory_space<vmem>> -> memref<50xi32, #tpu.memory_space<vmem>>
      %dma_wait3A_277 = arith.constant 0 : i32
      %dma_wait3A_278 = arith.constant 0 : i32
      %dma_wait3A_279 = tpu.memref_slice %arg14[%dma_wait3A_277, %dma_wait3A_278] : memref<10000x128xf32, #tpu.memory_space<vmem_shared>> -> memref<10000x128xf32, #tpu.memory_space<vmem_shared>>
      tpu.wait_indirect_dma semaphore(%arg19 : memref<!tpu.dma_semaphore, #tpu.memory_space<semaphore_mem>>) src(%arg10 : memref<50x128xf32, #tpu.memory_space<vmem>>) dst(%dma_wait3A_279 : memref<10000x128xf32, #tpu.memory_space<vmem_shared>>)
      %lt3A = arith.constant 9 : i32
      %lt3A_280 = arith.cmpi slt, %scan3A_205, %lt3A : i32
      %convert_element_type3A_281 = arith.extui %lt3A_280 : i1 to i32
      %cond3A_282 = arith.constant 0 : i32
      %cond3A_283 = arith.cmpi ne, %convert_element_type3A_281, %cond3A_282 : i32
      scf.if %cond3A_283 {
        %add3A_324 = arith.constant 4 : i32
        %add3A_325 = arith.addi %mul3A_208, %add3A_324 : i32
        %add3A_326 = arith.constant 0 : i32
        %add3A_327 = arith.addi %add3A_325, %add3A_326 : i32
        %dma_start3A_328 = arith.constant 0 : i32
        %dma_start3A_329 = tpu.memref_slice %arg8[%add3A_327, %dma_start3A_328] : memref<40x50xi32, #tpu.memory_space<vmem>> -> memref<1x50xi32, #tpu.memory_space<vmem>>
        %dma_start3A_330 = tpu.memref_squeeze %dma_start3A_329 : memref<1x50xi32, #tpu.memory_space<vmem>> -> memref<50xi32, #tpu.memory_space<vmem>>
        %dma_start3A_331 = arith.constant 0 : i32
        %dma_start3A_332 = arith.constant 0 : i32
        %dma_start3A_333 = tpu.memref_slice %arg2[%dma_start3A_331, %dma_start3A_332] : memref<10000x128xf32, #tpu.memory_space<hbm>> -> memref<10000x128xf32, #tpu.memory_space<hbm>>
        tpu.enqueue_indirect_dma source(%dma_start3A_333 : memref<10000x128xf32, #tpu.memory_space<hbm>>) target(%arg10 : memref<50x128xf32, #tpu.memory_space<vmem>>) offsets(%dma_start3A_330 : memref<50xi32, #tpu.memory_space<vmem>>) semaphore(%arg15 : memref<!tpu.dma_semaphore, #tpu.memory_space<semaphore_mem>>)
      } else {
      }
      %add3A_284 = arith.constant 1 : i32
      %add3A_285 = arith.addi %mul3A_208, %add3A_284 : i32
      %dma_wait3A_286 = arith.constant 0 : i32
      %dma_wait3A_287 = tpu.memref_slice %arg9[%add3A_285, %dma_wait3A_286] : memref<40x50xi32, #tpu.memory_space<vmem>> -> memref<1x50xi32, #tpu.memory_space<vmem>>
      %dma_wait3A_288 = tpu.memref_squeeze %dma_wait3A_287 : memref<1x50xi32, #tpu.memory_space<vmem>> -> memref<50xi32, #tpu.memory_space<vmem>>
      %dma_wait3A_289 = arith.constant 0 : i32
      %dma_wait3A_290 = arith.constant 0 : i32
      %dma_wait3A_291 = tpu.memref_slice %arg14[%dma_wait3A_289, %dma_wait3A_290] : memref<10000x128xf32, #tpu.memory_space<vmem_shared>> -> memref<10000x128xf32, #tpu.memory_space<vmem_shared>>
      tpu.wait_indirect_dma semaphore(%arg20 : memref<!tpu.dma_semaphore, #tpu.memory_space<semaphore_mem>>) src(%arg11 : memref<50x128xf32, #tpu.memory_space<vmem>>) dst(%dma_wait3A_291 : memref<10000x128xf32, #tpu.memory_space<vmem_shared>>)
      %lt3A_292 = arith.constant 9 : i32
      %lt3A_293 = arith.cmpi slt, %scan3A_205, %lt3A_292 : i32
      %convert_element_type3A_294 = arith.extui %lt3A_293 : i1 to i32
      %cond3A_295 = arith.constant 0 : i32
      %cond3A_296 = arith.cmpi ne, %convert_element_type3A_294, %cond3A_295 : i32
      scf.if %cond3A_296 {
        %add3A_324 = arith.constant 4 : i32
        %add3A_325 = arith.addi %mul3A_208, %add3A_324 : i32
        %add3A_326 = arith.constant 1 : i32
        %add3A_327 = arith.addi %add3A_325, %add3A_326 : i32
        %dma_start3A_328 = arith.constant 0 : i32
        %dma_start3A_329 = tpu.memref_slice %arg8[%add3A_327, %dma_start3A_328] : memref<40x50xi32, #tpu.memory_space<vmem>> -> memref<1x50xi32, #tpu.memory_space<vmem>>
        %dma_start3A_330 = tpu.memref_squeeze %dma_start3A_329 : memref<1x50xi32, #tpu.memory_space<vmem>> -> memref<50xi32, #tpu.memory_space<vmem>>
        %dma_start3A_331 = arith.constant 0 : i32
        %dma_start3A_332 = arith.constant 0 : i32
        %dma_start3A_333 = tpu.memref_slice %arg2[%dma_start3A_331, %dma_start3A_332] : memref<10000x128xf32, #tpu.memory_space<hbm>> -> memref<10000x128xf32, #tpu.memory_space<hbm>>
        tpu.enqueue_indirect_dma source(%dma_start3A_333 : memref<10000x128xf32, #tpu.memory_space<hbm>>) target(%arg11 : memref<50x128xf32, #tpu.memory_space<vmem>>) offsets(%dma_start3A_330 : memref<50xi32, #tpu.memory_space<vmem>>) semaphore(%arg16 : memref<!tpu.dma_semaphore, #tpu.memory_space<semaphore_mem>>)
      } else {
      }
      %add3A_297 = arith.constant 2 : i32
      %add3A_298 = arith.addi %mul3A_208, %add3A_297 : i32
      %dma_wait3A_299 = arith.constant 0 : i32
      %dma_wait3A_300 = tpu.memref_slice %arg9[%add3A_298, %dma_wait3A_299] : memref<40x50xi32, #tpu.memory_space<vmem>> -> memref<1x50xi32, #tpu.memory_space<vmem>>
      %dma_wait3A_301 = tpu.memref_squeeze %dma_wait3A_300 : memref<1x50xi32, #tpu.memory_space<vmem>> -> memref<50xi32, #tpu.memory_space<vmem>>
      %dma_wait3A_302 = arith.constant 0 : i32
      %dma_wait3A_303 = arith.constant 0 : i32
      %dma_wait3A_304 = tpu.memref_slice %arg14[%dma_wait3A_302, %dma_wait3A_303] : memref<10000x128xf32, #tpu.memory_space<vmem_shared>> -> memref<10000x128xf32, #tpu.memory_space<vmem_shared>>
      tpu.wait_indirect_dma semaphore(%arg21 : memref<!tpu.dma_semaphore, #tpu.memory_space<semaphore_mem>>) src(%arg12 : memref<50x128xf32, #tpu.memory_space<vmem>>) dst(%dma_wait3A_304 : memref<10000x128xf32, #tpu.memory_space<vmem_shared>>)
      %lt3A_305 = arith.constant 9 : i32
      %lt3A_306 = arith.cmpi slt, %scan3A_205, %lt3A_305 : i32
      %convert_element_type3A_307 = arith.extui %lt3A_306 : i1 to i32
      %cond3A_308 = arith.constant 0 : i32
      %cond3A_309 = arith.cmpi ne, %convert_element_type3A_307, %cond3A_308 : i32
      scf.if %cond3A_309 {
        %add3A_324 = arith.constant 4 : i32
        %add3A_325 = arith.addi %mul3A_208, %add3A_324 : i32
        %add3A_326 = arith.constant 2 : i32
        %add3A_327 = arith.addi %add3A_325, %add3A_326 : i32
        %dma_start3A_328 = arith.constant 0 : i32
        %dma_start3A_329 = tpu.memref_slice %arg8[%add3A_327, %dma_start3A_328] : memref<40x50xi32, #tpu.memory_space<vmem>> -> memref<1x50xi32, #tpu.memory_space<vmem>>
        %dma_start3A_330 = tpu.memref_squeeze %dma_start3A_329 : memref<1x50xi32, #tpu.memory_space<vmem>> -> memref<50xi32, #tpu.memory_space<vmem>>
        %dma_start3A_331 = arith.constant 0 : i32
        %dma_start3A_332 = arith.constant 0 : i32
        %dma_start3A_333 = tpu.memref_slice %arg2[%dma_start3A_331, %dma_start3A_332] : memref<10000x128xf32, #tpu.memory_space<hbm>> -> memref<10000x128xf32, #tpu.memory_space<hbm>>
        tpu.enqueue_indirect_dma source(%dma_start3A_333 : memref<10000x128xf32, #tpu.memory_space<hbm>>) target(%arg12 : memref<50x128xf32, #tpu.memory_space<vmem>>) offsets(%dma_start3A_330 : memref<50xi32, #tpu.memory_space<vmem>>) semaphore(%arg17 : memref<!tpu.dma_semaphore, #tpu.memory_space<semaphore_mem>>)
      } else {
      }
      %add3A_310 = arith.constant 3 : i32
      %add3A_311 = arith.addi %mul3A_208, %add3A_310 : i32
      %dma_wait3A_312 = arith.constant 0 : i32
      %dma_wait3A_313 = tpu.memref_slice %arg9[%add3A_311, %dma_wait3A_312] : memref<40x50xi32, #tpu.memory_space<vmem>> -> memref<1x50xi32, #tpu.memory_space<vmem>>
      %dma_wait3A_314 = tpu.memref_squeeze %dma_wait3A_313 : memref<1x50xi32, #tpu.memory_space<vmem>> -> memref<50xi32, #tpu.memory_space<vmem>>
      %dma_wait3A_315 = arith.constant 0 : i32
      %dma_wait3A_316 = arith.constant 0 : i32
      %dma_wait3A_317 = tpu.memref_slice %arg14[%dma_wait3A_315, %dma_wait3A_316] : memref<10000x128xf32, #tpu.memory_space<vmem_shared>> -> memref<10000x128xf32, #tpu.memory_space<vmem_shared>>
      tpu.wait_indirect_dma semaphore(%arg22 : memref<!tpu.dma_semaphore, #tpu.memory_space<semaphore_mem>>) src(%arg13 : memref<50x128xf32, #tpu.memory_space<vmem>>) dst(%dma_wait3A_317 : memref<10000x128xf32, #tpu.memory_space<vmem_shared>>)
      %lt3A_318 = arith.constant 9 : i32
      %lt3A_319 = arith.cmpi slt, %scan3A_205, %lt3A_318 : i32
      %convert_element_type3A_320 = arith.extui %lt3A_319 : i1 to i32
      %cond3A_321 = arith.constant 0 : i32
      %cond3A_322 = arith.cmpi ne, %convert_element_type3A_320, %cond3A_321 : i32
      scf.if %cond3A_322 {
        %add3A_324 = arith.constant 4 : i32
        %add3A_325 = arith.addi %mul3A_208, %add3A_324 : i32
        %add3A_326 = arith.constant 3 : i32
        %add3A_327 = arith.addi %add3A_325, %add3A_326 : i32
        %dma_start3A_328 = arith.constant 0 : i32
        %dma_start3A_329 = tpu.memref_slice %arg8[%add3A_327, %dma_start3A_328] : memref<40x50xi32, #tpu.memory_space<vmem>> -> memref<1x50xi32, #tpu.memory_space<vmem>>
        %dma_start3A_330 = tpu.memref_squeeze %dma_start3A_329 : memref<1x50xi32, #tpu.memory_space<vmem>> -> memref<50xi32, #tpu.memory_space<vmem>>
        %dma_start3A_331 = arith.constant 0 : i32
        %dma_start3A_332 = arith.constant 0 : i32
        %dma_start3A_333 = tpu.memref_slice %arg2[%dma_start3A_331, %dma_start3A_332] : memref<10000x128xf32, #tpu.memory_space<hbm>> -> memref<10000x128xf32, #tpu.memory_space<hbm>>
        tpu.enqueue_indirect_dma source(%dma_start3A_333 : memref<10000x128xf32, #tpu.memory_space<hbm>>) target(%arg13 : memref<50x128xf32, #tpu.memory_space<vmem>>) offsets(%dma_start3A_330 : memref<50xi32, #tpu.memory_space<vmem>>) semaphore(%arg18 : memref<!tpu.dma_semaphore, #tpu.memory_space<semaphore_mem>>)
      } else {
      }
      %scan3A_323 = arith.constant 0 : i32
      scf.yield %scan3A_323 : i32
    }
    %scan3A_123 = arith.constant 10 : i32
    %add3A_124 = arith.constant 120 : i32
    %add3A_125 = arith.addi %mul3A_2, %add3A_124 : i32
    "tpu.region"() ({
      %run_scoped3A = tpu.sem_alloc : memref<!tpu.dma_semaphore, #tpu.memory_space<semaphore_mem>>
      %dma_start3A_205 = arith.constant 0 : i32
      %dma_start3A_206 = tpu.memref_slice %arg4[%add3A_125, %dma_start3A_205] : memref<6400x50xi32, #tpu.memory_space<hbm>> -> memref<40x50xi32, #tpu.memory_space<hbm>>
      %dma_start3A_207 = arith.constant 0 : i32
      %dma_start3A_208 = tpu.memref_slice %arg4[%add3A_125, %dma_start3A_207] : memref<6400x50xi32, #tpu.memory_space<hbm>> -> memref<40x50xi32, #tpu.memory_space<hbm>>
      tpu.enqueue_dma source(%dma_start3A_208 : memref<40x50xi32, #tpu.memory_space<hbm>>) target(%arg8 : memref<40x50xi32, #tpu.memory_space<vmem>>) target_semaphore(%run_scoped3A : memref<!tpu.dma_semaphore, #tpu.memory_space<semaphore_mem>>)
      %dma_wait3A = arith.constant 0 : i32
      %dma_wait3A_209 = tpu.memref_slice %arg4[%add3A_125, %dma_wait3A] : memref<6400x50xi32, #tpu.memory_space<hbm>> -> memref<40x50xi32, #tpu.memory_space<hbm>>
      %dma_wait3A_210 = arith.constant 0 : i32
      %dma_wait3A_211 = tpu.memref_slice %arg4[%add3A_125, %dma_wait3A_210] : memref<6400x50xi32, #tpu.memory_space<hbm>> -> memref<40x50xi32, #tpu.memory_space<hbm>>
      tpu.wait_dma2 semaphore(%run_scoped3A : memref<!tpu.dma_semaphore, #tpu.memory_space<semaphore_mem>>) src(%dma_wait3A_211 : memref<40x50xi32, #tpu.memory_space<hbm>>) dst(%arg8 : memref<40x50xi32, #tpu.memory_space<vmem>>)
      tpu.yield
    }) : () -> ()
    %add3A_126 = arith.constant 120 : i32
    %add3A_127 = arith.addi %mul3A_2, %add3A_126 : i32
    "tpu.region"() ({
      %run_scoped3A = tpu.sem_alloc : memref<!tpu.dma_semaphore, #tpu.memory_space<semaphore_mem>>
      %dma_start3A_205 = arith.constant 0 : i32
      %dma_start3A_206 = tpu.memref_slice %arg5[%add3A_127, %dma_start3A_205] : memref<6400x50xi32, #tpu.memory_space<hbm>> -> memref<40x50xi32, #tpu.memory_space<hbm>>
      %dma_start3A_207 = arith.constant 0 : i32
      %dma_start3A_208 = tpu.memref_slice %arg5[%add3A_127, %dma_start3A_207] : memref<6400x50xi32, #tpu.memory_space<hbm>> -> memref<40x50xi32, #tpu.memory_space<hbm>>
      tpu.enqueue_dma source(%dma_start3A_208 : memref<40x50xi32, #tpu.memory_space<hbm>>) target(%arg9 : memref<40x50xi32, #tpu.memory_space<vmem>>) target_semaphore(%run_scoped3A : memref<!tpu.dma_semaphore, #tpu.memory_space<semaphore_mem>>)
      %dma_wait3A = arith.constant 0 : i32
      %dma_wait3A_209 = tpu.memref_slice %arg5[%add3A_127, %dma_wait3A] : memref<6400x50xi32, #tpu.memory_space<hbm>> -> memref<40x50xi32, #tpu.memory_space<hbm>>
      %dma_wait3A_210 = arith.constant 0 : i32
      %dma_wait3A_211 = tpu.memref_slice %arg5[%add3A_127, %dma_wait3A_210] : memref<6400x50xi32, #tpu.memory_space<hbm>> -> memref<40x50xi32, #tpu.memory_space<hbm>>
      tpu.wait_dma2 semaphore(%run_scoped3A : memref<!tpu.dma_semaphore, #tpu.memory_space<semaphore_mem>>) src(%dma_wait3A_211 : memref<40x50xi32, #tpu.memory_space<hbm>>) dst(%arg9 : memref<40x50xi32, #tpu.memory_space<vmem>>)
      tpu.yield
    }) : () -> ()
    %dma_start3A_128 = arith.constant 0 : i32
    %dma_start3A_129 = arith.constant 0 : i32
    %dma_start3A_130 = tpu.memref_slice %arg8[%dma_start3A_128, %dma_start3A_129] : memref<40x50xi32, #tpu.memory_space<vmem>> -> memref<1x50xi32, #tpu.memory_space<vmem>>
    %dma_start3A_131 = tpu.memref_squeeze %dma_start3A_130 : memref<1x50xi32, #tpu.memory_space<vmem>> -> memref<50xi32, #tpu.memory_space<vmem>>
    %dma_start3A_132 = arith.constant 0 : i32
    %dma_start3A_133 = arith.constant 0 : i32
    %dma_start3A_134 = tpu.memref_slice %arg2[%dma_start3A_132, %dma_start3A_133] : memref<10000x128xf32, #tpu.memory_space<hbm>> -> memref<10000x128xf32, #tpu.memory_space<hbm>>
    tpu.enqueue_indirect_dma source(%dma_start3A_134 : memref<10000x128xf32, #tpu.memory_space<hbm>>) target(%arg10 : memref<50x128xf32, #tpu.memory_space<vmem>>) offsets(%dma_start3A_131 : memref<50xi32, #tpu.memory_space<vmem>>) semaphore(%arg15 : memref<!tpu.dma_semaphore, #tpu.memory_space<semaphore_mem>>)
    %dma_start3A_135 = arith.constant 1 : i32
    %dma_start3A_136 = arith.constant 0 : i32
    %dma_start3A_137 = tpu.memref_slice %arg8[%dma_start3A_135, %dma_start3A_136] : memref<40x50xi32, #tpu.memory_space<vmem>> -> memref<1x50xi32, #tpu.memory_space<vmem>>
    %dma_start3A_138 = tpu.memref_squeeze %dma_start3A_137 : memref<1x50xi32, #tpu.memory_space<vmem>> -> memref<50xi32, #tpu.memory_space<vmem>>
    %dma_start3A_139 = arith.constant 0 : i32
    %dma_start3A_140 = arith.constant 0 : i32
    %dma_start3A_141 = tpu.memref_slice %arg2[%dma_start3A_139, %dma_start3A_140] : memref<10000x128xf32, #tpu.memory_space<hbm>> -> memref<10000x128xf32, #tpu.memory_space<hbm>>
    tpu.enqueue_indirect_dma source(%dma_start3A_141 : memref<10000x128xf32, #tpu.memory_space<hbm>>) target(%arg11 : memref<50x128xf32, #tpu.memory_space<vmem>>) offsets(%dma_start3A_138 : memref<50xi32, #tpu.memory_space<vmem>>) semaphore(%arg16 : memref<!tpu.dma_semaphore, #tpu.memory_space<semaphore_mem>>)
    %dma_start3A_142 = arith.constant 2 : i32
    %dma_start3A_143 = arith.constant 0 : i32
    %dma_start3A_144 = tpu.memref_slice %arg8[%dma_start3A_142, %dma_start3A_143] : memref<40x50xi32, #tpu.memory_space<vmem>> -> memref<1x50xi32, #tpu.memory_space<vmem>>
    %dma_start3A_145 = tpu.memref_squeeze %dma_start3A_144 : memref<1x50xi32, #tpu.memory_space<vmem>> -> memref<50xi32, #tpu.memory_space<vmem>>
    %dma_start3A_146 = arith.constant 0 : i32
    %dma_start3A_147 = arith.constant 0 : i32
    %dma_start3A_148 = tpu.memref_slice %arg2[%dma_start3A_146, %dma_start3A_147] : memref<10000x128xf32, #tpu.memory_space<hbm>> -> memref<10000x128xf32, #tpu.memory_space<hbm>>
    tpu.enqueue_indirect_dma source(%dma_start3A_148 : memref<10000x128xf32, #tpu.memory_space<hbm>>) target(%arg12 : memref<50x128xf32, #tpu.memory_space<vmem>>) offsets(%dma_start3A_145 : memref<50xi32, #tpu.memory_space<vmem>>) semaphore(%arg17 : memref<!tpu.dma_semaphore, #tpu.memory_space<semaphore_mem>>)
    %dma_start3A_149 = arith.constant 3 : i32
    %dma_start3A_150 = arith.constant 0 : i32
    %dma_start3A_151 = tpu.memref_slice %arg8[%dma_start3A_149, %dma_start3A_150] : memref<40x50xi32, #tpu.memory_space<vmem>> -> memref<1x50xi32, #tpu.memory_space<vmem>>
    %dma_start3A_152 = tpu.memref_squeeze %dma_start3A_151 : memref<1x50xi32, #tpu.memory_space<vmem>> -> memref<50xi32, #tpu.memory_space<vmem>>
    %dma_start3A_153 = arith.constant 0 : i32
    %dma_start3A_154 = arith.constant 0 : i32
    %dma_start3A_155 = tpu.memref_slice %arg2[%dma_start3A_153, %dma_start3A_154] : memref<10000x128xf32, #tpu.memory_space<hbm>> -> memref<10000x128xf32, #tpu.memory_space<hbm>>
    tpu.enqueue_indirect_dma source(%dma_start3A_155 : memref<10000x128xf32, #tpu.memory_space<hbm>>) target(%arg13 : memref<50x128xf32, #tpu.memory_space<vmem>>) offsets(%dma_start3A_152 : memref<50xi32, #tpu.memory_space<vmem>>) semaphore(%arg18 : memref<!tpu.dma_semaphore, #tpu.memory_space<semaphore_mem>>)
    %scan3A_156 = arith.constant 0 : i32
    %scan3A_157 = arith.constant 0 : i32
    %scan3A_158 = arith.constant 10 : i32
    %scan3A_159 = arith.addi %scan3A_157, %scan3A_158 : i32
    %scan3A_160 = arith.constant 1 : i32
    %scan3A_161 = scf.for %scan3A_205 = %scan3A_157 to %scan3A_159 step %scan3A_160 iter_args(%scan3A_206 = %scan3A_156) -> (i32)  : i32 {
      %mul3A_207 = arith.constant 4 : i32
      %mul3A_208 = arith.muli %scan3A_205, %mul3A_207 : i32
      %add3A_209 = arith.constant 0 : i32
      %add3A_210 = arith.addi %mul3A_208, %add3A_209 : i32
      %dma_wait3A = arith.constant 0 : i32
      %dma_wait3A_211 = tpu.memref_slice %arg8[%add3A_210, %dma_wait3A] : memref<40x50xi32, #tpu.memory_space<vmem>> -> memref<1x50xi32, #tpu.memory_space<vmem>>
      %dma_wait3A_212 = tpu.memref_squeeze %dma_wait3A_211 : memref<1x50xi32, #tpu.memory_space<vmem>> -> memref<50xi32, #tpu.memory_space<vmem>>
      %dma_wait3A_213 = arith.constant 0 : i32
      %dma_wait3A_214 = arith.constant 0 : i32
      %dma_wait3A_215 = tpu.memref_slice %arg2[%dma_wait3A_213, %dma_wait3A_214] : memref<10000x128xf32, #tpu.memory_space<hbm>> -> memref<10000x128xf32, #tpu.memory_space<hbm>>
      tpu.wait_indirect_dma semaphore(%arg15 : memref<!tpu.dma_semaphore, #tpu.memory_space<semaphore_mem>>) src(%dma_wait3A_215 : memref<10000x128xf32, #tpu.memory_space<hbm>>) dst(%arg10 : memref<50x128xf32, #tpu.memory_space<vmem>>)
      %add3A_216 = arith.constant 0 : i32
      %add3A_217 = arith.addi %mul3A_208, %add3A_216 : i32
      %dma_start3A_218 = arith.constant 0 : i32
      %dma_start3A_219 = tpu.memref_slice %arg9[%add3A_217, %dma_start3A_218] : memref<40x50xi32, #tpu.memory_space<vmem>> -> memref<1x50xi32, #tpu.memory_space<vmem>>
      %dma_start3A_220 = tpu.memref_squeeze %dma_start3A_219 : memref<1x50xi32, #tpu.memory_space<vmem>> -> memref<50xi32, #tpu.memory_space<vmem>>
      %dma_start3A_221 = arith.constant 0 : i32
      %dma_start3A_222 = arith.constant 0 : i32
      %dma_start3A_223 = tpu.memref_slice %arg14[%dma_start3A_221, %dma_start3A_222] : memref<10000x128xf32, #tpu.memory_space<vmem_shared>> -> memref<10000x128xf32, #tpu.memory_space<vmem_shared>>
      tpu.enqueue_indirect_dma source(%arg10 : memref<50x128xf32, #tpu.memory_space<vmem>>) target(%dma_start3A_223 : memref<10000x128xf32, #tpu.memory_space<vmem_shared>>) offsets(%dma_start3A_220 : memref<50xi32, #tpu.memory_space<vmem>>) semaphore(%arg19 : memref<!tpu.dma_semaphore, #tpu.memory_space<semaphore_mem>>) {add = true}
      %add3A_224 = arith.constant 1 : i32
      %add3A_225 = arith.addi %mul3A_208, %add3A_224 : i32
      %dma_wait3A_226 = arith.constant 0 : i32
      %dma_wait3A_227 = tpu.memref_slice %arg8[%add3A_225, %dma_wait3A_226] : memref<40x50xi32, #tpu.memory_space<vmem>> -> memref<1x50xi32, #tpu.memory_space<vmem>>
      %dma_wait3A_228 = tpu.memref_squeeze %dma_wait3A_227 : memref<1x50xi32, #tpu.memory_space<vmem>> -> memref<50xi32, #tpu.memory_space<vmem>>
      %dma_wait3A_229 = arith.constant 0 : i32
      %dma_wait3A_230 = arith.constant 0 : i32
      %dma_wait3A_231 = tpu.memref_slice %arg2[%dma_wait3A_229, %dma_wait3A_230] : memref<10000x128xf32, #tpu.memory_space<hbm>> -> memref<10000x128xf32, #tpu.memory_space<hbm>>
      tpu.wait_indirect_dma semaphore(%arg16 : memref<!tpu.dma_semaphore, #tpu.memory_space<semaphore_mem>>) src(%dma_wait3A_231 : memref<10000x128xf32, #tpu.memory_space<hbm>>) dst(%arg11 : memref<50x128xf32, #tpu.memory_space<vmem>>)
      %add3A_232 = arith.constant 1 : i32
      %add3A_233 = arith.addi %mul3A_208, %add3A_232 : i32
      %dma_start3A_234 = arith.constant 0 : i32
      %dma_start3A_235 = tpu.memref_slice %arg9[%add3A_233, %dma_start3A_234] : memref<40x50xi32, #tpu.memory_space<vmem>> -> memref<1x50xi32, #tpu.memory_space<vmem>>
      %dma_start3A_236 = tpu.memref_squeeze %dma_start3A_235 : memref<1x50xi32, #tpu.memory_space<vmem>> -> memref<50xi32, #tpu.memory_space<vmem>>
      %dma_start3A_237 = arith.constant 0 : i32
      %dma_start3A_238 = arith.constant 0 : i32
      %dma_start3A_239 = tpu.memref_slice %arg14[%dma_start3A_237, %dma_start3A_238] : memref<10000x128xf32, #tpu.memory_space<vmem_shared>> -> memref<10000x128xf32, #tpu.memory_space<vmem_shared>>
      tpu.enqueue_indirect_dma source(%arg11 : memref<50x128xf32, #tpu.memory_space<vmem>>) target(%dma_start3A_239 : memref<10000x128xf32, #tpu.memory_space<vmem_shared>>) offsets(%dma_start3A_236 : memref<50xi32, #tpu.memory_space<vmem>>) semaphore(%arg20 : memref<!tpu.dma_semaphore, #tpu.memory_space<semaphore_mem>>) {add = true}
      %add3A_240 = arith.constant 2 : i32
      %add3A_241 = arith.addi %mul3A_208, %add3A_240 : i32
      %dma_wait3A_242 = arith.constant 0 : i32
      %dma_wait3A_243 = tpu.memref_slice %arg8[%add3A_241, %dma_wait3A_242] : memref<40x50xi32, #tpu.memory_space<vmem>> -> memref<1x50xi32, #tpu.memory_space<vmem>>
      %dma_wait3A_244 = tpu.memref_squeeze %dma_wait3A_243 : memref<1x50xi32, #tpu.memory_space<vmem>> -> memref<50xi32, #tpu.memory_space<vmem>>
      %dma_wait3A_245 = arith.constant 0 : i32
      %dma_wait3A_246 = arith.constant 0 : i32
      %dma_wait3A_247 = tpu.memref_slice %arg2[%dma_wait3A_245, %dma_wait3A_246] : memref<10000x128xf32, #tpu.memory_space<hbm>> -> memref<10000x128xf32, #tpu.memory_space<hbm>>
      tpu.wait_indirect_dma semaphore(%arg17 : memref<!tpu.dma_semaphore, #tpu.memory_space<semaphore_mem>>) src(%dma_wait3A_247 : memref<10000x128xf32, #tpu.memory_space<hbm>>) dst(%arg12 : memref<50x128xf32, #tpu.memory_space<vmem>>)
      %add3A_248 = arith.constant 2 : i32
      %add3A_249 = arith.addi %mul3A_208, %add3A_248 : i32
      %dma_start3A_250 = arith.constant 0 : i32
      %dma_start3A_251 = tpu.memref_slice %arg9[%add3A_249, %dma_start3A_250] : memref<40x50xi32, #tpu.memory_space<vmem>> -> memref<1x50xi32, #tpu.memory_space<vmem>>
      %dma_start3A_252 = tpu.memref_squeeze %dma_start3A_251 : memref<1x50xi32, #tpu.memory_space<vmem>> -> memref<50xi32, #tpu.memory_space<vmem>>
      %dma_start3A_253 = arith.constant 0 : i32
      %dma_start3A_254 = arith.constant 0 : i32
      %dma_start3A_255 = tpu.memref_slice %arg14[%dma_start3A_253, %dma_start3A_254] : memref<10000x128xf32, #tpu.memory_space<vmem_shared>> -> memref<10000x128xf32, #tpu.memory_space<vmem_shared>>
      tpu.enqueue_indirect_dma source(%arg12 : memref<50x128xf32, #tpu.memory_space<vmem>>) target(%dma_start3A_255 : memref<10000x128xf32, #tpu.memory_space<vmem_shared>>) offsets(%dma_start3A_252 : memref<50xi32, #tpu.memory_space<vmem>>) semaphore(%arg21 : memref<!tpu.dma_semaphore, #tpu.memory_space<semaphore_mem>>) {add = true}
      %add3A_256 = arith.constant 3 : i32
      %add3A_257 = arith.addi %mul3A_208, %add3A_256 : i32
      %dma_wait3A_258 = arith.constant 0 : i32
      %dma_wait3A_259 = tpu.memref_slice %arg8[%add3A_257, %dma_wait3A_258] : memref<40x50xi32, #tpu.memory_space<vmem>> -> memref<1x50xi32, #tpu.memory_space<vmem>>
      %dma_wait3A_260 = tpu.memref_squeeze %dma_wait3A_259 : memref<1x50xi32, #tpu.memory_space<vmem>> -> memref<50xi32, #tpu.memory_space<vmem>>
      %dma_wait3A_261 = arith.constant 0 : i32
      %dma_wait3A_262 = arith.constant 0 : i32
      %dma_wait3A_263 = tpu.memref_slice %arg2[%dma_wait3A_261, %dma_wait3A_262] : memref<10000x128xf32, #tpu.memory_space<hbm>> -> memref<10000x128xf32, #tpu.memory_space<hbm>>
      tpu.wait_indirect_dma semaphore(%arg18 : memref<!tpu.dma_semaphore, #tpu.memory_space<semaphore_mem>>) src(%dma_wait3A_263 : memref<10000x128xf32, #tpu.memory_space<hbm>>) dst(%arg13 : memref<50x128xf32, #tpu.memory_space<vmem>>)
      %add3A_264 = arith.constant 3 : i32
      %add3A_265 = arith.addi %mul3A_208, %add3A_264 : i32
      %dma_start3A_266 = arith.constant 0 : i32
      %dma_start3A_267 = tpu.memref_slice %arg9[%add3A_265, %dma_start3A_266] : memref<40x50xi32, #tpu.memory_space<vmem>> -> memref<1x50xi32, #tpu.memory_space<vmem>>
      %dma_start3A_268 = tpu.memref_squeeze %dma_start3A_267 : memref<1x50xi32, #tpu.memory_space<vmem>> -> memref<50xi32, #tpu.memory_space<vmem>>
      %dma_start3A_269 = arith.constant 0 : i32
      %dma_start3A_270 = arith.constant 0 : i32
      %dma_start3A_271 = tpu.memref_slice %arg14[%dma_start3A_269, %dma_start3A_270] : memref<10000x128xf32, #tpu.memory_space<vmem_shared>> -> memref<10000x128xf32, #tpu.memory_space<vmem_shared>>
      tpu.enqueue_indirect_dma source(%arg13 : memref<50x128xf32, #tpu.memory_space<vmem>>) target(%dma_start3A_271 : memref<10000x128xf32, #tpu.memory_space<vmem_shared>>) offsets(%dma_start3A_268 : memref<50xi32, #tpu.memory_space<vmem>>) semaphore(%arg22 : memref<!tpu.dma_semaphore, #tpu.memory_space<semaphore_mem>>) {add = true}
      %add3A_272 = arith.constant 0 : i32
      %add3A_273 = arith.addi %mul3A_208, %add3A_272 : i32
      %dma_wait3A_274 = arith.constant 0 : i32
      %dma_wait3A_275 = tpu.memref_slice %arg9[%add3A_273, %dma_wait3A_274] : memref<40x50xi32, #tpu.memory_space<vmem>> -> memref<1x50xi32, #tpu.memory_space<vmem>>
      %dma_wait3A_276 = tpu.memref_squeeze %dma_wait3A_275 : memref<1x50xi32, #tpu.memory_space<vmem>> -> memref<50xi32, #tpu.memory_space<vmem>>
      %dma_wait3A_277 = arith.constant 0 : i32
      %dma_wait3A_278 = arith.constant 0 : i32
      %dma_wait3A_279 = tpu.memref_slice %arg14[%dma_wait3A_277, %dma_wait3A_278] : memref<10000x128xf32, #tpu.memory_space<vmem_shared>> -> memref<10000x128xf32, #tpu.memory_space<vmem_shared>>
      tpu.wait_indirect_dma semaphore(%arg19 : memref<!tpu.dma_semaphore, #tpu.memory_space<semaphore_mem>>) src(%arg10 : memref<50x128xf32, #tpu.memory_space<vmem>>) dst(%dma_wait3A_279 : memref<10000x128xf32, #tpu.memory_space<vmem_shared>>)
      %lt3A = arith.constant 9 : i32
      %lt3A_280 = arith.cmpi slt, %scan3A_205, %lt3A : i32
      %convert_element_type3A_281 = arith.extui %lt3A_280 : i1 to i32
      %cond3A_282 = arith.constant 0 : i32
      %cond3A_283 = arith.cmpi ne, %convert_element_type3A_281, %cond3A_282 : i32
      scf.if %cond3A_283 {
        %add3A_324 = arith.constant 4 : i32
        %add3A_325 = arith.addi %mul3A_208, %add3A_324 : i32
        %add3A_326 = arith.constant 0 : i32
        %add3A_327 = arith.addi %add3A_325, %add3A_326 : i32
        %dma_start3A_328 = arith.constant 0 : i32
        %dma_start3A_329 = tpu.memref_slice %arg8[%add3A_327, %dma_start3A_328] : memref<40x50xi32, #tpu.memory_space<vmem>> -> memref<1x50xi32, #tpu.memory_space<vmem>>
        %dma_start3A_330 = tpu.memref_squeeze %dma_start3A_329 : memref<1x50xi32, #tpu.memory_space<vmem>> -> memref<50xi32, #tpu.memory_space<vmem>>
        %dma_start3A_331 = arith.constant 0 : i32
        %dma_start3A_332 = arith.constant 0 : i32
        %dma_start3A_333 = tpu.memref_slice %arg2[%dma_start3A_331, %dma_start3A_332] : memref<10000x128xf32, #tpu.memory_space<hbm>> -> memref<10000x128xf32, #tpu.memory_space<hbm>>
        tpu.enqueue_indirect_dma source(%dma_start3A_333 : memref<10000x128xf32, #tpu.memory_space<hbm>>) target(%arg10 : memref<50x128xf32, #tpu.memory_space<vmem>>) offsets(%dma_start3A_330 : memref<50xi32, #tpu.memory_space<vmem>>) semaphore(%arg15 : memref<!tpu.dma_semaphore, #tpu.memory_space<semaphore_mem>>)
      } else {
      }
      %add3A_284 = arith.constant 1 : i32
      %add3A_285 = arith.addi %mul3A_208, %add3A_284 : i32
      %dma_wait3A_286 = arith.constant 0 : i32
      %dma_wait3A_287 = tpu.memref_slice %arg9[%add3A_285, %dma_wait3A_286] : memref<40x50xi32, #tpu.memory_space<vmem>> -> memref<1x50xi32, #tpu.memory_space<vmem>>
      %dma_wait3A_288 = tpu.memref_squeeze %dma_wait3A_287 : memref<1x50xi32, #tpu.memory_space<vmem>> -> memref<50xi32, #tpu.memory_space<vmem>>
      %dma_wait3A_289 = arith.constant 0 : i32
      %dma_wait3A_290 = arith.constant 0 : i32
      %dma_wait3A_291 = tpu.memref_slice %arg14[%dma_wait3A_289, %dma_wait3A_290] : memref<10000x128xf32, #tpu.memory_space<vmem_shared>> -> memref<10000x128xf32, #tpu.memory_space<vmem_shared>>
      tpu.wait_indirect_dma semaphore(%arg20 : memref<!tpu.dma_semaphore, #tpu.memory_space<semaphore_mem>>) src(%arg11 : memref<50x128xf32, #tpu.memory_space<vmem>>) dst(%dma_wait3A_291 : memref<10000x128xf32, #tpu.memory_space<vmem_shared>>)
      %lt3A_292 = arith.constant 9 : i32
      %lt3A_293 = arith.cmpi slt, %scan3A_205, %lt3A_292 : i32
      %convert_element_type3A_294 = arith.extui %lt3A_293 : i1 to i32
      %cond3A_295 = arith.constant 0 : i32
      %cond3A_296 = arith.cmpi ne, %convert_element_type3A_294, %cond3A_295 : i32
      scf.if %cond3A_296 {
        %add3A_324 = arith.constant 4 : i32
        %add3A_325 = arith.addi %mul3A_208, %add3A_324 : i32
        %add3A_326 = arith.constant 1 : i32
        %add3A_327 = arith.addi %add3A_325, %add3A_326 : i32
        %dma_start3A_328 = arith.constant 0 : i32
        %dma_start3A_329 = tpu.memref_slice %arg8[%add3A_327, %dma_start3A_328] : memref<40x50xi32, #tpu.memory_space<vmem>> -> memref<1x50xi32, #tpu.memory_space<vmem>>
        %dma_start3A_330 = tpu.memref_squeeze %dma_start3A_329 : memref<1x50xi32, #tpu.memory_space<vmem>> -> memref<50xi32, #tpu.memory_space<vmem>>
        %dma_start3A_331 = arith.constant 0 : i32
        %dma_start3A_332 = arith.constant 0 : i32
        %dma_start3A_333 = tpu.memref_slice %arg2[%dma_start3A_331, %dma_start3A_332] : memref<10000x128xf32, #tpu.memory_space<hbm>> -> memref<10000x128xf32, #tpu.memory_space<hbm>>
        tpu.enqueue_indirect_dma source(%dma_start3A_333 : memref<10000x128xf32, #tpu.memory_space<hbm>>) target(%arg11 : memref<50x128xf32, #tpu.memory_space<vmem>>) offsets(%dma_start3A_330 : memref<50xi32, #tpu.memory_space<vmem>>) semaphore(%arg16 : memref<!tpu.dma_semaphore, #tpu.memory_space<semaphore_mem>>)
      } else {
      }
      %add3A_297 = arith.constant 2 : i32
      %add3A_298 = arith.addi %mul3A_208, %add3A_297 : i32
      %dma_wait3A_299 = arith.constant 0 : i32
      %dma_wait3A_300 = tpu.memref_slice %arg9[%add3A_298, %dma_wait3A_299] : memref<40x50xi32, #tpu.memory_space<vmem>> -> memref<1x50xi32, #tpu.memory_space<vmem>>
      %dma_wait3A_301 = tpu.memref_squeeze %dma_wait3A_300 : memref<1x50xi32, #tpu.memory_space<vmem>> -> memref<50xi32, #tpu.memory_space<vmem>>
      %dma_wait3A_302 = arith.constant 0 : i32
      %dma_wait3A_303 = arith.constant 0 : i32
      %dma_wait3A_304 = tpu.memref_slice %arg14[%dma_wait3A_302, %dma_wait3A_303] : memref<10000x128xf32, #tpu.memory_space<vmem_shared>> -> memref<10000x128xf32, #tpu.memory_space<vmem_shared>>
      tpu.wait_indirect_dma semaphore(%arg21 : memref<!tpu.dma_semaphore, #tpu.memory_space<semaphore_mem>>) src(%arg12 : memref<50x128xf32, #tpu.memory_space<vmem>>) dst(%dma_wait3A_304 : memref<10000x128xf32, #tpu.memory_space<vmem_shared>>)
      %lt3A_305 = arith.constant 9 : i32
      %lt3A_306 = arith.cmpi slt, %scan3A_205, %lt3A_305 : i32
      %convert_element_type3A_307 = arith.extui %lt3A_306 : i1 to i32
      %cond3A_308 = arith.constant 0 : i32
      %cond3A_309 = arith.cmpi ne, %convert_element_type3A_307, %cond3A_308 : i32
      scf.if %cond3A_309 {
        %add3A_324 = arith.constant 4 : i32
        %add3A_325 = arith.addi %mul3A_208, %add3A_324 : i32
        %add3A_326 = arith.constant 2 : i32
        %add3A_327 = arith.addi %add3A_325, %add3A_326 : i32
        %dma_start3A_328 = arith.constant 0 : i32
        %dma_start3A_329 = tpu.memref_slice %arg8[%add3A_327, %dma_start3A_328] : memref<40x50xi32, #tpu.memory_space<vmem>> -> memref<1x50xi32, #tpu.memory_space<vmem>>
        %dma_start3A_330 = tpu.memref_squeeze %dma_start3A_329 : memref<1x50xi32, #tpu.memory_space<vmem>> -> memref<50xi32, #tpu.memory_space<vmem>>
        %dma_start3A_331 = arith.constant 0 : i32
        %dma_start3A_332 = arith.constant 0 : i32
        %dma_start3A_333 = tpu.memref_slice %arg2[%dma_start3A_331, %dma_start3A_332] : memref<10000x128xf32, #tpu.memory_space<hbm>> -> memref<10000x128xf32, #tpu.memory_space<hbm>>
        tpu.enqueue_indirect_dma source(%dma_start3A_333 : memref<10000x128xf32, #tpu.memory_space<hbm>>) target(%arg12 : memref<50x128xf32, #tpu.memory_space<vmem>>) offsets(%dma_start3A_330 : memref<50xi32, #tpu.memory_space<vmem>>) semaphore(%arg17 : memref<!tpu.dma_semaphore, #tpu.memory_space<semaphore_mem>>)
      } else {
      }
      %add3A_310 = arith.constant 3 : i32
      %add3A_311 = arith.addi %mul3A_208, %add3A_310 : i32
      %dma_wait3A_312 = arith.constant 0 : i32
      %dma_wait3A_313 = tpu.memref_slice %arg9[%add3A_311, %dma_wait3A_312] : memref<40x50xi32, #tpu.memory_space<vmem>> -> memref<1x50xi32, #tpu.memory_space<vmem>>
      %dma_wait3A_314 = tpu.memref_squeeze %dma_wait3A_313 : memref<1x50xi32, #tpu.memory_space<vmem>> -> memref<50xi32, #tpu.memory_space<vmem>>
      %dma_wait3A_315 = arith.constant 0 : i32
      %dma_wait3A_316 = arith.constant 0 : i32
      %dma_wait3A_317 = tpu.memref_slice %arg14[%dma_wait3A_315, %dma_wait3A_316] : memref<10000x128xf32, #tpu.memory_space<vmem_shared>> -> memref<10000x128xf32, #tpu.memory_space<vmem_shared>>
      tpu.wait_indirect_dma semaphore(%arg22 : memref<!tpu.dma_semaphore, #tpu.memory_space<semaphore_mem>>) src(%arg13 : memref<50x128xf32, #tpu.memory_space<vmem>>) dst(%dma_wait3A_317 : memref<10000x128xf32, #tpu.memory_space<vmem_shared>>)
      %lt3A_318 = arith.constant 9 : i32
      %lt3A_319 = arith.cmpi slt, %scan3A_205, %lt3A_318 : i32
      %convert_element_type3A_320 = arith.extui %lt3A_319 : i1 to i32
      %cond3A_321 = arith.constant 0 : i32
      %cond3A_322 = arith.cmpi ne, %convert_element_type3A_320, %cond3A_321 : i32
      scf.if %cond3A_322 {
        %add3A_324 = arith.constant 4 : i32
        %add3A_325 = arith.addi %mul3A_208, %add3A_324 : i32
        %add3A_326 = arith.constant 3 : i32
        %add3A_327 = arith.addi %add3A_325, %add3A_326 : i32
        %dma_start3A_328 = arith.constant 0 : i32
        %dma_start3A_329 = tpu.memref_slice %arg8[%add3A_327, %dma_start3A_328] : memref<40x50xi32, #tpu.memory_space<vmem>> -> memref<1x50xi32, #tpu.memory_space<vmem>>
        %dma_start3A_330 = tpu.memref_squeeze %dma_start3A_329 : memref<1x50xi32, #tpu.memory_space<vmem>> -> memref<50xi32, #tpu.memory_space<vmem>>
        %dma_start3A_331 = arith.constant 0 : i32
        %dma_start3A_332 = arith.constant 0 : i32
        %dma_start3A_333 = tpu.memref_slice %arg2[%dma_start3A_331, %dma_start3A_332] : memref<10000x128xf32, #tpu.memory_space<hbm>> -> memref<10000x128xf32, #tpu.memory_space<hbm>>
        tpu.enqueue_indirect_dma source(%dma_start3A_333 : memref<10000x128xf32, #tpu.memory_space<hbm>>) target(%arg13 : memref<50x128xf32, #tpu.memory_space<vmem>>) offsets(%dma_start3A_330 : memref<50xi32, #tpu.memory_space<vmem>>) semaphore(%arg18 : memref<!tpu.dma_semaphore, #tpu.memory_space<semaphore_mem>>)
      } else {
      }
      %scan3A_323 = arith.constant 0 : i32
      scf.yield %scan3A_323 : i32
    }
    %scan3A_162 = arith.constant 10 : i32
    %add3A_163 = arith.constant 160 : i32
    %add3A_164 = arith.addi %mul3A_2, %add3A_163 : i32
    "tpu.region"() ({
      %run_scoped3A = tpu.sem_alloc : memref<!tpu.dma_semaphore, #tpu.memory_space<semaphore_mem>>
      %dma_start3A_205 = arith.constant 0 : i32
      %dma_start3A_206 = tpu.memref_slice %arg4[%add3A_164, %dma_start3A_205] : memref<6400x50xi32, #tpu.memory_space<hbm>> -> memref<40x50xi32, #tpu.memory_space<hbm>>
      %dma_start3A_207 = arith.constant 0 : i32
      %dma_start3A_208 = tpu.memref_slice %arg4[%add3A_164, %dma_start3A_207] : memref<6400x50xi32, #tpu.memory_space<hbm>> -> memref<40x50xi32, #tpu.memory_space<hbm>>
      tpu.enqueue_dma source(%dma_start3A_208 : memref<40x50xi32, #tpu.memory_space<hbm>>) target(%arg8 : memref<40x50xi32, #tpu.memory_space<vmem>>) target_semaphore(%run_scoped3A : memref<!tpu.dma_semaphore, #tpu.memory_space<semaphore_mem>>)
      %dma_wait3A = arith.constant 0 : i32
      %dma_wait3A_209 = tpu.memref_slice %arg4[%add3A_164, %dma_wait3A] : memref<6400x50xi32, #tpu.memory_space<hbm>> -> memref<40x50xi32, #tpu.memory_space<hbm>>
      %dma_wait3A_210 = arith.constant 0 : i32
      %dma_wait3A_211 = tpu.memref_slice %arg4[%add3A_164, %dma_wait3A_210] : memref<6400x50xi32, #tpu.memory_space<hbm>> -> memref<40x50xi32, #tpu.memory_space<hbm>>
      tpu.wait_dma2 semaphore(%run_scoped3A : memref<!tpu.dma_semaphore, #tpu.memory_space<semaphore_mem>>) src(%dma_wait3A_211 : memref<40x50xi32, #tpu.memory_space<hbm>>) dst(%arg8 : memref<40x50xi32, #tpu.memory_space<vmem>>)
      tpu.yield
    }) : () -> ()
    %add3A_165 = arith.constant 160 : i32
    %add3A_166 = arith.addi %mul3A_2, %add3A_165 : i32
    "tpu.region"() ({
      %run_scoped3A = tpu.sem_alloc : memref<!tpu.dma_semaphore, #tpu.memory_space<semaphore_mem>>
      %dma_start3A_205 = arith.constant 0 : i32
      %dma_start3A_206 = tpu.memref_slice %arg5[%add3A_166, %dma_start3A_205] : memref<6400x50xi32, #tpu.memory_space<hbm>> -> memref<40x50xi32, #tpu.memory_space<hbm>>
      %dma_start3A_207 = arith.constant 0 : i32
      %dma_start3A_208 = tpu.memref_slice %arg5[%add3A_166, %dma_start3A_207] : memref<6400x50xi32, #tpu.memory_space<hbm>> -> memref<40x50xi32, #tpu.memory_space<hbm>>
      tpu.enqueue_dma source(%dma_start3A_208 : memref<40x50xi32, #tpu.memory_space<hbm>>) target(%arg9 : memref<40x50xi32, #tpu.memory_space<vmem>>) target_semaphore(%run_scoped3A : memref<!tpu.dma_semaphore, #tpu.memory_space<semaphore_mem>>)
      %dma_wait3A = arith.constant 0 : i32
      %dma_wait3A_209 = tpu.memref_slice %arg5[%add3A_166, %dma_wait3A] : memref<6400x50xi32, #tpu.memory_space<hbm>> -> memref<40x50xi32, #tpu.memory_space<hbm>>
      %dma_wait3A_210 = arith.constant 0 : i32
      %dma_wait3A_211 = tpu.memref_slice %arg5[%add3A_166, %dma_wait3A_210] : memref<6400x50xi32, #tpu.memory_space<hbm>> -> memref<40x50xi32, #tpu.memory_space<hbm>>
      tpu.wait_dma2 semaphore(%run_scoped3A : memref<!tpu.dma_semaphore, #tpu.memory_space<semaphore_mem>>) src(%dma_wait3A_211 : memref<40x50xi32, #tpu.memory_space<hbm>>) dst(%arg9 : memref<40x50xi32, #tpu.memory_space<vmem>>)
      tpu.yield
    }) : () -> ()
    %dma_start3A_167 = arith.constant 0 : i32
    %dma_start3A_168 = arith.constant 0 : i32
    %dma_start3A_169 = tpu.memref_slice %arg8[%dma_start3A_167, %dma_start3A_168] : memref<40x50xi32, #tpu.memory_space<vmem>> -> memref<1x50xi32, #tpu.memory_space<vmem>>
    %dma_start3A_170 = tpu.memref_squeeze %dma_start3A_169 : memref<1x50xi32, #tpu.memory_space<vmem>> -> memref<50xi32, #tpu.memory_space<vmem>>
    %dma_start3A_171 = arith.constant 0 : i32
    %dma_start3A_172 = arith.constant 0 : i32
    %dma_start3A_173 = tpu.memref_slice %arg2[%dma_start3A_171, %dma_start3A_172] : memref<10000x128xf32, #tpu.memory_space<hbm>> -> memref<10000x128xf32, #tpu.memory_space<hbm>>
    tpu.enqueue_indirect_dma source(%dma_start3A_173 : memref<10000x128xf32, #tpu.memory_space<hbm>>) target(%arg10 : memref<50x128xf32, #tpu.memory_space<vmem>>) offsets(%dma_start3A_170 : memref<50xi32, #tpu.memory_space<vmem>>) semaphore(%arg15 : memref<!tpu.dma_semaphore, #tpu.memory_space<semaphore_mem>>)
    %dma_start3A_174 = arith.constant 1 : i32
    %dma_start3A_175 = arith.constant 0 : i32
    %dma_start3A_176 = tpu.memref_slice %arg8[%dma_start3A_174, %dma_start3A_175] : memref<40x50xi32, #tpu.memory_space<vmem>> -> memref<1x50xi32, #tpu.memory_space<vmem>>
    %dma_start3A_177 = tpu.memref_squeeze %dma_start3A_176 : memref<1x50xi32, #tpu.memory_space<vmem>> -> memref<50xi32, #tpu.memory_space<vmem>>
    %dma_start3A_178 = arith.constant 0 : i32
    %dma_start3A_179 = arith.constant 0 : i32
    %dma_start3A_180 = tpu.memref_slice %arg2[%dma_start3A_178, %dma_start3A_179] : memref<10000x128xf32, #tpu.memory_space<hbm>> -> memref<10000x128xf32, #tpu.memory_space<hbm>>
    tpu.enqueue_indirect_dma source(%dma_start3A_180 : memref<10000x128xf32, #tpu.memory_space<hbm>>) target(%arg11 : memref<50x128xf32, #tpu.memory_space<vmem>>) offsets(%dma_start3A_177 : memref<50xi32, #tpu.memory_space<vmem>>) semaphore(%arg16 : memref<!tpu.dma_semaphore, #tpu.memory_space<semaphore_mem>>)
    %dma_start3A_181 = arith.constant 2 : i32
    %dma_start3A_182 = arith.constant 0 : i32
    %dma_start3A_183 = tpu.memref_slice %arg8[%dma_start3A_181, %dma_start3A_182] : memref<40x50xi32, #tpu.memory_space<vmem>> -> memref<1x50xi32, #tpu.memory_space<vmem>>
    %dma_start3A_184 = tpu.memref_squeeze %dma_start3A_183 : memref<1x50xi32, #tpu.memory_space<vmem>> -> memref<50xi32, #tpu.memory_space<vmem>>
    %dma_start3A_185 = arith.constant 0 : i32
    %dma_start3A_186 = arith.constant 0 : i32
    %dma_start3A_187 = tpu.memref_slice %arg2[%dma_start3A_185, %dma_start3A_186] : memref<10000x128xf32, #tpu.memory_space<hbm>> -> memref<10000x128xf32, #tpu.memory_space<hbm>>
    tpu.enqueue_indirect_dma source(%dma_start3A_187 : memref<10000x128xf32, #tpu.memory_space<hbm>>) target(%arg12 : memref<50x128xf32, #tpu.memory_space<vmem>>) offsets(%dma_start3A_184 : memref<50xi32, #tpu.memory_space<vmem>>) semaphore(%arg17 : memref<!tpu.dma_semaphore, #tpu.memory_space<semaphore_mem>>)
    %dma_start3A_188 = arith.constant 3 : i32
    %dma_start3A_189 = arith.constant 0 : i32
    %dma_start3A_190 = tpu.memref_slice %arg8[%dma_start3A_188, %dma_start3A_189] : memref<40x50xi32, #tpu.memory_space<vmem>> -> memref<1x50xi32, #tpu.memory_space<vmem>>
    %dma_start3A_191 = tpu.memref_squeeze %dma_start3A_190 : memref<1x50xi32, #tpu.memory_space<vmem>> -> memref<50xi32, #tpu.memory_space<vmem>>
    %dma_start3A_192 = arith.constant 0 : i32
    %dma_start3A_193 = arith.constant 0 : i32
    %dma_start3A_194 = tpu.memref_slice %arg2[%dma_start3A_192, %dma_start3A_193] : memref<10000x128xf32, #tpu.memory_space<hbm>> -> memref<10000x128xf32, #tpu.memory_space<hbm>>
    tpu.enqueue_indirect_dma source(%dma_start3A_194 : memref<10000x128xf32, #tpu.memory_space<hbm>>) target(%arg13 : memref<50x128xf32, #tpu.memory_space<vmem>>) offsets(%dma_start3A_191 : memref<50xi32, #tpu.memory_space<vmem>>) semaphore(%arg18 : memref<!tpu.dma_semaphore, #tpu.memory_space<semaphore_mem>>)
    %scan3A_195 = arith.constant 0 : i32
    %scan3A_196 = arith.constant 0 : i32
    %scan3A_197 = arith.constant 10 : i32
    %scan3A_198 = arith.addi %scan3A_196, %scan3A_197 : i32
    %scan3A_199 = arith.constant 1 : i32
    %scan3A_200 = scf.for %scan3A_205 = %scan3A_196 to %scan3A_198 step %scan3A_199 iter_args(%scan3A_206 = %scan3A_195) -> (i32)  : i32 {
      %mul3A_207 = arith.constant 4 : i32
      %mul3A_208 = arith.muli %scan3A_205, %mul3A_207 : i32
      %add3A_209 = arith.constant 0 : i32
      %add3A_210 = arith.addi %mul3A_208, %add3A_209 : i32
      %dma_wait3A = arith.constant 0 : i32
      %dma_wait3A_211 = tpu.memref_slice %arg8[%add3A_210, %dma_wait3A] : memref<40x50xi32, #tpu.memory_space<vmem>> -> memref<1x50xi32, #tpu.memory_space<vmem>>
      %dma_wait3A_212 = tpu.memref_squeeze %dma_wait3A_211 : memref<1x50xi32, #tpu.memory_space<vmem>> -> memref<50xi32, #tpu.memory_space<vmem>>
      %dma_wait3A_213 = arith.constant 0 : i32
      %dma_wait3A_214 = arith.constant 0 : i32
      %dma_wait3A_215 = tpu.memref_slice %arg2[%dma_wait3A_213, %dma_wait3A_214] : memref<10000x128xf32, #tpu.memory_space<hbm>> -> memref<10000x128xf32, #tpu.memory_space<hbm>>
      tpu.wait_indirect_dma semaphore(%arg15 : memref<!tpu.dma_semaphore, #tpu.memory_space<semaphore_mem>>) src(%dma_wait3A_215 : memref<10000x128xf32, #tpu.memory_space<hbm>>) dst(%arg10 : memref<50x128xf32, #tpu.memory_space<vmem>>)
      %add3A_216 = arith.constant 0 : i32
      %add3A_217 = arith.addi %mul3A_208, %add3A_216 : i32
      %dma_start3A_218 = arith.constant 0 : i32
      %dma_start3A_219 = tpu.memref_slice %arg9[%add3A_217, %dma_start3A_218] : memref<40x50xi32, #tpu.memory_space<vmem>> -> memref<1x50xi32, #tpu.memory_space<vmem>>
      %dma_start3A_220 = tpu.memref_squeeze %dma_start3A_219 : memref<1x50xi32, #tpu.memory_space<vmem>> -> memref<50xi32, #tpu.memory_space<vmem>>
      %dma_start3A_221 = arith.constant 0 : i32
      %dma_start3A_222 = arith.constant 0 : i32
      %dma_start3A_223 = tpu.memref_slice %arg14[%dma_start3A_221, %dma_start3A_222] : memref<10000x128xf32, #tpu.memory_space<vmem_shared>> -> memref<10000x128xf32, #tpu.memory_space<vmem_shared>>
      tpu.enqueue_indirect_dma source(%arg10 : memref<50x128xf32, #tpu.memory_space<vmem>>) target(%dma_start3A_223 : memref<10000x128xf32, #tpu.memory_space<vmem_shared>>) offsets(%dma_start3A_220 : memref<50xi32, #tpu.memory_space<vmem>>) semaphore(%arg19 : memref<!tpu.dma_semaphore, #tpu.memory_space<semaphore_mem>>) {add = true}
      %add3A_224 = arith.constant 1 : i32
      %add3A_225 = arith.addi %mul3A_208, %add3A_224 : i32
      %dma_wait3A_226 = arith.constant 0 : i32
      %dma_wait3A_227 = tpu.memref_slice %arg8[%add3A_225, %dma_wait3A_226] : memref<40x50xi32, #tpu.memory_space<vmem>> -> memref<1x50xi32, #tpu.memory_space<vmem>>
      %dma_wait3A_228 = tpu.memref_squeeze %dma_wait3A_227 : memref<1x50xi32, #tpu.memory_space<vmem>> -> memref<50xi32, #tpu.memory_space<vmem>>
      %dma_wait3A_229 = arith.constant 0 : i32
      %dma_wait3A_230 = arith.constant 0 : i32
      %dma_wait3A_231 = tpu.memref_slice %arg2[%dma_wait3A_229, %dma_wait3A_230] : memref<10000x128xf32, #tpu.memory_space<hbm>> -> memref<10000x128xf32, #tpu.memory_space<hbm>>
      tpu.wait_indirect_dma semaphore(%arg16 : memref<!tpu.dma_semaphore, #tpu.memory_space<semaphore_mem>>) src(%dma_wait3A_231 : memref<10000x128xf32, #tpu.memory_space<hbm>>) dst(%arg11 : memref<50x128xf32, #tpu.memory_space<vmem>>)
      %add3A_232 = arith.constant 1 : i32
      %add3A_233 = arith.addi %mul3A_208, %add3A_232 : i32
      %dma_start3A_234 = arith.constant 0 : i32
      %dma_start3A_235 = tpu.memref_slice %arg9[%add3A_233, %dma_start3A_234] : memref<40x50xi32, #tpu.memory_space<vmem>> -> memref<1x50xi32, #tpu.memory_space<vmem>>
      %dma_start3A_236 = tpu.memref_squeeze %dma_start3A_235 : memref<1x50xi32, #tpu.memory_space<vmem>> -> memref<50xi32, #tpu.memory_space<vmem>>
      %dma_start3A_237 = arith.constant 0 : i32
      %dma_start3A_238 = arith.constant 0 : i32
      %dma_start3A_239 = tpu.memref_slice %arg14[%dma_start3A_237, %dma_start3A_238] : memref<10000x128xf32, #tpu.memory_space<vmem_shared>> -> memref<10000x128xf32, #tpu.memory_space<vmem_shared>>
      tpu.enqueue_indirect_dma source(%arg11 : memref<50x128xf32, #tpu.memory_space<vmem>>) target(%dma_start3A_239 : memref<10000x128xf32, #tpu.memory_space<vmem_shared>>) offsets(%dma_start3A_236 : memref<50xi32, #tpu.memory_space<vmem>>) semaphore(%arg20 : memref<!tpu.dma_semaphore, #tpu.memory_space<semaphore_mem>>) {add = true}
      %add3A_240 = arith.constant 2 : i32
      %add3A_241 = arith.addi %mul3A_208, %add3A_240 : i32
      %dma_wait3A_242 = arith.constant 0 : i32
      %dma_wait3A_243 = tpu.memref_slice %arg8[%add3A_241, %dma_wait3A_242] : memref<40x50xi32, #tpu.memory_space<vmem>> -> memref<1x50xi32, #tpu.memory_space<vmem>>
      %dma_wait3A_244 = tpu.memref_squeeze %dma_wait3A_243 : memref<1x50xi32, #tpu.memory_space<vmem>> -> memref<50xi32, #tpu.memory_space<vmem>>
      %dma_wait3A_245 = arith.constant 0 : i32
      %dma_wait3A_246 = arith.constant 0 : i32
      %dma_wait3A_247 = tpu.memref_slice %arg2[%dma_wait3A_245, %dma_wait3A_246] : memref<10000x128xf32, #tpu.memory_space<hbm>> -> memref<10000x128xf32, #tpu.memory_space<hbm>>
      tpu.wait_indirect_dma semaphore(%arg17 : memref<!tpu.dma_semaphore, #tpu.memory_space<semaphore_mem>>) src(%dma_wait3A_247 : memref<10000x128xf32, #tpu.memory_space<hbm>>) dst(%arg12 : memref<50x128xf32, #tpu.memory_space<vmem>>)
      %add3A_248 = arith.constant 2 : i32
      %add3A_249 = arith.addi %mul3A_208, %add3A_248 : i32
      %dma_start3A_250 = arith.constant 0 : i32
      %dma_start3A_251 = tpu.memref_slice %arg9[%add3A_249, %dma_start3A_250] : memref<40x50xi32, #tpu.memory_space<vmem>> -> memref<1x50xi32, #tpu.memory_space<vmem>>
      %dma_start3A_252 = tpu.memref_squeeze %dma_start3A_251 : memref<1x50xi32, #tpu.memory_space<vmem>> -> memref<50xi32, #tpu.memory_space<vmem>>
      %dma_start3A_253 = arith.constant 0 : i32
      %dma_start3A_254 = arith.constant 0 : i32
      %dma_start3A_255 = tpu.memref_slice %arg14[%dma_start3A_253, %dma_start3A_254] : memref<10000x128xf32, #tpu.memory_space<vmem_shared>> -> memref<10000x128xf32, #tpu.memory_space<vmem_shared>>
      tpu.enqueue_indirect_dma source(%arg12 : memref<50x128xf32, #tpu.memory_space<vmem>>) target(%dma_start3A_255 : memref<10000x128xf32, #tpu.memory_space<vmem_shared>>) offsets(%dma_start3A_252 : memref<50xi32, #tpu.memory_space<vmem>>) semaphore(%arg21 : memref<!tpu.dma_semaphore, #tpu.memory_space<semaphore_mem>>) {add = true}
      %add3A_256 = arith.constant 3 : i32
      %add3A_257 = arith.addi %mul3A_208, %add3A_256 : i32
      %dma_wait3A_258 = arith.constant 0 : i32
      %dma_wait3A_259 = tpu.memref_slice %arg8[%add3A_257, %dma_wait3A_258] : memref<40x50xi32, #tpu.memory_space<vmem>> -> memref<1x50xi32, #tpu.memory_space<vmem>>
      %dma_wait3A_260 = tpu.memref_squeeze %dma_wait3A_259 : memref<1x50xi32, #tpu.memory_space<vmem>> -> memref<50xi32, #tpu.memory_space<vmem>>
      %dma_wait3A_261 = arith.constant 0 : i32
      %dma_wait3A_262 = arith.constant 0 : i32
      %dma_wait3A_263 = tpu.memref_slice %arg2[%dma_wait3A_261, %dma_wait3A_262] : memref<10000x128xf32, #tpu.memory_space<hbm>> -> memref<10000x128xf32, #tpu.memory_space<hbm>>
      tpu.wait_indirect_dma semaphore(%arg18 : memref<!tpu.dma_semaphore, #tpu.memory_space<semaphore_mem>>) src(%dma_wait3A_263 : memref<10000x128xf32, #tpu.memory_space<hbm>>) dst(%arg13 : memref<50x128xf32, #tpu.memory_space<vmem>>)
      %add3A_264 = arith.constant 3 : i32
      %add3A_265 = arith.addi %mul3A_208, %add3A_264 : i32
      %dma_start3A_266 = arith.constant 0 : i32
      %dma_start3A_267 = tpu.memref_slice %arg9[%add3A_265, %dma_start3A_266] : memref<40x50xi32, #tpu.memory_space<vmem>> -> memref<1x50xi32, #tpu.memory_space<vmem>>
      %dma_start3A_268 = tpu.memref_squeeze %dma_start3A_267 : memref<1x50xi32, #tpu.memory_space<vmem>> -> memref<50xi32, #tpu.memory_space<vmem>>
      %dma_start3A_269 = arith.constant 0 : i32
      %dma_start3A_270 = arith.constant 0 : i32
      %dma_start3A_271 = tpu.memref_slice %arg14[%dma_start3A_269, %dma_start3A_270] : memref<10000x128xf32, #tpu.memory_space<vmem_shared>> -> memref<10000x128xf32, #tpu.memory_space<vmem_shared>>
      tpu.enqueue_indirect_dma source(%arg13 : memref<50x128xf32, #tpu.memory_space<vmem>>) target(%dma_start3A_271 : memref<10000x128xf32, #tpu.memory_space<vmem_shared>>) offsets(%dma_start3A_268 : memref<50xi32, #tpu.memory_space<vmem>>) semaphore(%arg22 : memref<!tpu.dma_semaphore, #tpu.memory_space<semaphore_mem>>) {add = true}
      %add3A_272 = arith.constant 0 : i32
      %add3A_273 = arith.addi %mul3A_208, %add3A_272 : i32
      %dma_wait3A_274 = arith.constant 0 : i32
      %dma_wait3A_275 = tpu.memref_slice %arg9[%add3A_273, %dma_wait3A_274] : memref<40x50xi32, #tpu.memory_space<vmem>> -> memref<1x50xi32, #tpu.memory_space<vmem>>
      %dma_wait3A_276 = tpu.memref_squeeze %dma_wait3A_275 : memref<1x50xi32, #tpu.memory_space<vmem>> -> memref<50xi32, #tpu.memory_space<vmem>>
      %dma_wait3A_277 = arith.constant 0 : i32
      %dma_wait3A_278 = arith.constant 0 : i32
      %dma_wait3A_279 = tpu.memref_slice %arg14[%dma_wait3A_277, %dma_wait3A_278] : memref<10000x128xf32, #tpu.memory_space<vmem_shared>> -> memref<10000x128xf32, #tpu.memory_space<vmem_shared>>
      tpu.wait_indirect_dma semaphore(%arg19 : memref<!tpu.dma_semaphore, #tpu.memory_space<semaphore_mem>>) src(%arg10 : memref<50x128xf32, #tpu.memory_space<vmem>>) dst(%dma_wait3A_279 : memref<10000x128xf32, #tpu.memory_space<vmem_shared>>)
      %lt3A = arith.constant 9 : i32
      %lt3A_280 = arith.cmpi slt, %scan3A_205, %lt3A : i32
      %convert_element_type3A_281 = arith.extui %lt3A_280 : i1 to i32
      %cond3A_282 = arith.constant 0 : i32
      %cond3A_283 = arith.cmpi ne, %convert_element_type3A_281, %cond3A_282 : i32
      scf.if %cond3A_283 {
        %add3A_324 = arith.constant 4 : i32
        %add3A_325 = arith.addi %mul3A_208, %add3A_324 : i32
        %add3A_326 = arith.constant 0 : i32
        %add3A_327 = arith.addi %add3A_325, %add3A_326 : i32
        %dma_start3A_328 = arith.constant 0 : i32
        %dma_start3A_329 = tpu.memref_slice %arg8[%add3A_327, %dma_start3A_328] : memref<40x50xi32, #tpu.memory_space<vmem>> -> memref<1x50xi32, #tpu.memory_space<vmem>>
        %dma_start3A_330 = tpu.memref_squeeze %dma_start3A_329 : memref<1x50xi32, #tpu.memory_space<vmem>> -> memref<50xi32, #tpu.memory_space<vmem>>
        %dma_start3A_331 = arith.constant 0 : i32
        %dma_start3A_332 = arith.constant 0 : i32
        %dma_start3A_333 = tpu.memref_slice %arg2[%dma_start3A_331, %dma_start3A_332] : memref<10000x128xf32, #tpu.memory_space<hbm>> -> memref<10000x128xf32, #tpu.memory_space<hbm>>
        tpu.enqueue_indirect_dma source(%dma_start3A_333 : memref<10000x128xf32, #tpu.memory_space<hbm>>) target(%arg10 : memref<50x128xf32, #tpu.memory_space<vmem>>) offsets(%dma_start3A_330 : memref<50xi32, #tpu.memory_space<vmem>>) semaphore(%arg15 : memref<!tpu.dma_semaphore, #tpu.memory_space<semaphore_mem>>)
      } else {
      }
      %add3A_284 = arith.constant 1 : i32
      %add3A_285 = arith.addi %mul3A_208, %add3A_284 : i32
      %dma_wait3A_286 = arith.constant 0 : i32
      %dma_wait3A_287 = tpu.memref_slice %arg9[%add3A_285, %dma_wait3A_286] : memref<40x50xi32, #tpu.memory_space<vmem>> -> memref<1x50xi32, #tpu.memory_space<vmem>>
      %dma_wait3A_288 = tpu.memref_squeeze %dma_wait3A_287 : memref<1x50xi32, #tpu.memory_space<vmem>> -> memref<50xi32, #tpu.memory_space<vmem>>
      %dma_wait3A_289 = arith.constant 0 : i32
      %dma_wait3A_290 = arith.constant 0 : i32
      %dma_wait3A_291 = tpu.memref_slice %arg14[%dma_wait3A_289, %dma_wait3A_290] : memref<10000x128xf32, #tpu.memory_space<vmem_shared>> -> memref<10000x128xf32, #tpu.memory_space<vmem_shared>>
      tpu.wait_indirect_dma semaphore(%arg20 : memref<!tpu.dma_semaphore, #tpu.memory_space<semaphore_mem>>) src(%arg11 : memref<50x128xf32, #tpu.memory_space<vmem>>) dst(%dma_wait3A_291 : memref<10000x128xf32, #tpu.memory_space<vmem_shared>>)
      %lt3A_292 = arith.constant 9 : i32
      %lt3A_293 = arith.cmpi slt, %scan3A_205, %lt3A_292 : i32
      %convert_element_type3A_294 = arith.extui %lt3A_293 : i1 to i32
      %cond3A_295 = arith.constant 0 : i32
      %cond3A_296 = arith.cmpi ne, %convert_element_type3A_294, %cond3A_295 : i32
      scf.if %cond3A_296 {
        %add3A_324 = arith.constant 4 : i32
        %add3A_325 = arith.addi %mul3A_208, %add3A_324 : i32
        %add3A_326 = arith.constant 1 : i32
        %add3A_327 = arith.addi %add3A_325, %add3A_326 : i32
        %dma_start3A_328 = arith.constant 0 : i32
        %dma_start3A_329 = tpu.memref_slice %arg8[%add3A_327, %dma_start3A_328] : memref<40x50xi32, #tpu.memory_space<vmem>> -> memref<1x50xi32, #tpu.memory_space<vmem>>
        %dma_start3A_330 = tpu.memref_squeeze %dma_start3A_329 : memref<1x50xi32, #tpu.memory_space<vmem>> -> memref<50xi32, #tpu.memory_space<vmem>>
        %dma_start3A_331 = arith.constant 0 : i32
        %dma_start3A_332 = arith.constant 0 : i32
        %dma_start3A_333 = tpu.memref_slice %arg2[%dma_start3A_331, %dma_start3A_332] : memref<10000x128xf32, #tpu.memory_space<hbm>> -> memref<10000x128xf32, #tpu.memory_space<hbm>>
        tpu.enqueue_indirect_dma source(%dma_start3A_333 : memref<10000x128xf32, #tpu.memory_space<hbm>>) target(%arg11 : memref<50x128xf32, #tpu.memory_space<vmem>>) offsets(%dma_start3A_330 : memref<50xi32, #tpu.memory_space<vmem>>) semaphore(%arg16 : memref<!tpu.dma_semaphore, #tpu.memory_space<semaphore_mem>>)
      } else {
      }
      %add3A_297 = arith.constant 2 : i32
      %add3A_298 = arith.addi %mul3A_208, %add3A_297 : i32
      %dma_wait3A_299 = arith.constant 0 : i32
      %dma_wait3A_300 = tpu.memref_slice %arg9[%add3A_298, %dma_wait3A_299] : memref<40x50xi32, #tpu.memory_space<vmem>> -> memref<1x50xi32, #tpu.memory_space<vmem>>
      %dma_wait3A_301 = tpu.memref_squeeze %dma_wait3A_300 : memref<1x50xi32, #tpu.memory_space<vmem>> -> memref<50xi32, #tpu.memory_space<vmem>>
      %dma_wait3A_302 = arith.constant 0 : i32
      %dma_wait3A_303 = arith.constant 0 : i32
      %dma_wait3A_304 = tpu.memref_slice %arg14[%dma_wait3A_302, %dma_wait3A_303] : memref<10000x128xf32, #tpu.memory_space<vmem_shared>> -> memref<10000x128xf32, #tpu.memory_space<vmem_shared>>
      tpu.wait_indirect_dma semaphore(%arg21 : memref<!tpu.dma_semaphore, #tpu.memory_space<semaphore_mem>>) src(%arg12 : memref<50x128xf32, #tpu.memory_space<vmem>>) dst(%dma_wait3A_304 : memref<10000x128xf32, #tpu.memory_space<vmem_shared>>)
      %lt3A_305 = arith.constant 9 : i32
      %lt3A_306 = arith.cmpi slt, %scan3A_205, %lt3A_305 : i32
      %convert_element_type3A_307 = arith.extui %lt3A_306 : i1 to i32
      %cond3A_308 = arith.constant 0 : i32
      %cond3A_309 = arith.cmpi ne, %convert_element_type3A_307, %cond3A_308 : i32
      scf.if %cond3A_309 {
        %add3A_324 = arith.constant 4 : i32
        %add3A_325 = arith.addi %mul3A_208, %add3A_324 : i32
        %add3A_326 = arith.constant 2 : i32
        %add3A_327 = arith.addi %add3A_325, %add3A_326 : i32
        %dma_start3A_328 = arith.constant 0 : i32
        %dma_start3A_329 = tpu.memref_slice %arg8[%add3A_327, %dma_start3A_328] : memref<40x50xi32, #tpu.memory_space<vmem>> -> memref<1x50xi32, #tpu.memory_space<vmem>>
        %dma_start3A_330 = tpu.memref_squeeze %dma_start3A_329 : memref<1x50xi32, #tpu.memory_space<vmem>> -> memref<50xi32, #tpu.memory_space<vmem>>
        %dma_start3A_331 = arith.constant 0 : i32
        %dma_start3A_332 = arith.constant 0 : i32
        %dma_start3A_333 = tpu.memref_slice %arg2[%dma_start3A_331, %dma_start3A_332] : memref<10000x128xf32, #tpu.memory_space<hbm>> -> memref<10000x128xf32, #tpu.memory_space<hbm>>
        tpu.enqueue_indirect_dma source(%dma_start3A_333 : memref<10000x128xf32, #tpu.memory_space<hbm>>) target(%arg12 : memref<50x128xf32, #tpu.memory_space<vmem>>) offsets(%dma_start3A_330 : memref<50xi32, #tpu.memory_space<vmem>>) semaphore(%arg17 : memref<!tpu.dma_semaphore, #tpu.memory_space<semaphore_mem>>)
      } else {
      }
      %add3A_310 = arith.constant 3 : i32
      %add3A_311 = arith.addi %mul3A_208, %add3A_310 : i32
      %dma_wait3A_312 = arith.constant 0 : i32
      %dma_wait3A_313 = tpu.memref_slice %arg9[%add3A_311, %dma_wait3A_312] : memref<40x50xi32, #tpu.memory_space<vmem>> -> memref<1x50xi32, #tpu.memory_space<vmem>>
      %dma_wait3A_314 = tpu.memref_squeeze %dma_wait3A_313 : memref<1x50xi32, #tpu.memory_space<vmem>> -> memref<50xi32, #tpu.memory_space<vmem>>
      %dma_wait3A_315 = arith.constant 0 : i32
      %dma_wait3A_316 = arith.constant 0 : i32
      %dma_wait3A_317 = tpu.memref_slice %arg14[%dma_wait3A_315, %dma_wait3A_316] : memref<10000x128xf32, #tpu.memory_space<vmem_shared>> -> memref<10000x128xf32, #tpu.memory_space<vmem_shared>>
      tpu.wait_indirect_dma semaphore(%arg22 : memref<!tpu.dma_semaphore, #tpu.memory_space<semaphore_mem>>) src(%arg13 : memref<50x128xf32, #tpu.memory_space<vmem>>) dst(%dma_wait3A_317 : memref<10000x128xf32, #tpu.memory_space<vmem_shared>>)
      %lt3A_318 = arith.constant 9 : i32
      %lt3A_319 = arith.cmpi slt, %scan3A_205, %lt3A_318 : i32
      %convert_element_type3A_320 = arith.extui %lt3A_319 : i1 to i32
      %cond3A_321 = arith.constant 0 : i32
      %cond3A_322 = arith.cmpi ne, %convert_element_type3A_320, %cond3A_321 : i32
      scf.if %cond3A_322 {
        %add3A_324 = arith.constant 4 : i32
        %add3A_325 = arith.addi %mul3A_208, %add3A_324 : i32
        %add3A_326 = arith.constant 3 : i32
        %add3A_327 = arith.addi %add3A_325, %add3A_326 : i32
        %dma_start3A_328 = arith.constant 0 : i32
        %dma_start3A_329 = tpu.memref_slice %arg8[%add3A_327, %dma_start3A_328] : memref<40x50xi32, #tpu.memory_space<vmem>> -> memref<1x50xi32, #tpu.memory_space<vmem>>
        %dma_start3A_330 = tpu.memref_squeeze %dma_start3A_329 : memref<1x50xi32, #tpu.memory_space<vmem>> -> memref<50xi32, #tpu.memory_space<vmem>>
        %dma_start3A_331 = arith.constant 0 : i32
        %dma_start3A_332 = arith.constant 0 : i32
        %dma_start3A_333 = tpu.memref_slice %arg2[%dma_start3A_331, %dma_start3A_332] : memref<10000x128xf32, #tpu.memory_space<hbm>> -> memref<10000x128xf32, #tpu.memory_space<hbm>>
        tpu.enqueue_indirect_dma source(%dma_start3A_333 : memref<10000x128xf32, #tpu.memory_space<hbm>>) target(%arg13 : memref<50x128xf32, #tpu.memory_space<vmem>>) offsets(%dma_start3A_330 : memref<50xi32, #tpu.memory_space<vmem>>) semaphore(%arg18 : memref<!tpu.dma_semaphore, #tpu.memory_space<semaphore_mem>>)
      } else {
      }
      %scan3A_323 = arith.constant 0 : i32
      scf.yield %scan3A_323 : i32
    }
    %scan3A_201 = arith.constant 10 : i32
    %barrier3A_202 = arith.constant 0 : index
    tpu.barrier barrier_id(%barrier3A_202)
    %mul3A_203 = arith.constant 625 : i32
    %mul3A_204 = arith.muli %arg1, %mul3A_203 : i32
    "tpu.region"() ({
      %run_scoped3A = tpu.sem_alloc : memref<!tpu.dma_semaphore, #tpu.memory_space<semaphore_mem>>
      %dma_start3A_205 = arith.constant 0 : i32
      %dma_start3A_206 = arith.constant 0 : i32
      %dma_start3A_207 = tpu.memref_slice %arg7[%arg0, %arg1, %dma_start3A_205, %dma_start3A_206] : memref<2x16x625x128xf32, #tpu.memory_space<hbm>> -> memref<1x1x625x128xf32, #tpu.memory_space<hbm>>
      %dma_start3A_208 = tpu.memref_squeeze %dma_start3A_207 : memref<1x1x625x128xf32, #tpu.memory_space<hbm>> -> memref<625x128xf32, #tpu.memory_space<hbm>>
      %dma_start3A_209 = arith.constant 0 : i32
      %dma_start3A_210 = tpu.memref_slice %arg14[%mul3A_204, %dma_start3A_209] : memref<10000x128xf32, #tpu.memory_space<vmem_shared>> -> memref<625x128xf32, #tpu.memory_space<vmem_shared>>
      tpu.enqueue_dma source(%dma_start3A_210 : memref<625x128xf32, #tpu.memory_space<vmem_shared>>) target(%dma_start3A_208 : memref<625x128xf32, #tpu.memory_space<hbm>>) target_semaphore(%run_scoped3A : memref<!tpu.dma_semaphore, #tpu.memory_space<semaphore_mem>>)
      %dma_wait3A = arith.constant 0 : i32
      %dma_wait3A_211 = arith.constant 0 : i32
      %dma_wait3A_212 = tpu.memref_slice %arg7[%arg0, %arg1, %dma_wait3A, %dma_wait3A_211] : memref<2x16x625x128xf32, #tpu.memory_space<hbm>> -> memref<1x1x625x128xf32, #tpu.memory_space<hbm>>
      %dma_wait3A_213 = tpu.memref_squeeze %dma_wait3A_212 : memref<1x1x625x128xf32, #tpu.memory_space<hbm>> -> memref<625x128xf32, #tpu.memory_space<hbm>>
      %dma_wait3A_214 = arith.constant 0 : i32
      %dma_wait3A_215 = tpu.memref_slice %arg14[%mul3A_204, %dma_wait3A_214] : memref<10000x128xf32, #tpu.memory_space<vmem_shared>> -> memref<625x128xf32, #tpu.memory_space<vmem_shared>>
      tpu.wait_dma2 semaphore(%run_scoped3A : memref<!tpu.dma_semaphore, #tpu.memory_space<semaphore_mem>>) src(%dma_wait3A_215 : memref<625x128xf32, #tpu.memory_space<vmem_shared>>) dst(%dma_wait3A_213 : memref<625x128xf32, #tpu.memory_space<hbm>>)
      tpu.yield
    }) : () -> ()
    return
  }
}

#map = affine_map<(d0, d1) -> (0, 0)>
#map1 = affine_map<(d0, d1) -> (0, 0, 0)>
#map2 = affine_map<(d0, d1) -> (0, 0, 0, 0)>
module attributes {stable_mosaic.version = 14 : i64} {
  func.func @body(%arg0: i32, %arg1: i32, %arg2: memref<10000x128xf32, #tpu.memory_space<hbm>>, %arg3: memref<16x625x128xf32, #tpu.memory_space<hbm>>, %arg4: memref<6400x50xi32, #tpu.memory_space<hbm>>, %arg5: memref<6400x50xi32, #tpu.memory_space<hbm>>, %arg6: memref<625x128xf32, #tpu.memory_space<hbm>>, %arg7: memref<2x16x625x128xf32, #tpu.memory_space<hbm>>, %arg8: memref<40x50xi32, #tpu.memory_space<vmem>>, %arg9: memref<40x50xi32, #tpu.memory_space<vmem>>, %arg10: memref<50x128xf32, #tpu.memory_space<vmem>>, %arg11: memref<50x128xf32, #tpu.memory_space<vmem>>, %arg12: memref<50x128xf32, #tpu.memory_space<vmem>>, %arg13: memref<50x128xf32, #tpu.memory_space<vmem>>, %arg14: memref<10000x128xf32, #tpu.memory_space<vmem_shared>>, %arg15: memref<!tpu.dma_semaphore, #tpu.memory_space<semaphore_mem>>, %arg16: memref<!tpu.dma_semaphore, #tpu.memory_space<semaphore_mem>>, %arg17: memref<!tpu.dma_semaphore, #tpu.memory_space<semaphore_mem>>, %arg18: memref<!tpu.dma_semaphore, #tpu.memory_space<semaphore_mem>>, %arg19: memref<!tpu.dma_semaphore, #tpu.memory_space<semaphore_mem>>, %arg20: memref<!tpu.dma_semaphore, #tpu.memory_space<semaphore_mem>>, %arg21: memref<!tpu.dma_semaphore, #tpu.memory_space<semaphore_mem>>, %arg22: memref<!tpu.dma_semaphore, #tpu.memory_space<semaphore_mem>>) attributes {dimension_semantics = [#tpu.dimension_semantics<core_parallel>, #tpu.dimension_semantics<subcore_parallel>], iteration_bounds = array<i64: 2, 16>, scalar_prefetch = 0 : i64, scratch_operands = 15 : i64, tpu.core_type = #tpu.core_type<sc_vector_subcore>, window_params = [{transform_indices = #map}, {transform_indices = #map1}, {transform_indices = #map}, {transform_indices = #map}, {transform_indices = #map}, {transform_indices = #map2}]} {
    %mul3A = arith.constant 16 : i32
    %mul3A_0 = arith.muli %arg0, %mul3A : i32
    %add3A = arith.addi %mul3A_0, %arg1 : i32
    %mul3A_1 = arith.constant 200 : i32
    %mul3A_2 = arith.muli %add3A, %mul3A_1 : i32
    %eq3A = arith.constant 0 : i32
    %eq3A_3 = arith.cmpi eq, %arg0, %eq3A : i32
    %convert_element_type3A = arith.extui %eq3A_3 : i1 to i32
    %cond3A = arith.constant 0 : i32
    %cond3A_4 = arith.cmpi ne, %convert_element_type3A, %cond3A : i32
    scf.if %cond3A_4 {
      %mul3A_205 = arith.constant 625 : i32
      %mul3A_206 = arith.muli %arg1, %mul3A_205 : i32
      "tpu.region"() ({
        %run_scoped3A = tpu.sem_alloc : memref<!tpu.dma_semaphore, #tpu.memory_space<semaphore_mem>>
        %dma_start3A_207 = arith.constant 0 : i32
        %dma_start3A_208 = tpu.memref_slice %arg14[%mul3A_206, %dma_start3A_207] : memref<10000x128xf32, #tpu.memory_space<vmem_shared>> -> memref<625x128xf32, #tpu.memory_space<vmem_shared>>
        %dma_start3A_209 = arith.constant 0 : i32
        %dma_start3A_210 = arith.constant 0 : i32
        %dma_start3A_211 = tpu.memref_slice %arg3[%arg1, %dma_start3A_209, %dma_start3A_210] : memref<16x625x128xf32, #tpu.memory_space<hbm>> -> memref<1x625x128xf32, #tpu.memory_space<hbm>>
        %dma_start3A_212 = tpu.memref_squeeze %dma_start3A_211 : memref<1x625x128xf32, #tpu.memory_space<hbm>> -> memref<625x128xf32, #tpu.memory_space<hbm>>
        tpu.enqueue_dma source(%dma_start3A_212 : memref<625x128xf32, #tpu.memory_space<hbm>>) target(%dma_start3A_208 : memref<625x128xf32, #tpu.memory_space<vmem_shared>>) target_semaphore(%run_scoped3A : memref<!tpu.dma_semaphore, #tpu.memory_space<semaphore_mem>>)
        %dma_wait3A = arith.constant 0 : i32
        %dma_wait3A_213 = tpu.memref_slice %arg14[%mul3A_206, %dma_wait3A] : memref<10000x128xf32, #tpu.memory_space<vmem_shared>> -> memref<625x128xf32, #tpu.memory_space<vmem_shared>>
        %dma_wait3A_214 = arith.constant 0 : i32
        %dma_wait3A_215 = arith.constant 0 : i32
        %dma_wait3A_216 = tpu.memref_slice %arg3[%arg1, %dma_wait3A_214, %dma_wait3A_215] : memref<16x625x128xf32, #tpu.memory_space<hbm>> -> memref<1x625x128xf32, #tpu.memory_space<hbm>>
        %dma_wait3A_217 = tpu.memref_squeeze %dma_wait3A_216 : memref<1x625x128xf32, #tpu.memory_space<hbm>> -> memref<625x128xf32, #tpu.memory_space<hbm>>
        tpu.wait_dma2 semaphore(%run_scoped3A : memref<!tpu.dma_semaphore, #tpu.memory_space<semaphore_mem>>) src(%dma_wait3A_217 : memref<625x128xf32, #tpu.memory_space<hbm>>) dst(%dma_wait3A_213 : memref<625x128xf32, #tpu.memory_space<vmem_shared>>)
        tpu.yield
      }) : () -> ()
    } else {
    }
    %ne3A = arith.constant 0 : i32
    %ne3A_5 = arith.cmpi ne, %arg0, %ne3A : i32
    %convert_element_type3A_6 = arith.extui %ne3A_5 : i1 to i32
    %cond3A_7 = arith.constant 0 : i32
    %cond3A_8 = arith.cmpi ne, %convert_element_type3A_6, %cond3A_7 : i32
    scf.if %cond3A_8 {
      %mul3A_205 = arith.constant 625 : i32
      %mul3A_206 = arith.muli %arg1, %mul3A_205 : i32
      "tpu.region"() ({
        %run_scoped3A = tpu.sem_alloc : memref<!tpu.dma_semaphore, #tpu.memory_space<semaphore_mem>>
        %dma_start3A_207 = arith.constant 0 : i32
        %dma_start3A_208 = tpu.memref_slice %arg14[%mul3A_206, %dma_start3A_207] : memref<10000x128xf32, #tpu.memory_space<vmem_shared>> -> memref<625x128xf32, #tpu.memory_space<vmem_shared>>
        tpu.enqueue_dma source(%arg6 : memref<625x128xf32, #tpu.memory_space<hbm>>) target(%dma_start3A_208 : memref<625x128xf32, #tpu.memory_space<vmem_shared>>) target_semaphore(%run_scoped3A : memref<!tpu.dma_semaphore, #tpu.memory_space<semaphore_mem>>)
        %dma_wait3A = arith.constant 0 : i32
        %dma_wait3A_209 = tpu.memref_slice %arg14[%mul3A_206, %dma_wait3A] : memref<10000x128xf32, #tpu.memory_space<vmem_shared>> -> memref<625x128xf32, #tpu.memory_space<vmem_shared>>
        tpu.wait_dma2 semaphore(%run_scoped3A : memref<!tpu.dma_semaphore, #tpu.memory_space<semaphore_mem>>) src(%arg6 : memref<625x128xf32, #tpu.memory_space<hbm>>) dst(%dma_wait3A_209 : memref<625x128xf32, #tpu.memory_space<vmem_shared>>)
        tpu.yield
      }) : () -> ()
    } else {
    }
    %barrier3A = arith.constant 0 : index
    tpu.barrier barrier_id(%barrier3A)
    %add3A_9 = arith.constant 0 : i32
    %add3A_10 = arith.addi %mul3A_2, %add3A_9 : i32
    "tpu.region"() ({
      %run_scoped3A = tpu.sem_alloc : memref<!tpu.dma_semaphore, #tpu.memory_space<semaphore_mem>>
      %dma_start3A_205 = arith.constant 0 : i32
      %dma_start3A_206 = tpu.memref_slice %arg4[%add3A_10, %dma_start3A_205] : memref<6400x50xi32, #tpu.memory_space<hbm>> -> memref<40x50xi32, #tpu.memory_space<hbm>>
      %dma_start3A_207 = arith.constant 0 : i32
      %dma_start3A_208 = tpu.memref_slice %arg4[%add3A_10, %dma_start3A_207] : memref<6400x50xi32, #tpu.memory_space<hbm>> -> memref<40x50xi32, #tpu.memory_space<hbm>>
      tpu.enqueue_dma source(%dma_start3A_208 : memref<40x50xi32, #tpu.memory_space<hbm>>) target(%arg8 : memref<40x50xi32, #tpu.memory_space<vmem>>) target_semaphore(%run_scoped3A : memref<!tpu.dma_semaphore, #tpu.memory_space<semaphore_mem>>)
      %dma_wait3A = arith.constant 0 : i32
      %dma_wait3A_209 = tpu.memref_slice %arg4[%add3A_10, %dma_wait3A] : memref<6400x50xi32, #tpu.memory_space<hbm>> -> memref<40x50xi32, #tpu.memory_space<hbm>>
      %dma_wait3A_210 = arith.constant 0 : i32
      %dma_wait3A_211 = tpu.memref_slice %arg4[%add3A_10, %dma_wait3A_210] : memref<6400x50xi32, #tpu.memory_space<hbm>> -> memref<40x50xi32, #tpu.memory_space<hbm>>
      tpu.wait_dma2 semaphore(%run_scoped3A : memref<!tpu.dma_semaphore, #tpu.memory_space<semaphore_mem>>) src(%dma_wait3A_211 : memref<40x50xi32, #tpu.memory_space<hbm>>) dst(%arg8 : memref<40x50xi32, #tpu.memory_space<vmem>>)
      tpu.yield
    }) : () -> ()
    %add3A_11 = arith.constant 0 : i32
    %add3A_12 = arith.addi %mul3A_2, %add3A_11 : i32
    "tpu.region"() ({
      %run_scoped3A = tpu.sem_alloc : memref<!tpu.dma_semaphore, #tpu.memory_space<semaphore_mem>>
      %dma_start3A_205 = arith.constant 0 : i32
      %dma_start3A_206 = tpu.memref_slice %arg5[%add3A_12, %dma_start3A_205] : memref<6400x50xi32, #tpu.memory_space<hbm>> -> memref<40x50xi32, #tpu.memory_space<hbm>>
      %dma_start3A_207 = arith.constant 0 : i32
      %dma_start3A_208 = tpu.memref_slice %arg5[%add3A_12, %dma_start3A_207] : memref<6400x50xi32, #tpu.memory_space<hbm>> -> memref<40x50xi32, #tpu.memory_space<hbm>>
      tpu.enqueue_dma source(%dma_start3A_208 : memref<40x50xi32, #tpu.memory_space<hbm>>) target(%arg9 : memref<40x50xi32, #tpu.memory_space<vmem>>) target_semaphore(%run_scoped3A : memref<!tpu.dma_semaphore, #tpu.memory_space<semaphore_mem>>)
      %dma_wait3A = arith.constant 0 : i32
      %dma_wait3A_209 = tpu.memref_slice %arg5[%add3A_12, %dma_wait3A] : memref<6400x50xi32, #tpu.memory_space<hbm>> -> memref<40x50xi32, #tpu.memory_space<hbm>>
      %dma_wait3A_210 = arith.constant 0 : i32
      %dma_wait3A_211 = tpu.memref_slice %arg5[%add3A_12, %dma_wait3A_210] : memref<6400x50xi32, #tpu.memory_space<hbm>> -> memref<40x50xi32, #tpu.memory_space<hbm>>
      tpu.wait_dma2 semaphore(%run_scoped3A : memref<!tpu.dma_semaphore, #tpu.memory_space<semaphore_mem>>) src(%dma_wait3A_211 : memref<40x50xi32, #tpu.memory_space<hbm>>) dst(%arg9 : memref<40x50xi32, #tpu.memory_space<vmem>>)
      tpu.yield
    }) : () -> ()
    %dma_start3A = arith.constant 0 : i32
    %dma_start3A_13 = arith.constant 0 : i32
    %dma_start3A_14 = tpu.memref_slice %arg8[%dma_start3A, %dma_start3A_13] : memref<40x50xi32, #tpu.memory_space<vmem>> -> memref<1x50xi32, #tpu.memory_space<vmem>>
    %dma_start3A_15 = tpu.memref_squeeze %dma_start3A_14 : memref<1x50xi32, #tpu.memory_space<vmem>> -> memref<50xi32, #tpu.memory_space<vmem>>
    %dma_start3A_16 = arith.constant 0 : i32
    %dma_start3A_17 = arith.constant 0 : i32
    %dma_start3A_18 = tpu.memref_slice %arg2[%dma_start3A_16, %dma_start3A_17] : memref<10000x128xf32, #tpu.memory_space<hbm>> -> memref<10000x128xf32, #tpu.memory_space<hbm>>
    tpu.enqueue_indirect_dma source(%dma_start3A_18 : memref<10000x128xf32, #tpu.memory_space<hbm>>) target(%arg10 : memref<50x128xf32, #tpu.memory_space<vmem>>) offsets(%dma_start3A_15 : memref<50xi32, #tpu.memory_space<vmem>>) semaphore(%arg15 : memref<!tpu.dma_semaphore, #tpu.memory_space<semaphore_mem>>)
    %dma_start3A_19 = arith.constant 1 : i32
    %dma_start3A_20 = arith.constant 0 : i32
    %dma_start3A_21 = tpu.memref_slice %arg8[%dma_start3A_19, %dma_start3A_20] : memref<40x50xi32, #tpu.memory_space<vmem>> -> memref<1x50xi32, #tpu.memory_space<vmem>>
    %dma_start3A_22 = tpu.memref_squeeze %dma_start3A_21 : memref<1x50xi32, #tpu.memory_space<vmem>> -> memref<50xi32, #tpu.memory_space<vmem>>
    %dma_start3A_23 = arith.constant 0 : i32
    %dma_start3A_24 = arith.constant 0 : i32
    %dma_start3A_25 = tpu.memref_slice %arg2[%dma_start3A_23, %dma_start3A_24] : memref<10000x128xf32, #tpu.memory_space<hbm>> -> memref<10000x128xf32, #tpu.memory_space<hbm>>
    tpu.enqueue_indirect_dma source(%dma_start3A_25 : memref<10000x128xf32, #tpu.memory_space<hbm>>) target(%arg11 : memref<50x128xf32, #tpu.memory_space<vmem>>) offsets(%dma_start3A_22 : memref<50xi32, #tpu.memory_space<vmem>>) semaphore(%arg16 : memref<!tpu.dma_semaphore, #tpu.memory_space<semaphore_mem>>)
    %dma_start3A_26 = arith.constant 2 : i32
    %dma_start3A_27 = arith.constant 0 : i32
    %dma_start3A_28 = tpu.memref_slice %arg8[%dma_start3A_26, %dma_start3A_27] : memref<40x50xi32, #tpu.memory_space<vmem>> -> memref<1x50xi32, #tpu.memory_space<vmem>>
    %dma_start3A_29 = tpu.memref_squeeze %dma_start3A_28 : memref<1x50xi32, #tpu.memory_space<vmem>> -> memref<50xi32, #tpu.memory_space<vmem>>
    %dma_start3A_30 = arith.constant 0 : i32
    %dma_start3A_31 = arith.constant 0 : i32
    %dma_start3A_32 = tpu.memref_slice %arg2[%dma_start3A_30, %dma_start3A_31] : memref<10000x128xf32, #tpu.memory_space<hbm>> -> memref<10000x128xf32, #tpu.memory_space<hbm>>
    tpu.enqueue_indirect_dma source(%dma_start3A_32 : memref<10000x128xf32, #tpu.memory_space<hbm>>) target(%arg12 : memref<50x128xf32, #tpu.memory_space<vmem>>) offsets(%dma_start3A_29 : memref<50xi32, #tpu.memory_space<vmem>>) semaphore(%arg17 : memref<!tpu.dma_semaphore, #tpu.memory_space<semaphore_mem>>)
    %dma_start3A_33 = arith.constant 3 : i32
    %dma_start3A_34 = arith.constant 0 : i32
    %dma_start3A_35 = tpu.memref_slice %arg8[%dma_start3A_33, %dma_start3A_34] : memref<40x50xi32, #tpu.memory_space<vmem>> -> memref<1x50xi32, #tpu.memory_space<vmem>>
    %dma_start3A_36 = tpu.memref_squeeze %dma_start3A_35 : memref<1x50xi32, #tpu.memory_space<vmem>> -> memref<50xi32, #tpu.memory_space<vmem>>
    %dma_start3A_37 = arith.constant 0 : i32
    %dma_start3A_38 = arith.constant 0 : i32
    %dma_start3A_39 = tpu.memref_slice %arg2[%dma_start3A_37, %dma_start3A_38] : memref<10000x128xf32, #tpu.memory_space<hbm>> -> memref<10000x128xf32, #tpu.memory_space<hbm>>
    tpu.enqueue_indirect_dma source(%dma_start3A_39 : memref<10000x128xf32, #tpu.memory_space<hbm>>) target(%arg13 : memref<50x128xf32, #tpu.memory_space<vmem>>) offsets(%dma_start3A_36 : memref<50xi32, #tpu.memory_space<vmem>>) semaphore(%arg18 : memref<!tpu.dma_semaphore, #tpu.memory_space<semaphore_mem>>)
    %scan3A = arith.constant 0 : i32
    %scan3A_40 = arith.constant 0 : i32
    %scan3A_41 = arith.constant 10 : i32
    %scan3A_42 = arith.addi %scan3A_40, %scan3A_41 : i32
    %scan3A_43 = arith.constant 1 : i32
    %scan3A_44 = scf.for %scan3A_205 = %scan3A_40 to %scan3A_42 step %scan3A_43 iter_args(%scan3A_206 = %scan3A) -> (i32)  : i32 {
      %mul3A_207 = arith.constant 4 : i32
      %mul3A_208 = arith.muli %scan3A_205, %mul3A_207 : i32
      %add3A_209 = arith.constant 0 : i32
      %add3A_210 = arith.addi %mul3A_208, %add3A_209 : i32
      %dma_wait3A = arith.constant 0 : i32
      %dma_wait3A_211 = tpu.memref_slice %arg8[%add3A_210, %dma_wait3A] : memref<40x50xi32, #tpu.memory_space<vmem>> -> memref<1x50xi32, #tpu.memory_space<vmem>>
      %dma_wait3A_212 = tpu.memref_squeeze %dma_wait3A_211 : memref<1x50xi32, #tpu.memory_space<vmem>> -> memref<50xi32, #tpu.memory_space<vmem>>
      %dma_wait3A_213 = arith.constant 0 : i32
      %dma_wait3A_214 = arith.constant 0 : i32
      %dma_wait3A_215 = tpu.memref_slice %arg2[%dma_wait3A_213, %dma_wait3A_214] : memref<10000x128xf32, #tpu.memory_space<hbm>> -> memref<10000x128xf32, #tpu.memory_space<hbm>>
      tpu.wait_indirect_dma semaphore(%arg15 : memref<!tpu.dma_semaphore, #tpu.memory_space<semaphore_mem>>) src(%dma_wait3A_215 : memref<10000x128xf32, #tpu.memory_space<hbm>>) dst(%arg10 : memref<50x128xf32, #tpu.memory_space<vmem>>)
      %add3A_216 = arith.constant 0 : i32
      %add3A_217 = arith.addi %mul3A_208, %add3A_216 : i32
      %dma_start3A_218 = arith.constant 0 : i32
      %dma_start3A_219 = tpu.memref_slice %arg9[%add3A_217, %dma_start3A_218] : memref<40x50xi32, #tpu.memory_space<vmem>> -> memref<1x50xi32, #tpu.memory_space<vmem>>
      %dma_start3A_220 = tpu.memref_squeeze %dma_start3A_219 : memref<1x50xi32, #tpu.memory_space<vmem>> -> memref<50xi32, #tpu.memory_space<vmem>>
      %dma_start3A_221 = arith.constant 0 : i32
      %dma_start3A_222 = arith.constant 0 : i32
      %dma_start3A_223 = tpu.memref_slice %arg14[%dma_start3A_221, %dma_start3A_222] : memref<10000x128xf32, #tpu.memory_space<vmem_shared>> -> memref<10000x128xf32, #tpu.memory_space<vmem_shared>>
      tpu.enqueue_indirect_dma source(%arg10 : memref<50x128xf32, #tpu.memory_space<vmem>>) target(%dma_start3A_223 : memref<10000x128xf32, #tpu.memory_space<vmem_shared>>) offsets(%dma_start3A_220 : memref<50xi32, #tpu.memory_space<vmem>>) semaphore(%arg19 : memref<!tpu.dma_semaphore, #tpu.memory_space<semaphore_mem>>) {add = true}
      %add3A_224 = arith.constant 1 : i32
      %add3A_225 = arith.addi %mul3A_208, %add3A_224 : i32
      %dma_wait3A_226 = arith.constant 0 : i32
      %dma_wait3A_227 = tpu.memref_slice %arg8[%add3A_225, %dma_wait3A_226] : memref<40x50xi32, #tpu.memory_space<vmem>> -> memref<1x50xi32, #tpu.memory_space<vmem>>
      %dma_wait3A_228 = tpu.memref_squeeze %dma_wait3A_227 : memref<1x50xi32, #tpu.memory_space<vmem>> -> memref<50xi32, #tpu.memory_space<vmem>>
      %dma_wait3A_229 = arith.constant 0 : i32
      %dma_wait3A_230 = arith.constant 0 : i32
      %dma_wait3A_231 = tpu.memref_slice %arg2[%dma_wait3A_229, %dma_wait3A_230] : memref<10000x128xf32, #tpu.memory_space<hbm>> -> memref<10000x128xf32, #tpu.memory_space<hbm>>
      tpu.wait_indirect_dma semaphore(%arg16 : memref<!tpu.dma_semaphore, #tpu.memory_space<semaphore_mem>>) src(%dma_wait3A_231 : memref<10000x128xf32, #tpu.memory_space<hbm>>) dst(%arg11 : memref<50x128xf32, #tpu.memory_space<vmem>>)
      %add3A_232 = arith.constant 1 : i32
      %add3A_233 = arith.addi %mul3A_208, %add3A_232 : i32
      %dma_start3A_234 = arith.constant 0 : i32
      %dma_start3A_235 = tpu.memref_slice %arg9[%add3A_233, %dma_start3A_234] : memref<40x50xi32, #tpu.memory_space<vmem>> -> memref<1x50xi32, #tpu.memory_space<vmem>>
      %dma_start3A_236 = tpu.memref_squeeze %dma_start3A_235 : memref<1x50xi32, #tpu.memory_space<vmem>> -> memref<50xi32, #tpu.memory_space<vmem>>
      %dma_start3A_237 = arith.constant 0 : i32
      %dma_start3A_238 = arith.constant 0 : i32
      %dma_start3A_239 = tpu.memref_slice %arg14[%dma_start3A_237, %dma_start3A_238] : memref<10000x128xf32, #tpu.memory_space<vmem_shared>> -> memref<10000x128xf32, #tpu.memory_space<vmem_shared>>
      tpu.enqueue_indirect_dma source(%arg11 : memref<50x128xf32, #tpu.memory_space<vmem>>) target(%dma_start3A_239 : memref<10000x128xf32, #tpu.memory_space<vmem_shared>>) offsets(%dma_start3A_236 : memref<50xi32, #tpu.memory_space<vmem>>) semaphore(%arg20 : memref<!tpu.dma_semaphore, #tpu.memory_space<semaphore_mem>>) {add = true}
      %add3A_240 = arith.constant 2 : i32
      %add3A_241 = arith.addi %mul3A_208, %add3A_240 : i32
      %dma_wait3A_242 = arith.constant 0 : i32
      %dma_wait3A_243 = tpu.memref_slice %arg8[%add3A_241, %dma_wait3A_242] : memref<40x50xi32, #tpu.memory_space<vmem>> -> memref<1x50xi32, #tpu.memory_space<vmem>>
      %dma_wait3A_244 = tpu.memref_squeeze %dma_wait3A_243 : memref<1x50xi32, #tpu.memory_space<vmem>> -> memref<50xi32, #tpu.memory_space<vmem>>
      %dma_wait3A_245 = arith.constant 0 : i32
      %dma_wait3A_246 = arith.constant 0 : i32
      %dma_wait3A_247 = tpu.memref_slice %arg2[%dma_wait3A_245, %dma_wait3A_246] : memref<10000x128xf32, #tpu.memory_space<hbm>> -> memref<10000x128xf32, #tpu.memory_space<hbm>>
      tpu.wait_indirect_dma semaphore(%arg17 : memref<!tpu.dma_semaphore, #tpu.memory_space<semaphore_mem>>) src(%dma_wait3A_247 : memref<10000x128xf32, #tpu.memory_space<hbm>>) dst(%arg12 : memref<50x128xf32, #tpu.memory_space<vmem>>)
      %add3A_248 = arith.constant 2 : i32
      %add3A_249 = arith.addi %mul3A_208, %add3A_248 : i32
      %dma_start3A_250 = arith.constant 0 : i32
      %dma_start3A_251 = tpu.memref_slice %arg9[%add3A_249, %dma_start3A_250] : memref<40x50xi32, #tpu.memory_space<vmem>> -> memref<1x50xi32, #tpu.memory_space<vmem>>
      %dma_start3A_252 = tpu.memref_squeeze %dma_start3A_251 : memref<1x50xi32, #tpu.memory_space<vmem>> -> memref<50xi32, #tpu.memory_space<vmem>>
      %dma_start3A_253 = arith.constant 0 : i32
      %dma_start3A_254 = arith.constant 0 : i32
      %dma_start3A_255 = tpu.memref_slice %arg14[%dma_start3A_253, %dma_start3A_254] : memref<10000x128xf32, #tpu.memory_space<vmem_shared>> -> memref<10000x128xf32, #tpu.memory_space<vmem_shared>>
      tpu.enqueue_indirect_dma source(%arg12 : memref<50x128xf32, #tpu.memory_space<vmem>>) target(%dma_start3A_255 : memref<10000x128xf32, #tpu.memory_space<vmem_shared>>) offsets(%dma_start3A_252 : memref<50xi32, #tpu.memory_space<vmem>>) semaphore(%arg21 : memref<!tpu.dma_semaphore, #tpu.memory_space<semaphore_mem>>) {add = true}
      %add3A_256 = arith.constant 3 : i32
      %add3A_257 = arith.addi %mul3A_208, %add3A_256 : i32
      %dma_wait3A_258 = arith.constant 0 : i32
      %dma_wait3A_259 = tpu.memref_slice %arg8[%add3A_257, %dma_wait3A_258] : memref<40x50xi32, #tpu.memory_space<vmem>> -> memref<1x50xi32, #tpu.memory_space<vmem>>
      %dma_wait3A_260 = tpu.memref_squeeze %dma_wait3A_259 : memref<1x50xi32, #tpu.memory_space<vmem>> -> memref<50xi32, #tpu.memory_space<vmem>>
      %dma_wait3A_261 = arith.constant 0 : i32
      %dma_wait3A_262 = arith.constant 0 : i32
      %dma_wait3A_263 = tpu.memref_slice %arg2[%dma_wait3A_261, %dma_wait3A_262] : memref<10000x128xf32, #tpu.memory_space<hbm>> -> memref<10000x128xf32, #tpu.memory_space<hbm>>
      tpu.wait_indirect_dma semaphore(%arg18 : memref<!tpu.dma_semaphore, #tpu.memory_space<semaphore_mem>>) src(%dma_wait3A_263 : memref<10000x128xf32, #tpu.memory_space<hbm>>) dst(%arg13 : memref<50x128xf32, #tpu.memory_space<vmem>>)
      %add3A_264 = arith.constant 3 : i32
      %add3A_265 = arith.addi %mul3A_208, %add3A_264 : i32
      %dma_start3A_266 = arith.constant 0 : i32
      %dma_start3A_267 = tpu.memref_slice %arg9[%add3A_265, %dma_start3A_266] : memref<40x50xi32, #tpu.memory_space<vmem>> -> memref<1x50xi32, #tpu.memory_space<vmem>>
      %dma_start3A_268 = tpu.memref_squeeze %dma_start3A_267 : memref<1x50xi32, #tpu.memory_space<vmem>> -> memref<50xi32, #tpu.memory_space<vmem>>
      %dma_start3A_269 = arith.constant 0 : i32
      %dma_start3A_270 = arith.constant 0 : i32
      %dma_start3A_271 = tpu.memref_slice %arg14[%dma_start3A_269, %dma_start3A_270] : memref<10000x128xf32, #tpu.memory_space<vmem_shared>> -> memref<10000x128xf32, #tpu.memory_space<vmem_shared>>
      tpu.enqueue_indirect_dma source(%arg13 : memref<50x128xf32, #tpu.memory_space<vmem>>) target(%dma_start3A_271 : memref<10000x128xf32, #tpu.memory_space<vmem_shared>>) offsets(%dma_start3A_268 : memref<50xi32, #tpu.memory_space<vmem>>) semaphore(%arg22 : memref<!tpu.dma_semaphore, #tpu.memory_space<semaphore_mem>>) {add = true}
      %add3A_272 = arith.constant 0 : i32
      %add3A_273 = arith.addi %mul3A_208, %add3A_272 : i32
      %dma_wait3A_274 = arith.constant 0 : i32
      %dma_wait3A_275 = tpu.memref_slice %arg9[%add3A_273, %dma_wait3A_274] : memref<40x50xi32, #tpu.memory_space<vmem>> -> memref<1x50xi32, #tpu.memory_space<vmem>>
      %dma_wait3A_276 = tpu.memref_squeeze %dma_wait3A_275 : memref<1x50xi32, #tpu.memory_space<vmem>> -> memref<50xi32, #tpu.memory_space<vmem>>
      %dma_wait3A_277 = arith.constant 0 : i32
      %dma_wait3A_278 = arith.constant 0 : i32
      %dma_wait3A_279 = tpu.memref_slice %arg14[%dma_wait3A_277, %dma_wait3A_278] : memref<10000x128xf32, #tpu.memory_space<vmem_shared>> -> memref<10000x128xf32, #tpu.memory_space<vmem_shared>>
      tpu.wait_indirect_dma semaphore(%arg19 : memref<!tpu.dma_semaphore, #tpu.memory_space<semaphore_mem>>) src(%arg10 : memref<50x128xf32, #tpu.memory_space<vmem>>) dst(%dma_wait3A_279 : memref<10000x128xf32, #tpu.memory_space<vmem_shared>>)
      %lt3A = arith.constant 9 : i32
      %lt3A_280 = arith.cmpi slt, %scan3A_205, %lt3A : i32
      %convert_element_type3A_281 = arith.extui %lt3A_280 : i1 to i32
      %cond3A_282 = arith.constant 0 : i32
      %cond3A_283 = arith.cmpi ne, %convert_element_type3A_281, %cond3A_282 : i32
      scf.if %cond3A_283 {
        %add3A_324 = arith.constant 4 : i32
        %add3A_325 = arith.addi %mul3A_208, %add3A_324 : i32
        %add3A_326 = arith.constant 0 : i32
        %add3A_327 = arith.addi %add3A_325, %add3A_326 : i32
        %dma_start3A_328 = arith.constant 0 : i32
        %dma_start3A_329 = tpu.memref_slice %arg8[%add3A_327, %dma_start3A_328] : memref<40x50xi32, #tpu.memory_space<vmem>> -> memref<1x50xi32, #tpu.memory_space<vmem>>
        %dma_start3A_330 = tpu.memref_squeeze %dma_start3A_329 : memref<1x50xi32, #tpu.memory_space<vmem>> -> memref<50xi32, #tpu.memory_space<vmem>>
        %dma_start3A_331 = arith.constant 0 : i32
        %dma_start3A_332 = arith.constant 0 : i32
        %dma_start3A_333 = tpu.memref_slice %arg2[%dma_start3A_331, %dma_start3A_332] : memref<10000x128xf32, #tpu.memory_space<hbm>> -> memref<10000x128xf32, #tpu.memory_space<hbm>>
        tpu.enqueue_indirect_dma source(%dma_start3A_333 : memref<10000x128xf32, #tpu.memory_space<hbm>>) target(%arg10 : memref<50x128xf32, #tpu.memory_space<vmem>>) offsets(%dma_start3A_330 : memref<50xi32, #tpu.memory_space<vmem>>) semaphore(%arg15 : memref<!tpu.dma_semaphore, #tpu.memory_space<semaphore_mem>>)
      } else {
      }
      %add3A_284 = arith.constant 1 : i32
      %add3A_285 = arith.addi %mul3A_208, %add3A_284 : i32
      %dma_wait3A_286 = arith.constant 0 : i32
      %dma_wait3A_287 = tpu.memref_slice %arg9[%add3A_285, %dma_wait3A_286] : memref<40x50xi32, #tpu.memory_space<vmem>> -> memref<1x50xi32, #tpu.memory_space<vmem>>
      %dma_wait3A_288 = tpu.memref_squeeze %dma_wait3A_287 : memref<1x50xi32, #tpu.memory_space<vmem>> -> memref<50xi32, #tpu.memory_space<vmem>>
      %dma_wait3A_289 = arith.constant 0 : i32
      %dma_wait3A_290 = arith.constant 0 : i32
      %dma_wait3A_291 = tpu.memref_slice %arg14[%dma_wait3A_289, %dma_wait3A_290] : memref<10000x128xf32, #tpu.memory_space<vmem_shared>> -> memref<10000x128xf32, #tpu.memory_space<vmem_shared>>
      tpu.wait_indirect_dma semaphore(%arg20 : memref<!tpu.dma_semaphore, #tpu.memory_space<semaphore_mem>>) src(%arg11 : memref<50x128xf32, #tpu.memory_space<vmem>>) dst(%dma_wait3A_291 : memref<10000x128xf32, #tpu.memory_space<vmem_shared>>)
      %lt3A_292 = arith.constant 9 : i32
      %lt3A_293 = arith.cmpi slt, %scan3A_205, %lt3A_292 : i32
      %convert_element_type3A_294 = arith.extui %lt3A_293 : i1 to i32
      %cond3A_295 = arith.constant 0 : i32
      %cond3A_296 = arith.cmpi ne, %convert_element_type3A_294, %cond3A_295 : i32
      scf.if %cond3A_296 {
        %add3A_324 = arith.constant 4 : i32
        %add3A_325 = arith.addi %mul3A_208, %add3A_324 : i32
        %add3A_326 = arith.constant 1 : i32
        %add3A_327 = arith.addi %add3A_325, %add3A_326 : i32
        %dma_start3A_328 = arith.constant 0 : i32
        %dma_start3A_329 = tpu.memref_slice %arg8[%add3A_327, %dma_start3A_328] : memref<40x50xi32, #tpu.memory_space<vmem>> -> memref<1x50xi32, #tpu.memory_space<vmem>>
        %dma_start3A_330 = tpu.memref_squeeze %dma_start3A_329 : memref<1x50xi32, #tpu.memory_space<vmem>> -> memref<50xi32, #tpu.memory_space<vmem>>
        %dma_start3A_331 = arith.constant 0 : i32
        %dma_start3A_332 = arith.constant 0 : i32
        %dma_start3A_333 = tpu.memref_slice %arg2[%dma_start3A_331, %dma_start3A_332] : memref<10000x128xf32, #tpu.memory_space<hbm>> -> memref<10000x128xf32, #tpu.memory_space<hbm>>
        tpu.enqueue_indirect_dma source(%dma_start3A_333 : memref<10000x128xf32, #tpu.memory_space<hbm>>) target(%arg11 : memref<50x128xf32, #tpu.memory_space<vmem>>) offsets(%dma_start3A_330 : memref<50xi32, #tpu.memory_space<vmem>>) semaphore(%arg16 : memref<!tpu.dma_semaphore, #tpu.memory_space<semaphore_mem>>)
      } else {
      }
      %add3A_297 = arith.constant 2 : i32
      %add3A_298 = arith.addi %mul3A_208, %add3A_297 : i32
      %dma_wait3A_299 = arith.constant 0 : i32
      %dma_wait3A_300 = tpu.memref_slice %arg9[%add3A_298, %dma_wait3A_299] : memref<40x50xi32, #tpu.memory_space<vmem>> -> memref<1x50xi32, #tpu.memory_space<vmem>>
      %dma_wait3A_301 = tpu.memref_squeeze %dma_wait3A_300 : memref<1x50xi32, #tpu.memory_space<vmem>> -> memref<50xi32, #tpu.memory_space<vmem>>
      %dma_wait3A_302 = arith.constant 0 : i32
      %dma_wait3A_303 = arith.constant 0 : i32
      %dma_wait3A_304 = tpu.memref_slice %arg14[%dma_wait3A_302, %dma_wait3A_303] : memref<10000x128xf32, #tpu.memory_space<vmem_shared>> -> memref<10000x128xf32, #tpu.memory_space<vmem_shared>>
      tpu.wait_indirect_dma semaphore(%arg21 : memref<!tpu.dma_semaphore, #tpu.memory_space<semaphore_mem>>) src(%arg12 : memref<50x128xf32, #tpu.memory_space<vmem>>) dst(%dma_wait3A_304 : memref<10000x128xf32, #tpu.memory_space<vmem_shared>>)
      %lt3A_305 = arith.constant 9 : i32
      %lt3A_306 = arith.cmpi slt, %scan3A_205, %lt3A_305 : i32
      %convert_element_type3A_307 = arith.extui %lt3A_306 : i1 to i32
      %cond3A_308 = arith.constant 0 : i32
      %cond3A_309 = arith.cmpi ne, %convert_element_type3A_307, %cond3A_308 : i32
      scf.if %cond3A_309 {
        %add3A_324 = arith.constant 4 : i32
        %add3A_325 = arith.addi %mul3A_208, %add3A_324 : i32
        %add3A_326 = arith.constant 2 : i32
        %add3A_327 = arith.addi %add3A_325, %add3A_326 : i32
        %dma_start3A_328 = arith.constant 0 : i32
        %dma_start3A_329 = tpu.memref_slice %arg8[%add3A_327, %dma_start3A_328] : memref<40x50xi32, #tpu.memory_space<vmem>> -> memref<1x50xi32, #tpu.memory_space<vmem>>
        %dma_start3A_330 = tpu.memref_squeeze %dma_start3A_329 : memref<1x50xi32, #tpu.memory_space<vmem>> -> memref<50xi32, #tpu.memory_space<vmem>>
        %dma_start3A_331 = arith.constant 0 : i32
        %dma_start3A_332 = arith.constant 0 : i32
        %dma_start3A_333 = tpu.memref_slice %arg2[%dma_start3A_331, %dma_start3A_332] : memref<10000x128xf32, #tpu.memory_space<hbm>> -> memref<10000x128xf32, #tpu.memory_space<hbm>>
        tpu.enqueue_indirect_dma source(%dma_start3A_333 : memref<10000x128xf32, #tpu.memory_space<hbm>>) target(%arg12 : memref<50x128xf32, #tpu.memory_space<vmem>>) offsets(%dma_start3A_330 : memref<50xi32, #tpu.memory_space<vmem>>) semaphore(%arg17 : memref<!tpu.dma_semaphore, #tpu.memory_space<semaphore_mem>>)
      } else {
      }
      %add3A_310 = arith.constant 3 : i32
      %add3A_311 = arith.addi %mul3A_208, %add3A_310 : i32
      %dma_wait3A_312 = arith.constant 0 : i32
      %dma_wait3A_313 = tpu.memref_slice %arg9[%add3A_311, %dma_wait3A_312] : memref<40x50xi32, #tpu.memory_space<vmem>> -> memref<1x50xi32, #tpu.memory_space<vmem>>
      %dma_wait3A_314 = tpu.memref_squeeze %dma_wait3A_313 : memref<1x50xi32, #tpu.memory_space<vmem>> -> memref<50xi32, #tpu.memory_space<vmem>>
      %dma_wait3A_315 = arith.constant 0 : i32
      %dma_wait3A_316 = arith.constant 0 : i32
      %dma_wait3A_317 = tpu.memref_slice %arg14[%dma_wait3A_315, %dma_wait3A_316] : memref<10000x128xf32, #tpu.memory_space<vmem_shared>> -> memref<10000x128xf32, #tpu.memory_space<vmem_shared>>
      tpu.wait_indirect_dma semaphore(%arg22 : memref<!tpu.dma_semaphore, #tpu.memory_space<semaphore_mem>>) src(%arg13 : memref<50x128xf32, #tpu.memory_space<vmem>>) dst(%dma_wait3A_317 : memref<10000x128xf32, #tpu.memory_space<vmem_shared>>)
      %lt3A_318 = arith.constant 9 : i32
      %lt3A_319 = arith.cmpi slt, %scan3A_205, %lt3A_318 : i32
      %convert_element_type3A_320 = arith.extui %lt3A_319 : i1 to i32
      %cond3A_321 = arith.constant 0 : i32
      %cond3A_322 = arith.cmpi ne, %convert_element_type3A_320, %cond3A_321 : i32
      scf.if %cond3A_322 {
        %add3A_324 = arith.constant 4 : i32
        %add3A_325 = arith.addi %mul3A_208, %add3A_324 : i32
        %add3A_326 = arith.constant 3 : i32
        %add3A_327 = arith.addi %add3A_325, %add3A_326 : i32
        %dma_start3A_328 = arith.constant 0 : i32
        %dma_start3A_329 = tpu.memref_slice %arg8[%add3A_327, %dma_start3A_328] : memref<40x50xi32, #tpu.memory_space<vmem>> -> memref<1x50xi32, #tpu.memory_space<vmem>>
        %dma_start3A_330 = tpu.memref_squeeze %dma_start3A_329 : memref<1x50xi32, #tpu.memory_space<vmem>> -> memref<50xi32, #tpu.memory_space<vmem>>
        %dma_start3A_331 = arith.constant 0 : i32
        %dma_start3A_332 = arith.constant 0 : i32
        %dma_start3A_333 = tpu.memref_slice %arg2[%dma_start3A_331, %dma_start3A_332] : memref<10000x128xf32, #tpu.memory_space<hbm>> -> memref<10000x128xf32, #tpu.memory_space<hbm>>
        tpu.enqueue_indirect_dma source(%dma_start3A_333 : memref<10000x128xf32, #tpu.memory_space<hbm>>) target(%arg13 : memref<50x128xf32, #tpu.memory_space<vmem>>) offsets(%dma_start3A_330 : memref<50xi32, #tpu.memory_space<vmem>>) semaphore(%arg18 : memref<!tpu.dma_semaphore, #tpu.memory_space<semaphore_mem>>)
      } else {
      }
      %scan3A_323 = arith.constant 0 : i32
      scf.yield %scan3A_323 : i32
    }
    %scan3A_45 = arith.constant 10 : i32
    %add3A_46 = arith.constant 40 : i32
    %add3A_47 = arith.addi %mul3A_2, %add3A_46 : i32
    "tpu.region"() ({
      %run_scoped3A = tpu.sem_alloc : memref<!tpu.dma_semaphore, #tpu.memory_space<semaphore_mem>>
      %dma_start3A_205 = arith.constant 0 : i32
      %dma_start3A_206 = tpu.memref_slice %arg4[%add3A_47, %dma_start3A_205] : memref<6400x50xi32, #tpu.memory_space<hbm>> -> memref<40x50xi32, #tpu.memory_space<hbm>>
      %dma_start3A_207 = arith.constant 0 : i32
      %dma_start3A_208 = tpu.memref_slice %arg4[%add3A_47, %dma_start3A_207] : memref<6400x50xi32, #tpu.memory_space<hbm>> -> memref<40x50xi32, #tpu.memory_space<hbm>>
      tpu.enqueue_dma source(%dma_start3A_208 : memref<40x50xi32, #tpu.memory_space<hbm>>) target(%arg8 : memref<40x50xi32, #tpu.memory_space<vmem>>) target_semaphore(%run_scoped3A : memref<!tpu.dma_semaphore, #tpu.memory_space<semaphore_mem>>)
      %dma_wait3A = arith.constant 0 : i32
      %dma_wait3A_209 = tpu.memref_slice %arg4[%add3A_47, %dma_wait3A] : memref<6400x50xi32, #tpu.memory_space<hbm>> -> memref<40x50xi32, #tpu.memory_space<hbm>>
      %dma_wait3A_210 = arith.constant 0 : i32
      %dma_wait3A_211 = tpu.memref_slice %arg4[%add3A_47, %dma_wait3A_210] : memref<6400x50xi32, #tpu.memory_space<hbm>> -> memref<40x50xi32, #tpu.memory_space<hbm>>
      tpu.wait_dma2 semaphore(%run_scoped3A : memref<!tpu.dma_semaphore, #tpu.memory_space<semaphore_mem>>) src(%dma_wait3A_211 : memref<40x50xi32, #tpu.memory_space<hbm>>) dst(%arg8 : memref<40x50xi32, #tpu.memory_space<vmem>>)
      tpu.yield
    }) : () -> ()
    %add3A_48 = arith.constant 40 : i32
    %add3A_49 = arith.addi %mul3A_2, %add3A_48 : i32
    "tpu.region"() ({
      %run_scoped3A = tpu.sem_alloc : memref<!tpu.dma_semaphore, #tpu.memory_space<semaphore_mem>>
      %dma_start3A_205 = arith.constant 0 : i32
      %dma_start3A_206 = tpu.memref_slice %arg5[%add3A_49, %dma_start3A_205] : memref<6400x50xi32, #tpu.memory_space<hbm>> -> memref<40x50xi32, #tpu.memory_space<hbm>>
      %dma_start3A_207 = arith.constant 0 : i32
      %dma_start3A_208 = tpu.memref_slice %arg5[%add3A_49, %dma_start3A_207] : memref<6400x50xi32, #tpu.memory_space<hbm>> -> memref<40x50xi32, #tpu.memory_space<hbm>>
      tpu.enqueue_dma source(%dma_start3A_208 : memref<40x50xi32, #tpu.memory_space<hbm>>) target(%arg9 : memref<40x50xi32, #tpu.memory_space<vmem>>) target_semaphore(%run_scoped3A : memref<!tpu.dma_semaphore, #tpu.memory_space<semaphore_mem>>)
      %dma_wait3A = arith.constant 0 : i32
      %dma_wait3A_209 = tpu.memref_slice %arg5[%add3A_49, %dma_wait3A] : memref<6400x50xi32, #tpu.memory_space<hbm>> -> memref<40x50xi32, #tpu.memory_space<hbm>>
      %dma_wait3A_210 = arith.constant 0 : i32
      %dma_wait3A_211 = tpu.memref_slice %arg5[%add3A_49, %dma_wait3A_210] : memref<6400x50xi32, #tpu.memory_space<hbm>> -> memref<40x50xi32, #tpu.memory_space<hbm>>
      tpu.wait_dma2 semaphore(%run_scoped3A : memref<!tpu.dma_semaphore, #tpu.memory_space<semaphore_mem>>) src(%dma_wait3A_211 : memref<40x50xi32, #tpu.memory_space<hbm>>) dst(%arg9 : memref<40x50xi32, #tpu.memory_space<vmem>>)
      tpu.yield
    }) : () -> ()
    %dma_start3A_50 = arith.constant 0 : i32
    %dma_start3A_51 = arith.constant 0 : i32
    %dma_start3A_52 = tpu.memref_slice %arg8[%dma_start3A_50, %dma_start3A_51] : memref<40x50xi32, #tpu.memory_space<vmem>> -> memref<1x50xi32, #tpu.memory_space<vmem>>
    %dma_start3A_53 = tpu.memref_squeeze %dma_start3A_52 : memref<1x50xi32, #tpu.memory_space<vmem>> -> memref<50xi32, #tpu.memory_space<vmem>>
    %dma_start3A_54 = arith.constant 0 : i32
    %dma_start3A_55 = arith.constant 0 : i32
    %dma_start3A_56 = tpu.memref_slice %arg2[%dma_start3A_54, %dma_start3A_55] : memref<10000x128xf32, #tpu.memory_space<hbm>> -> memref<10000x128xf32, #tpu.memory_space<hbm>>
    tpu.enqueue_indirect_dma source(%dma_start3A_56 : memref<10000x128xf32, #tpu.memory_space<hbm>>) target(%arg10 : memref<50x128xf32, #tpu.memory_space<vmem>>) offsets(%dma_start3A_53 : memref<50xi32, #tpu.memory_space<vmem>>) semaphore(%arg15 : memref<!tpu.dma_semaphore, #tpu.memory_space<semaphore_mem>>)
    %dma_start3A_57 = arith.constant 1 : i32
    %dma_start3A_58 = arith.constant 0 : i32
    %dma_start3A_59 = tpu.memref_slice %arg8[%dma_start3A_57, %dma_start3A_58] : memref<40x50xi32, #tpu.memory_space<vmem>> -> memref<1x50xi32, #tpu.memory_space<vmem>>
    %dma_start3A_60 = tpu.memref_squeeze %dma_start3A_59 : memref<1x50xi32, #tpu.memory_space<vmem>> -> memref<50xi32, #tpu.memory_space<vmem>>
    %dma_start3A_61 = arith.constant 0 : i32
    %dma_start3A_62 = arith.constant 0 : i32
    %dma_start3A_63 = tpu.memref_slice %arg2[%dma_start3A_61, %dma_start3A_62] : memref<10000x128xf32, #tpu.memory_space<hbm>> -> memref<10000x128xf32, #tpu.memory_space<hbm>>
    tpu.enqueue_indirect_dma source(%dma_start3A_63 : memref<10000x128xf32, #tpu.memory_space<hbm>>) target(%arg11 : memref<50x128xf32, #tpu.memory_space<vmem>>) offsets(%dma_start3A_60 : memref<50xi32, #tpu.memory_space<vmem>>) semaphore(%arg16 : memref<!tpu.dma_semaphore, #tpu.memory_space<semaphore_mem>>)
    %dma_start3A_64 = arith.constant 2 : i32
    %dma_start3A_65 = arith.constant 0 : i32
    %dma_start3A_66 = tpu.memref_slice %arg8[%dma_start3A_64, %dma_start3A_65] : memref<40x50xi32, #tpu.memory_space<vmem>> -> memref<1x50xi32, #tpu.memory_space<vmem>>
    %dma_start3A_67 = tpu.memref_squeeze %dma_start3A_66 : memref<1x50xi32, #tpu.memory_space<vmem>> -> memref<50xi32, #tpu.memory_space<vmem>>
    %dma_start3A_68 = arith.constant 0 : i32
    %dma_start3A_69 = arith.constant 0 : i32
    %dma_start3A_70 = tpu.memref_slice %arg2[%dma_start3A_68, %dma_start3A_69] : memref<10000x128xf32, #tpu.memory_space<hbm>> -> memref<10000x128xf32, #tpu.memory_space<hbm>>
    tpu.enqueue_indirect_dma source(%dma_start3A_70 : memref<10000x128xf32, #tpu.memory_space<hbm>>) target(%arg12 : memref<50x128xf32, #tpu.memory_space<vmem>>) offsets(%dma_start3A_67 : memref<50xi32, #tpu.memory_space<vmem>>) semaphore(%arg17 : memref<!tpu.dma_semaphore, #tpu.memory_space<semaphore_mem>>)
    %dma_start3A_71 = arith.constant 3 : i32
    %dma_start3A_72 = arith.constant 0 : i32
    %dma_start3A_73 = tpu.memref_slice %arg8[%dma_start3A_71, %dma_start3A_72] : memref<40x50xi32, #tpu.memory_space<vmem>> -> memref<1x50xi32, #tpu.memory_space<vmem>>
    %dma_start3A_74 = tpu.memref_squeeze %dma_start3A_73 : memref<1x50xi32, #tpu.memory_space<vmem>> -> memref<50xi32, #tpu.memory_space<vmem>>
    %dma_start3A_75 = arith.constant 0 : i32
    %dma_start3A_76 = arith.constant 0 : i32
    %dma_start3A_77 = tpu.memref_slice %arg2[%dma_start3A_75, %dma_start3A_76] : memref<10000x128xf32, #tpu.memory_space<hbm>> -> memref<10000x128xf32, #tpu.memory_space<hbm>>
    tpu.enqueue_indirect_dma source(%dma_start3A_77 : memref<10000x128xf32, #tpu.memory_space<hbm>>) target(%arg13 : memref<50x128xf32, #tpu.memory_space<vmem>>) offsets(%dma_start3A_74 : memref<50xi32, #tpu.memory_space<vmem>>) semaphore(%arg18 : memref<!tpu.dma_semaphore, #tpu.memory_space<semaphore_mem>>)
    %scan3A_78 = arith.constant 0 : i32
    %scan3A_79 = arith.constant 0 : i32
    %scan3A_80 = arith.constant 10 : i32
    %scan3A_81 = arith.addi %scan3A_79, %scan3A_80 : i32
    %scan3A_82 = arith.constant 1 : i32
    %scan3A_83 = scf.for %scan3A_205 = %scan3A_79 to %scan3A_81 step %scan3A_82 iter_args(%scan3A_206 = %scan3A_78) -> (i32)  : i32 {
      %mul3A_207 = arith.constant 4 : i32
      %mul3A_208 = arith.muli %scan3A_205, %mul3A_207 : i32
      %add3A_209 = arith.constant 0 : i32
      %add3A_210 = arith.addi %mul3A_208, %add3A_209 : i32
      %dma_wait3A = arith.constant 0 : i32
      %dma_wait3A_211 = tpu.memref_slice %arg8[%add3A_210, %dma_wait3A] : memref<40x50xi32, #tpu.memory_space<vmem>> -> memref<1x50xi32, #tpu.memory_space<vmem>>
      %dma_wait3A_212 = tpu.memref_squeeze %dma_wait3A_211 : memref<1x50xi32, #tpu.memory_space<vmem>> -> memref<50xi32, #tpu.memory_space<vmem>>
      %dma_wait3A_213 = arith.constant 0 : i32
      %dma_wait3A_214 = arith.constant 0 : i32
      %dma_wait3A_215 = tpu.memref_slice %arg2[%dma_wait3A_213, %dma_wait3A_214] : memref<10000x128xf32, #tpu.memory_space<hbm>> -> memref<10000x128xf32, #tpu.memory_space<hbm>>
      tpu.wait_indirect_dma semaphore(%arg15 : memref<!tpu.dma_semaphore, #tpu.memory_space<semaphore_mem>>) src(%dma_wait3A_215 : memref<10000x128xf32, #tpu.memory_space<hbm>>) dst(%arg10 : memref<50x128xf32, #tpu.memory_space<vmem>>)
      %add3A_216 = arith.constant 0 : i32
      %add3A_217 = arith.addi %mul3A_208, %add3A_216 : i32
      %dma_start3A_218 = arith.constant 0 : i32
      %dma_start3A_219 = tpu.memref_slice %arg9[%add3A_217, %dma_start3A_218] : memref<40x50xi32, #tpu.memory_space<vmem>> -> memref<1x50xi32, #tpu.memory_space<vmem>>
      %dma_start3A_220 = tpu.memref_squeeze %dma_start3A_219 : memref<1x50xi32, #tpu.memory_space<vmem>> -> memref<50xi32, #tpu.memory_space<vmem>>
      %dma_start3A_221 = arith.constant 0 : i32
      %dma_start3A_222 = arith.constant 0 : i32
      %dma_start3A_223 = tpu.memref_slice %arg14[%dma_start3A_221, %dma_start3A_222] : memref<10000x128xf32, #tpu.memory_space<vmem_shared>> -> memref<10000x128xf32, #tpu.memory_space<vmem_shared>>
      tpu.enqueue_indirect_dma source(%arg10 : memref<50x128xf32, #tpu.memory_space<vmem>>) target(%dma_start3A_223 : memref<10000x128xf32, #tpu.memory_space<vmem_shared>>) offsets(%dma_start3A_220 : memref<50xi32, #tpu.memory_space<vmem>>) semaphore(%arg19 : memref<!tpu.dma_semaphore, #tpu.memory_space<semaphore_mem>>) {add = true}
      %add3A_224 = arith.constant 1 : i32
      %add3A_225 = arith.addi %mul3A_208, %add3A_224 : i32
      %dma_wait3A_226 = arith.constant 0 : i32
      %dma_wait3A_227 = tpu.memref_slice %arg8[%add3A_225, %dma_wait3A_226] : memref<40x50xi32, #tpu.memory_space<vmem>> -> memref<1x50xi32, #tpu.memory_space<vmem>>
      %dma_wait3A_228 = tpu.memref_squeeze %dma_wait3A_227 : memref<1x50xi32, #tpu.memory_space<vmem>> -> memref<50xi32, #tpu.memory_space<vmem>>
      %dma_wait3A_229 = arith.constant 0 : i32
      %dma_wait3A_230 = arith.constant 0 : i32
      %dma_wait3A_231 = tpu.memref_slice %arg2[%dma_wait3A_229, %dma_wait3A_230] : memref<10000x128xf32, #tpu.memory_space<hbm>> -> memref<10000x128xf32, #tpu.memory_space<hbm>>
      tpu.wait_indirect_dma semaphore(%arg16 : memref<!tpu.dma_semaphore, #tpu.memory_space<semaphore_mem>>) src(%dma_wait3A_231 : memref<10000x128xf32, #tpu.memory_space<hbm>>) dst(%arg11 : memref<50x128xf32, #tpu.memory_space<vmem>>)
      %add3A_232 = arith.constant 1 : i32
      %add3A_233 = arith.addi %mul3A_208, %add3A_232 : i32
      %dma_start3A_234 = arith.constant 0 : i32
      %dma_start3A_235 = tpu.memref_slice %arg9[%add3A_233, %dma_start3A_234] : memref<40x50xi32, #tpu.memory_space<vmem>> -> memref<1x50xi32, #tpu.memory_space<vmem>>
      %dma_start3A_236 = tpu.memref_squeeze %dma_start3A_235 : memref<1x50xi32, #tpu.memory_space<vmem>> -> memref<50xi32, #tpu.memory_space<vmem>>
      %dma_start3A_237 = arith.constant 0 : i32
      %dma_start3A_238 = arith.constant 0 : i32
      %dma_start3A_239 = tpu.memref_slice %arg14[%dma_start3A_237, %dma_start3A_238] : memref<10000x128xf32, #tpu.memory_space<vmem_shared>> -> memref<10000x128xf32, #tpu.memory_space<vmem_shared>>
      tpu.enqueue_indirect_dma source(%arg11 : memref<50x128xf32, #tpu.memory_space<vmem>>) target(%dma_start3A_239 : memref<10000x128xf32, #tpu.memory_space<vmem_shared>>) offsets(%dma_start3A_236 : memref<50xi32, #tpu.memory_space<vmem>>) semaphore(%arg20 : memref<!tpu.dma_semaphore, #tpu.memory_space<semaphore_mem>>) {add = true}
      %add3A_240 = arith.constant 2 : i32
      %add3A_241 = arith.addi %mul3A_208, %add3A_240 : i32
      %dma_wait3A_242 = arith.constant 0 : i32
      %dma_wait3A_243 = tpu.memref_slice %arg8[%add3A_241, %dma_wait3A_242] : memref<40x50xi32, #tpu.memory_space<vmem>> -> memref<1x50xi32, #tpu.memory_space<vmem>>
      %dma_wait3A_244 = tpu.memref_squeeze %dma_wait3A_243 : memref<1x50xi32, #tpu.memory_space<vmem>> -> memref<50xi32, #tpu.memory_space<vmem>>
      %dma_wait3A_245 = arith.constant 0 : i32
      %dma_wait3A_246 = arith.constant 0 : i32
      %dma_wait3A_247 = tpu.memref_slice %arg2[%dma_wait3A_245, %dma_wait3A_246] : memref<10000x128xf32, #tpu.memory_space<hbm>> -> memref<10000x128xf32, #tpu.memory_space<hbm>>
      tpu.wait_indirect_dma semaphore(%arg17 : memref<!tpu.dma_semaphore, #tpu.memory_space<semaphore_mem>>) src(%dma_wait3A_247 : memref<10000x128xf32, #tpu.memory_space<hbm>>) dst(%arg12 : memref<50x128xf32, #tpu.memory_space<vmem>>)
      %add3A_248 = arith.constant 2 : i32
      %add3A_249 = arith.addi %mul3A_208, %add3A_248 : i32
      %dma_start3A_250 = arith.constant 0 : i32
      %dma_start3A_251 = tpu.memref_slice %arg9[%add3A_249, %dma_start3A_250] : memref<40x50xi32, #tpu.memory_space<vmem>> -> memref<1x50xi32, #tpu.memory_space<vmem>>
      %dma_start3A_252 = tpu.memref_squeeze %dma_start3A_251 : memref<1x50xi32, #tpu.memory_space<vmem>> -> memref<50xi32, #tpu.memory_space<vmem>>
      %dma_start3A_253 = arith.constant 0 : i32
      %dma_start3A_254 = arith.constant 0 : i32
      %dma_start3A_255 = tpu.memref_slice %arg14[%dma_start3A_253, %dma_start3A_254] : memref<10000x128xf32, #tpu.memory_space<vmem_shared>> -> memref<10000x128xf32, #tpu.memory_space<vmem_shared>>
      tpu.enqueue_indirect_dma source(%arg12 : memref<50x128xf32, #tpu.memory_space<vmem>>) target(%dma_start3A_255 : memref<10000x128xf32, #tpu.memory_space<vmem_shared>>) offsets(%dma_start3A_252 : memref<50xi32, #tpu.memory_space<vmem>>) semaphore(%arg21 : memref<!tpu.dma_semaphore, #tpu.memory_space<semaphore_mem>>) {add = true}
      %add3A_256 = arith.constant 3 : i32
      %add3A_257 = arith.addi %mul3A_208, %add3A_256 : i32
      %dma_wait3A_258 = arith.constant 0 : i32
      %dma_wait3A_259 = tpu.memref_slice %arg8[%add3A_257, %dma_wait3A_258] : memref<40x50xi32, #tpu.memory_space<vmem>> -> memref<1x50xi32, #tpu.memory_space<vmem>>
      %dma_wait3A_260 = tpu.memref_squeeze %dma_wait3A_259 : memref<1x50xi32, #tpu.memory_space<vmem>> -> memref<50xi32, #tpu.memory_space<vmem>>
      %dma_wait3A_261 = arith.constant 0 : i32
      %dma_wait3A_262 = arith.constant 0 : i32
      %dma_wait3A_263 = tpu.memref_slice %arg2[%dma_wait3A_261, %dma_wait3A_262] : memref<10000x128xf32, #tpu.memory_space<hbm>> -> memref<10000x128xf32, #tpu.memory_space<hbm>>
      tpu.wait_indirect_dma semaphore(%arg18 : memref<!tpu.dma_semaphore, #tpu.memory_space<semaphore_mem>>) src(%dma_wait3A_263 : memref<10000x128xf32, #tpu.memory_space<hbm>>) dst(%arg13 : memref<50x128xf32, #tpu.memory_space<vmem>>)
      %add3A_264 = arith.constant 3 : i32
      %add3A_265 = arith.addi %mul3A_208, %add3A_264 : i32
      %dma_start3A_266 = arith.constant 0 : i32
      %dma_start3A_267 = tpu.memref_slice %arg9[%add3A_265, %dma_start3A_266] : memref<40x50xi32, #tpu.memory_space<vmem>> -> memref<1x50xi32, #tpu.memory_space<vmem>>
      %dma_start3A_268 = tpu.memref_squeeze %dma_start3A_267 : memref<1x50xi32, #tpu.memory_space<vmem>> -> memref<50xi32, #tpu.memory_space<vmem>>
      %dma_start3A_269 = arith.constant 0 : i32
      %dma_start3A_270 = arith.constant 0 : i32
      %dma_start3A_271 = tpu.memref_slice %arg14[%dma_start3A_269, %dma_start3A_270] : memref<10000x128xf32, #tpu.memory_space<vmem_shared>> -> memref<10000x128xf32, #tpu.memory_space<vmem_shared>>
      tpu.enqueue_indirect_dma source(%arg13 : memref<50x128xf32, #tpu.memory_space<vmem>>) target(%dma_start3A_271 : memref<10000x128xf32, #tpu.memory_space<vmem_shared>>) offsets(%dma_start3A_268 : memref<50xi32, #tpu.memory_space<vmem>>) semaphore(%arg22 : memref<!tpu.dma_semaphore, #tpu.memory_space<semaphore_mem>>) {add = true}
      %add3A_272 = arith.constant 0 : i32
      %add3A_273 = arith.addi %mul3A_208, %add3A_272 : i32
      %dma_wait3A_274 = arith.constant 0 : i32
      %dma_wait3A_275 = tpu.memref_slice %arg9[%add3A_273, %dma_wait3A_274] : memref<40x50xi32, #tpu.memory_space<vmem>> -> memref<1x50xi32, #tpu.memory_space<vmem>>
      %dma_wait3A_276 = tpu.memref_squeeze %dma_wait3A_275 : memref<1x50xi32, #tpu.memory_space<vmem>> -> memref<50xi32, #tpu.memory_space<vmem>>
      %dma_wait3A_277 = arith.constant 0 : i32
      %dma_wait3A_278 = arith.constant 0 : i32
      %dma_wait3A_279 = tpu.memref_slice %arg14[%dma_wait3A_277, %dma_wait3A_278] : memref<10000x128xf32, #tpu.memory_space<vmem_shared>> -> memref<10000x128xf32, #tpu.memory_space<vmem_shared>>
      tpu.wait_indirect_dma semaphore(%arg19 : memref<!tpu.dma_semaphore, #tpu.memory_space<semaphore_mem>>) src(%arg10 : memref<50x128xf32, #tpu.memory_space<vmem>>) dst(%dma_wait3A_279 : memref<10000x128xf32, #tpu.memory_space<vmem_shared>>)
      %lt3A = arith.constant 9 : i32
      %lt3A_280 = arith.cmpi slt, %scan3A_205, %lt3A : i32
      %convert_element_type3A_281 = arith.extui %lt3A_280 : i1 to i32
      %cond3A_282 = arith.constant 0 : i32
      %cond3A_283 = arith.cmpi ne, %convert_element_type3A_281, %cond3A_282 : i32
      scf.if %cond3A_283 {
        %add3A_324 = arith.constant 4 : i32
        %add3A_325 = arith.addi %mul3A_208, %add3A_324 : i32
        %add3A_326 = arith.constant 0 : i32
        %add3A_327 = arith.addi %add3A_325, %add3A_326 : i32
        %dma_start3A_328 = arith.constant 0 : i32
        %dma_start3A_329 = tpu.memref_slice %arg8[%add3A_327, %dma_start3A_328] : memref<40x50xi32, #tpu.memory_space<vmem>> -> memref<1x50xi32, #tpu.memory_space<vmem>>
        %dma_start3A_330 = tpu.memref_squeeze %dma_start3A_329 : memref<1x50xi32, #tpu.memory_space<vmem>> -> memref<50xi32, #tpu.memory_space<vmem>>
        %dma_start3A_331 = arith.constant 0 : i32
        %dma_start3A_332 = arith.constant 0 : i32
        %dma_start3A_333 = tpu.memref_slice %arg2[%dma_start3A_331, %dma_start3A_332] : memref<10000x128xf32, #tpu.memory_space<hbm>> -> memref<10000x128xf32, #tpu.memory_space<hbm>>
        tpu.enqueue_indirect_dma source(%dma_start3A_333 : memref<10000x128xf32, #tpu.memory_space<hbm>>) target(%arg10 : memref<50x128xf32, #tpu.memory_space<vmem>>) offsets(%dma_start3A_330 : memref<50xi32, #tpu.memory_space<vmem>>) semaphore(%arg15 : memref<!tpu.dma_semaphore, #tpu.memory_space<semaphore_mem>>)
      } else {
      }
      %add3A_284 = arith.constant 1 : i32
      %add3A_285 = arith.addi %mul3A_208, %add3A_284 : i32
      %dma_wait3A_286 = arith.constant 0 : i32
      %dma_wait3A_287 = tpu.memref_slice %arg9[%add3A_285, %dma_wait3A_286] : memref<40x50xi32, #tpu.memory_space<vmem>> -> memref<1x50xi32, #tpu.memory_space<vmem>>
      %dma_wait3A_288 = tpu.memref_squeeze %dma_wait3A_287 : memref<1x50xi32, #tpu.memory_space<vmem>> -> memref<50xi32, #tpu.memory_space<vmem>>
      %dma_wait3A_289 = arith.constant 0 : i32
      %dma_wait3A_290 = arith.constant 0 : i32
      %dma_wait3A_291 = tpu.memref_slice %arg14[%dma_wait3A_289, %dma_wait3A_290] : memref<10000x128xf32, #tpu.memory_space<vmem_shared>> -> memref<10000x128xf32, #tpu.memory_space<vmem_shared>>
      tpu.wait_indirect_dma semaphore(%arg20 : memref<!tpu.dma_semaphore, #tpu.memory_space<semaphore_mem>>) src(%arg11 : memref<50x128xf32, #tpu.memory_space<vmem>>) dst(%dma_wait3A_291 : memref<10000x128xf32, #tpu.memory_space<vmem_shared>>)
      %lt3A_292 = arith.constant 9 : i32
      %lt3A_293 = arith.cmpi slt, %scan3A_205, %lt3A_292 : i32
      %convert_element_type3A_294 = arith.extui %lt3A_293 : i1 to i32
      %cond3A_295 = arith.constant 0 : i32
      %cond3A_296 = arith.cmpi ne, %convert_element_type3A_294, %cond3A_295 : i32
      scf.if %cond3A_296 {
        %add3A_324 = arith.constant 4 : i32
        %add3A_325 = arith.addi %mul3A_208, %add3A_324 : i32
        %add3A_326 = arith.constant 1 : i32
        %add3A_327 = arith.addi %add3A_325, %add3A_326 : i32
        %dma_start3A_328 = arith.constant 0 : i32
        %dma_start3A_329 = tpu.memref_slice %arg8[%add3A_327, %dma_start3A_328] : memref<40x50xi32, #tpu.memory_space<vmem>> -> memref<1x50xi32, #tpu.memory_space<vmem>>
        %dma_start3A_330 = tpu.memref_squeeze %dma_start3A_329 : memref<1x50xi32, #tpu.memory_space<vmem>> -> memref<50xi32, #tpu.memory_space<vmem>>
        %dma_start3A_331 = arith.constant 0 : i32
        %dma_start3A_332 = arith.constant 0 : i32
        %dma_start3A_333 = tpu.memref_slice %arg2[%dma_start3A_331, %dma_start3A_332] : memref<10000x128xf32, #tpu.memory_space<hbm>> -> memref<10000x128xf32, #tpu.memory_space<hbm>>
        tpu.enqueue_indirect_dma source(%dma_start3A_333 : memref<10000x128xf32, #tpu.memory_space<hbm>>) target(%arg11 : memref<50x128xf32, #tpu.memory_space<vmem>>) offsets(%dma_start3A_330 : memref<50xi32, #tpu.memory_space<vmem>>) semaphore(%arg16 : memref<!tpu.dma_semaphore, #tpu.memory_space<semaphore_mem>>)
      } else {
      }
      %add3A_297 = arith.constant 2 : i32
      %add3A_298 = arith.addi %mul3A_208, %add3A_297 : i32
      %dma_wait3A_299 = arith.constant 0 : i32
      %dma_wait3A_300 = tpu.memref_slice %arg9[%add3A_298, %dma_wait3A_299] : memref<40x50xi32, #tpu.memory_space<vmem>> -> memref<1x50xi32, #tpu.memory_space<vmem>>
      %dma_wait3A_301 = tpu.memref_squeeze %dma_wait3A_300 : memref<1x50xi32, #tpu.memory_space<vmem>> -> memref<50xi32, #tpu.memory_space<vmem>>
      %dma_wait3A_302 = arith.constant 0 : i32
      %dma_wait3A_303 = arith.constant 0 : i32
      %dma_wait3A_304 = tpu.memref_slice %arg14[%dma_wait3A_302, %dma_wait3A_303] : memref<10000x128xf32, #tpu.memory_space<vmem_shared>> -> memref<10000x128xf32, #tpu.memory_space<vmem_shared>>
      tpu.wait_indirect_dma semaphore(%arg21 : memref<!tpu.dma_semaphore, #tpu.memory_space<semaphore_mem>>) src(%arg12 : memref<50x128xf32, #tpu.memory_space<vmem>>) dst(%dma_wait3A_304 : memref<10000x128xf32, #tpu.memory_space<vmem_shared>>)
      %lt3A_305 = arith.constant 9 : i32
      %lt3A_306 = arith.cmpi slt, %scan3A_205, %lt3A_305 : i32
      %convert_element_type3A_307 = arith.extui %lt3A_306 : i1 to i32
      %cond3A_308 = arith.constant 0 : i32
      %cond3A_309 = arith.cmpi ne, %convert_element_type3A_307, %cond3A_308 : i32
      scf.if %cond3A_309 {
        %add3A_324 = arith.constant 4 : i32
        %add3A_325 = arith.addi %mul3A_208, %add3A_324 : i32
        %add3A_326 = arith.constant 2 : i32
        %add3A_327 = arith.addi %add3A_325, %add3A_326 : i32
        %dma_start3A_328 = arith.constant 0 : i32
        %dma_start3A_329 = tpu.memref_slice %arg8[%add3A_327, %dma_start3A_328] : memref<40x50xi32, #tpu.memory_space<vmem>> -> memref<1x50xi32, #tpu.memory_space<vmem>>
        %dma_start3A_330 = tpu.memref_squeeze %dma_start3A_329 : memref<1x50xi32, #tpu.memory_space<vmem>> -> memref<50xi32, #tpu.memory_space<vmem>>
        %dma_start3A_331 = arith.constant 0 : i32
        %dma_start3A_332 = arith.constant 0 : i32
        %dma_start3A_333 = tpu.memref_slice %arg2[%dma_start3A_331, %dma_start3A_332] : memref<10000x128xf32, #tpu.memory_space<hbm>> -> memref<10000x128xf32, #tpu.memory_space<hbm>>
        tpu.enqueue_indirect_dma source(%dma_start3A_333 : memref<10000x128xf32, #tpu.memory_space<hbm>>) target(%arg12 : memref<50x128xf32, #tpu.memory_space<vmem>>) offsets(%dma_start3A_330 : memref<50xi32, #tpu.memory_space<vmem>>) semaphore(%arg17 : memref<!tpu.dma_semaphore, #tpu.memory_space<semaphore_mem>>)
      } else {
      }
      %add3A_310 = arith.constant 3 : i32
      %add3A_311 = arith.addi %mul3A_208, %add3A_310 : i32
      %dma_wait3A_312 = arith.constant 0 : i32
      %dma_wait3A_313 = tpu.memref_slice %arg9[%add3A_311, %dma_wait3A_312] : memref<40x50xi32, #tpu.memory_space<vmem>> -> memref<1x50xi32, #tpu.memory_space<vmem>>
      %dma_wait3A_314 = tpu.memref_squeeze %dma_wait3A_313 : memref<1x50xi32, #tpu.memory_space<vmem>> -> memref<50xi32, #tpu.memory_space<vmem>>
      %dma_wait3A_315 = arith.constant 0 : i32
      %dma_wait3A_316 = arith.constant 0 : i32
      %dma_wait3A_317 = tpu.memref_slice %arg14[%dma_wait3A_315, %dma_wait3A_316] : memref<10000x128xf32, #tpu.memory_space<vmem_shared>> -> memref<10000x128xf32, #tpu.memory_space<vmem_shared>>
      tpu.wait_indirect_dma semaphore(%arg22 : memref<!tpu.dma_semaphore, #tpu.memory_space<semaphore_mem>>) src(%arg13 : memref<50x128xf32, #tpu.memory_space<vmem>>) dst(%dma_wait3A_317 : memref<10000x128xf32, #tpu.memory_space<vmem_shared>>)
      %lt3A_318 = arith.constant 9 : i32
      %lt3A_319 = arith.cmpi slt, %scan3A_205, %lt3A_318 : i32
      %convert_element_type3A_320 = arith.extui %lt3A_319 : i1 to i32
      %cond3A_321 = arith.constant 0 : i32
      %cond3A_322 = arith.cmpi ne, %convert_element_type3A_320, %cond3A_321 : i32
      scf.if %cond3A_322 {
        %add3A_324 = arith.constant 4 : i32
        %add3A_325 = arith.addi %mul3A_208, %add3A_324 : i32
        %add3A_326 = arith.constant 3 : i32
        %add3A_327 = arith.addi %add3A_325, %add3A_326 : i32
        %dma_start3A_328 = arith.constant 0 : i32
        %dma_start3A_329 = tpu.memref_slice %arg8[%add3A_327, %dma_start3A_328] : memref<40x50xi32, #tpu.memory_space<vmem>> -> memref<1x50xi32, #tpu.memory_space<vmem>>
        %dma_start3A_330 = tpu.memref_squeeze %dma_start3A_329 : memref<1x50xi32, #tpu.memory_space<vmem>> -> memref<50xi32, #tpu.memory_space<vmem>>
        %dma_start3A_331 = arith.constant 0 : i32
        %dma_start3A_332 = arith.constant 0 : i32
        %dma_start3A_333 = tpu.memref_slice %arg2[%dma_start3A_331, %dma_start3A_332] : memref<10000x128xf32, #tpu.memory_space<hbm>> -> memref<10000x128xf32, #tpu.memory_space<hbm>>
        tpu.enqueue_indirect_dma source(%dma_start3A_333 : memref<10000x128xf32, #tpu.memory_space<hbm>>) target(%arg13 : memref<50x128xf32, #tpu.memory_space<vmem>>) offsets(%dma_start3A_330 : memref<50xi32, #tpu.memory_space<vmem>>) semaphore(%arg18 : memref<!tpu.dma_semaphore, #tpu.memory_space<semaphore_mem>>)
      } else {
      }
      %scan3A_323 = arith.constant 0 : i32
      scf.yield %scan3A_323 : i32
    }
    %scan3A_84 = arith.constant 10 : i32
    %add3A_85 = arith.constant 80 : i32
    %add3A_86 = arith.addi %mul3A_2, %add3A_85 : i32
    "tpu.region"() ({
      %run_scoped3A = tpu.sem_alloc : memref<!tpu.dma_semaphore, #tpu.memory_space<semaphore_mem>>
      %dma_start3A_205 = arith.constant 0 : i32
      %dma_start3A_206 = tpu.memref_slice %arg4[%add3A_86, %dma_start3A_205] : memref<6400x50xi32, #tpu.memory_space<hbm>> -> memref<40x50xi32, #tpu.memory_space<hbm>>
      %dma_start3A_207 = arith.constant 0 : i32
      %dma_start3A_208 = tpu.memref_slice %arg4[%add3A_86, %dma_start3A_207] : memref<6400x50xi32, #tpu.memory_space<hbm>> -> memref<40x50xi32, #tpu.memory_space<hbm>>
      tpu.enqueue_dma source(%dma_start3A_208 : memref<40x50xi32, #tpu.memory_space<hbm>>) target(%arg8 : memref<40x50xi32, #tpu.memory_space<vmem>>) target_semaphore(%run_scoped3A : memref<!tpu.dma_semaphore, #tpu.memory_space<semaphore_mem>>)
      %dma_wait3A = arith.constant 0 : i32
      %dma_wait3A_209 = tpu.memref_slice %arg4[%add3A_86, %dma_wait3A] : memref<6400x50xi32, #tpu.memory_space<hbm>> -> memref<40x50xi32, #tpu.memory_space<hbm>>
      %dma_wait3A_210 = arith.constant 0 : i32
      %dma_wait3A_211 = tpu.memref_slice %arg4[%add3A_86, %dma_wait3A_210] : memref<6400x50xi32, #tpu.memory_space<hbm>> -> memref<40x50xi32, #tpu.memory_space<hbm>>
      tpu.wait_dma2 semaphore(%run_scoped3A : memref<!tpu.dma_semaphore, #tpu.memory_space<semaphore_mem>>) src(%dma_wait3A_211 : memref<40x50xi32, #tpu.memory_space<hbm>>) dst(%arg8 : memref<40x50xi32, #tpu.memory_space<vmem>>)
      tpu.yield
    }) : () -> ()
    %add3A_87 = arith.constant 80 : i32
    %add3A_88 = arith.addi %mul3A_2, %add3A_87 : i32
    "tpu.region"() ({
      %run_scoped3A = tpu.sem_alloc : memref<!tpu.dma_semaphore, #tpu.memory_space<semaphore_mem>>
      %dma_start3A_205 = arith.constant 0 : i32
      %dma_start3A_206 = tpu.memref_slice %arg5[%add3A_88, %dma_start3A_205] : memref<6400x50xi32, #tpu.memory_space<hbm>> -> memref<40x50xi32, #tpu.memory_space<hbm>>
      %dma_start3A_207 = arith.constant 0 : i32
      %dma_start3A_208 = tpu.memref_slice %arg5[%add3A_88, %dma_start3A_207] : memref<6400x50xi32, #tpu.memory_space<hbm>> -> memref<40x50xi32, #tpu.memory_space<hbm>>
      tpu.enqueue_dma source(%dma_start3A_208 : memref<40x50xi32, #tpu.memory_space<hbm>>) target(%arg9 : memref<40x50xi32, #tpu.memory_space<vmem>>) target_semaphore(%run_scoped3A : memref<!tpu.dma_semaphore, #tpu.memory_space<semaphore_mem>>)
      %dma_wait3A = arith.constant 0 : i32
      %dma_wait3A_209 = tpu.memref_slice %arg5[%add3A_88, %dma_wait3A] : memref<6400x50xi32, #tpu.memory_space<hbm>> -> memref<40x50xi32, #tpu.memory_space<hbm>>
      %dma_wait3A_210 = arith.constant 0 : i32
      %dma_wait3A_211 = tpu.memref_slice %arg5[%add3A_88, %dma_wait3A_210] : memref<6400x50xi32, #tpu.memory_space<hbm>> -> memref<40x50xi32, #tpu.memory_space<hbm>>
      tpu.wait_dma2 semaphore(%run_scoped3A : memref<!tpu.dma_semaphore, #tpu.memory_space<semaphore_mem>>) src(%dma_wait3A_211 : memref<40x50xi32, #tpu.memory_space<hbm>>) dst(%arg9 : memref<40x50xi32, #tpu.memory_space<vmem>>)
      tpu.yield
    }) : () -> ()
    %dma_start3A_89 = arith.constant 0 : i32
    %dma_start3A_90 = arith.constant 0 : i32
    %dma_start3A_91 = tpu.memref_slice %arg8[%dma_start3A_89, %dma_start3A_90] : memref<40x50xi32, #tpu.memory_space<vmem>> -> memref<1x50xi32, #tpu.memory_space<vmem>>
    %dma_start3A_92 = tpu.memref_squeeze %dma_start3A_91 : memref<1x50xi32, #tpu.memory_space<vmem>> -> memref<50xi32, #tpu.memory_space<vmem>>
    %dma_start3A_93 = arith.constant 0 : i32
    %dma_start3A_94 = arith.constant 0 : i32
    %dma_start3A_95 = tpu.memref_slice %arg2[%dma_start3A_93, %dma_start3A_94] : memref<10000x128xf32, #tpu.memory_space<hbm>> -> memref<10000x128xf32, #tpu.memory_space<hbm>>
    tpu.enqueue_indirect_dma source(%dma_start3A_95 : memref<10000x128xf32, #tpu.memory_space<hbm>>) target(%arg10 : memref<50x128xf32, #tpu.memory_space<vmem>>) offsets(%dma_start3A_92 : memref<50xi32, #tpu.memory_space<vmem>>) semaphore(%arg15 : memref<!tpu.dma_semaphore, #tpu.memory_space<semaphore_mem>>)
    %dma_start3A_96 = arith.constant 1 : i32
    %dma_start3A_97 = arith.constant 0 : i32
    %dma_start3A_98 = tpu.memref_slice %arg8[%dma_start3A_96, %dma_start3A_97] : memref<40x50xi32, #tpu.memory_space<vmem>> -> memref<1x50xi32, #tpu.memory_space<vmem>>
    %dma_start3A_99 = tpu.memref_squeeze %dma_start3A_98 : memref<1x50xi32, #tpu.memory_space<vmem>> -> memref<50xi32, #tpu.memory_space<vmem>>
    %dma_start3A_100 = arith.constant 0 : i32
    %dma_start3A_101 = arith.constant 0 : i32
    %dma_start3A_102 = tpu.memref_slice %arg2[%dma_start3A_100, %dma_start3A_101] : memref<10000x128xf32, #tpu.memory_space<hbm>> -> memref<10000x128xf32, #tpu.memory_space<hbm>>
    tpu.enqueue_indirect_dma source(%dma_start3A_102 : memref<10000x128xf32, #tpu.memory_space<hbm>>) target(%arg11 : memref<50x128xf32, #tpu.memory_space<vmem>>) offsets(%dma_start3A_99 : memref<50xi32, #tpu.memory_space<vmem>>) semaphore(%arg16 : memref<!tpu.dma_semaphore, #tpu.memory_space<semaphore_mem>>)
    %dma_start3A_103 = arith.constant 2 : i32
    %dma_start3A_104 = arith.constant 0 : i32
    %dma_start3A_105 = tpu.memref_slice %arg8[%dma_start3A_103, %dma_start3A_104] : memref<40x50xi32, #tpu.memory_space<vmem>> -> memref<1x50xi32, #tpu.memory_space<vmem>>
    %dma_start3A_106 = tpu.memref_squeeze %dma_start3A_105 : memref<1x50xi32, #tpu.memory_space<vmem>> -> memref<50xi32, #tpu.memory_space<vmem>>
    %dma_start3A_107 = arith.constant 0 : i32
    %dma_start3A_108 = arith.constant 0 : i32
    %dma_start3A_109 = tpu.memref_slice %arg2[%dma_start3A_107, %dma_start3A_108] : memref<10000x128xf32, #tpu.memory_space<hbm>> -> memref<10000x128xf32, #tpu.memory_space<hbm>>
    tpu.enqueue_indirect_dma source(%dma_start3A_109 : memref<10000x128xf32, #tpu.memory_space<hbm>>) target(%arg12 : memref<50x128xf32, #tpu.memory_space<vmem>>) offsets(%dma_start3A_106 : memref<50xi32, #tpu.memory_space<vmem>>) semaphore(%arg17 : memref<!tpu.dma_semaphore, #tpu.memory_space<semaphore_mem>>)
    %dma_start3A_110 = arith.constant 3 : i32
    %dma_start3A_111 = arith.constant 0 : i32
    %dma_start3A_112 = tpu.memref_slice %arg8[%dma_start3A_110, %dma_start3A_111] : memref<40x50xi32, #tpu.memory_space<vmem>> -> memref<1x50xi32, #tpu.memory_space<vmem>>
    %dma_start3A_113 = tpu.memref_squeeze %dma_start3A_112 : memref<1x50xi32, #tpu.memory_space<vmem>> -> memref<50xi32, #tpu.memory_space<vmem>>
    %dma_start3A_114 = arith.constant 0 : i32
    %dma_start3A_115 = arith.constant 0 : i32
    %dma_start3A_116 = tpu.memref_slice %arg2[%dma_start3A_114, %dma_start3A_115] : memref<10000x128xf32, #tpu.memory_space<hbm>> -> memref<10000x128xf32, #tpu.memory_space<hbm>>
    tpu.enqueue_indirect_dma source(%dma_start3A_116 : memref<10000x128xf32, #tpu.memory_space<hbm>>) target(%arg13 : memref<50x128xf32, #tpu.memory_space<vmem>>) offsets(%dma_start3A_113 : memref<50xi32, #tpu.memory_space<vmem>>) semaphore(%arg18 : memref<!tpu.dma_semaphore, #tpu.memory_space<semaphore_mem>>)
    %scan3A_117 = arith.constant 0 : i32
    %scan3A_118 = arith.constant 0 : i32
    %scan3A_119 = arith.constant 10 : i32
    %scan3A_120 = arith.addi %scan3A_118, %scan3A_119 : i32
    %scan3A_121 = arith.constant 1 : i32
    %scan3A_122 = scf.for %scan3A_205 = %scan3A_118 to %scan3A_120 step %scan3A_121 iter_args(%scan3A_206 = %scan3A_117) -> (i32)  : i32 {
      %mul3A_207 = arith.constant 4 : i32
      %mul3A_208 = arith.muli %scan3A_205, %mul3A_207 : i32
      %add3A_209 = arith.constant 0 : i32
      %add3A_210 = arith.addi %mul3A_208, %add3A_209 : i32
      %dma_wait3A = arith.constant 0 : i32
      %dma_wait3A_211 = tpu.memref_slice %arg8[%add3A_210, %dma_wait3A] : memref<40x50xi32, #tpu.memory_space<vmem>> -> memref<1x50xi32, #tpu.memory_space<vmem>>
      %dma_wait3A_212 = tpu.memref_squeeze %dma_wait3A_211 : memref<1x50xi32, #tpu.memory_space<vmem>> -> memref<50xi32, #tpu.memory_space<vmem>>
      %dma_wait3A_213 = arith.constant 0 : i32
      %dma_wait3A_214 = arith.constant 0 : i32
      %dma_wait3A_215 = tpu.memref_slice %arg2[%dma_wait3A_213, %dma_wait3A_214] : memref<10000x128xf32, #tpu.memory_space<hbm>> -> memref<10000x128xf32, #tpu.memory_space<hbm>>
      tpu.wait_indirect_dma semaphore(%arg15 : memref<!tpu.dma_semaphore, #tpu.memory_space<semaphore_mem>>) src(%dma_wait3A_215 : memref<10000x128xf32, #tpu.memory_space<hbm>>) dst(%arg10 : memref<50x128xf32, #tpu.memory_space<vmem>>)
      %add3A_216 = arith.constant 0 : i32
      %add3A_217 = arith.addi %mul3A_208, %add3A_216 : i32
      %dma_start3A_218 = arith.constant 0 : i32
      %dma_start3A_219 = tpu.memref_slice %arg9[%add3A_217, %dma_start3A_218] : memref<40x50xi32, #tpu.memory_space<vmem>> -> memref<1x50xi32, #tpu.memory_space<vmem>>
      %dma_start3A_220 = tpu.memref_squeeze %dma_start3A_219 : memref<1x50xi32, #tpu.memory_space<vmem>> -> memref<50xi32, #tpu.memory_space<vmem>>
      %dma_start3A_221 = arith.constant 0 : i32
      %dma_start3A_222 = arith.constant 0 : i32
      %dma_start3A_223 = tpu.memref_slice %arg14[%dma_start3A_221, %dma_start3A_222] : memref<10000x128xf32, #tpu.memory_space<vmem_shared>> -> memref<10000x128xf32, #tpu.memory_space<vmem_shared>>
      tpu.enqueue_indirect_dma source(%arg10 : memref<50x128xf32, #tpu.memory_space<vmem>>) target(%dma_start3A_223 : memref<10000x128xf32, #tpu.memory_space<vmem_shared>>) offsets(%dma_start3A_220 : memref<50xi32, #tpu.memory_space<vmem>>) semaphore(%arg19 : memref<!tpu.dma_semaphore, #tpu.memory_space<semaphore_mem>>) {add = true}
      %add3A_224 = arith.constant 1 : i32
      %add3A_225 = arith.addi %mul3A_208, %add3A_224 : i32
      %dma_wait3A_226 = arith.constant 0 : i32
      %dma_wait3A_227 = tpu.memref_slice %arg8[%add3A_225, %dma_wait3A_226] : memref<40x50xi32, #tpu.memory_space<vmem>> -> memref<1x50xi32, #tpu.memory_space<vmem>>
      %dma_wait3A_228 = tpu.memref_squeeze %dma_wait3A_227 : memref<1x50xi32, #tpu.memory_space<vmem>> -> memref<50xi32, #tpu.memory_space<vmem>>
      %dma_wait3A_229 = arith.constant 0 : i32
      %dma_wait3A_230 = arith.constant 0 : i32
      %dma_wait3A_231 = tpu.memref_slice %arg2[%dma_wait3A_229, %dma_wait3A_230] : memref<10000x128xf32, #tpu.memory_space<hbm>> -> memref<10000x128xf32, #tpu.memory_space<hbm>>
      tpu.wait_indirect_dma semaphore(%arg16 : memref<!tpu.dma_semaphore, #tpu.memory_space<semaphore_mem>>) src(%dma_wait3A_231 : memref<10000x128xf32, #tpu.memory_space<hbm>>) dst(%arg11 : memref<50x128xf32, #tpu.memory_space<vmem>>)
      %add3A_232 = arith.constant 1 : i32
      %add3A_233 = arith.addi %mul3A_208, %add3A_232 : i32
      %dma_start3A_234 = arith.constant 0 : i32
      %dma_start3A_235 = tpu.memref_slice %arg9[%add3A_233, %dma_start3A_234] : memref<40x50xi32, #tpu.memory_space<vmem>> -> memref<1x50xi32, #tpu.memory_space<vmem>>
      %dma_start3A_236 = tpu.memref_squeeze %dma_start3A_235 : memref<1x50xi32, #tpu.memory_space<vmem>> -> memref<50xi32, #tpu.memory_space<vmem>>
      %dma_start3A_237 = arith.constant 0 : i32
      %dma_start3A_238 = arith.constant 0 : i32
      %dma_start3A_239 = tpu.memref_slice %arg14[%dma_start3A_237, %dma_start3A_238] : memref<10000x128xf32, #tpu.memory_space<vmem_shared>> -> memref<10000x128xf32, #tpu.memory_space<vmem_shared>>
      tpu.enqueue_indirect_dma source(%arg11 : memref<50x128xf32, #tpu.memory_space<vmem>>) target(%dma_start3A_239 : memref<10000x128xf32, #tpu.memory_space<vmem_shared>>) offsets(%dma_start3A_236 : memref<50xi32, #tpu.memory_space<vmem>>) semaphore(%arg20 : memref<!tpu.dma_semaphore, #tpu.memory_space<semaphore_mem>>) {add = true}
      %add3A_240 = arith.constant 2 : i32
      %add3A_241 = arith.addi %mul3A_208, %add3A_240 : i32
      %dma_wait3A_242 = arith.constant 0 : i32
      %dma_wait3A_243 = tpu.memref_slice %arg8[%add3A_241, %dma_wait3A_242] : memref<40x50xi32, #tpu.memory_space<vmem>> -> memref<1x50xi32, #tpu.memory_space<vmem>>
      %dma_wait3A_244 = tpu.memref_squeeze %dma_wait3A_243 : memref<1x50xi32, #tpu.memory_space<vmem>> -> memref<50xi32, #tpu.memory_space<vmem>>
      %dma_wait3A_245 = arith.constant 0 : i32
      %dma_wait3A_246 = arith.constant 0 : i32
      %dma_wait3A_247 = tpu.memref_slice %arg2[%dma_wait3A_245, %dma_wait3A_246] : memref<10000x128xf32, #tpu.memory_space<hbm>> -> memref<10000x128xf32, #tpu.memory_space<hbm>>
      tpu.wait_indirect_dma semaphore(%arg17 : memref<!tpu.dma_semaphore, #tpu.memory_space<semaphore_mem>>) src(%dma_wait3A_247 : memref<10000x128xf32, #tpu.memory_space<hbm>>) dst(%arg12 : memref<50x128xf32, #tpu.memory_space<vmem>>)
      %add3A_248 = arith.constant 2 : i32
      %add3A_249 = arith.addi %mul3A_208, %add3A_248 : i32
      %dma_start3A_250 = arith.constant 0 : i32
      %dma_start3A_251 = tpu.memref_slice %arg9[%add3A_249, %dma_start3A_250] : memref<40x50xi32, #tpu.memory_space<vmem>> -> memref<1x50xi32, #tpu.memory_space<vmem>>
      %dma_start3A_252 = tpu.memref_squeeze %dma_start3A_251 : memref<1x50xi32, #tpu.memory_space<vmem>> -> memref<50xi32, #tpu.memory_space<vmem>>
      %dma_start3A_253 = arith.constant 0 : i32
      %dma_start3A_254 = arith.constant 0 : i32
      %dma_start3A_255 = tpu.memref_slice %arg14[%dma_start3A_253, %dma_start3A_254] : memref<10000x128xf32, #tpu.memory_space<vmem_shared>> -> memref<10000x128xf32, #tpu.memory_space<vmem_shared>>
      tpu.enqueue_indirect_dma source(%arg12 : memref<50x128xf32, #tpu.memory_space<vmem>>) target(%dma_start3A_255 : memref<10000x128xf32, #tpu.memory_space<vmem_shared>>) offsets(%dma_start3A_252 : memref<50xi32, #tpu.memory_space<vmem>>) semaphore(%arg21 : memref<!tpu.dma_semaphore, #tpu.memory_space<semaphore_mem>>) {add = true}
      %add3A_256 = arith.constant 3 : i32
      %add3A_257 = arith.addi %mul3A_208, %add3A_256 : i32
      %dma_wait3A_258 = arith.constant 0 : i32
      %dma_wait3A_259 = tpu.memref_slice %arg8[%add3A_257, %dma_wait3A_258] : memref<40x50xi32, #tpu.memory_space<vmem>> -> memref<1x50xi32, #tpu.memory_space<vmem>>
      %dma_wait3A_260 = tpu.memref_squeeze %dma_wait3A_259 : memref<1x50xi32, #tpu.memory_space<vmem>> -> memref<50xi32, #tpu.memory_space<vmem>>
      %dma_wait3A_261 = arith.constant 0 : i32
      %dma_wait3A_262 = arith.constant 0 : i32
      %dma_wait3A_263 = tpu.memref_slice %arg2[%dma_wait3A_261, %dma_wait3A_262] : memref<10000x128xf32, #tpu.memory_space<hbm>> -> memref<10000x128xf32, #tpu.memory_space<hbm>>
      tpu.wait_indirect_dma semaphore(%arg18 : memref<!tpu.dma_semaphore, #tpu.memory_space<semaphore_mem>>) src(%dma_wait3A_263 : memref<10000x128xf32, #tpu.memory_space<hbm>>) dst(%arg13 : memref<50x128xf32, #tpu.memory_space<vmem>>)
      %add3A_264 = arith.constant 3 : i32
      %add3A_265 = arith.addi %mul3A_208, %add3A_264 : i32
      %dma_start3A_266 = arith.constant 0 : i32
      %dma_start3A_267 = tpu.memref_slice %arg9[%add3A_265, %dma_start3A_266] : memref<40x50xi32, #tpu.memory_space<vmem>> -> memref<1x50xi32, #tpu.memory_space<vmem>>
      %dma_start3A_268 = tpu.memref_squeeze %dma_start3A_267 : memref<1x50xi32, #tpu.memory_space<vmem>> -> memref<50xi32, #tpu.memory_space<vmem>>
      %dma_start3A_269 = arith.constant 0 : i32
      %dma_start3A_270 = arith.constant 0 : i32
      %dma_start3A_271 = tpu.memref_slice %arg14[%dma_start3A_269, %dma_start3A_270] : memref<10000x128xf32, #tpu.memory_space<vmem_shared>> -> memref<10000x128xf32, #tpu.memory_space<vmem_shared>>
      tpu.enqueue_indirect_dma source(%arg13 : memref<50x128xf32, #tpu.memory_space<vmem>>) target(%dma_start3A_271 : memref<10000x128xf32, #tpu.memory_space<vmem_shared>>) offsets(%dma_start3A_268 : memref<50xi32, #tpu.memory_space<vmem>>) semaphore(%arg22 : memref<!tpu.dma_semaphore, #tpu.memory_space<semaphore_mem>>) {add = true}
      %add3A_272 = arith.constant 0 : i32
      %add3A_273 = arith.addi %mul3A_208, %add3A_272 : i32
      %dma_wait3A_274 = arith.constant 0 : i32
      %dma_wait3A_275 = tpu.memref_slice %arg9[%add3A_273, %dma_wait3A_274] : memref<40x50xi32, #tpu.memory_space<vmem>> -> memref<1x50xi32, #tpu.memory_space<vmem>>
      %dma_wait3A_276 = tpu.memref_squeeze %dma_wait3A_275 : memref<1x50xi32, #tpu.memory_space<vmem>> -> memref<50xi32, #tpu.memory_space<vmem>>
      %dma_wait3A_277 = arith.constant 0 : i32
      %dma_wait3A_278 = arith.constant 0 : i32
      %dma_wait3A_279 = tpu.memref_slice %arg14[%dma_wait3A_277, %dma_wait3A_278] : memref<10000x128xf32, #tpu.memory_space<vmem_shared>> -> memref<10000x128xf32, #tpu.memory_space<vmem_shared>>
      tpu.wait_indirect_dma semaphore(%arg19 : memref<!tpu.dma_semaphore, #tpu.memory_space<semaphore_mem>>) src(%arg10 : memref<50x128xf32, #tpu.memory_space<vmem>>) dst(%dma_wait3A_279 : memref<10000x128xf32, #tpu.memory_space<vmem_shared>>)
      %lt3A = arith.constant 9 : i32
      %lt3A_280 = arith.cmpi slt, %scan3A_205, %lt3A : i32
      %convert_element_type3A_281 = arith.extui %lt3A_280 : i1 to i32
      %cond3A_282 = arith.constant 0 : i32
      %cond3A_283 = arith.cmpi ne, %convert_element_type3A_281, %cond3A_282 : i32
      scf.if %cond3A_283 {
        %add3A_324 = arith.constant 4 : i32
        %add3A_325 = arith.addi %mul3A_208, %add3A_324 : i32
        %add3A_326 = arith.constant 0 : i32
        %add3A_327 = arith.addi %add3A_325, %add3A_326 : i32
        %dma_start3A_328 = arith.constant 0 : i32
        %dma_start3A_329 = tpu.memref_slice %arg8[%add3A_327, %dma_start3A_328] : memref<40x50xi32, #tpu.memory_space<vmem>> -> memref<1x50xi32, #tpu.memory_space<vmem>>
        %dma_start3A_330 = tpu.memref_squeeze %dma_start3A_329 : memref<1x50xi32, #tpu.memory_space<vmem>> -> memref<50xi32, #tpu.memory_space<vmem>>
        %dma_start3A_331 = arith.constant 0 : i32
        %dma_start3A_332 = arith.constant 0 : i32
        %dma_start3A_333 = tpu.memref_slice %arg2[%dma_start3A_331, %dma_start3A_332] : memref<10000x128xf32, #tpu.memory_space<hbm>> -> memref<10000x128xf32, #tpu.memory_space<hbm>>
        tpu.enqueue_indirect_dma source(%dma_start3A_333 : memref<10000x128xf32, #tpu.memory_space<hbm>>) target(%arg10 : memref<50x128xf32, #tpu.memory_space<vmem>>) offsets(%dma_start3A_330 : memref<50xi32, #tpu.memory_space<vmem>>) semaphore(%arg15 : memref<!tpu.dma_semaphore, #tpu.memory_space<semaphore_mem>>)
      } else {
      }
      %add3A_284 = arith.constant 1 : i32
      %add3A_285 = arith.addi %mul3A_208, %add3A_284 : i32
      %dma_wait3A_286 = arith.constant 0 : i32
      %dma_wait3A_287 = tpu.memref_slice %arg9[%add3A_285, %dma_wait3A_286] : memref<40x50xi32, #tpu.memory_space<vmem>> -> memref<1x50xi32, #tpu.memory_space<vmem>>
      %dma_wait3A_288 = tpu.memref_squeeze %dma_wait3A_287 : memref<1x50xi32, #tpu.memory_space<vmem>> -> memref<50xi32, #tpu.memory_space<vmem>>
      %dma_wait3A_289 = arith.constant 0 : i32
      %dma_wait3A_290 = arith.constant 0 : i32
      %dma_wait3A_291 = tpu.memref_slice %arg14[%dma_wait3A_289, %dma_wait3A_290] : memref<10000x128xf32, #tpu.memory_space<vmem_shared>> -> memref<10000x128xf32, #tpu.memory_space<vmem_shared>>
      tpu.wait_indirect_dma semaphore(%arg20 : memref<!tpu.dma_semaphore, #tpu.memory_space<semaphore_mem>>) src(%arg11 : memref<50x128xf32, #tpu.memory_space<vmem>>) dst(%dma_wait3A_291 : memref<10000x128xf32, #tpu.memory_space<vmem_shared>>)
      %lt3A_292 = arith.constant 9 : i32
      %lt3A_293 = arith.cmpi slt, %scan3A_205, %lt3A_292 : i32
      %convert_element_type3A_294 = arith.extui %lt3A_293 : i1 to i32
      %cond3A_295 = arith.constant 0 : i32
      %cond3A_296 = arith.cmpi ne, %convert_element_type3A_294, %cond3A_295 : i32
      scf.if %cond3A_296 {
        %add3A_324 = arith.constant 4 : i32
        %add3A_325 = arith.addi %mul3A_208, %add3A_324 : i32
        %add3A_326 = arith.constant 1 : i32
        %add3A_327 = arith.addi %add3A_325, %add3A_326 : i32
        %dma_start3A_328 = arith.constant 0 : i32
        %dma_start3A_329 = tpu.memref_slice %arg8[%add3A_327, %dma_start3A_328] : memref<40x50xi32, #tpu.memory_space<vmem>> -> memref<1x50xi32, #tpu.memory_space<vmem>>
        %dma_start3A_330 = tpu.memref_squeeze %dma_start3A_329 : memref<1x50xi32, #tpu.memory_space<vmem>> -> memref<50xi32, #tpu.memory_space<vmem>>
        %dma_start3A_331 = arith.constant 0 : i32
        %dma_start3A_332 = arith.constant 0 : i32
        %dma_start3A_333 = tpu.memref_slice %arg2[%dma_start3A_331, %dma_start3A_332] : memref<10000x128xf32, #tpu.memory_space<hbm>> -> memref<10000x128xf32, #tpu.memory_space<hbm>>
        tpu.enqueue_indirect_dma source(%dma_start3A_333 : memref<10000x128xf32, #tpu.memory_space<hbm>>) target(%arg11 : memref<50x128xf32, #tpu.memory_space<vmem>>) offsets(%dma_start3A_330 : memref<50xi32, #tpu.memory_space<vmem>>) semaphore(%arg16 : memref<!tpu.dma_semaphore, #tpu.memory_space<semaphore_mem>>)
      } else {
      }
      %add3A_297 = arith.constant 2 : i32
      %add3A_298 = arith.addi %mul3A_208, %add3A_297 : i32
      %dma_wait3A_299 = arith.constant 0 : i32
      %dma_wait3A_300 = tpu.memref_slice %arg9[%add3A_298, %dma_wait3A_299] : memref<40x50xi32, #tpu.memory_space<vmem>> -> memref<1x50xi32, #tpu.memory_space<vmem>>
      %dma_wait3A_301 = tpu.memref_squeeze %dma_wait3A_300 : memref<1x50xi32, #tpu.memory_space<vmem>> -> memref<50xi32, #tpu.memory_space<vmem>>
      %dma_wait3A_302 = arith.constant 0 : i32
      %dma_wait3A_303 = arith.constant 0 : i32
      %dma_wait3A_304 = tpu.memref_slice %arg14[%dma_wait3A_302, %dma_wait3A_303] : memref<10000x128xf32, #tpu.memory_space<vmem_shared>> -> memref<10000x128xf32, #tpu.memory_space<vmem_shared>>
      tpu.wait_indirect_dma semaphore(%arg21 : memref<!tpu.dma_semaphore, #tpu.memory_space<semaphore_mem>>) src(%arg12 : memref<50x128xf32, #tpu.memory_space<vmem>>) dst(%dma_wait3A_304 : memref<10000x128xf32, #tpu.memory_space<vmem_shared>>)
      %lt3A_305 = arith.constant 9 : i32
      %lt3A_306 = arith.cmpi slt, %scan3A_205, %lt3A_305 : i32
      %convert_element_type3A_307 = arith.extui %lt3A_306 : i1 to i32
      %cond3A_308 = arith.constant 0 : i32
      %cond3A_309 = arith.cmpi ne, %convert_element_type3A_307, %cond3A_308 : i32
      scf.if %cond3A_309 {
        %add3A_324 = arith.constant 4 : i32
        %add3A_325 = arith.addi %mul3A_208, %add3A_324 : i32
        %add3A_326 = arith.constant 2 : i32
        %add3A_327 = arith.addi %add3A_325, %add3A_326 : i32
        %dma_start3A_328 = arith.constant 0 : i32
        %dma_start3A_329 = tpu.memref_slice %arg8[%add3A_327, %dma_start3A_328] : memref<40x50xi32, #tpu.memory_space<vmem>> -> memref<1x50xi32, #tpu.memory_space<vmem>>
        %dma_start3A_330 = tpu.memref_squeeze %dma_start3A_329 : memref<1x50xi32, #tpu.memory_space<vmem>> -> memref<50xi32, #tpu.memory_space<vmem>>
        %dma_start3A_331 = arith.constant 0 : i32
        %dma_start3A_332 = arith.constant 0 : i32
        %dma_start3A_333 = tpu.memref_slice %arg2[%dma_start3A_331, %dma_start3A_332] : memref<10000x128xf32, #tpu.memory_space<hbm>> -> memref<10000x128xf32, #tpu.memory_space<hbm>>
        tpu.enqueue_indirect_dma source(%dma_start3A_333 : memref<10000x128xf32, #tpu.memory_space<hbm>>) target(%arg12 : memref<50x128xf32, #tpu.memory_space<vmem>>) offsets(%dma_start3A_330 : memref<50xi32, #tpu.memory_space<vmem>>) semaphore(%arg17 : memref<!tpu.dma_semaphore, #tpu.memory_space<semaphore_mem>>)
      } else {
      }
      %add3A_310 = arith.constant 3 : i32
      %add3A_311 = arith.addi %mul3A_208, %add3A_310 : i32
      %dma_wait3A_312 = arith.constant 0 : i32
      %dma_wait3A_313 = tpu.memref_slice %arg9[%add3A_311, %dma_wait3A_312] : memref<40x50xi32, #tpu.memory_space<vmem>> -> memref<1x50xi32, #tpu.memory_space<vmem>>
      %dma_wait3A_314 = tpu.memref_squeeze %dma_wait3A_313 : memref<1x50xi32, #tpu.memory_space<vmem>> -> memref<50xi32, #tpu.memory_space<vmem>>
      %dma_wait3A_315 = arith.constant 0 : i32
      %dma_wait3A_316 = arith.constant 0 : i32
      %dma_wait3A_317 = tpu.memref_slice %arg14[%dma_wait3A_315, %dma_wait3A_316] : memref<10000x128xf32, #tpu.memory_space<vmem_shared>> -> memref<10000x128xf32, #tpu.memory_space<vmem_shared>>
      tpu.wait_indirect_dma semaphore(%arg22 : memref<!tpu.dma_semaphore, #tpu.memory_space<semaphore_mem>>) src(%arg13 : memref<50x128xf32, #tpu.memory_space<vmem>>) dst(%dma_wait3A_317 : memref<10000x128xf32, #tpu.memory_space<vmem_shared>>)
      %lt3A_318 = arith.constant 9 : i32
      %lt3A_319 = arith.cmpi slt, %scan3A_205, %lt3A_318 : i32
      %convert_element_type3A_320 = arith.extui %lt3A_319 : i1 to i32
      %cond3A_321 = arith.constant 0 : i32
      %cond3A_322 = arith.cmpi ne, %convert_element_type3A_320, %cond3A_321 : i32
      scf.if %cond3A_322 {
        %add3A_324 = arith.constant 4 : i32
        %add3A_325 = arith.addi %mul3A_208, %add3A_324 : i32
        %add3A_326 = arith.constant 3 : i32
        %add3A_327 = arith.addi %add3A_325, %add3A_326 : i32
        %dma_start3A_328 = arith.constant 0 : i32
        %dma_start3A_329 = tpu.memref_slice %arg8[%add3A_327, %dma_start3A_328] : memref<40x50xi32, #tpu.memory_space<vmem>> -> memref<1x50xi32, #tpu.memory_space<vmem>>
        %dma_start3A_330 = tpu.memref_squeeze %dma_start3A_329 : memref<1x50xi32, #tpu.memory_space<vmem>> -> memref<50xi32, #tpu.memory_space<vmem>>
        %dma_start3A_331 = arith.constant 0 : i32
        %dma_start3A_332 = arith.constant 0 : i32
        %dma_start3A_333 = tpu.memref_slice %arg2[%dma_start3A_331, %dma_start3A_332] : memref<10000x128xf32, #tpu.memory_space<hbm>> -> memref<10000x128xf32, #tpu.memory_space<hbm>>
        tpu.enqueue_indirect_dma source(%dma_start3A_333 : memref<10000x128xf32, #tpu.memory_space<hbm>>) target(%arg13 : memref<50x128xf32, #tpu.memory_space<vmem>>) offsets(%dma_start3A_330 : memref<50xi32, #tpu.memory_space<vmem>>) semaphore(%arg18 : memref<!tpu.dma_semaphore, #tpu.memory_space<semaphore_mem>>)
      } else {
      }
      %scan3A_323 = arith.constant 0 : i32
      scf.yield %scan3A_323 : i32
    }
    %scan3A_123 = arith.constant 10 : i32
    %add3A_124 = arith.constant 120 : i32
    %add3A_125 = arith.addi %mul3A_2, %add3A_124 : i32
    "tpu.region"() ({
      %run_scoped3A = tpu.sem_alloc : memref<!tpu.dma_semaphore, #tpu.memory_space<semaphore_mem>>
      %dma_start3A_205 = arith.constant 0 : i32
      %dma_start3A_206 = tpu.memref_slice %arg4[%add3A_125, %dma_start3A_205] : memref<6400x50xi32, #tpu.memory_space<hbm>> -> memref<40x50xi32, #tpu.memory_space<hbm>>
      %dma_start3A_207 = arith.constant 0 : i32
      %dma_start3A_208 = tpu.memref_slice %arg4[%add3A_125, %dma_start3A_207] : memref<6400x50xi32, #tpu.memory_space<hbm>> -> memref<40x50xi32, #tpu.memory_space<hbm>>
      tpu.enqueue_dma source(%dma_start3A_208 : memref<40x50xi32, #tpu.memory_space<hbm>>) target(%arg8 : memref<40x50xi32, #tpu.memory_space<vmem>>) target_semaphore(%run_scoped3A : memref<!tpu.dma_semaphore, #tpu.memory_space<semaphore_mem>>)
      %dma_wait3A = arith.constant 0 : i32
      %dma_wait3A_209 = tpu.memref_slice %arg4[%add3A_125, %dma_wait3A] : memref<6400x50xi32, #tpu.memory_space<hbm>> -> memref<40x50xi32, #tpu.memory_space<hbm>>
      %dma_wait3A_210 = arith.constant 0 : i32
      %dma_wait3A_211 = tpu.memref_slice %arg4[%add3A_125, %dma_wait3A_210] : memref<6400x50xi32, #tpu.memory_space<hbm>> -> memref<40x50xi32, #tpu.memory_space<hbm>>
      tpu.wait_dma2 semaphore(%run_scoped3A : memref<!tpu.dma_semaphore, #tpu.memory_space<semaphore_mem>>) src(%dma_wait3A_211 : memref<40x50xi32, #tpu.memory_space<hbm>>) dst(%arg8 : memref<40x50xi32, #tpu.memory_space<vmem>>)
      tpu.yield
    }) : () -> ()
    %add3A_126 = arith.constant 120 : i32
    %add3A_127 = arith.addi %mul3A_2, %add3A_126 : i32
    "tpu.region"() ({
      %run_scoped3A = tpu.sem_alloc : memref<!tpu.dma_semaphore, #tpu.memory_space<semaphore_mem>>
      %dma_start3A_205 = arith.constant 0 : i32
      %dma_start3A_206 = tpu.memref_slice %arg5[%add3A_127, %dma_start3A_205] : memref<6400x50xi32, #tpu.memory_space<hbm>> -> memref<40x50xi32, #tpu.memory_space<hbm>>
      %dma_start3A_207 = arith.constant 0 : i32
      %dma_start3A_208 = tpu.memref_slice %arg5[%add3A_127, %dma_start3A_207] : memref<6400x50xi32, #tpu.memory_space<hbm>> -> memref<40x50xi32, #tpu.memory_space<hbm>>
      tpu.enqueue_dma source(%dma_start3A_208 : memref<40x50xi32, #tpu.memory_space<hbm>>) target(%arg9 : memref<40x50xi32, #tpu.memory_space<vmem>>) target_semaphore(%run_scoped3A : memref<!tpu.dma_semaphore, #tpu.memory_space<semaphore_mem>>)
      %dma_wait3A = arith.constant 0 : i32
      %dma_wait3A_209 = tpu.memref_slice %arg5[%add3A_127, %dma_wait3A] : memref<6400x50xi32, #tpu.memory_space<hbm>> -> memref<40x50xi32, #tpu.memory_space<hbm>>
      %dma_wait3A_210 = arith.constant 0 : i32
      %dma_wait3A_211 = tpu.memref_slice %arg5[%add3A_127, %dma_wait3A_210] : memref<6400x50xi32, #tpu.memory_space<hbm>> -> memref<40x50xi32, #tpu.memory_space<hbm>>
      tpu.wait_dma2 semaphore(%run_scoped3A : memref<!tpu.dma_semaphore, #tpu.memory_space<semaphore_mem>>) src(%dma_wait3A_211 : memref<40x50xi32, #tpu.memory_space<hbm>>) dst(%arg9 : memref<40x50xi32, #tpu.memory_space<vmem>>)
      tpu.yield
    }) : () -> ()
    %dma_start3A_128 = arith.constant 0 : i32
    %dma_start3A_129 = arith.constant 0 : i32
    %dma_start3A_130 = tpu.memref_slice %arg8[%dma_start3A_128, %dma_start3A_129] : memref<40x50xi32, #tpu.memory_space<vmem>> -> memref<1x50xi32, #tpu.memory_space<vmem>>
    %dma_start3A_131 = tpu.memref_squeeze %dma_start3A_130 : memref<1x50xi32, #tpu.memory_space<vmem>> -> memref<50xi32, #tpu.memory_space<vmem>>
    %dma_start3A_132 = arith.constant 0 : i32
    %dma_start3A_133 = arith.constant 0 : i32
    %dma_start3A_134 = tpu.memref_slice %arg2[%dma_start3A_132, %dma_start3A_133] : memref<10000x128xf32, #tpu.memory_space<hbm>> -> memref<10000x128xf32, #tpu.memory_space<hbm>>
    tpu.enqueue_indirect_dma source(%dma_start3A_134 : memref<10000x128xf32, #tpu.memory_space<hbm>>) target(%arg10 : memref<50x128xf32, #tpu.memory_space<vmem>>) offsets(%dma_start3A_131 : memref<50xi32, #tpu.memory_space<vmem>>) semaphore(%arg15 : memref<!tpu.dma_semaphore, #tpu.memory_space<semaphore_mem>>)
    %dma_start3A_135 = arith.constant 1 : i32
    %dma_start3A_136 = arith.constant 0 : i32
    %dma_start3A_137 = tpu.memref_slice %arg8[%dma_start3A_135, %dma_start3A_136] : memref<40x50xi32, #tpu.memory_space<vmem>> -> memref<1x50xi32, #tpu.memory_space<vmem>>
    %dma_start3A_138 = tpu.memref_squeeze %dma_start3A_137 : memref<1x50xi32, #tpu.memory_space<vmem>> -> memref<50xi32, #tpu.memory_space<vmem>>
    %dma_start3A_139 = arith.constant 0 : i32
    %dma_start3A_140 = arith.constant 0 : i32
    %dma_start3A_141 = tpu.memref_slice %arg2[%dma_start3A_139, %dma_start3A_140] : memref<10000x128xf32, #tpu.memory_space<hbm>> -> memref<10000x128xf32, #tpu.memory_space<hbm>>
    tpu.enqueue_indirect_dma source(%dma_start3A_141 : memref<10000x128xf32, #tpu.memory_space<hbm>>) target(%arg11 : memref<50x128xf32, #tpu.memory_space<vmem>>) offsets(%dma_start3A_138 : memref<50xi32, #tpu.memory_space<vmem>>) semaphore(%arg16 : memref<!tpu.dma_semaphore, #tpu.memory_space<semaphore_mem>>)
    %dma_start3A_142 = arith.constant 2 : i32
    %dma_start3A_143 = arith.constant 0 : i32
    %dma_start3A_144 = tpu.memref_slice %arg8[%dma_start3A_142, %dma_start3A_143] : memref<40x50xi32, #tpu.memory_space<vmem>> -> memref<1x50xi32, #tpu.memory_space<vmem>>
    %dma_start3A_145 = tpu.memref_squeeze %dma_start3A_144 : memref<1x50xi32, #tpu.memory_space<vmem>> -> memref<50xi32, #tpu.memory_space<vmem>>
    %dma_start3A_146 = arith.constant 0 : i32
    %dma_start3A_147 = arith.constant 0 : i32
    %dma_start3A_148 = tpu.memref_slice %arg2[%dma_start3A_146, %dma_start3A_147] : memref<10000x128xf32, #tpu.memory_space<hbm>> -> memref<10000x128xf32, #tpu.memory_space<hbm>>
    tpu.enqueue_indirect_dma source(%dma_start3A_148 : memref<10000x128xf32, #tpu.memory_space<hbm>>) target(%arg12 : memref<50x128xf32, #tpu.memory_space<vmem>>) offsets(%dma_start3A_145 : memref<50xi32, #tpu.memory_space<vmem>>) semaphore(%arg17 : memref<!tpu.dma_semaphore, #tpu.memory_space<semaphore_mem>>)
    %dma_start3A_149 = arith.constant 3 : i32
    %dma_start3A_150 = arith.constant 0 : i32
    %dma_start3A_151 = tpu.memref_slice %arg8[%dma_start3A_149, %dma_start3A_150] : memref<40x50xi32, #tpu.memory_space<vmem>> -> memref<1x50xi32, #tpu.memory_space<vmem>>
    %dma_start3A_152 = tpu.memref_squeeze %dma_start3A_151 : memref<1x50xi32, #tpu.memory_space<vmem>> -> memref<50xi32, #tpu.memory_space<vmem>>
    %dma_start3A_153 = arith.constant 0 : i32
    %dma_start3A_154 = arith.constant 0 : i32
    %dma_start3A_155 = tpu.memref_slice %arg2[%dma_start3A_153, %dma_start3A_154] : memref<10000x128xf32, #tpu.memory_space<hbm>> -> memref<10000x128xf32, #tpu.memory_space<hbm>>
    tpu.enqueue_indirect_dma source(%dma_start3A_155 : memref<10000x128xf32, #tpu.memory_space<hbm>>) target(%arg13 : memref<50x128xf32, #tpu.memory_space<vmem>>) offsets(%dma_start3A_152 : memref<50xi32, #tpu.memory_space<vmem>>) semaphore(%arg18 : memref<!tpu.dma_semaphore, #tpu.memory_space<semaphore_mem>>)
    %scan3A_156 = arith.constant 0 : i32
    %scan3A_157 = arith.constant 0 : i32
    %scan3A_158 = arith.constant 10 : i32
    %scan3A_159 = arith.addi %scan3A_157, %scan3A_158 : i32
    %scan3A_160 = arith.constant 1 : i32
    %scan3A_161 = scf.for %scan3A_205 = %scan3A_157 to %scan3A_159 step %scan3A_160 iter_args(%scan3A_206 = %scan3A_156) -> (i32)  : i32 {
      %mul3A_207 = arith.constant 4 : i32
      %mul3A_208 = arith.muli %scan3A_205, %mul3A_207 : i32
      %add3A_209 = arith.constant 0 : i32
      %add3A_210 = arith.addi %mul3A_208, %add3A_209 : i32
      %dma_wait3A = arith.constant 0 : i32
      %dma_wait3A_211 = tpu.memref_slice %arg8[%add3A_210, %dma_wait3A] : memref<40x50xi32, #tpu.memory_space<vmem>> -> memref<1x50xi32, #tpu.memory_space<vmem>>
      %dma_wait3A_212 = tpu.memref_squeeze %dma_wait3A_211 : memref<1x50xi32, #tpu.memory_space<vmem>> -> memref<50xi32, #tpu.memory_space<vmem>>
      %dma_wait3A_213 = arith.constant 0 : i32
      %dma_wait3A_214 = arith.constant 0 : i32
      %dma_wait3A_215 = tpu.memref_slice %arg2[%dma_wait3A_213, %dma_wait3A_214] : memref<10000x128xf32, #tpu.memory_space<hbm>> -> memref<10000x128xf32, #tpu.memory_space<hbm>>
      tpu.wait_indirect_dma semaphore(%arg15 : memref<!tpu.dma_semaphore, #tpu.memory_space<semaphore_mem>>) src(%dma_wait3A_215 : memref<10000x128xf32, #tpu.memory_space<hbm>>) dst(%arg10 : memref<50x128xf32, #tpu.memory_space<vmem>>)
      %add3A_216 = arith.constant 0 : i32
      %add3A_217 = arith.addi %mul3A_208, %add3A_216 : i32
      %dma_start3A_218 = arith.constant 0 : i32
      %dma_start3A_219 = tpu.memref_slice %arg9[%add3A_217, %dma_start3A_218] : memref<40x50xi32, #tpu.memory_space<vmem>> -> memref<1x50xi32, #tpu.memory_space<vmem>>
      %dma_start3A_220 = tpu.memref_squeeze %dma_start3A_219 : memref<1x50xi32, #tpu.memory_space<vmem>> -> memref<50xi32, #tpu.memory_space<vmem>>
      %dma_start3A_221 = arith.constant 0 : i32
      %dma_start3A_222 = arith.constant 0 : i32
      %dma_start3A_223 = tpu.memref_slice %arg14[%dma_start3A_221, %dma_start3A_222] : memref<10000x128xf32, #tpu.memory_space<vmem_shared>> -> memref<10000x128xf32, #tpu.memory_space<vmem_shared>>
      tpu.enqueue_indirect_dma source(%arg10 : memref<50x128xf32, #tpu.memory_space<vmem>>) target(%dma_start3A_223 : memref<10000x128xf32, #tpu.memory_space<vmem_shared>>) offsets(%dma_start3A_220 : memref<50xi32, #tpu.memory_space<vmem>>) semaphore(%arg19 : memref<!tpu.dma_semaphore, #tpu.memory_space<semaphore_mem>>) {add = true}
      %add3A_224 = arith.constant 1 : i32
      %add3A_225 = arith.addi %mul3A_208, %add3A_224 : i32
      %dma_wait3A_226 = arith.constant 0 : i32
      %dma_wait3A_227 = tpu.memref_slice %arg8[%add3A_225, %dma_wait3A_226] : memref<40x50xi32, #tpu.memory_space<vmem>> -> memref<1x50xi32, #tpu.memory_space<vmem>>
      %dma_wait3A_228 = tpu.memref_squeeze %dma_wait3A_227 : memref<1x50xi32, #tpu.memory_space<vmem>> -> memref<50xi32, #tpu.memory_space<vmem>>
      %dma_wait3A_229 = arith.constant 0 : i32
      %dma_wait3A_230 = arith.constant 0 : i32
      %dma_wait3A_231 = tpu.memref_slice %arg2[%dma_wait3A_229, %dma_wait3A_230] : memref<10000x128xf32, #tpu.memory_space<hbm>> -> memref<10000x128xf32, #tpu.memory_space<hbm>>
      tpu.wait_indirect_dma semaphore(%arg16 : memref<!tpu.dma_semaphore, #tpu.memory_space<semaphore_mem>>) src(%dma_wait3A_231 : memref<10000x128xf32, #tpu.memory_space<hbm>>) dst(%arg11 : memref<50x128xf32, #tpu.memory_space<vmem>>)
      %add3A_232 = arith.constant 1 : i32
      %add3A_233 = arith.addi %mul3A_208, %add3A_232 : i32
      %dma_start3A_234 = arith.constant 0 : i32
      %dma_start3A_235 = tpu.memref_slice %arg9[%add3A_233, %dma_start3A_234] : memref<40x50xi32, #tpu.memory_space<vmem>> -> memref<1x50xi32, #tpu.memory_space<vmem>>
      %dma_start3A_236 = tpu.memref_squeeze %dma_start3A_235 : memref<1x50xi32, #tpu.memory_space<vmem>> -> memref<50xi32, #tpu.memory_space<vmem>>
      %dma_start3A_237 = arith.constant 0 : i32
      %dma_start3A_238 = arith.constant 0 : i32
      %dma_start3A_239 = tpu.memref_slice %arg14[%dma_start3A_237, %dma_start3A_238] : memref<10000x128xf32, #tpu.memory_space<vmem_shared>> -> memref<10000x128xf32, #tpu.memory_space<vmem_shared>>
      tpu.enqueue_indirect_dma source(%arg11 : memref<50x128xf32, #tpu.memory_space<vmem>>) target(%dma_start3A_239 : memref<10000x128xf32, #tpu.memory_space<vmem_shared>>) offsets(%dma_start3A_236 : memref<50xi32, #tpu.memory_space<vmem>>) semaphore(%arg20 : memref<!tpu.dma_semaphore, #tpu.memory_space<semaphore_mem>>) {add = true}
      %add3A_240 = arith.constant 2 : i32
      %add3A_241 = arith.addi %mul3A_208, %add3A_240 : i32
      %dma_wait3A_242 = arith.constant 0 : i32
      %dma_wait3A_243 = tpu.memref_slice %arg8[%add3A_241, %dma_wait3A_242] : memref<40x50xi32, #tpu.memory_space<vmem>> -> memref<1x50xi32, #tpu.memory_space<vmem>>
      %dma_wait3A_244 = tpu.memref_squeeze %dma_wait3A_243 : memref<1x50xi32, #tpu.memory_space<vmem>> -> memref<50xi32, #tpu.memory_space<vmem>>
      %dma_wait3A_245 = arith.constant 0 : i32
      %dma_wait3A_246 = arith.constant 0 : i32
      %dma_wait3A_247 = tpu.memref_slice %arg2[%dma_wait3A_245, %dma_wait3A_246] : memref<10000x128xf32, #tpu.memory_space<hbm>> -> memref<10000x128xf32, #tpu.memory_space<hbm>>
      tpu.wait_indirect_dma semaphore(%arg17 : memref<!tpu.dma_semaphore, #tpu.memory_space<semaphore_mem>>) src(%dma_wait3A_247 : memref<10000x128xf32, #tpu.memory_space<hbm>>) dst(%arg12 : memref<50x128xf32, #tpu.memory_space<vmem>>)
      %add3A_248 = arith.constant 2 : i32
      %add3A_249 = arith.addi %mul3A_208, %add3A_248 : i32
      %dma_start3A_250 = arith.constant 0 : i32
      %dma_start3A_251 = tpu.memref_slice %arg9[%add3A_249, %dma_start3A_250] : memref<40x50xi32, #tpu.memory_space<vmem>> -> memref<1x50xi32, #tpu.memory_space<vmem>>
      %dma_start3A_252 = tpu.memref_squeeze %dma_start3A_251 : memref<1x50xi32, #tpu.memory_space<vmem>> -> memref<50xi32, #tpu.memory_space<vmem>>
      %dma_start3A_253 = arith.constant 0 : i32
      %dma_start3A_254 = arith.constant 0 : i32
      %dma_start3A_255 = tpu.memref_slice %arg14[%dma_start3A_253, %dma_start3A_254] : memref<10000x128xf32, #tpu.memory_space<vmem_shared>> -> memref<10000x128xf32, #tpu.memory_space<vmem_shared>>
      tpu.enqueue_indirect_dma source(%arg12 : memref<50x128xf32, #tpu.memory_space<vmem>>) target(%dma_start3A_255 : memref<10000x128xf32, #tpu.memory_space<vmem_shared>>) offsets(%dma_start3A_252 : memref<50xi32, #tpu.memory_space<vmem>>) semaphore(%arg21 : memref<!tpu.dma_semaphore, #tpu.memory_space<semaphore_mem>>) {add = true}
      %add3A_256 = arith.constant 3 : i32
      %add3A_257 = arith.addi %mul3A_208, %add3A_256 : i32
      %dma_wait3A_258 = arith.constant 0 : i32
      %dma_wait3A_259 = tpu.memref_slice %arg8[%add3A_257, %dma_wait3A_258] : memref<40x50xi32, #tpu.memory_space<vmem>> -> memref<1x50xi32, #tpu.memory_space<vmem>>
      %dma_wait3A_260 = tpu.memref_squeeze %dma_wait3A_259 : memref<1x50xi32, #tpu.memory_space<vmem>> -> memref<50xi32, #tpu.memory_space<vmem>>
      %dma_wait3A_261 = arith.constant 0 : i32
      %dma_wait3A_262 = arith.constant 0 : i32
      %dma_wait3A_263 = tpu.memref_slice %arg2[%dma_wait3A_261, %dma_wait3A_262] : memref<10000x128xf32, #tpu.memory_space<hbm>> -> memref<10000x128xf32, #tpu.memory_space<hbm>>
      tpu.wait_indirect_dma semaphore(%arg18 : memref<!tpu.dma_semaphore, #tpu.memory_space<semaphore_mem>>) src(%dma_wait3A_263 : memref<10000x128xf32, #tpu.memory_space<hbm>>) dst(%arg13 : memref<50x128xf32, #tpu.memory_space<vmem>>)
      %add3A_264 = arith.constant 3 : i32
      %add3A_265 = arith.addi %mul3A_208, %add3A_264 : i32
      %dma_start3A_266 = arith.constant 0 : i32
      %dma_start3A_267 = tpu.memref_slice %arg9[%add3A_265, %dma_start3A_266] : memref<40x50xi32, #tpu.memory_space<vmem>> -> memref<1x50xi32, #tpu.memory_space<vmem>>
      %dma_start3A_268 = tpu.memref_squeeze %dma_start3A_267 : memref<1x50xi32, #tpu.memory_space<vmem>> -> memref<50xi32, #tpu.memory_space<vmem>>
      %dma_start3A_269 = arith.constant 0 : i32
      %dma_start3A_270 = arith.constant 0 : i32
      %dma_start3A_271 = tpu.memref_slice %arg14[%dma_start3A_269, %dma_start3A_270] : memref<10000x128xf32, #tpu.memory_space<vmem_shared>> -> memref<10000x128xf32, #tpu.memory_space<vmem_shared>>
      tpu.enqueue_indirect_dma source(%arg13 : memref<50x128xf32, #tpu.memory_space<vmem>>) target(%dma_start3A_271 : memref<10000x128xf32, #tpu.memory_space<vmem_shared>>) offsets(%dma_start3A_268 : memref<50xi32, #tpu.memory_space<vmem>>) semaphore(%arg22 : memref<!tpu.dma_semaphore, #tpu.memory_space<semaphore_mem>>) {add = true}
      %add3A_272 = arith.constant 0 : i32
      %add3A_273 = arith.addi %mul3A_208, %add3A_272 : i32
      %dma_wait3A_274 = arith.constant 0 : i32
      %dma_wait3A_275 = tpu.memref_slice %arg9[%add3A_273, %dma_wait3A_274] : memref<40x50xi32, #tpu.memory_space<vmem>> -> memref<1x50xi32, #tpu.memory_space<vmem>>
      %dma_wait3A_276 = tpu.memref_squeeze %dma_wait3A_275 : memref<1x50xi32, #tpu.memory_space<vmem>> -> memref<50xi32, #tpu.memory_space<vmem>>
      %dma_wait3A_277 = arith.constant 0 : i32
      %dma_wait3A_278 = arith.constant 0 : i32
      %dma_wait3A_279 = tpu.memref_slice %arg14[%dma_wait3A_277, %dma_wait3A_278] : memref<10000x128xf32, #tpu.memory_space<vmem_shared>> -> memref<10000x128xf32, #tpu.memory_space<vmem_shared>>
      tpu.wait_indirect_dma semaphore(%arg19 : memref<!tpu.dma_semaphore, #tpu.memory_space<semaphore_mem>>) src(%arg10 : memref<50x128xf32, #tpu.memory_space<vmem>>) dst(%dma_wait3A_279 : memref<10000x128xf32, #tpu.memory_space<vmem_shared>>)
      %lt3A = arith.constant 9 : i32
      %lt3A_280 = arith.cmpi slt, %scan3A_205, %lt3A : i32
      %convert_element_type3A_281 = arith.extui %lt3A_280 : i1 to i32
      %cond3A_282 = arith.constant 0 : i32
      %cond3A_283 = arith.cmpi ne, %convert_element_type3A_281, %cond3A_282 : i32
      scf.if %cond3A_283 {
        %add3A_324 = arith.constant 4 : i32
        %add3A_325 = arith.addi %mul3A_208, %add3A_324 : i32
        %add3A_326 = arith.constant 0 : i32
        %add3A_327 = arith.addi %add3A_325, %add3A_326 : i32
        %dma_start3A_328 = arith.constant 0 : i32
        %dma_start3A_329 = tpu.memref_slice %arg8[%add3A_327, %dma_start3A_328] : memref<40x50xi32, #tpu.memory_space<vmem>> -> memref<1x50xi32, #tpu.memory_space<vmem>>
        %dma_start3A_330 = tpu.memref_squeeze %dma_start3A_329 : memref<1x50xi32, #tpu.memory_space<vmem>> -> memref<50xi32, #tpu.memory_space<vmem>>
        %dma_start3A_331 = arith.constant 0 : i32
        %dma_start3A_332 = arith.constant 0 : i32
        %dma_start3A_333 = tpu.memref_slice %arg2[%dma_start3A_331, %dma_start3A_332] : memref<10000x128xf32, #tpu.memory_space<hbm>> -> memref<10000x128xf32, #tpu.memory_space<hbm>>
        tpu.enqueue_indirect_dma source(%dma_start3A_333 : memref<10000x128xf32, #tpu.memory_space<hbm>>) target(%arg10 : memref<50x128xf32, #tpu.memory_space<vmem>>) offsets(%dma_start3A_330 : memref<50xi32, #tpu.memory_space<vmem>>) semaphore(%arg15 : memref<!tpu.dma_semaphore, #tpu.memory_space<semaphore_mem>>)
      } else {
      }
      %add3A_284 = arith.constant 1 : i32
      %add3A_285 = arith.addi %mul3A_208, %add3A_284 : i32
      %dma_wait3A_286 = arith.constant 0 : i32
      %dma_wait3A_287 = tpu.memref_slice %arg9[%add3A_285, %dma_wait3A_286] : memref<40x50xi32, #tpu.memory_space<vmem>> -> memref<1x50xi32, #tpu.memory_space<vmem>>
      %dma_wait3A_288 = tpu.memref_squeeze %dma_wait3A_287 : memref<1x50xi32, #tpu.memory_space<vmem>> -> memref<50xi32, #tpu.memory_space<vmem>>
      %dma_wait3A_289 = arith.constant 0 : i32
      %dma_wait3A_290 = arith.constant 0 : i32
      %dma_wait3A_291 = tpu.memref_slice %arg14[%dma_wait3A_289, %dma_wait3A_290] : memref<10000x128xf32, #tpu.memory_space<vmem_shared>> -> memref<10000x128xf32, #tpu.memory_space<vmem_shared>>
      tpu.wait_indirect_dma semaphore(%arg20 : memref<!tpu.dma_semaphore, #tpu.memory_space<semaphore_mem>>) src(%arg11 : memref<50x128xf32, #tpu.memory_space<vmem>>) dst(%dma_wait3A_291 : memref<10000x128xf32, #tpu.memory_space<vmem_shared>>)
      %lt3A_292 = arith.constant 9 : i32
      %lt3A_293 = arith.cmpi slt, %scan3A_205, %lt3A_292 : i32
      %convert_element_type3A_294 = arith.extui %lt3A_293 : i1 to i32
      %cond3A_295 = arith.constant 0 : i32
      %cond3A_296 = arith.cmpi ne, %convert_element_type3A_294, %cond3A_295 : i32
      scf.if %cond3A_296 {
        %add3A_324 = arith.constant 4 : i32
        %add3A_325 = arith.addi %mul3A_208, %add3A_324 : i32
        %add3A_326 = arith.constant 1 : i32
        %add3A_327 = arith.addi %add3A_325, %add3A_326 : i32
        %dma_start3A_328 = arith.constant 0 : i32
        %dma_start3A_329 = tpu.memref_slice %arg8[%add3A_327, %dma_start3A_328] : memref<40x50xi32, #tpu.memory_space<vmem>> -> memref<1x50xi32, #tpu.memory_space<vmem>>
        %dma_start3A_330 = tpu.memref_squeeze %dma_start3A_329 : memref<1x50xi32, #tpu.memory_space<vmem>> -> memref<50xi32, #tpu.memory_space<vmem>>
        %dma_start3A_331 = arith.constant 0 : i32
        %dma_start3A_332 = arith.constant 0 : i32
        %dma_start3A_333 = tpu.memref_slice %arg2[%dma_start3A_331, %dma_start3A_332] : memref<10000x128xf32, #tpu.memory_space<hbm>> -> memref<10000x128xf32, #tpu.memory_space<hbm>>
        tpu.enqueue_indirect_dma source(%dma_start3A_333 : memref<10000x128xf32, #tpu.memory_space<hbm>>) target(%arg11 : memref<50x128xf32, #tpu.memory_space<vmem>>) offsets(%dma_start3A_330 : memref<50xi32, #tpu.memory_space<vmem>>) semaphore(%arg16 : memref<!tpu.dma_semaphore, #tpu.memory_space<semaphore_mem>>)
      } else {
      }
      %add3A_297 = arith.constant 2 : i32
      %add3A_298 = arith.addi %mul3A_208, %add3A_297 : i32
      %dma_wait3A_299 = arith.constant 0 : i32
      %dma_wait3A_300 = tpu.memref_slice %arg9[%add3A_298, %dma_wait3A_299] : memref<40x50xi32, #tpu.memory_space<vmem>> -> memref<1x50xi32, #tpu.memory_space<vmem>>
      %dma_wait3A_301 = tpu.memref_squeeze %dma_wait3A_300 : memref<1x50xi32, #tpu.memory_space<vmem>> -> memref<50xi32, #tpu.memory_space<vmem>>
      %dma_wait3A_302 = arith.constant 0 : i32
      %dma_wait3A_303 = arith.constant 0 : i32
      %dma_wait3A_304 = tpu.memref_slice %arg14[%dma_wait3A_302, %dma_wait3A_303] : memref<10000x128xf32, #tpu.memory_space<vmem_shared>> -> memref<10000x128xf32, #tpu.memory_space<vmem_shared>>
      tpu.wait_indirect_dma semaphore(%arg21 : memref<!tpu.dma_semaphore, #tpu.memory_space<semaphore_mem>>) src(%arg12 : memref<50x128xf32, #tpu.memory_space<vmem>>) dst(%dma_wait3A_304 : memref<10000x128xf32, #tpu.memory_space<vmem_shared>>)
      %lt3A_305 = arith.constant 9 : i32
      %lt3A_306 = arith.cmpi slt, %scan3A_205, %lt3A_305 : i32
      %convert_element_type3A_307 = arith.extui %lt3A_306 : i1 to i32
      %cond3A_308 = arith.constant 0 : i32
      %cond3A_309 = arith.cmpi ne, %convert_element_type3A_307, %cond3A_308 : i32
      scf.if %cond3A_309 {
        %add3A_324 = arith.constant 4 : i32
        %add3A_325 = arith.addi %mul3A_208, %add3A_324 : i32
        %add3A_326 = arith.constant 2 : i32
        %add3A_327 = arith.addi %add3A_325, %add3A_326 : i32
        %dma_start3A_328 = arith.constant 0 : i32
        %dma_start3A_329 = tpu.memref_slice %arg8[%add3A_327, %dma_start3A_328] : memref<40x50xi32, #tpu.memory_space<vmem>> -> memref<1x50xi32, #tpu.memory_space<vmem>>
        %dma_start3A_330 = tpu.memref_squeeze %dma_start3A_329 : memref<1x50xi32, #tpu.memory_space<vmem>> -> memref<50xi32, #tpu.memory_space<vmem>>
        %dma_start3A_331 = arith.constant 0 : i32
        %dma_start3A_332 = arith.constant 0 : i32
        %dma_start3A_333 = tpu.memref_slice %arg2[%dma_start3A_331, %dma_start3A_332] : memref<10000x128xf32, #tpu.memory_space<hbm>> -> memref<10000x128xf32, #tpu.memory_space<hbm>>
        tpu.enqueue_indirect_dma source(%dma_start3A_333 : memref<10000x128xf32, #tpu.memory_space<hbm>>) target(%arg12 : memref<50x128xf32, #tpu.memory_space<vmem>>) offsets(%dma_start3A_330 : memref<50xi32, #tpu.memory_space<vmem>>) semaphore(%arg17 : memref<!tpu.dma_semaphore, #tpu.memory_space<semaphore_mem>>)
      } else {
      }
      %add3A_310 = arith.constant 3 : i32
      %add3A_311 = arith.addi %mul3A_208, %add3A_310 : i32
      %dma_wait3A_312 = arith.constant 0 : i32
      %dma_wait3A_313 = tpu.memref_slice %arg9[%add3A_311, %dma_wait3A_312] : memref<40x50xi32, #tpu.memory_space<vmem>> -> memref<1x50xi32, #tpu.memory_space<vmem>>
      %dma_wait3A_314 = tpu.memref_squeeze %dma_wait3A_313 : memref<1x50xi32, #tpu.memory_space<vmem>> -> memref<50xi32, #tpu.memory_space<vmem>>
      %dma_wait3A_315 = arith.constant 0 : i32
      %dma_wait3A_316 = arith.constant 0 : i32
      %dma_wait3A_317 = tpu.memref_slice %arg14[%dma_wait3A_315, %dma_wait3A_316] : memref<10000x128xf32, #tpu.memory_space<vmem_shared>> -> memref<10000x128xf32, #tpu.memory_space<vmem_shared>>
      tpu.wait_indirect_dma semaphore(%arg22 : memref<!tpu.dma_semaphore, #tpu.memory_space<semaphore_mem>>) src(%arg13 : memref<50x128xf32, #tpu.memory_space<vmem>>) dst(%dma_wait3A_317 : memref<10000x128xf32, #tpu.memory_space<vmem_shared>>)
      %lt3A_318 = arith.constant 9 : i32
      %lt3A_319 = arith.cmpi slt, %scan3A_205, %lt3A_318 : i32
      %convert_element_type3A_320 = arith.extui %lt3A_319 : i1 to i32
      %cond3A_321 = arith.constant 0 : i32
      %cond3A_322 = arith.cmpi ne, %convert_element_type3A_320, %cond3A_321 : i32
      scf.if %cond3A_322 {
        %add3A_324 = arith.constant 4 : i32
        %add3A_325 = arith.addi %mul3A_208, %add3A_324 : i32
        %add3A_326 = arith.constant 3 : i32
        %add3A_327 = arith.addi %add3A_325, %add3A_326 : i32
        %dma_start3A_328 = arith.constant 0 : i32
        %dma_start3A_329 = tpu.memref_slice %arg8[%add3A_327, %dma_start3A_328] : memref<40x50xi32, #tpu.memory_space<vmem>> -> memref<1x50xi32, #tpu.memory_space<vmem>>
        %dma_start3A_330 = tpu.memref_squeeze %dma_start3A_329 : memref<1x50xi32, #tpu.memory_space<vmem>> -> memref<50xi32, #tpu.memory_space<vmem>>
        %dma_start3A_331 = arith.constant 0 : i32
        %dma_start3A_332 = arith.constant 0 : i32
        %dma_start3A_333 = tpu.memref_slice %arg2[%dma_start3A_331, %dma_start3A_332] : memref<10000x128xf32, #tpu.memory_space<hbm>> -> memref<10000x128xf32, #tpu.memory_space<hbm>>
        tpu.enqueue_indirect_dma source(%dma_start3A_333 : memref<10000x128xf32, #tpu.memory_space<hbm>>) target(%arg13 : memref<50x128xf32, #tpu.memory_space<vmem>>) offsets(%dma_start3A_330 : memref<50xi32, #tpu.memory_space<vmem>>) semaphore(%arg18 : memref<!tpu.dma_semaphore, #tpu.memory_space<semaphore_mem>>)
      } else {
      }
      %scan3A_323 = arith.constant 0 : i32
      scf.yield %scan3A_323 : i32
    }
    %scan3A_162 = arith.constant 10 : i32
    %add3A_163 = arith.constant 160 : i32
    %add3A_164 = arith.addi %mul3A_2, %add3A_163 : i32
    "tpu.region"() ({
      %run_scoped3A = tpu.sem_alloc : memref<!tpu.dma_semaphore, #tpu.memory_space<semaphore_mem>>
      %dma_start3A_205 = arith.constant 0 : i32
      %dma_start3A_206 = tpu.memref_slice %arg4[%add3A_164, %dma_start3A_205] : memref<6400x50xi32, #tpu.memory_space<hbm>> -> memref<40x50xi32, #tpu.memory_space<hbm>>
      %dma_start3A_207 = arith.constant 0 : i32
      %dma_start3A_208 = tpu.memref_slice %arg4[%add3A_164, %dma_start3A_207] : memref<6400x50xi32, #tpu.memory_space<hbm>> -> memref<40x50xi32, #tpu.memory_space<hbm>>
      tpu.enqueue_dma source(%dma_start3A_208 : memref<40x50xi32, #tpu.memory_space<hbm>>) target(%arg8 : memref<40x50xi32, #tpu.memory_space<vmem>>) target_semaphore(%run_scoped3A : memref<!tpu.dma_semaphore, #tpu.memory_space<semaphore_mem>>)
      %dma_wait3A = arith.constant 0 : i32
      %dma_wait3A_209 = tpu.memref_slice %arg4[%add3A_164, %dma_wait3A] : memref<6400x50xi32, #tpu.memory_space<hbm>> -> memref<40x50xi32, #tpu.memory_space<hbm>>
      %dma_wait3A_210 = arith.constant 0 : i32
      %dma_wait3A_211 = tpu.memref_slice %arg4[%add3A_164, %dma_wait3A_210] : memref<6400x50xi32, #tpu.memory_space<hbm>> -> memref<40x50xi32, #tpu.memory_space<hbm>>
      tpu.wait_dma2 semaphore(%run_scoped3A : memref<!tpu.dma_semaphore, #tpu.memory_space<semaphore_mem>>) src(%dma_wait3A_211 : memref<40x50xi32, #tpu.memory_space<hbm>>) dst(%arg8 : memref<40x50xi32, #tpu.memory_space<vmem>>)
      tpu.yield
    }) : () -> ()
    %add3A_165 = arith.constant 160 : i32
    %add3A_166 = arith.addi %mul3A_2, %add3A_165 : i32
    "tpu.region"() ({
      %run_scoped3A = tpu.sem_alloc : memref<!tpu.dma_semaphore, #tpu.memory_space<semaphore_mem>>
      %dma_start3A_205 = arith.constant 0 : i32
      %dma_start3A_206 = tpu.memref_slice %arg5[%add3A_166, %dma_start3A_205] : memref<6400x50xi32, #tpu.memory_space<hbm>> -> memref<40x50xi32, #tpu.memory_space<hbm>>
      %dma_start3A_207 = arith.constant 0 : i32
      %dma_start3A_208 = tpu.memref_slice %arg5[%add3A_166, %dma_start3A_207] : memref<6400x50xi32, #tpu.memory_space<hbm>> -> memref<40x50xi32, #tpu.memory_space<hbm>>
      tpu.enqueue_dma source(%dma_start3A_208 : memref<40x50xi32, #tpu.memory_space<hbm>>) target(%arg9 : memref<40x50xi32, #tpu.memory_space<vmem>>) target_semaphore(%run_scoped3A : memref<!tpu.dma_semaphore, #tpu.memory_space<semaphore_mem>>)
      %dma_wait3A = arith.constant 0 : i32
      %dma_wait3A_209 = tpu.memref_slice %arg5[%add3A_166, %dma_wait3A] : memref<6400x50xi32, #tpu.memory_space<hbm>> -> memref<40x50xi32, #tpu.memory_space<hbm>>
      %dma_wait3A_210 = arith.constant 0 : i32
      %dma_wait3A_211 = tpu.memref_slice %arg5[%add3A_166, %dma_wait3A_210] : memref<6400x50xi32, #tpu.memory_space<hbm>> -> memref<40x50xi32, #tpu.memory_space<hbm>>
      tpu.wait_dma2 semaphore(%run_scoped3A : memref<!tpu.dma_semaphore, #tpu.memory_space<semaphore_mem>>) src(%dma_wait3A_211 : memref<40x50xi32, #tpu.memory_space<hbm>>) dst(%arg9 : memref<40x50xi32, #tpu.memory_space<vmem>>)
      tpu.yield
    }) : () -> ()
    %dma_start3A_167 = arith.constant 0 : i32
    %dma_start3A_168 = arith.constant 0 : i32
    %dma_start3A_169 = tpu.memref_slice %arg8[%dma_start3A_167, %dma_start3A_168] : memref<40x50xi32, #tpu.memory_space<vmem>> -> memref<1x50xi32, #tpu.memory_space<vmem>>
    %dma_start3A_170 = tpu.memref_squeeze %dma_start3A_169 : memref<1x50xi32, #tpu.memory_space<vmem>> -> memref<50xi32, #tpu.memory_space<vmem>>
    %dma_start3A_171 = arith.constant 0 : i32
    %dma_start3A_172 = arith.constant 0 : i32
    %dma_start3A_173 = tpu.memref_slice %arg2[%dma_start3A_171, %dma_start3A_172] : memref<10000x128xf32, #tpu.memory_space<hbm>> -> memref<10000x128xf32, #tpu.memory_space<hbm>>
    tpu.enqueue_indirect_dma source(%dma_start3A_173 : memref<10000x128xf32, #tpu.memory_space<hbm>>) target(%arg10 : memref<50x128xf32, #tpu.memory_space<vmem>>) offsets(%dma_start3A_170 : memref<50xi32, #tpu.memory_space<vmem>>) semaphore(%arg15 : memref<!tpu.dma_semaphore, #tpu.memory_space<semaphore_mem>>)
    %dma_start3A_174 = arith.constant 1 : i32
    %dma_start3A_175 = arith.constant 0 : i32
    %dma_start3A_176 = tpu.memref_slice %arg8[%dma_start3A_174, %dma_start3A_175] : memref<40x50xi32, #tpu.memory_space<vmem>> -> memref<1x50xi32, #tpu.memory_space<vmem>>
    %dma_start3A_177 = tpu.memref_squeeze %dma_start3A_176 : memref<1x50xi32, #tpu.memory_space<vmem>> -> memref<50xi32, #tpu.memory_space<vmem>>
    %dma_start3A_178 = arith.constant 0 : i32
    %dma_start3A_179 = arith.constant 0 : i32
    %dma_start3A_180 = tpu.memref_slice %arg2[%dma_start3A_178, %dma_start3A_179] : memref<10000x128xf32, #tpu.memory_space<hbm>> -> memref<10000x128xf32, #tpu.memory_space<hbm>>
    tpu.enqueue_indirect_dma source(%dma_start3A_180 : memref<10000x128xf32, #tpu.memory_space<hbm>>) target(%arg11 : memref<50x128xf32, #tpu.memory_space<vmem>>) offsets(%dma_start3A_177 : memref<50xi32, #tpu.memory_space<vmem>>) semaphore(%arg16 : memref<!tpu.dma_semaphore, #tpu.memory_space<semaphore_mem>>)
    %dma_start3A_181 = arith.constant 2 : i32
    %dma_start3A_182 = arith.constant 0 : i32
    %dma_start3A_183 = tpu.memref_slice %arg8[%dma_start3A_181, %dma_start3A_182] : memref<40x50xi32, #tpu.memory_space<vmem>> -> memref<1x50xi32, #tpu.memory_space<vmem>>
    %dma_start3A_184 = tpu.memref_squeeze %dma_start3A_183 : memref<1x50xi32, #tpu.memory_space<vmem>> -> memref<50xi32, #tpu.memory_space<vmem>>
    %dma_start3A_185 = arith.constant 0 : i32
    %dma_start3A_186 = arith.constant 0 : i32
    %dma_start3A_187 = tpu.memref_slice %arg2[%dma_start3A_185, %dma_start3A_186] : memref<10000x128xf32, #tpu.memory_space<hbm>> -> memref<10000x128xf32, #tpu.memory_space<hbm>>
    tpu.enqueue_indirect_dma source(%dma_start3A_187 : memref<10000x128xf32, #tpu.memory_space<hbm>>) target(%arg12 : memref<50x128xf32, #tpu.memory_space<vmem>>) offsets(%dma_start3A_184 : memref<50xi32, #tpu.memory_space<vmem>>) semaphore(%arg17 : memref<!tpu.dma_semaphore, #tpu.memory_space<semaphore_mem>>)
    %dma_start3A_188 = arith.constant 3 : i32
    %dma_start3A_189 = arith.constant 0 : i32
    %dma_start3A_190 = tpu.memref_slice %arg8[%dma_start3A_188, %dma_start3A_189] : memref<40x50xi32, #tpu.memory_space<vmem>> -> memref<1x50xi32, #tpu.memory_space<vmem>>
    %dma_start3A_191 = tpu.memref_squeeze %dma_start3A_190 : memref<1x50xi32, #tpu.memory_space<vmem>> -> memref<50xi32, #tpu.memory_space<vmem>>
    %dma_start3A_192 = arith.constant 0 : i32
    %dma_start3A_193 = arith.constant 0 : i32
    %dma_start3A_194 = tpu.memref_slice %arg2[%dma_start3A_192, %dma_start3A_193] : memref<10000x128xf32, #tpu.memory_space<hbm>> -> memref<10000x128xf32, #tpu.memory_space<hbm>>
    tpu.enqueue_indirect_dma source(%dma_start3A_194 : memref<10000x128xf32, #tpu.memory_space<hbm>>) target(%arg13 : memref<50x128xf32, #tpu.memory_space<vmem>>) offsets(%dma_start3A_191 : memref<50xi32, #tpu.memory_space<vmem>>) semaphore(%arg18 : memref<!tpu.dma_semaphore, #tpu.memory_space<semaphore_mem>>)
    %scan3A_195 = arith.constant 0 : i32
    %scan3A_196 = arith.constant 0 : i32
    %scan3A_197 = arith.constant 10 : i32
    %scan3A_198 = arith.addi %scan3A_196, %scan3A_197 : i32
    %scan3A_199 = arith.constant 1 : i32
    %scan3A_200 = scf.for %scan3A_205 = %scan3A_196 to %scan3A_198 step %scan3A_199 iter_args(%scan3A_206 = %scan3A_195) -> (i32)  : i32 {
      %mul3A_207 = arith.constant 4 : i32
      %mul3A_208 = arith.muli %scan3A_205, %mul3A_207 : i32
      %add3A_209 = arith.constant 0 : i32
      %add3A_210 = arith.addi %mul3A_208, %add3A_209 : i32
      %dma_wait3A = arith.constant 0 : i32
      %dma_wait3A_211 = tpu.memref_slice %arg8[%add3A_210, %dma_wait3A] : memref<40x50xi32, #tpu.memory_space<vmem>> -> memref<1x50xi32, #tpu.memory_space<vmem>>
      %dma_wait3A_212 = tpu.memref_squeeze %dma_wait3A_211 : memref<1x50xi32, #tpu.memory_space<vmem>> -> memref<50xi32, #tpu.memory_space<vmem>>
      %dma_wait3A_213 = arith.constant 0 : i32
      %dma_wait3A_214 = arith.constant 0 : i32
      %dma_wait3A_215 = tpu.memref_slice %arg2[%dma_wait3A_213, %dma_wait3A_214] : memref<10000x128xf32, #tpu.memory_space<hbm>> -> memref<10000x128xf32, #tpu.memory_space<hbm>>
      tpu.wait_indirect_dma semaphore(%arg15 : memref<!tpu.dma_semaphore, #tpu.memory_space<semaphore_mem>>) src(%dma_wait3A_215 : memref<10000x128xf32, #tpu.memory_space<hbm>>) dst(%arg10 : memref<50x128xf32, #tpu.memory_space<vmem>>)
      %add3A_216 = arith.constant 0 : i32
      %add3A_217 = arith.addi %mul3A_208, %add3A_216 : i32
      %dma_start3A_218 = arith.constant 0 : i32
      %dma_start3A_219 = tpu.memref_slice %arg9[%add3A_217, %dma_start3A_218] : memref<40x50xi32, #tpu.memory_space<vmem>> -> memref<1x50xi32, #tpu.memory_space<vmem>>
      %dma_start3A_220 = tpu.memref_squeeze %dma_start3A_219 : memref<1x50xi32, #tpu.memory_space<vmem>> -> memref<50xi32, #tpu.memory_space<vmem>>
      %dma_start3A_221 = arith.constant 0 : i32
      %dma_start3A_222 = arith.constant 0 : i32
      %dma_start3A_223 = tpu.memref_slice %arg14[%dma_start3A_221, %dma_start3A_222] : memref<10000x128xf32, #tpu.memory_space<vmem_shared>> -> memref<10000x128xf32, #tpu.memory_space<vmem_shared>>
      tpu.enqueue_indirect_dma source(%arg10 : memref<50x128xf32, #tpu.memory_space<vmem>>) target(%dma_start3A_223 : memref<10000x128xf32, #tpu.memory_space<vmem_shared>>) offsets(%dma_start3A_220 : memref<50xi32, #tpu.memory_space<vmem>>) semaphore(%arg19 : memref<!tpu.dma_semaphore, #tpu.memory_space<semaphore_mem>>) {add = true}
      %add3A_224 = arith.constant 1 : i32
      %add3A_225 = arith.addi %mul3A_208, %add3A_224 : i32
      %dma_wait3A_226 = arith.constant 0 : i32
      %dma_wait3A_227 = tpu.memref_slice %arg8[%add3A_225, %dma_wait3A_226] : memref<40x50xi32, #tpu.memory_space<vmem>> -> memref<1x50xi32, #tpu.memory_space<vmem>>
      %dma_wait3A_228 = tpu.memref_squeeze %dma_wait3A_227 : memref<1x50xi32, #tpu.memory_space<vmem>> -> memref<50xi32, #tpu.memory_space<vmem>>
      %dma_wait3A_229 = arith.constant 0 : i32
      %dma_wait3A_230 = arith.constant 0 : i32
      %dma_wait3A_231 = tpu.memref_slice %arg2[%dma_wait3A_229, %dma_wait3A_230] : memref<10000x128xf32, #tpu.memory_space<hbm>> -> memref<10000x128xf32, #tpu.memory_space<hbm>>
      tpu.wait_indirect_dma semaphore(%arg16 : memref<!tpu.dma_semaphore, #tpu.memory_space<semaphore_mem>>) src(%dma_wait3A_231 : memref<10000x128xf32, #tpu.memory_space<hbm>>) dst(%arg11 : memref<50x128xf32, #tpu.memory_space<vmem>>)
      %add3A_232 = arith.constant 1 : i32
      %add3A_233 = arith.addi %mul3A_208, %add3A_232 : i32
      %dma_start3A_234 = arith.constant 0 : i32
      %dma_start3A_235 = tpu.memref_slice %arg9[%add3A_233, %dma_start3A_234] : memref<40x50xi32, #tpu.memory_space<vmem>> -> memref<1x50xi32, #tpu.memory_space<vmem>>
      %dma_start3A_236 = tpu.memref_squeeze %dma_start3A_235 : memref<1x50xi32, #tpu.memory_space<vmem>> -> memref<50xi32, #tpu.memory_space<vmem>>
      %dma_start3A_237 = arith.constant 0 : i32
      %dma_start3A_238 = arith.constant 0 : i32
      %dma_start3A_239 = tpu.memref_slice %arg14[%dma_start3A_237, %dma_start3A_238] : memref<10000x128xf32, #tpu.memory_space<vmem_shared>> -> memref<10000x128xf32, #tpu.memory_space<vmem_shared>>
      tpu.enqueue_indirect_dma source(%arg11 : memref<50x128xf32, #tpu.memory_space<vmem>>) target(%dma_start3A_239 : memref<10000x128xf32, #tpu.memory_space<vmem_shared>>) offsets(%dma_start3A_236 : memref<50xi32, #tpu.memory_space<vmem>>) semaphore(%arg20 : memref<!tpu.dma_semaphore, #tpu.memory_space<semaphore_mem>>) {add = true}
      %add3A_240 = arith.constant 2 : i32
      %add3A_241 = arith.addi %mul3A_208, %add3A_240 : i32
      %dma_wait3A_242 = arith.constant 0 : i32
      %dma_wait3A_243 = tpu.memref_slice %arg8[%add3A_241, %dma_wait3A_242] : memref<40x50xi32, #tpu.memory_space<vmem>> -> memref<1x50xi32, #tpu.memory_space<vmem>>
      %dma_wait3A_244 = tpu.memref_squeeze %dma_wait3A_243 : memref<1x50xi32, #tpu.memory_space<vmem>> -> memref<50xi32, #tpu.memory_space<vmem>>
      %dma_wait3A_245 = arith.constant 0 : i32
      %dma_wait3A_246 = arith.constant 0 : i32
      %dma_wait3A_247 = tpu.memref_slice %arg2[%dma_wait3A_245, %dma_wait3A_246] : memref<10000x128xf32, #tpu.memory_space<hbm>> -> memref<10000x128xf32, #tpu.memory_space<hbm>>
      tpu.wait_indirect_dma semaphore(%arg17 : memref<!tpu.dma_semaphore, #tpu.memory_space<semaphore_mem>>) src(%dma_wait3A_247 : memref<10000x128xf32, #tpu.memory_space<hbm>>) dst(%arg12 : memref<50x128xf32, #tpu.memory_space<vmem>>)
      %add3A_248 = arith.constant 2 : i32
      %add3A_249 = arith.addi %mul3A_208, %add3A_248 : i32
      %dma_start3A_250 = arith.constant 0 : i32
      %dma_start3A_251 = tpu.memref_slice %arg9[%add3A_249, %dma_start3A_250] : memref<40x50xi32, #tpu.memory_space<vmem>> -> memref<1x50xi32, #tpu.memory_space<vmem>>
      %dma_start3A_252 = tpu.memref_squeeze %dma_start3A_251 : memref<1x50xi32, #tpu.memory_space<vmem>> -> memref<50xi32, #tpu.memory_space<vmem>>
      %dma_start3A_253 = arith.constant 0 : i32
      %dma_start3A_254 = arith.constant 0 : i32
      %dma_start3A_255 = tpu.memref_slice %arg14[%dma_start3A_253, %dma_start3A_254] : memref<10000x128xf32, #tpu.memory_space<vmem_shared>> -> memref<10000x128xf32, #tpu.memory_space<vmem_shared>>
      tpu.enqueue_indirect_dma source(%arg12 : memref<50x128xf32, #tpu.memory_space<vmem>>) target(%dma_start3A_255 : memref<10000x128xf32, #tpu.memory_space<vmem_shared>>) offsets(%dma_start3A_252 : memref<50xi32, #tpu.memory_space<vmem>>) semaphore(%arg21 : memref<!tpu.dma_semaphore, #tpu.memory_space<semaphore_mem>>) {add = true}
      %add3A_256 = arith.constant 3 : i32
      %add3A_257 = arith.addi %mul3A_208, %add3A_256 : i32
      %dma_wait3A_258 = arith.constant 0 : i32
      %dma_wait3A_259 = tpu.memref_slice %arg8[%add3A_257, %dma_wait3A_258] : memref<40x50xi32, #tpu.memory_space<vmem>> -> memref<1x50xi32, #tpu.memory_space<vmem>>
      %dma_wait3A_260 = tpu.memref_squeeze %dma_wait3A_259 : memref<1x50xi32, #tpu.memory_space<vmem>> -> memref<50xi32, #tpu.memory_space<vmem>>
      %dma_wait3A_261 = arith.constant 0 : i32
      %dma_wait3A_262 = arith.constant 0 : i32
      %dma_wait3A_263 = tpu.memref_slice %arg2[%dma_wait3A_261, %dma_wait3A_262] : memref<10000x128xf32, #tpu.memory_space<hbm>> -> memref<10000x128xf32, #tpu.memory_space<hbm>>
      tpu.wait_indirect_dma semaphore(%arg18 : memref<!tpu.dma_semaphore, #tpu.memory_space<semaphore_mem>>) src(%dma_wait3A_263 : memref<10000x128xf32, #tpu.memory_space<hbm>>) dst(%arg13 : memref<50x128xf32, #tpu.memory_space<vmem>>)
      %add3A_264 = arith.constant 3 : i32
      %add3A_265 = arith.addi %mul3A_208, %add3A_264 : i32
      %dma_start3A_266 = arith.constant 0 : i32
      %dma_start3A_267 = tpu.memref_slice %arg9[%add3A_265, %dma_start3A_266] : memref<40x50xi32, #tpu.memory_space<vmem>> -> memref<1x50xi32, #tpu.memory_space<vmem>>
      %dma_start3A_268 = tpu.memref_squeeze %dma_start3A_267 : memref<1x50xi32, #tpu.memory_space<vmem>> -> memref<50xi32, #tpu.memory_space<vmem>>
      %dma_start3A_269 = arith.constant 0 : i32
      %dma_start3A_270 = arith.constant 0 : i32
      %dma_start3A_271 = tpu.memref_slice %arg14[%dma_start3A_269, %dma_start3A_270] : memref<10000x128xf32, #tpu.memory_space<vmem_shared>> -> memref<10000x128xf32, #tpu.memory_space<vmem_shared>>
      tpu.enqueue_indirect_dma source(%arg13 : memref<50x128xf32, #tpu.memory_space<vmem>>) target(%dma_start3A_271 : memref<10000x128xf32, #tpu.memory_space<vmem_shared>>) offsets(%dma_start3A_268 : memref<50xi32, #tpu.memory_space<vmem>>) semaphore(%arg22 : memref<!tpu.dma_semaphore, #tpu.memory_space<semaphore_mem>>) {add = true}
      %add3A_272 = arith.constant 0 : i32
      %add3A_273 = arith.addi %mul3A_208, %add3A_272 : i32
      %dma_wait3A_274 = arith.constant 0 : i32
      %dma_wait3A_275 = tpu.memref_slice %arg9[%add3A_273, %dma_wait3A_274] : memref<40x50xi32, #tpu.memory_space<vmem>> -> memref<1x50xi32, #tpu.memory_space<vmem>>
      %dma_wait3A_276 = tpu.memref_squeeze %dma_wait3A_275 : memref<1x50xi32, #tpu.memory_space<vmem>> -> memref<50xi32, #tpu.memory_space<vmem>>
      %dma_wait3A_277 = arith.constant 0 : i32
      %dma_wait3A_278 = arith.constant 0 : i32
      %dma_wait3A_279 = tpu.memref_slice %arg14[%dma_wait3A_277, %dma_wait3A_278] : memref<10000x128xf32, #tpu.memory_space<vmem_shared>> -> memref<10000x128xf32, #tpu.memory_space<vmem_shared>>
      tpu.wait_indirect_dma semaphore(%arg19 : memref<!tpu.dma_semaphore, #tpu.memory_space<semaphore_mem>>) src(%arg10 : memref<50x128xf32, #tpu.memory_space<vmem>>) dst(%dma_wait3A_279 : memref<10000x128xf32, #tpu.memory_space<vmem_shared>>)
      %lt3A = arith.constant 9 : i32
      %lt3A_280 = arith.cmpi slt, %scan3A_205, %lt3A : i32
      %convert_element_type3A_281 = arith.extui %lt3A_280 : i1 to i32
      %cond3A_282 = arith.constant 0 : i32
      %cond3A_283 = arith.cmpi ne, %convert_element_type3A_281, %cond3A_282 : i32
      scf.if %cond3A_283 {
        %add3A_324 = arith.constant 4 : i32
        %add3A_325 = arith.addi %mul3A_208, %add3A_324 : i32
        %add3A_326 = arith.constant 0 : i32
        %add3A_327 = arith.addi %add3A_325, %add3A_326 : i32
        %dma_start3A_328 = arith.constant 0 : i32
        %dma_start3A_329 = tpu.memref_slice %arg8[%add3A_327, %dma_start3A_328] : memref<40x50xi32, #tpu.memory_space<vmem>> -> memref<1x50xi32, #tpu.memory_space<vmem>>
        %dma_start3A_330 = tpu.memref_squeeze %dma_start3A_329 : memref<1x50xi32, #tpu.memory_space<vmem>> -> memref<50xi32, #tpu.memory_space<vmem>>
        %dma_start3A_331 = arith.constant 0 : i32
        %dma_start3A_332 = arith.constant 0 : i32
        %dma_start3A_333 = tpu.memref_slice %arg2[%dma_start3A_331, %dma_start3A_332] : memref<10000x128xf32, #tpu.memory_space<hbm>> -> memref<10000x128xf32, #tpu.memory_space<hbm>>
        tpu.enqueue_indirect_dma source(%dma_start3A_333 : memref<10000x128xf32, #tpu.memory_space<hbm>>) target(%arg10 : memref<50x128xf32, #tpu.memory_space<vmem>>) offsets(%dma_start3A_330 : memref<50xi32, #tpu.memory_space<vmem>>) semaphore(%arg15 : memref<!tpu.dma_semaphore, #tpu.memory_space<semaphore_mem>>)
      } else {
      }
      %add3A_284 = arith.constant 1 : i32
      %add3A_285 = arith.addi %mul3A_208, %add3A_284 : i32
      %dma_wait3A_286 = arith.constant 0 : i32
      %dma_wait3A_287 = tpu.memref_slice %arg9[%add3A_285, %dma_wait3A_286] : memref<40x50xi32, #tpu.memory_space<vmem>> -> memref<1x50xi32, #tpu.memory_space<vmem>>
      %dma_wait3A_288 = tpu.memref_squeeze %dma_wait3A_287 : memref<1x50xi32, #tpu.memory_space<vmem>> -> memref<50xi32, #tpu.memory_space<vmem>>
      %dma_wait3A_289 = arith.constant 0 : i32
      %dma_wait3A_290 = arith.constant 0 : i32
      %dma_wait3A_291 = tpu.memref_slice %arg14[%dma_wait3A_289, %dma_wait3A_290] : memref<10000x128xf32, #tpu.memory_space<vmem_shared>> -> memref<10000x128xf32, #tpu.memory_space<vmem_shared>>
      tpu.wait_indirect_dma semaphore(%arg20 : memref<!tpu.dma_semaphore, #tpu.memory_space<semaphore_mem>>) src(%arg11 : memref<50x128xf32, #tpu.memory_space<vmem>>) dst(%dma_wait3A_291 : memref<10000x128xf32, #tpu.memory_space<vmem_shared>>)
      %lt3A_292 = arith.constant 9 : i32
      %lt3A_293 = arith.cmpi slt, %scan3A_205, %lt3A_292 : i32
      %convert_element_type3A_294 = arith.extui %lt3A_293 : i1 to i32
      %cond3A_295 = arith.constant 0 : i32
      %cond3A_296 = arith.cmpi ne, %convert_element_type3A_294, %cond3A_295 : i32
      scf.if %cond3A_296 {
        %add3A_324 = arith.constant 4 : i32
        %add3A_325 = arith.addi %mul3A_208, %add3A_324 : i32
        %add3A_326 = arith.constant 1 : i32
        %add3A_327 = arith.addi %add3A_325, %add3A_326 : i32
        %dma_start3A_328 = arith.constant 0 : i32
        %dma_start3A_329 = tpu.memref_slice %arg8[%add3A_327, %dma_start3A_328] : memref<40x50xi32, #tpu.memory_space<vmem>> -> memref<1x50xi32, #tpu.memory_space<vmem>>
        %dma_start3A_330 = tpu.memref_squeeze %dma_start3A_329 : memref<1x50xi32, #tpu.memory_space<vmem>> -> memref<50xi32, #tpu.memory_space<vmem>>
        %dma_start3A_331 = arith.constant 0 : i32
        %dma_start3A_332 = arith.constant 0 : i32
        %dma_start3A_333 = tpu.memref_slice %arg2[%dma_start3A_331, %dma_start3A_332] : memref<10000x128xf32, #tpu.memory_space<hbm>> -> memref<10000x128xf32, #tpu.memory_space<hbm>>
        tpu.enqueue_indirect_dma source(%dma_start3A_333 : memref<10000x128xf32, #tpu.memory_space<hbm>>) target(%arg11 : memref<50x128xf32, #tpu.memory_space<vmem>>) offsets(%dma_start3A_330 : memref<50xi32, #tpu.memory_space<vmem>>) semaphore(%arg16 : memref<!tpu.dma_semaphore, #tpu.memory_space<semaphore_mem>>)
      } else {
      }
      %add3A_297 = arith.constant 2 : i32
      %add3A_298 = arith.addi %mul3A_208, %add3A_297 : i32
      %dma_wait3A_299 = arith.constant 0 : i32
      %dma_wait3A_300 = tpu.memref_slice %arg9[%add3A_298, %dma_wait3A_299] : memref<40x50xi32, #tpu.memory_space<vmem>> -> memref<1x50xi32, #tpu.memory_space<vmem>>
      %dma_wait3A_301 = tpu.memref_squeeze %dma_wait3A_300 : memref<1x50xi32, #tpu.memory_space<vmem>> -> memref<50xi32, #tpu.memory_space<vmem>>
      %dma_wait3A_302 = arith.constant 0 : i32
      %dma_wait3A_303 = arith.constant 0 : i32
      %dma_wait3A_304 = tpu.memref_slice %arg14[%dma_wait3A_302, %dma_wait3A_303] : memref<10000x128xf32, #tpu.memory_space<vmem_shared>> -> memref<10000x128xf32, #tpu.memory_space<vmem_shared>>
      tpu.wait_indirect_dma semaphore(%arg21 : memref<!tpu.dma_semaphore, #tpu.memory_space<semaphore_mem>>) src(%arg12 : memref<50x128xf32, #tpu.memory_space<vmem>>) dst(%dma_wait3A_304 : memref<10000x128xf32, #tpu.memory_space<vmem_shared>>)
      %lt3A_305 = arith.constant 9 : i32
      %lt3A_306 = arith.cmpi slt, %scan3A_205, %lt3A_305 : i32
      %convert_element_type3A_307 = arith.extui %lt3A_306 : i1 to i32
      %cond3A_308 = arith.constant 0 : i32
      %cond3A_309 = arith.cmpi ne, %convert_element_type3A_307, %cond3A_308 : i32
      scf.if %cond3A_309 {
        %add3A_324 = arith.constant 4 : i32
        %add3A_325 = arith.addi %mul3A_208, %add3A_324 : i32
        %add3A_326 = arith.constant 2 : i32
        %add3A_327 = arith.addi %add3A_325, %add3A_326 : i32
        %dma_start3A_328 = arith.constant 0 : i32
        %dma_start3A_329 = tpu.memref_slice %arg8[%add3A_327, %dma_start3A_328] : memref<40x50xi32, #tpu.memory_space<vmem>> -> memref<1x50xi32, #tpu.memory_space<vmem>>
        %dma_start3A_330 = tpu.memref_squeeze %dma_start3A_329 : memref<1x50xi32, #tpu.memory_space<vmem>> -> memref<50xi32, #tpu.memory_space<vmem>>
        %dma_start3A_331 = arith.constant 0 : i32
        %dma_start3A_332 = arith.constant 0 : i32
        %dma_start3A_333 = tpu.memref_slice %arg2[%dma_start3A_331, %dma_start3A_332] : memref<10000x128xf32, #tpu.memory_space<hbm>> -> memref<10000x128xf32, #tpu.memory_space<hbm>>
        tpu.enqueue_indirect_dma source(%dma_start3A_333 : memref<10000x128xf32, #tpu.memory_space<hbm>>) target(%arg12 : memref<50x128xf32, #tpu.memory_space<vmem>>) offsets(%dma_start3A_330 : memref<50xi32, #tpu.memory_space<vmem>>) semaphore(%arg17 : memref<!tpu.dma_semaphore, #tpu.memory_space<semaphore_mem>>)
      } else {
      }
      %add3A_310 = arith.constant 3 : i32
      %add3A_311 = arith.addi %mul3A_208, %add3A_310 : i32
      %dma_wait3A_312 = arith.constant 0 : i32
      %dma_wait3A_313 = tpu.memref_slice %arg9[%add3A_311, %dma_wait3A_312] : memref<40x50xi32, #tpu.memory_space<vmem>> -> memref<1x50xi32, #tpu.memory_space<vmem>>
      %dma_wait3A_314 = tpu.memref_squeeze %dma_wait3A_313 : memref<1x50xi32, #tpu.memory_space<vmem>> -> memref<50xi32, #tpu.memory_space<vmem>>
      %dma_wait3A_315 = arith.constant 0 : i32
      %dma_wait3A_316 = arith.constant 0 : i32
      %dma_wait3A_317 = tpu.memref_slice %arg14[%dma_wait3A_315, %dma_wait3A_316] : memref<10000x128xf32, #tpu.memory_space<vmem_shared>> -> memref<10000x128xf32, #tpu.memory_space<vmem_shared>>
      tpu.wait_indirect_dma semaphore(%arg22 : memref<!tpu.dma_semaphore, #tpu.memory_space<semaphore_mem>>) src(%arg13 : memref<50x128xf32, #tpu.memory_space<vmem>>) dst(%dma_wait3A_317 : memref<10000x128xf32, #tpu.memory_space<vmem_shared>>)
      %lt3A_318 = arith.constant 9 : i32
      %lt3A_319 = arith.cmpi slt, %scan3A_205, %lt3A_318 : i32
      %convert_element_type3A_320 = arith.extui %lt3A_319 : i1 to i32
      %cond3A_321 = arith.constant 0 : i32
      %cond3A_322 = arith.cmpi ne, %convert_element_type3A_320, %cond3A_321 : i32
      scf.if %cond3A_322 {
        %add3A_324 = arith.constant 4 : i32
        %add3A_325 = arith.addi %mul3A_208, %add3A_324 : i32
        %add3A_326 = arith.constant 3 : i32
        %add3A_327 = arith.addi %add3A_325, %add3A_326 : i32
        %dma_start3A_328 = arith.constant 0 : i32
        %dma_start3A_329 = tpu.memref_slice %arg8[%add3A_327, %dma_start3A_328] : memref<40x50xi32, #tpu.memory_space<vmem>> -> memref<1x50xi32, #tpu.memory_space<vmem>>
        %dma_start3A_330 = tpu.memref_squeeze %dma_start3A_329 : memref<1x50xi32, #tpu.memory_space<vmem>> -> memref<50xi32, #tpu.memory_space<vmem>>
        %dma_start3A_331 = arith.constant 0 : i32
        %dma_start3A_332 = arith.constant 0 : i32
        %dma_start3A_333 = tpu.memref_slice %arg2[%dma_start3A_331, %dma_start3A_332] : memref<10000x128xf32, #tpu.memory_space<hbm>> -> memref<10000x128xf32, #tpu.memory_space<hbm>>
        tpu.enqueue_indirect_dma source(%dma_start3A_333 : memref<10000x128xf32, #tpu.memory_space<hbm>>) target(%arg13 : memref<50x128xf32, #tpu.memory_space<vmem>>) offsets(%dma_start3A_330 : memref<50xi32, #tpu.memory_space<vmem>>) semaphore(%arg18 : memref<!tpu.dma_semaphore, #tpu.memory_space<semaphore_mem>>)
      } else {
      }
      %scan3A_323 = arith.constant 0 : i32
      scf.yield %scan3A_323 : i32
    }
    %scan3A_201 = arith.constant 10 : i32
    %barrier3A_202 = arith.constant 0 : index
    tpu.barrier barrier_id(%barrier3A_202)
    %mul3A_203 = arith.constant 625 : i32
    %mul3A_204 = arith.muli %arg1, %mul3A_203 : i32
    "tpu.region"() ({
      %run_scoped3A = tpu.sem_alloc : memref<!tpu.dma_semaphore, #tpu.memory_space<semaphore_mem>>
      %dma_start3A_205 = arith.constant 0 : i32
      %dma_start3A_206 = arith.constant 0 : i32
      %dma_start3A_207 = tpu.memref_slice %arg7[%arg0, %arg1, %dma_start3A_205, %dma_start3A_206] : memref<2x16x625x128xf32, #tpu.memory_space<hbm>> -> memref<1x1x625x128xf32, #tpu.memory_space<hbm>>
      %dma_start3A_208 = tpu.memref_squeeze %dma_start3A_207 : memref<1x1x625x128xf32, #tpu.memory_space<hbm>> -> memref<625x128xf32, #tpu.memory_space<hbm>>
      %dma_start3A_209 = arith.constant 0 : i32
      %dma_start3A_210 = tpu.memref_slice %arg14[%mul3A_204, %dma_start3A_209] : memref<10000x128xf32, #tpu.memory_space<vmem_shared>> -> memref<625x128xf32, #tpu.memory_space<vmem_shared>>
      tpu.enqueue_dma source(%dma_start3A_210 : memref<625x128xf32, #tpu.memory_space<vmem_shared>>) target(%dma_start3A_208 : memref<625x128xf32, #tpu.memory_space<hbm>>) target_semaphore(%run_scoped3A : memref<!tpu.dma_semaphore, #tpu.memory_space<semaphore_mem>>)
      %dma_wait3A = arith.constant 0 : i32
      %dma_wait3A_211 = arith.constant 0 : i32
      %dma_wait3A_212 = tpu.memref_slice %arg7[%arg0, %arg1, %dma_wait3A, %dma_wait3A_211] : memref<2x16x625x128xf32, #tpu.memory_space<hbm>> -> memref<1x1x625x128xf32, #tpu.memory_space<hbm>>
      %dma_wait3A_213 = tpu.memref_squeeze %dma_wait3A_212 : memref<1x1x625x128xf32, #tpu.memory_space<hbm>> -> memref<625x128xf32, #tpu.memory_space<hbm>>
      %dma_wait3A_214 = arith.constant 0 : i32
      %dma_wait3A_215 = tpu.memref_slice %arg14[%mul3A_204, %dma_wait3A_214] : memref<10000x128xf32, #tpu.memory_space<vmem_shared>> -> memref<625x128xf32, #tpu.memory_space<vmem_shared>>
      tpu.wait_dma2 semaphore(%run_scoped3A : memref<!tpu.dma_semaphore, #tpu.memory_space<semaphore_mem>>) src(%dma_wait3A_215 : memref<625x128xf32, #tpu.memory_space<vmem_shared>>) dst(%dma_wait3A_213 : memref<625x128xf32, #tpu.memory_space<hbm>>)
      tpu.yield
    }) : () -> ()
    return
  }
}

module attributes {stable_mosaic.version = 14 : i64} {
  func.func @_tc1a_body(%arg0: i32, %arg1: memref<1000x128xf32, #tpu.memory_space<vmem>>, %arg2: memref<128x128xf32, #tpu.memory_space<vmem>>, %arg3: memref<1000x128xf32, #tpu.memory_space<vmem>>) attributes {dimension_semantics = [#tpu.dimension_semantics<arbitrary>], iteration_bounds = array<i64: 10>, scalar_prefetch = 0 : i64, scratch_operands = 0 : i64, tpu.core_type = #tpu.core_type<tc>, window_params = [{transform_indices = @transform_0, window_bounds = array<i64: 1000, 128>}, {pipeline_mode = #tpu.pipeline_mode<synchronous>, transform_indices = @transform_1, window_bounds = array<i64: 128, 128>}, {transform_indices = @transform_2, window_bounds = array<i64: 1000, 128>}]} {
    %get3A = arith.constant 0 : index
    %get3A_0 = arith.constant 0 : index
    %get3A_1 = vector.load %arg1[%get3A, %get3A_0] : memref<1000x128xf32, #tpu.memory_space<vmem>>, vector<1000x128xf32>
    %get3A_2 = arith.constant 0 : index
    %get3A_3 = arith.constant 0 : index
    %get3A_4 = vector.load %arg2[%get3A_2, %get3A_3] : memref<128x128xf32, #tpu.memory_space<vmem>>, vector<128x128xf32>
    %dot_general3A = arith.constant dense<0.000000e+00> : vector<1000x128xf32>
    %dot_general3A_5 = tpu.matmul %get3A_1, %get3A_4, %dot_general3A {dimension_numbers = #tpu.dot_dimension_numbers<[1], [0], [0], [1], [0, 0, 1, 1], [], []>, transpose_lhs_hint = false} : vector<1000x128xf32>, vector<128x128xf32>, vector<1000x128xf32> -> vector<1000x128xf32>
    %swap3A = arith.constant 0 : index
    %swap3A_6 = arith.constant 0 : index
    %swap3A_7 = vector.load %arg3[%swap3A, %swap3A_6] : memref<1000x128xf32, #tpu.memory_space<vmem>>, vector<1000x128xf32>
    tpu.vector_store %arg3[%swap3A, %swap3A_6], %dot_general3A_5 {strides = array<i32>} : memref<1000x128xf32, #tpu.memory_space<vmem>>, vector<1000x128xf32>,
    return
  }
  func.func @transform_0(%arg0: i32) -> (i32, i32) {
    %c0_i32 = arith.constant 0 : i32
    %c0_i32_0 = arith.constant 0 : i32
    return %arg0, %c0_i32 : i32, i32
  }
  func.func @transform_1(%arg0: i32) -> (i32, i32) {
    %c0_i32 = arith.constant 0 : i32
    %c0_i32_0 = arith.constant 0 : i32
    %c0_i32_1 = arith.constant 0 : i32
    return %c0_i32, %c0_i32_0 : i32, i32
  }
  func.func @transform_2(%arg0: i32) -> (i32, i32) {
    %c0_i32 = arith.constant 0 : i32
    %c0_i32_0 = arith.constant 0 : i32
    return %arg0, %c0_i32 : i32, i32
  }
}

module attributes {stable_mosaic.version = 14 : i64} {
  func.func @_tc1b_body(%arg0: i32, %arg1: memref<1000x128xf32, #tpu.memory_space<vmem>>, %arg2: memref<1000x1xf32, #tpu.memory_space<vmem>>, %arg3: memref<1000x128xf32, #tpu.memory_space<vmem>>, %arg4: memref<1000x1xf32, #tpu.memory_space<vmem>>) attributes {dimension_semantics = [#tpu.dimension_semantics<arbitrary>], iteration_bounds = array<i64: 10>, scalar_prefetch = 0 : i64, scratch_operands = 0 : i64, tpu.core_type = #tpu.core_type<tc>, window_params = [{transform_indices = @transform_0, window_bounds = array<i64: 1000, 128>}, {transform_indices = @transform_1, window_bounds = array<i64: 1000, 1>}, {transform_indices = @transform_2, window_bounds = array<i64: 1000, 128>}, {transform_indices = @transform_3, window_bounds = array<i64: 1000, 1>}]} {
    %get3A = arith.constant 0 : index
    %get3A_0 = arith.constant 0 : index
    %get3A_1 = vector.load %arg2[%get3A, %get3A_0] : memref<1000x1xf32, #tpu.memory_space<vmem>>, vector<1000x1xf32>
    %add3A = arith.constant 1.000000e+00 : f32
    %add3A_2 = vector.broadcast %add3A : f32 to vector<1000x1xf32>
    %add3A_3 = arith.addf %get3A_1, %add3A_2 : vector<1000x1xf32>
    %rsqrt3A = math.rsqrt %add3A_3 : vector<1000x1xf32>
    %get3A_4 = arith.constant 0 : index
    %get3A_5 = arith.constant 0 : index
    %get3A_6 = vector.load %arg1[%get3A_4, %get3A_5] : memref<1000x128xf32, #tpu.memory_space<vmem>>, vector<1000x128xf32>
    %mul3A = vector.broadcast %rsqrt3A : vector<1000x1xf32> to vector<1000x128xf32>
    %mul3A_7 = arith.mulf %get3A_6, %mul3A : vector<1000x128xf32>
    %swap3A = arith.constant 0 : index
    %swap3A_8 = arith.constant 0 : index
    %swap3A_9 = vector.load %arg3[%swap3A, %swap3A_8] : memref<1000x128xf32, #tpu.memory_space<vmem>>, vector<1000x128xf32>
    tpu.vector_store %arg3[%swap3A, %swap3A_8], %mul3A_7 {strides = array<i32>} : memref<1000x128xf32, #tpu.memory_space<vmem>>, vector<1000x128xf32>,
    %swap3A_10 = arith.constant 0 : index
    %swap3A_11 = arith.constant 0 : index
    %swap3A_12 = vector.load %arg4[%swap3A_10, %swap3A_11] : memref<1000x1xf32, #tpu.memory_space<vmem>>, vector<1000x1xf32>
    tpu.vector_store %arg4[%swap3A_10, %swap3A_11], %rsqrt3A {strides = array<i32>} : memref<1000x1xf32, #tpu.memory_space<vmem>>, vector<1000x1xf32>,
    return
  }
  func.func @transform_0(%arg0: i32) -> (i32, i32) {
    %c0_i32 = arith.constant 0 : i32
    %c0_i32_0 = arith.constant 0 : i32
    return %arg0, %c0_i32 : i32, i32
  }
  func.func @transform_1(%arg0: i32) -> (i32, i32) {
    %c0_i32 = arith.constant 0 : i32
    %c0_i32_0 = arith.constant 0 : i32
    return %arg0, %c0_i32 : i32, i32
  }
  func.func @transform_2(%arg0: i32) -> (i32, i32) {
    %c0_i32 = arith.constant 0 : i32
    %c0_i32_0 = arith.constant 0 : i32
    return %arg0, %c0_i32 : i32, i32
  }
  func.func @transform_3(%arg0: i32) -> (i32, i32) {
    %c0_i32 = arith.constant 0 : i32
    %c0_i32_0 = arith.constant 0 : i32
    return %arg0, %c0_i32 : i32, i32
  }
}

module attributes {stable_mosaic.version = 14 : i64} {
  func.func @_tc2_body(%arg0: i32, %arg1: memref<1000x128xf32, #tpu.memory_space<vmem>>, %arg2: memref<1000x128xf32, #tpu.memory_space<vmem>>, %arg3: memref<1000x1xf32, #tpu.memory_space<vmem>>, %arg4: memref<1x128xf32, #tpu.memory_space<vmem>>, %arg5: memref<128x128xf32, #tpu.memory_space<vmem>>, %arg6: memref<128x128xf32, #tpu.memory_space<vmem>>, %arg7: memref<1x128xf32, #tpu.memory_space<vmem>>, %arg8: memref<128x128xf32, #tpu.memory_space<vmem>>, %arg9: memref<1x128xf32, #tpu.memory_space<vmem>>, %arg10: memref<1000x128xf32, #tpu.memory_space<vmem>>, %arg11: memref<1000x128xf32, #tpu.memory_space<vmem>>, %arg12: memref<1000x128xf32, #tpu.memory_space<vmem>>) attributes {dimension_semantics = [#tpu.dimension_semantics<arbitrary>], iteration_bounds = array<i64: 10>, scalar_prefetch = 0 : i64, scratch_operands = 0 : i64, tpu.core_type = #tpu.core_type<tc>, window_params = [{transform_indices = @transform_0, window_bounds = array<i64: 1000, 128>}, {transform_indices = @transform_1, window_bounds = array<i64: 1000, 128>}, {transform_indices = @transform_2, window_bounds = array<i64: 1000, 1>}, {pipeline_mode = #tpu.pipeline_mode<synchronous>, transform_indices = @transform_3, window_bounds = array<i64: 1, 128>}, {pipeline_mode = #tpu.pipeline_mode<synchronous>, transform_indices = @transform_4, window_bounds = array<i64: 128, 128>}, {pipeline_mode = #tpu.pipeline_mode<synchronous>, transform_indices = @transform_5, window_bounds = array<i64: 128, 128>}, {pipeline_mode = #tpu.pipeline_mode<synchronous>, transform_indices = @transform_6, window_bounds = array<i64: 1, 128>}, {pipeline_mode = #tpu.pipeline_mode<synchronous>, transform_indices = @transform_7, window_bounds = array<i64: 128, 128>}, {pipeline_mode = #tpu.pipeline_mode<synchronous>, transform_indices = @transform_8, window_bounds = array<i64: 1, 128>}, {transform_indices = @transform_9, window_bounds = array<i64: 1000, 128>}, {transform_indices = @transform_10, window_bounds = array<i64: 1000, 128>}, {transform_indices = @transform_11, window_bounds = array<i64: 1000, 128>}]} {
    %get3A = arith.constant 0 : index
    %get3A_0 = arith.constant 0 : index
    %get3A_1 = vector.load %arg3[%get3A, %get3A_0] : memref<1000x1xf32, #tpu.memory_space<vmem>>, vector<1000x1xf32>
    %get3A_2 = arith.constant 0 : index
    %get3A_3 = arith.constant 0 : index
    %get3A_4 = vector.load %arg1[%get3A_2, %get3A_3] : memref<1000x128xf32, #tpu.memory_space<vmem>>, vector<1000x128xf32>
    %get3A_5 = arith.constant 0 : index
    %get3A_6 = arith.constant 0 : index
    %get3A_7 = vector.load %arg2[%get3A_5, %get3A_6] : memref<1000x128xf32, #tpu.memory_space<vmem>>, vector<1000x128xf32>
    %add3A = arith.addf %get3A_4, %get3A_7 : vector<1000x128xf32>
    %mul3A = vector.broadcast %get3A_1 : vector<1000x1xf32> to vector<1000x128xf32>
    %mul3A_8 = arith.mulf %mul3A, %add3A : vector<1000x128xf32>
    %get3A_9 = arith.constant 0 : index
    %get3A_10 = arith.constant 0 : index
    %get3A_11 = vector.load %arg4[%get3A_9, %get3A_10] : memref<1x128xf32, #tpu.memory_space<vmem>>, vector<1x128xf32>
    %add3A_12 = vector.broadcast %get3A_11 : vector<1x128xf32> to vector<1000x128xf32>
    %add3A_13 = arith.addf %mul3A_8, %add3A_12 : vector<1000x128xf32>
    %swap3A = arith.constant 0 : index
    %swap3A_14 = arith.constant 0 : index
    %swap3A_15 = vector.load %arg10[%swap3A, %swap3A_14] : memref<1000x128xf32, #tpu.memory_space<vmem>>, vector<1000x128xf32>
    tpu.vector_store %arg10[%swap3A, %swap3A_14], %add3A_13 {strides = array<i32>} : memref<1000x128xf32, #tpu.memory_space<vmem>>, vector<1000x128xf32>,
    %max3A = arith.constant 0.000000e+00 : f32
    %max3A_16 = vector.broadcast %max3A : f32 to vector<1000x128xf32>
    %max3A_17 = arith.maximumf %add3A_13, %max3A_16 : vector<1000x128xf32>
    %get3A_18 = arith.constant 0 : index
    %get3A_19 = arith.constant 0 : index
    %get3A_20 = vector.load %arg5[%get3A_18, %get3A_19] : memref<128x128xf32, #tpu.memory_space<vmem>>, vector<128x128xf32>
    %dot_general3A = arith.constant dense<0.000000e+00> : vector<1000x128xf32>
    %dot_general3A_21 = tpu.matmul %max3A_17, %get3A_20, %dot_general3A {dimension_numbers = #tpu.dot_dimension_numbers<[1], [0], [0], [1], [0, 0, 1, 1], [], []>, transpose_lhs_hint = false} : vector<1000x128xf32>, vector<128x128xf32>, vector<1000x128xf32> -> vector<1000x128xf32>
    %mul3A_22 = vector.broadcast %get3A_1 : vector<1000x1xf32> to vector<1000x128xf32>
    %mul3A_23 = arith.mulf %mul3A_22, %dot_general3A_21 : vector<1000x128xf32>
    %swap3A_24 = arith.constant 0 : index
    %swap3A_25 = arith.constant 0 : index
    %swap3A_26 = vector.load %arg11[%swap3A_24, %swap3A_25] : memref<1000x128xf32, #tpu.memory_space<vmem>>, vector<1000x128xf32>
    tpu.vector_store %arg11[%swap3A_24, %swap3A_25], %mul3A_23 {strides = array<i32>} : memref<1000x128xf32, #tpu.memory_space<vmem>>, vector<1000x128xf32>,
    %get3A_27 = arith.constant 0 : index
    %get3A_28 = arith.constant 0 : index
    %get3A_29 = vector.load %arg6[%get3A_27, %get3A_28] : memref<128x128xf32, #tpu.memory_space<vmem>>, vector<128x128xf32>
    %dot_general3A_30 = arith.constant dense<0.000000e+00> : vector<1000x128xf32>
    %dot_general3A_31 = tpu.matmul %add3A_13, %get3A_29, %dot_general3A_30 {dimension_numbers = #tpu.dot_dimension_numbers<[1], [0], [0], [1], [0, 0, 1, 1], [], []>, transpose_lhs_hint = false} : vector<1000x128xf32>, vector<128x128xf32>, vector<1000x128xf32> -> vector<1000x128xf32>
    %get3A_32 = arith.constant 0 : index
    %get3A_33 = arith.constant 0 : index
    %get3A_34 = vector.load %arg7[%get3A_32, %get3A_33] : memref<1x128xf32, #tpu.memory_space<vmem>>, vector<1x128xf32>
    %add3A_35 = vector.broadcast %get3A_34 : vector<1x128xf32> to vector<1000x128xf32>
    %add3A_36 = arith.addf %dot_general3A_31, %add3A_35 : vector<1000x128xf32>
    %max3A_37 = arith.constant 0.000000e+00 : f32
    %max3A_38 = vector.broadcast %max3A_37 : f32 to vector<1000x128xf32>
    %max3A_39 = arith.maximumf %add3A_36, %max3A_38 : vector<1000x128xf32>
    %get3A_40 = arith.constant 0 : index
    %get3A_41 = arith.constant 0 : index
    %get3A_42 = vector.load %arg8[%get3A_40, %get3A_41] : memref<128x128xf32, #tpu.memory_space<vmem>>, vector<128x128xf32>
    %dot_general3A_43 = arith.constant dense<0.000000e+00> : vector<1000x128xf32>
    %dot_general3A_44 = tpu.matmul %max3A_39, %get3A_42, %dot_general3A_43 {dimension_numbers = #tpu.dot_dimension_numbers<[1], [0], [0], [1], [0, 0, 1, 1], [], []>, transpose_lhs_hint = false} : vector<1000x128xf32>, vector<128x128xf32>, vector<1000x128xf32> -> vector<1000x128xf32>
    %get3A_45 = arith.constant 0 : index
    %get3A_46 = arith.constant 0 : index
    %get3A_47 = vector.load %arg9[%get3A_45, %get3A_46] : memref<1x128xf32, #tpu.memory_space<vmem>>, vector<1x128xf32>
    %add3A_48 = vector.broadcast %get3A_47 : vector<1x128xf32> to vector<1000x128xf32>
    %add3A_49 = arith.addf %dot_general3A_44, %add3A_48 : vector<1000x128xf32>
    %swap3A_50 = arith.constant 0 : index
    %swap3A_51 = arith.constant 0 : index
    %swap3A_52 = vector.load %arg12[%swap3A_50, %swap3A_51] : memref<1000x128xf32, #tpu.memory_space<vmem>>, vector<1000x128xf32>
    tpu.vector_store %arg12[%swap3A_50, %swap3A_51], %add3A_49 {strides = array<i32>} : memref<1000x128xf32, #tpu.memory_space<vmem>>, vector<1000x128xf32>,
    return
  }
  func.func @transform_0(%arg0: i32) -> (i32, i32) {
    %c0_i32 = arith.constant 0 : i32
    %c0_i32_0 = arith.constant 0 : i32
    return %arg0, %c0_i32 : i32, i32
  }
  func.func @transform_1(%arg0: i32) -> (i32, i32) {
    %c0_i32 = arith.constant 0 : i32
    %c0_i32_0 = arith.constant 0 : i32
    return %arg0, %c0_i32 : i32, i32
  }
  func.func @transform_2(%arg0: i32) -> (i32, i32) {
    %c0_i32 = arith.constant 0 : i32
    %c0_i32_0 = arith.constant 0 : i32
    return %arg0, %c0_i32 : i32, i32
  }
  func.func @transform_3(%arg0: i32) -> (i32, i32) {
    %c0_i32 = arith.constant 0 : i32
    %c0_i32_0 = arith.constant 0 : i32
    %c0_i32_1 = arith.constant 0 : i32
    return %c0_i32, %c0_i32_0 : i32, i32
  }
  func.func @transform_4(%arg0: i32) -> (i32, i32) {
    %c0_i32 = arith.constant 0 : i32
    %c0_i32_0 = arith.constant 0 : i32
    %c0_i32_1 = arith.constant 0 : i32
    return %c0_i32, %c0_i32_0 : i32, i32
  }
  func.func @transform_5(%arg0: i32) -> (i32, i32) {
    %c0_i32 = arith.constant 0 : i32
    %c0_i32_0 = arith.constant 0 : i32
    %c0_i32_1 = arith.constant 0 : i32
    return %c0_i32, %c0_i32_0 : i32, i32
  }
  func.func @transform_6(%arg0: i32) -> (i32, i32) {
    %c0_i32 = arith.constant 0 : i32
    %c0_i32_0 = arith.constant 0 : i32
    %c0_i32_1 = arith.constant 0 : i32
    return %c0_i32, %c0_i32_0 : i32, i32
  }
  func.func @transform_7(%arg0: i32) -> (i32, i32) {
    %c0_i32 = arith.constant 0 : i32
    %c0_i32_0 = arith.constant 0 : i32
    %c0_i32_1 = arith.constant 0 : i32
    return %c0_i32, %c0_i32_0 : i32, i32
  }
  func.func @transform_8(%arg0: i32) -> (i32, i32) {
    %c0_i32 = arith.constant 0 : i32
    %c0_i32_0 = arith.constant 0 : i32
    %c0_i32_1 = arith.constant 0 : i32
    return %c0_i32, %c0_i32_0 : i32, i32
  }
  func.func @transform_9(%arg0: i32) -> (i32, i32) {
    %c0_i32 = arith.constant 0 : i32
    %c0_i32_0 = arith.constant 0 : i32
    return %arg0, %c0_i32 : i32, i32
  }
  func.func @transform_10(%arg0: i32) -> (i32, i32) {
    %c0_i32 = arith.constant 0 : i32
    %c0_i32_0 = arith.constant 0 : i32
    return %arg0, %c0_i32 : i32, i32
  }
  func.func @transform_11(%arg0: i32) -> (i32, i32) {
    %c0_i32 = arith.constant 0 : i32
    %c0_i32_0 = arith.constant 0 : i32
    return %arg0, %c0_i32 : i32, i32
  }
}

module attributes {stable_mosaic.version = 14 : i64} {
  func.func @_tc3_body(%arg0: i32, %arg1: memref<1000x128xf32, #tpu.memory_space<vmem>>, %arg2: memref<1000x128xf32, #tpu.memory_space<vmem>>, %arg3: memref<1000x1xf32, #tpu.memory_space<vmem>>, %arg4: memref<1x128xf32, #tpu.memory_space<vmem>>, %arg5: memref<1000x128xf32, #tpu.memory_space<vmem>>) attributes {dimension_semantics = [#tpu.dimension_semantics<arbitrary>], iteration_bounds = array<i64: 10>, scalar_prefetch = 0 : i64, scratch_operands = 0 : i64, tpu.core_type = #tpu.core_type<tc>, window_params = [{transform_indices = @transform_0, window_bounds = array<i64: 1000, 128>}, {transform_indices = @transform_1, window_bounds = array<i64: 1000, 128>}, {transform_indices = @transform_2, window_bounds = array<i64: 1000, 1>}, {pipeline_mode = #tpu.pipeline_mode<synchronous>, transform_indices = @transform_3, window_bounds = array<i64: 1, 128>}, {transform_indices = @transform_4, window_bounds = array<i64: 1000, 128>}]} {
    %get3A = arith.constant 0 : index
    %get3A_0 = arith.constant 0 : index
    %get3A_1 = vector.load %arg3[%get3A, %get3A_0] : memref<1000x1xf32, #tpu.memory_space<vmem>>, vector<1000x1xf32>
    %get3A_2 = arith.constant 0 : index
    %get3A_3 = arith.constant 0 : index
    %get3A_4 = vector.load %arg1[%get3A_2, %get3A_3] : memref<1000x128xf32, #tpu.memory_space<vmem>>, vector<1000x128xf32>
    %get3A_5 = arith.constant 0 : index
    %get3A_6 = arith.constant 0 : index
    %get3A_7 = vector.load %arg2[%get3A_5, %get3A_6] : memref<1000x128xf32, #tpu.memory_space<vmem>>, vector<1000x128xf32>
    %add3A = arith.addf %get3A_4, %get3A_7 : vector<1000x128xf32>
    %mul3A = vector.broadcast %get3A_1 : vector<1000x1xf32> to vector<1000x128xf32>
    %mul3A_8 = arith.mulf %mul3A, %add3A : vector<1000x128xf32>
    %get3A_9 = arith.constant 0 : index
    %get3A_10 = arith.constant 0 : index
    %get3A_11 = vector.load %arg4[%get3A_9, %get3A_10] : memref<1x128xf32, #tpu.memory_space<vmem>>, vector<1x128xf32>
    %add3A_12 = vector.broadcast %get3A_11 : vector<1x128xf32> to vector<1000x128xf32>
    %add3A_13 = arith.addf %mul3A_8, %add3A_12 : vector<1000x128xf32>
    %swap3A = arith.constant 0 : index
    %swap3A_14 = arith.constant 0 : index
    %swap3A_15 = vector.load %arg5[%swap3A, %swap3A_14] : memref<1000x128xf32, #tpu.memory_space<vmem>>, vector<1000x128xf32>
    tpu.vector_store %arg5[%swap3A, %swap3A_14], %add3A_13 {strides = array<i32>} : memref<1000x128xf32, #tpu.memory_space<vmem>>, vector<1000x128xf32>,
    return
  }
  func.func @transform_0(%arg0: i32) -> (i32, i32) {
    %c0_i32 = arith.constant 0 : i32
    %c0_i32_0 = arith.constant 0 : i32
    return %arg0, %c0_i32 : i32, i32
  }
  func.func @transform_1(%arg0: i32) -> (i32, i32) {
    %c0_i32 = arith.constant 0 : i32
    %c0_i32_0 = arith.constant 0 : i32
    return %arg0, %c0_i32 : i32, i32
  }
  func.func @transform_2(%arg0: i32) -> (i32, i32) {
    %c0_i32 = arith.constant 0 : i32
    %c0_i32_0 = arith.constant 0 : i32
    return %arg0, %c0_i32 : i32, i32
  }
  func.func @transform_3(%arg0: i32) -> (i32, i32) {
    %c0_i32 = arith.constant 0 : i32
    %c0_i32_0 = arith.constant 0 : i32
    %c0_i32_1 = arith.constant 0 : i32
    return %c0_i32, %c0_i32_0 : i32, i32
  }
  func.func @transform_4(%arg0: i32) -> (i32, i32) {
    %c0_i32 = arith.constant 0 : i32
    %c0_i32_0 = arith.constant 0 : i32
    return %arg0, %c0_i32 : i32, i32
  }
}

</mosaic_0001>

<sc_bundles>
// kernel: kernel.11.cloned.1.call-start
scs
__scs_entry_jumppad:
0x0: {  	(pc) =	sbr.rel $0x88, $3  }
0x1: {  	(tag) =	ssettag $0x0;
	lr =	simm.s32 $0x1  }
0x2: {  	[smem:$0x3F97] =	sst lr;
	_ =	strace $0xD0000000  }
0x3: {  	_ = 	snop  }
0x4: {  	_ = 	snop  }
0x5: {  	_ = 	snop  }
0x6: {  	_ = 	snop  }
0x7: {  	_ = 	snop  }
__scs_overlays_trampoline_lowered:
0x8: {  	[smem:$0x3FA6] =	sst s0  }
0x9: {  	[smem:$0x3FA7] =	sst s1  }
0xa: {  	[smem:$0x3FA8] =	sst s2  }
0xb: {  	[smem:$0x3FA9] =	sst s3  }
0xc: {  	[smem:$0x3FAA] =	sst s4  }
0xd: {  	[smem:$0x3FAB] =	sst s5  }
0xe: {  	[smem:$0x3FAC] =	sst s6  }
0xf: {  	[smem:$0x3FAD] =	sst s7  }
0x10: {  	[smem:$0x3FAE] =	sst s8  }
0x11: {  	[smem:$0x3FAF] =	sst s9;
	s0 =	simm.s32 @!p0 $0x0  }
0x12: {  	s1 =	sld [smem:$0x3F95];
	s0 =	simm.s32 @p0 $0x1  }
0x13: {  	[smem:$0x3FB0] =	sst s0;
	s0 =	simm.s32 @!p1 $0x0  }
0x14: {  	s2 =	sld [smem:$0x3F94];
	s0 =	simm.s32 @p1 $0x1  }
0x15: {  	[smem:$0x3FB1] =	sst s0;
	s0 =	simm.s32 @!p2 $0x0  }
0x16: {  	s3 =	sld [smem:$0x3FDB];
	s0 =	simm.s32 @p2 $0x1  }
0x17: {  	s4 =	simm.s32 $0x1BF5;
	[smem:$0x3FB3] =	sst s0  }
0x18: {  	s0 =	sld [smem:$0x3F96];
	_ =	swait.ge [sflag:s4], $0x0  }
0x19: {  	s7 =	sld [smem:$0x3F97]  }
0x1a: {  	s8 =	sadd.s32 $0xFFFFE003, lr  }
0x1b: {  	s9 =	sadd.s32 $0xFFFFFEF7, lr;
	s5 =	simm.s32 $0xFFFFFFFF;
	p2 =	slt.u32 s8, $0xFFFFF086  }
0x1c: {  	p1 =	slt.u32 s9, $0xF7A;
	s5 =	simm.s32 @!p2 $0x0  }
0x1d: {  	s5 =	simm.s32 @p1 $0x1;
	p0 =	seq.s32 s7, s2  }
0x1e: {  	s7 =	smul.u32 @!p0 $0xF7A, s2;
	p2 =	seq.s32 @!p0 s5, $0x0  }
0x1f: {  	s9 =	smul.u32 $0xF7A, s1;
	s8 =	simm.s32 @!p0 $0x1BF5;
	p2 =	por !p2, p0  }
0x20: {  	[sflag:s8] =	ssyncset.s32 @!p0 $0xFFFFF086;
	s6 =	sadd.s32 @!p0 s3, s7;
	s7 =	simm.s32 @!p0 $0x108  }
0x21: {  	s3 =	sadd.s32 s3, s9;
	s6 =	sadd.s32 @!p0 $0x88, s6;
	s7 =	simm.s32 @p2 $0x1082  }
0x22: {  	[simem:s7], [sflag:s8] =	dma.local @!p0 [hbm:s6], $0xF7A  }
0x23: {  	s9 =	sor.u32 $0xD0000000, s2;
	s6 =	simm.s32 $0x108;
	_ =	swait.ge @!p0 [sflag:s8], $0x0  }
0x24: {  	s3 =	sadd.s32 $0x88, s3;
	s6 =	simm.s32 @!p1 $0x1082;
	[sflag:s4] =	ssyncset.s32 $0xFFFFF086  }
0x25: {  	[simem:s6], [sflag:s4] =	dma.local [hbm:s3], $0xF7A  }
0x26: {  	[smem:$0x3F97] =	sst s1;
	(tag) =	ssettag s2;
	_ =	strace s9  }
0x27: {  	s1 =	sld [smem:$0x3FA7]  }
0x28: {  	s2 =	sld [smem:$0x3FA8]  }
0x29: {  	s4 =	sld [smem:$0x3FAA]  }
0x2a: {  	p0 =	seq.s32 s5, $0x0;
	s5 =	sld [smem:$0x3FAB]  }
0x2b: {  	s6 =	sld [smem:$0x3FAC]  }
0x2c: {  	s7 =	sld [smem:$0x3FAD]  }
0x2d: {  	s3 =	simm.s32 $0x108;
	s8 =	sld [smem:$0x3FAE]  }
0x2e: {  	s3 =	simm.s32 @!p0 $0x1082;
	s9 =	sld [smem:$0x3FAF]  }
0x2f: {  	lr =	sadd.s32 s0, s3;
	s0 =	sld [smem:$0x3FA6]  }
0x30: {  	s3 =	sld [smem:$0x3FA9]  }
0x31: {  	[smem:$0x3FB2] =	sst s10  }
0x32: {  	s10 =	sld [smem:$0x3FB0];
	_ =	sdelay $0x3  }
0x33: {  	p0 =	seq.s32 s10, $0x1;
	s10 =	sld [smem:$0x3FB2];
	_ =	sdelay $0x3  }
0x34: {  	[smem:$0x3FB2] =	sst s10  }
0x35: {  	s10 =	sld [smem:$0x3FB1];
	_ =	sdelay $0x3  }
0x36: {  	p1 =	seq.s32 s10, $0x1;
	s10 =	sld [smem:$0x3FB2];
	_ =	sdelay $0x3  }
0x37: {  	[smem:$0x3FB2] =	sst s10  }
0x38: {  	s10 =	sld [smem:$0x3FB3]  }
0x39: {  	_ = 	snop;
	(pc) =	sbr.ind lr, $3  }
0x3a: {  	_ = 	snop  }
0x3b: {  	_ = 	snop  }
0x3c: {  	p2 =	seq.s32 s10, $0x1;
	s10 =	sld [smem:$0x3FB2]  }
0x3d: {  	_ =	shalt  }
0x3e: {  	_ =	shalt  }
0x3f: {  	_ =	shalt  }
0x40: {  	_ =	shalt  }
0x41: {  	_ =	shalt  }
0x42: {  	_ =	shalt  }
0x43: {  	_ =	shalt  }
0x44: {  	_ =	shalt  }
0x45: {  	_ =	shalt  }
0x46: {  	_ =	shalt  }
0x47: {  	_ =	shalt  }
0x48: {  	_ =	shalt  }
0x49: {  	_ =	shalt  }
0x4a: {  	_ =	shalt  }
0x4b: {  	_ =	shalt  }
0x4c: {  	_ =	shalt  }
0x4d: {  	_ =	shalt  }
0x4e: {  	_ =	shalt  }
0x4f: {  	_ =	shalt  }
0x50: {  	_ =	shalt  }
0x51: {  	_ =	shalt  }
0x52: {  	_ =	shalt  }
0x53: {  	_ =	shalt  }
0x54: {  	_ =	shalt  }
0x55: {  	_ =	shalt  }
0x56: {  	_ =	shalt  }
0x57: {  	_ =	shalt  }
0x58: {  	_ =	shalt  }
0x59: {  	_ =	shalt  }
0x5a: {  	_ =	shalt  }
0x5b: {  	_ =	shalt  }
0x5c: {  	_ =	shalt  }
0x5d: {  	_ =	shalt  }
0x5e: {  	_ =	shalt  }
0x5f: {  	_ =	shalt  }
0x60: {  	_ =	shalt  }
0x61: {  	_ =	shalt  }
0x62: {  	_ =	shalt  }
0x63: {  	_ =	shalt  }
0x64: {  	_ =	shalt  }
0x65: {  	_ =	shalt  }
0x66: {  	_ =	shalt  }
0x67: {  	_ =	shalt  }
0x68: {  	_ =	shalt  }
0x69: {  	_ =	shalt  }
0x6a: {  	_ =	shalt  }
0x6b: {  	_ =	shalt  }
0x6c: {  	_ =	shalt  }
0x6d: {  	_ =	shalt  }
0x6e: {  	_ =	shalt  }
0x6f: {  	_ =	shalt  }
0x70: {  	_ =	shalt  }
0x71: {  	_ =	shalt  }
0x72: {  	_ =	shalt  }
0x73: {  	_ =	shalt  }
0x74: {  	_ =	shalt  }
0x75: {  	_ =	shalt  }
0x76: {  	_ =	shalt  }
0x77: {  	_ =	shalt  }
0x78: {  	_ =	shalt  }
0x79: {  	_ =	shalt  }
0x7a: {  	_ =	shalt  }
0x7b: {  	_ =	shalt  }
0x7c: {  	_ =	shalt  }
0x7d: {  	_ =	shalt  }
0x7e: {  	_ =	shalt  }
0x7f: {  	_ =	shalt  }
0x80: {  	_ =	shalt  }
0x81: {  	_ =	shalt  }
0x82: {  	_ =	shalt  }
0x83: {  	_ =	shalt  }
0x84: {  	_ =	shalt  }
0x85: {  	_ =	shalt  }
0x86: {  	_ =	shalt  }
0x87: {  	_ =	shalt  }
.Lfunc_end0:
.L_simem_size_0:
called_computation.2_lowered:
.L_overlay_start_0:
0x88: {  	s2 =	sld [smem:$0x3FD9]  }
0x89: {  	s3 =	sld [smem:$0x3FFE];
	_ =	sdelay $0x1  }
0x8a: {  	s1 =	srdreg.scid  }
0x8b: {  	s0 =	sand.u32 $0x1, s1  }
0x8c: {  	s14 =	sshll.u32 s0, $0xA;
	s2 =	sadd.s32 s3, s2  }
0x8d: {  	s2 =	sadd.s32 s2, s14  }
0x8e: {  	[smem:$0x3FBE] =	sst s2  }
0x8f: {  	_ = 	snop  }
0x90: {  	s2 =	sld [smem:$0x3FD0];
	_ =	sdelay $0x2  }
0x91: {  	s15 =	simm.s32 $0xA;
	s4 =	simm.s32 $0x10  }
0x92: {  	[smem:s4], [sflag:s15] =	dma.local [hbm:s2], $0x1  }
0x93: {  	_ =	swait.eq [sflag:s15], $0x1  }
0x94: {  	[sflag:s15] =	ssyncset.done $0x0  }
0x95: {  	[sflag:s15] =	ssyncadd.s32 $0xFFFFFFFF  }
0x96: {  	s16 =	sld [smem:$0x10];
	(tm) =	ssettm $0x1  }
0x97: {  	s17 =	sld [smem:$0x3FFB];
	_ =	sdelay $0x3  }
0x98: {  	_ =	strace s17  }
0x99: {  	s3 =	sld [smem:$0x3FFC];
	_ =	sdelay $0x3  }
0x9a: {  	_ =	strace s3  }
0x9b: {  	s3 =	sld [smem:$0x3FFD];
	_ =	sdelay $0x3  }
0x9c: {  	_ =	strace s3  }
0x9d: {  	_ =	strace $0x8FFFFFFF  }
0x9e: {  	s18 =	sld [smem:$0x3FDB];
	_ =	sdelay $0x1  }
0x9f: {  	s19 =	simm.s32 $_scs_section_size  }
0xa0: {  	s5 =	simm.s32 $_size__tile_overlayer_lowered;
	s6 =	simm.s32 $_tile_overlayer_lowered  }
0xa1: {  	s22 =	simm.s32 $0x1BFF;
	s21 =	sshll.u32 s6, $0x1;
	s3 =	sadd.s32 s19, s18  }
0xa2: {  	s7 =	simm.s32 $0x0;
	s20 =	sshll.u32 s5, $0x1;
	s5 =	sadd.s32 s21, s3  }
0xa3: {  	[timem:s7], [sflag:s22] =	dma.local [hbm:s5], s20  }
0xa4: {  	_ =	swait.ge [sflag:s22], s20  }
0xa5: {  	s4 =	ssub.s32 $0x0, s20;
	[sflag:s22] =	ssyncset.done $0x0  }
0xa6: {  	[sflag:s22] =	ssyncadd.s32 s4;
	_ =	sdelay $0x1  }
0xa7: {  	s23 =	simm.s32 $0x1B8B  }
0xa8: {  	_ =	swait.ge [sflag:s23], $0x1  }
0xa9: {  	[sflag:s23] =	ssyncset.done $0x0  }
0xaa: {  	s25 =	simm.s32 $0x1B8E;
	s24 =	sld [smem:$0x3FFE];
	[sflag:s23] =	ssyncadd.s32 $0xFFFFFFFF  }
0xab: {  	s26 =	simm.s32 $execute0_lowered;
	[smem:$0x3FD2] =	sst s25  }
0xac: {  	s5 =	sshll.u32 s26, $0x1;
	_ =	strace $0x8000004C;
	[dreg:$0x1] =	wrdreg $0xFFFFFFFF  }
0xad: {  	s28 =	simm.s32 $_size_execute0_lowered;
	s3 =	sadd.s32 s3, s5;
	[dreg:$0x0] =	wrdreg $0x0  }
0xae: {  	s5 =	sshll.u32 s28, $0x1;
	[dreg:$0x2] =	wrdreg s3  }
0xaf: {  	[dreg:$0x3] =	wrdreg s5  }
0xb0: {  	[dreg:$0x4] =	wrdreg $0xC0  }
0xb1: {  	_ =	task [dreg:s7], $0x5FFFF  }
0xb2: {  	[dreg:$0x1] =	wrdreg $0xFFFFFFFF  }
0xb3: {  	[dreg:$0x0] =	wrdreg $0x60  }
0xb4: {  	[dreg:$0x2] =	wrdreg s16  }
0xb5: {  	[dreg:$0x3] =	wrdreg s24  }
0xb6: {  	[dreg:$0x4] =	wrdreg $0x98000  }
0xb7: {  	[dreg:$0x5] =	wrdreg $0x9  }
0xb8: {  	_ =	task.clear_ibuf [dreg:s7], $0x6FFFF;
	_ =	strace $0x9000004C  }
0xb9: {  	s29 =	simm.s32 $0x9;
	_ =	strace $0x8000004E  }
0xba: {  	_ =	swait.ge [sflag:s29], $0x1  }
0xbb: {  	[sflag:s29] =	ssyncadd.s32 $0xFFFFFFFF  }
0xbc: {  	_ =	strace $0x9000004E  }
0xbd: {  	_ =	sfence  }
0xbe: {  	s30 =	sld [smem:$0x0];
	_ =	sdelay $0x2  }
0xbf: {  	s31 =	sshll.u32 s1, $0xD;
	s1 =	sshrl.u32 s1, $0x2  }
0xc0: {  	s3 =	sand.u32 $0x4000, s31;
	s1 =	sadd.s32 s1, s30  }
0xc1: {  	s0 =	sor.u32 s3, s0;
	s1 =	sshll.u32 s1, $0x11  }
0xc2: {  	s0 =	sor.u32 s1, s0  }
0xc3: {  	s0 =	sadd.s32 $0x8F2B, s0  }
0xc4: {  	[sflag:s0] =	ssyncadd.remote.s32 $0x1  }
0xc5: {  	_ =	sfence.sel $0xFFFF  }
0xc6: {  	[dreg:$0x0] =	wrdreg $0xFFFFFFFF;
	(pc) =	sbr.abs _section_cstart, $3  }
0xc7: {  	[dreg:$0x1] =	wrdreg $0xFFFFFFFF  }
0xc8: {  	_ =	task.clear_ibuf [dreg:s7], $0x2FFFF;
	_ =	strace $0x9FFFFFFF  }
0xc9: {  	(tm) =	ssettm $0x7FFFFFFF  }
tec
execute0_lowered:
.L_overlay_start_1:
0x0: {  	(tag) =	ssettag $0x1  }
0x1: {  	s2 =	rddreg [dreg:$0x0]  }
0x2: {  	s0 =	rddreg [dreg:$0x1]  }
0x3: {  	s3 =	rddreg [dreg:$0x2]  }
0x4: {  	s11 =	stileid.u32;
	s1 =	srdreg.scid  }
0x5: {  	s4 =	simm.s32 $0x0;
	s28 =	simm.s32 $0x180;
	s29 =	simm.s32 $0x7C00  }
0x6: {  	s30 =	simm.s32 $0x1;
	s31 =	simm.s32 $0x2;
	s5 =	smul.u32 $0x2780, s11  }
0x7: {  	s1 =	sand.u32 $0x1, s1;
	[smem:$0x7FF] =	sst s4;
	s7 =	smul.u32 $0x13C00, s11  }
0x8: {  	s8 =	sadd.s32 $0x1A400, s0;
	s9 =	sadd.s32 $0x1400, s0;
	s10 =	sadd.s32 $0x5AC00, s0  }
0x9: {  	s6 =	smul.u32 $0x13C000, s1;
	_ =	strace $0x8000004D;
	s25 =	sshll.u32 s1, $0x4  }
0xa: {  	s26 =	ssub.s32 $0x2, s1;
	p0 =	sne.s32 s1, $0x0;
	s1 =	simm.s32 $0x4  }
0xb: {  	s6 =	sadd.s32 s7, s6;
	s7 =	sor.u32 s11, s25;
	s11 =	smul.u32 $0x4E200, s11  }
0xc: {  	s5 =	sadd.s32 s5, s0;
	s13 =	sshrl.u32 s26, $0x1;
	s12 =	smul.u32 $0x6400, s7  }
0xd: {  	s13 =	ssub.s32 s26, s13;
	s6 =	sshrl.u32 s6, $0x3;
	s7 =	smul.u32 $0xC80, s7  }
0xe: {  	s26 =	smax.u32 s13, $0x1;
	s13 =	simm.s32 $0x2780;
	s0 =	sadd.s32 s6, s0  }
0xf: {  	s11 =	sshrl.u32 s11, $0x2;
	s6 =	sadd.s32 $0x33400, s5;
	[dreg:$0x11] =	wrdreg s26  }
0x10: {  	s26 =	simm.s32 $0x6000;
	s14 =	sadd.s32 s11, s3;
	s15 =	sshrl.u32 s12, $0x3  }
0x11: {  	s16 =	sadd.s32 s8, s7;
	s7 =	sadd.s32 s9, s7;
	[dreg:$0x4] =	wrdreg s14  }
0x12: {  	s0 =	sadd.s32 $0x5D400, s0;
	s6 =	smov.u32 @p0 s10;
	[dreg:$0x6] =	wrdreg s16  }
0x13: {  	s10 =	simm.s32 $0x2600;
	s11 =	simm.s32 $0x2680;
	[dreg:$0x7] =	wrdreg s7  }
0x14: {  	s12 =	simm.s32 $0x2700;
	s17 =	sadd.s32 $0x280, s15;
	[dreg:$0x10] =	wrdreg s0  }
0x15: {  	s19 =	sadd.s32 $0x500, s15;
	[dreg:$0x5] =	wrdreg s6;
	s18 =	sadd.s32 s8, s17  }
0x16: {  	s21 =	sadd.s32 $0x780, s15;
	s5 =	sadd.s32 s9, s17;
	[dreg:$0x8] =	wrdreg s18  }
0x17: {  	s23 =	sadd.s32 $0xA00, s15;
	s20 =	sadd.s32 s8, s19;
	[dreg:$0x9] =	wrdreg s5  }
0x18: {  	s0 =	simm.s32 $0x3;
	s7 =	sadd.s32 s9, s19;
	[dreg:$0xa] =	wrdreg s20  }
0x19: {  	s14 =	simm.s32 $0x0;
	s22 =	sadd.s32 s8, s21;
	[dreg:$0xb] =	wrdreg s7  }
0x1a: {  	s24 =	sadd.s32 s8, s23;
	s25 =	sadd.s32 s9, s23;
	[dreg:$0xc] =	wrdreg s22  }
0x1b: {  	s19 =	simm.s32 $0x9;
	s23 =	simm.s32 $0x80;
	[dreg:$0xe] =	wrdreg s24  }
0x1c: {  	s8 =	simm.s32 $0x7;
	s5 =	sadd.s32 s9, s21;
	[dreg:$0xf] =	wrdreg s25  }
0x1d: {  	s20 =	simm.s32 $0x1400;
	s21 =	simm.s32 $0x32;
	s22 =	simm.s32 $0x2800  }
0x1e: {  	s24 =	simm.s32 $0x4400;
	s25 =	simm.s32 $0x100;
	s7 =	simm.s32 $0x6  }
0x1f: {  	s9 =	simm.s32 $0x8;
	[dreg:$0xd] =	wrdreg s5;
	s5 =	simm.s32 $0x5  }
.LBB2_1:
0x20: {  	s6 =	stileid.u32  }
0x21: {  	s17 =	rddreg [dreg:$0x4];
	s15 =	sshll.u32 s6, $0x6  }
0x22: {  	s18 =	rddreg [dreg:$0x5];
	s16 =	sshrl.u32 s17, $0x3;
	s15 =	sor.u32 $0x1C09, s15  }
0x23: {  	[spmem:s16], [sflag:s15] =	dma.local [hbm:s18], $0x2710  }
0x24: {  	_ =	swait.ge [sflag:s19], $0x2710  }
0x25: {  	[sflag:s19] =	ssyncset.done $0x0  }
0x26: {  	[sflag:s19] =	ssyncadd.s32 $0xFFFFD8F0  }
0x27: {  	[bflag:$0x0] =	sbarrier.arrive $0xFFFF  }
0x28: {  	s17 =	rddreg [dreg:$0x6]  }
0x29: {  	[tilespmem:s4], [sflag:$0x9] =	stream.linear.gather [hbm4b:s17+s4], $0x1400, $0x38;
	[tilespmem:$0x1D080] =	vst v63  }
0x2a: {  	_ =	swait.ge [sflag:s19], $0x1400  }
0x2b: {  	[sflag:s19] =	ssyncset.done $0x0  }
0x2c: {  	s18 =	rddreg [dreg:$0x7];
	[sflag:s19] =	ssyncadd.s32 $0xFFFFEC00  }
0x2d: {  	[tilespmem:s20], [sflag:$0x9] =	stream.linear.gather [hbm4b:s18+s4], $0x1400, $0x38;
	[tilespmem:$0x1D080] =	vst v63  }
0x2e: {  	_ =	swait.ge [sflag:s19], $0x1400  }
0x2f: {  	[sflag:s19] =	ssyncset.done $0x0  }
0x30: {  	[sflag:s19] =	ssyncadd.s32 $0xFFFFEC00  }
0x31: {  	[tilespmem:s22], [sflag:$0x1] =	stream.indirect.gather [hbm4b:s2+s21], $0x80, s4, s21, $0xb8;
	[tilespmem:$0x1D080] =	vst v63  }
0x32: {  	_ = 	snop  }
0x33: {  	[tilespmem:s24], [sflag:$0x2] =	stream.indirect.gather [hbm4b:s2+s21], $0x80, s23, s21, $0xb8;
	[tilespmem:$0x1D080] =	vst v63  }
0x34: {  	_ = 	snop  }
0x35: {  	[tilespmem:s26], [sflag:$0x3] =	stream.indirect.gather [hbm4b:s2+s21], $0x80, s25, s21, $0xb8;
	[tilespmem:$0x1D080] =	vst v63  }
0x36: {  	_ = 	snop  }
0x37: {  	[tilespmem:s29], [sflag:$0x4] =	stream.indirect.gather [hbm4b:s2+s21], $0x80, s28, s21, $0xb8;
	[tilespmem:$0x1D080] =	vst v63  }
0x38: {  	_ =	swait.ge [sflag:s30], $0x1900  }
0x39: {  	[sflag:s30] =	ssyncset.done $0x0  }
0x3a: {  	s17 =	simm.s32 $0x1400;
	[sflag:s30] =	ssyncadd.s32 $0xFFFFE700  }
0x3b: {  	[spmem:s3] =	stream.indirect.scatter.add.f32 [tilespmem:s22], [sflag:$0x5], $0x80, s17, s21, $0xb8;
	[tilespmem:$0x1D080] =	vst v63  }
0x3c: {  	_ =	swait.ge [sflag:s31], $0x1900  }
0x3d: {  	[sflag:s31] =	ssyncset.done $0x0  }
0x3e: {  	s6 =	simm.s32 $0x1480;
	[sflag:s31] =	ssyncadd.s32 $0xFFFFE700  }
0x3f: {  	[spmem:s3] =	stream.indirect.scatter.add.f32 [tilespmem:s24], [sflag:$0x6], $0x80, s6, s21, $0xb8;
	[tilespmem:$0x1D080] =	vst v63  }
0x40: {  	_ =	swait.ge [sflag:s0], $0x1900  }
0x41: {  	[sflag:s0] =	ssyncset.done $0x0  }
0x42: {  	s18 =	simm.s32 $0x1500;
	[sflag:s0] =	ssyncadd.s32 $0xFFFFE700  }
0x43: {  	[spmem:s3] =	stream.indirect.scatter.add.f32 [tilespmem:s26], [sflag:$0x7], $0x80, s18, s21, $0xb8;
	[tilespmem:$0x1D080] =	vst v63  }
0x44: {  	_ =	swait.ge [sflag:s1], $0x1900  }
0x45: {  	[sflag:s1] =	ssyncset.done $0x0  }
0x46: {  	s6 =	simm.s32 $0x1580;
	[sflag:s1] =	ssyncadd.s32 $0xFFFFE700  }
0x47: {  	[spmem:s3] =	stream.indirect.scatter.add.f32 [tilespmem:s29], [sflag:$0x8], $0x80, s6, s21, $0xb8;
	[tilespmem:$0x1D080] =	vst v63  }
0x48: {  	_ =	swait.ge [sflag:s5], $0x1900  }
0x49: {  	[sflag:s5] =	ssyncset.done $0x0  }
0x4a: {  	s18 =	simm.s32 $0x200;
	[sflag:s5] =	ssyncadd.s32 $0xFFFFE700  }
0x4b: {  	[tilespmem:s22], [sflag:$0x1] =	stream.indirect.gather [hbm4b:s2+s21], $0x80, s18, s21, $0xb8;
	[tilespmem:$0x1D080] =	vst v63  }
0x4c: {  	_ =	swait.ge [sflag:s7], $0x1900  }
0x4d: {  	[sflag:s7] =	ssyncset.done $0x0  }
0x4e: {  	s6 =	simm.s32 $0x280;
	[sflag:s7] =	ssyncadd.s32 $0xFFFFE700  }
0x4f: {  	[tilespmem:s24], [sflag:$0x2] =	stream.indirect.gather [hbm4b:s2+s21], $0x80, s6, s21, $0xb8;
	[tilespmem:$0x1D080] =	vst v63  }
0x50: {  	_ =	swait.ge [sflag:s8], $0x1900  }
0x51: {  	[sflag:s8] =	ssyncset.done $0x0  }
0x52: {  	s18 =	simm.s32 $0x300;
	[sflag:s8] =	ssyncadd.s32 $0xFFFFE700  }
0x53: {  	[tilespmem:s26], [sflag:$0x3] =	stream.indirect.gather [hbm4b:s2+s21], $0x80, s18, s21, $0xb8;
	[tilespmem:$0x1D080] =	vst v63  }
0x54: {  	_ =	swait.ge [sflag:s9], $0x1900  }
0x55: {  	[sflag:s9] =	ssyncset.done $0x0  }
0x56: {  	s17 =	simm.s32 $0x800;
	s18 =	simm.s32 $0x380;
	[sflag:s9] =	ssyncadd.s32 $0xFFFFE700  }
.LBB2_2:
0x57: {  	[tilespmem:s29], [sflag:$0x4] =	stream.indirect.gather [hbm4b:s2+s21], $0x80, s18, s21, $0xb8;
	[tilespmem:$0x1D080] =	vst v63  }
0x58: {  	s18 =	smov.u32 s17  }
0x59: {  	p0 =	sne.s32 s17, $0x4000;
	s17 =	sadd.s32 $0x800, s17;
	_ =	swait.ge [sflag:s30], $0x1900  }
0x5a: {  	s18 =	sshra.s32 s18, $0x2;
	[sflag:s30] =	ssyncset.done $0x0  }
0x5b: {  	s6 =	sadd.s32 $0x1400, s18;
	[sflag:s30] =	ssyncadd.s32 $0xFFFFE700  }
0x5c: {  	[spmem:s3] =	stream.indirect.scatter.add.f32 [tilespmem:s22], [sflag:$0x5], $0x80, s6, s21, $0xb8;
	[tilespmem:$0x1D080] =	vst v63  }
0x5d: {  	_ =	swait.ge [sflag:s31], $0x1900  }
0x5e: {  	[sflag:s31] =	ssyncset.done $0x0  }
0x5f: {  	s6 =	sadd.s32 $0x1480, s18;
	[sflag:s31] =	ssyncadd.s32 $0xFFFFE700  }
0x60: {  	[spmem:s3] =	stream.indirect.scatter.add.f32 [tilespmem:s24], [sflag:$0x6], $0x80, s6, s21, $0xb8;
	[tilespmem:$0x1D080] =	vst v63  }
0x61: {  	_ =	swait.ge [sflag:s0], $0x1900  }
0x62: {  	[sflag:s0] =	ssyncset.done $0x0  }
0x63: {  	s6 =	sadd.s32 $0x1500, s18;
	[sflag:s0] =	ssyncadd.s32 $0xFFFFE700  }
0x64: {  	[spmem:s3] =	stream.indirect.scatter.add.f32 [tilespmem:s26], [sflag:$0x7], $0x80, s6, s21, $0xb8;
	[tilespmem:$0x1D080] =	vst v63  }
0x65: {  	_ =	swait.ge [sflag:s1], $0x1900  }
0x66: {  	[sflag:s1] =	ssyncset.done $0x0  }
0x67: {  	s6 =	sadd.s32 $0x1580, s18;
	[sflag:s1] =	ssyncadd.s32 $0xFFFFE700  }
0x68: {  	[spmem:s3] =	stream.indirect.scatter.add.f32 [tilespmem:s29], [sflag:$0x8], $0x80, s6, s21, $0xb8;
	[tilespmem:$0x1D080] =	vst v63  }
0x69: {  	_ =	swait.ge [sflag:s5], $0x1900  }
0x6a: {  	[sflag:s5] =	ssyncset.done $0x0  }
0x6b: {  	s6 =	sadd.s32 $0x200, s18;
	[sflag:s5] =	ssyncadd.s32 $0xFFFFE700  }
0x6c: {  	[tilespmem:s22], [sflag:$0x1] =	stream.indirect.gather [hbm4b:s2+s21], $0x80, s6, s21, $0xb8;
	[tilespmem:$0x1D080] =	vst v63  }
0x6d: {  	_ =	swait.ge [sflag:s7], $0x1900  }
0x6e: {  	[sflag:s7] =	ssyncset.done $0x0  }
0x6f: {  	s6 =	sadd.s32 $0x280, s18;
	[sflag:s7] =	ssyncadd.s32 $0xFFFFE700  }
0x70: {  	[tilespmem:s24], [sflag:$0x2] =	stream.indirect.gather [hbm4b:s2+s21], $0x80, s6, s21, $0xb8;
	[tilespmem:$0x1D080] =	vst v63  }
0x71: {  	_ =	swait.ge [sflag:s8], $0x1900  }
0x72: {  	[sflag:s8] =	ssyncset.done $0x0  }
.Ltmp0:
0x73: {  	s6 =	sadd.s32 $0x300, s18;
	[sflag:s8] =	ssyncadd.s32 $0xFFFFE700;
	(pc) =	sbr.rel @p0 .LBB2_2-.Ltmp0, $4  }
0x74: {  	[tilespmem:s26], [sflag:$0x3] =	stream.indirect.gather [hbm4b:s2+s21], $0x80, s6, s21, $0xb8;
	[tilespmem:$0x1D080] =	vst v63  }
0x75: {  	_ =	swait.ge [sflag:s9], $0x1900  }
0x76: {  	[sflag:s9] =	ssyncset.done $0x0  }
0x77: {  	s18 =	sadd.s32 $0x380, s18;
	[sflag:s9] =	ssyncadd.s32 $0xFFFFE700  }
0x78: {  	[tilespmem:s29], [sflag:$0x4] =	stream.indirect.gather [hbm4b:s2+s21], $0x80, s18, s21, $0xb8;
	[tilespmem:$0x1D080] =	vst v63  }
0x79: {  	_ =	swait.ge [sflag:s30], $0x1900  }
0x7a: {  	[sflag:s30] =	ssyncset.done $0x0  }
0x7b: {  	[sflag:s30] =	ssyncadd.s32 $0xFFFFE700  }
0x7c: {  	[spmem:s3] =	stream.indirect.scatter.add.f32 [tilespmem:s22], [sflag:$0x5], $0x80, s10, s21, $0xb8;
	[tilespmem:$0x1D080] =	vst v63  }
0x7d: {  	_ =	swait.ge [sflag:s31], $0x1900  }
0x7e: {  	[sflag:s31] =	ssyncset.done $0x0  }
0x7f: {  	[sflag:s31] =	ssyncadd.s32 $0xFFFFE700  }
0x80: {  	[spmem:s3] =	stream.indirect.scatter.add.f32 [tilespmem:s24], [sflag:$0x6], $0x80, s11, s21, $0xb8;
	[tilespmem:$0x1D080] =	vst v63  }
0x81: {  	_ =	swait.ge [sflag:s0], $0x1900  }
0x82: {  	[sflag:s0] =	ssyncset.done $0x0  }
0x83: {  	[sflag:s0] =	ssyncadd.s32 $0xFFFFE700  }
0x84: {  	[spmem:s3] =	stream.indirect.scatter.add.f32 [tilespmem:s26], [sflag:$0x7], $0x80, s12, s21, $0xb8;
	[tilespmem:$0x1D080] =	vst v63  }
0x85: {  	_ =	swait.ge [sflag:s1], $0x1900  }
0x86: {  	[sflag:s1] =	ssyncset.done $0x0  }
0x87: {  	[sflag:s1] =	ssyncadd.s32 $0xFFFFE700  }
0x88: {  	[spmem:s3] =	stream.indirect.scatter.add.f32 [tilespmem:s29], [sflag:$0x8], $0x80, s13, s21, $0xb8;
	[tilespmem:$0x1D080] =	vst v63  }
0x89: {  	_ =	swait.ge [sflag:s5], $0x1900  }
0x8a: {  	[sflag:s5] =	ssyncset.done $0x0  }
0x8b: {  	[sflag:s5] =	ssyncadd.s32 $0xFFFFE700  }
0x8c: {  	_ =	swait.ge [sflag:s7], $0x1900  }
0x8d: {  	[sflag:s7] =	ssyncset.done $0x0  }
0x8e: {  	[sflag:s7] =	ssyncadd.s32 $0xFFFFE700  }
0x8f: {  	_ =	swait.ge [sflag:s8], $0x1900  }
0x90: {  	[sflag:s8] =	ssyncset.done $0x0  }
0x91: {  	[sflag:s8] =	ssyncadd.s32 $0xFFFFE700  }
0x92: {  	_ =	swait.ge [sflag:s9], $0x1900  }
0x93: {  	[sflag:s9] =	ssyncset.done $0x0  }
0x94: {  	s6 =	simm.s32 $0x0;
	s17 =	rddreg [dreg:$0x8];
	[sflag:s9] =	ssyncadd.s32 $0xFFFFE700  }
0x95: {  	[tilespmem:s6], [sflag:$0x9] =	stream.linear.gather [hbm4b:s17+s6], $0x1400, $0x38;
	[tilespmem:$0x1D080] =	vst v63  }
0x96: {  	_ =	swait.ge [sflag:s19], $0x1400  }
0x97: {  	[sflag:s19] =	ssyncset.done $0x0  }
0x98: {  	s18 =	rddreg [dreg:$0x9];
	[sflag:s19] =	ssyncadd.s32 $0xFFFFEC00  }
0x99: {  	[tilespmem:s20], [sflag:$0x9] =	stream.linear.gather [hbm4b:s18+s6], $0x1400, $0x38;
	[tilespmem:$0x1D080] =	vst v63  }
0x9a: {  	_ =	swait.ge [sflag:s19], $0x1400  }
0x9b: {  	[sflag:s19] =	ssyncset.done $0x0  }
0x9c: {  	[sflag:s19] =	ssyncadd.s32 $0xFFFFEC00  }
0x9d: {  	[tilespmem:s22], [sflag:$0x1] =	stream.indirect.gather [hbm4b:s2+s21], $0x80, s6, s21, $0xb8;
	[tilespmem:$0x1D080] =	vst v63  }
0x9e: {  	_ = 	snop  }
0x9f: {  	[tilespmem:s24], [sflag:$0x2] =	stream.indirect.gather [hbm4b:s2+s21], $0x80, s23, s21, $0xb8;
	[tilespmem:$0x1D080] =	vst v63  }
0xa0: {  	_ = 	snop  }
0xa1: {  	[tilespmem:s26], [sflag:$0x3] =	stream.indirect.gather [hbm4b:s2+s21], $0x80, s25, s21, $0xb8;
	[tilespmem:$0x1D080] =	vst v63  }
0xa2: {  	_ = 	snop  }
0xa3: {  	[tilespmem:s29], [sflag:$0x4] =	stream.indirect.gather [hbm4b:s2+s21], $0x80, s28, s21, $0xb8;
	[tilespmem:$0x1D080] =	vst v63  }
0xa4: {  	_ =	swait.ge [sflag:s30], $0x1900  }
0xa5: {  	[sflag:s30] =	ssyncset.done $0x0  }
0xa6: {  	s18 =	simm.s32 $0x1400;
	[sflag:s30] =	ssyncadd.s32 $0xFFFFE700  }
0xa7: {  	[spmem:s3] =	stream.indirect.scatter.add.f32 [tilespmem:s22], [sflag:$0x5], $0x80, s18, s21, $0xb8;
	[tilespmem:$0x1D080] =	vst v63  }
0xa8: {  	_ =	swait.ge [sflag:s31], $0x1900  }
0xa9: {  	[sflag:s31] =	ssyncset.done $0x0  }
0xaa: {  	s17 =	simm.s32 $0x1480;
	[sflag:s31] =	ssyncadd.s32 $0xFFFFE700  }
0xab: {  	[spmem:s3] =	stream.indirect.scatter.add.f32 [tilespmem:s24], [sflag:$0x6], $0x80, s17, s21, $0xb8;
	[tilespmem:$0x1D080] =	vst v63  }
0xac: {  	_ =	swait.ge [sflag:s0], $0x1900  }
0xad: {  	[sflag:s0] =	ssyncset.done $0x0  }
0xae: {  	s18 =	simm.s32 $0x1500;
	[sflag:s0] =	ssyncadd.s32 $0xFFFFE700  }
0xaf: {  	[spmem:s3] =	stream.indirect.scatter.add.f32 [tilespmem:s26], [sflag:$0x7], $0x80, s18, s21, $0xb8;
	[tilespmem:$0x1D080] =	vst v63  }
0xb0: {  	_ =	swait.ge [sflag:s1], $0x1900  }
0xb1: {  	[sflag:s1] =	ssyncset.done $0x0  }
0xb2: {  	s17 =	simm.s32 $0x1580;
	[sflag:s1] =	ssyncadd.s32 $0xFFFFE700  }
0xb3: {  	[spmem:s3] =	stream.indirect.scatter.add.f32 [tilespmem:s29], [sflag:$0x8], $0x80, s17, s21, $0xb8;
	[tilespmem:$0x1D080] =	vst v63  }
0xb4: {  	_ =	swait.ge [sflag:s5], $0x1900  }
0xb5: {  	[sflag:s5] =	ssyncset.done $0x0  }
0xb6: {  	s18 =	simm.s32 $0x200;
	[sflag:s5] =	ssyncadd.s32 $0xFFFFE700  }
0xb7: {  	[tilespmem:s22], [sflag:$0x1] =	stream.indirect.gather [hbm4b:s2+s21], $0x80, s18, s21, $0xb8;
	[tilespmem:$0x1D080] =	vst v63  }
0xb8: {  	_ =	swait.ge [sflag:s7], $0x1900  }
0xb9: {  	[sflag:s7] =	ssyncset.done $0x0  }
0xba: {  	s17 =	simm.s32 $0x280;
	[sflag:s7] =	ssyncadd.s32 $0xFFFFE700  }
0xbb: {  	[tilespmem:s24], [sflag:$0x2] =	stream.indirect.gather [hbm4b:s2+s21], $0x80, s17, s21, $0xb8;
	[tilespmem:$0x1D080] =	vst v63  }
0xbc: {  	_ =	swait.ge [sflag:s8], $0x1900  }
0xbd: {  	[sflag:s8] =	ssyncset.done $0x0  }
0xbe: {  	s18 =	simm.s32 $0x300;
	[sflag:s8] =	ssyncadd.s32 $0xFFFFE700  }
0xbf: {  	[tilespmem:s26], [sflag:$0x3] =	stream.indirect.gather [hbm4b:s2+s21], $0x80, s18, s21, $0xb8;
	[tilespmem:$0x1D080] =	vst v63  }
0xc0: {  	_ =	swait.ge [sflag:s9], $0x1900  }
0xc1: {  	[sflag:s9] =	ssyncset.done $0x0  }
0xc2: {  	s17 =	simm.s32 $0x800;
	s18 =	simm.s32 $0x380;
	[sflag:s9] =	ssyncadd.s32 $0xFFFFE700  }
.LBB2_4:
0xc3: {  	[tilespmem:s29], [sflag:$0x4] =	stream.indirect.gather [hbm4b:s2+s21], $0x80, s18, s21, $0xb8;
	[tilespmem:$0x1D080] =	vst v63  }
0xc4: {  	s6 =	smov.u32 s17  }
0xc5: {  	p0 =	sne.s32 s17, $0x4000;
	s17 =	sadd.s32 $0x800, s17;
	_ =	swait.ge [sflag:s30], $0x1900  }
0xc6: {  	s18 =	sshra.s32 s6, $0x2;
	[sflag:s30] =	ssyncset.done $0x0  }
0xc7: {  	s6 =	sadd.s32 $0x1400, s18;
	[sflag:s30] =	ssyncadd.s32 $0xFFFFE700  }
0xc8: {  	[spmem:s3] =	stream.indirect.scatter.add.f32 [tilespmem:s22], [sflag:$0x5], $0x80, s6, s21, $0xb8;
	[tilespmem:$0x1D080] =	vst v63  }
0xc9: {  	_ =	swait.ge [sflag:s31], $0x1900  }
0xca: {  	[sflag:s31] =	ssyncset.done $0x0  }
0xcb: {  	s6 =	sadd.s32 $0x1480, s18;
	[sflag:s31] =	ssyncadd.s32 $0xFFFFE700  }
0xcc: {  	[spmem:s3] =	stream.indirect.scatter.add.f32 [tilespmem:s24], [sflag:$0x6], $0x80, s6, s21, $0xb8;
	[tilespmem:$0x1D080] =	vst v63  }
0xcd: {  	_ =	swait.ge [sflag:s0], $0x1900  }
0xce: {  	[sflag:s0] =	ssyncset.done $0x0  }
0xcf: {  	s6 =	sadd.s32 $0x1500, s18;
	[sflag:s0] =	ssyncadd.s32 $0xFFFFE700  }
0xd0: {  	[spmem:s3] =	stream.indirect.scatter.add.f32 [tilespmem:s26], [sflag:$0x7], $0x80, s6, s21, $0xb8;
	[tilespmem:$0x1D080] =	vst v63  }
0xd1: {  	_ =	swait.ge [sflag:s1], $0x1900  }
0xd2: {  	[sflag:s1] =	ssyncset.done $0x0  }
0xd3: {  	s6 =	sadd.s32 $0x1580, s18;
	[sflag:s1] =	ssyncadd.s32 $0xFFFFE700  }
0xd4: {  	[spmem:s3] =	stream.indirect.scatter.add.f32 [tilespmem:s29], [sflag:$0x8], $0x80, s6, s21, $0xb8;
	[tilespmem:$0x1D080] =	vst v63  }
0xd5: {  	_ =	swait.ge [sflag:s5], $0x1900  }
0xd6: {  	[sflag:s5] =	ssyncset.done $0x0  }
0xd7: {  	s6 =	sadd.s32 $0x200, s18;
	[sflag:s5] =	ssyncadd.s32 $0xFFFFE700  }
0xd8: {  	[tilespmem:s22], [sflag:$0x1] =	stream.indirect.gather [hbm4b:s2+s21], $0x80, s6, s21, $0xb8;
	[tilespmem:$0x1D080] =	vst v63  }
0xd9: {  	_ =	swait.ge [sflag:s7], $0x1900  }
0xda: {  	[sflag:s7] =	ssyncset.done $0x0  }
0xdb: {  	s6 =	sadd.s32 $0x280, s18;
	[sflag:s7] =	ssyncadd.s32 $0xFFFFE700  }
0xdc: {  	[tilespmem:s24], [sflag:$0x2] =	stream.indirect.gather [hbm4b:s2+s21], $0x80, s6, s21, $0xb8;
	[tilespmem:$0x1D080] =	vst v63  }
0xdd: {  	_ =	swait.ge [sflag:s8], $0x1900  }
0xde: {  	[sflag:s8] =	ssyncset.done $0x0  }
.Ltmp1:
0xdf: {  	s6 =	sadd.s32 $0x300, s18;
	[sflag:s8] =	ssyncadd.s32 $0xFFFFE700;
	(pc) =	sbr.rel @p0 .LBB2_4-.Ltmp1, $4  }
0xe0: {  	[tilespmem:s26], [sflag:$0x3] =	stream.indirect.gather [hbm4b:s2+s21], $0x80, s6, s21, $0xb8;
	[tilespmem:$0x1D080] =	vst v63  }
0xe1: {  	_ =	swait.ge [sflag:s9], $0x1900  }
0xe2: {  	[sflag:s9] =	ssyncset.done $0x0  }
0xe3: {  	s18 =	sadd.s32 $0x380, s18;
	[sflag:s9] =	ssyncadd.s32 $0xFFFFE700  }
0xe4: {  	[tilespmem:s29], [sflag:$0x4] =	stream.indirect.gather [hbm4b:s2+s21], $0x80, s18, s21, $0xb8;
	[tilespmem:$0x1D080] =	vst v63  }
0xe5: {  	_ =	swait.ge [sflag:s30], $0x1900  }
0xe6: {  	[sflag:s30] =	ssyncset.done $0x0  }
0xe7: {  	[sflag:s30] =	ssyncadd.s32 $0xFFFFE700  }
0xe8: {  	[spmem:s3] =	stream.indirect.scatter.add.f32 [tilespmem:s22], [sflag:$0x5], $0x80, s10, s21, $0xb8;
	[tilespmem:$0x1D080] =	vst v63  }
0xe9: {  	_ =	swait.ge [sflag:s31], $0x1900  }
0xea: {  	[sflag:s31] =	ssyncset.done $0x0  }
0xeb: {  	[sflag:s31] =	ssyncadd.s32 $0xFFFFE700  }
0xec: {  	[spmem:s3] =	stream.indirect.scatter.add.f32 [tilespmem:s24], [sflag:$0x6], $0x80, s11, s21, $0xb8;
	[tilespmem:$0x1D080] =	vst v63  }
0xed: {  	_ =	swait.ge [sflag:s0], $0x1900  }
0xee: {  	[sflag:s0] =	ssyncset.done $0x0  }
0xef: {  	[sflag:s0] =	ssyncadd.s32 $0xFFFFE700  }
0xf0: {  	[spmem:s3] =	stream.indirect.scatter.add.f32 [tilespmem:s26], [sflag:$0x7], $0x80, s12, s21, $0xb8;
	[tilespmem:$0x1D080] =	vst v63  }
0xf1: {  	_ =	swait.ge [sflag:s1], $0x1900  }
0xf2: {  	[sflag:s1] =	ssyncset.done $0x0  }
0xf3: {  	[sflag:s1] =	ssyncadd.s32 $0xFFFFE700  }
0xf4: {  	[spmem:s3] =	stream.indirect.scatter.add.f32 [tilespmem:s29], [sflag:$0x8], $0x80, s13, s21, $0xb8;
	[tilespmem:$0x1D080] =	vst v63  }
0xf5: {  	_ =	swait.ge [sflag:s5], $0x1900  }
0xf6: {  	[sflag:s5] =	ssyncset.done $0x0  }
0xf7: {  	[sflag:s5] =	ssyncadd.s32 $0xFFFFE700  }
0xf8: {  	_ =	swait.ge [sflag:s7], $0x1900  }
0xf9: {  	[sflag:s7] =	ssyncset.done $0x0  }
0xfa: {  	[sflag:s7] =	ssyncadd.s32 $0xFFFFE700  }
0xfb: {  	_ =	swait.ge [sflag:s8], $0x1900  }
0xfc: {  	[sflag:s8] =	ssyncset.done $0x0  }
0xfd: {  	[sflag:s8] =	ssyncadd.s32 $0xFFFFE700  }
0xfe: {  	_ =	swait.ge [sflag:s9], $0x1900  }
0xff: {  	[sflag:s9] =	ssyncset.done $0x0  }
0x100: {  	s6 =	simm.s32 $0x0;
	s17 =	rddreg [dreg:$0xa];
	[sflag:s9] =	ssyncadd.s32 $0xFFFFE700  }
0x101: {  	[tilespmem:s6], [sflag:$0x9] =	stream.linear.gather [hbm4b:s17+s6], $0x1400, $0x38;
	[tilespmem:$0x1D080] =	vst v63  }
0x102: {  	_ =	swait.ge [sflag:s19], $0x1400  }
0x103: {  	[sflag:s19] =	ssyncset.done $0x0  }
0x104: {  	s18 =	rddreg [dreg:$0xb];
	[sflag:s19] =	ssyncadd.s32 $0xFFFFEC00  }
0x105: {  	[tilespmem:s20], [sflag:$0x9] =	stream.linear.gather [hbm4b:s18+s6], $0x1400, $0x38;
	[tilespmem:$0x1D080] =	vst v63  }
0x106: {  	_ =	swait.ge [sflag:s19], $0x1400  }
0x107: {  	[sflag:s19] =	ssyncset.done $0x0  }
0x108: {  	[sflag:s19] =	ssyncadd.s32 $0xFFFFEC00  }
0x109: {  	[tilespmem:s22], [sflag:$0x1] =	stream.indirect.gather [hbm4b:s2+s21], $0x80, s6, s21, $0xb8;
	[tilespmem:$0x1D080] =	vst v63  }
0x10a: {  	_ = 	snop  }
0x10b: {  	[tilespmem:s24], [sflag:$0x2] =	stream.indirect.gather [hbm4b:s2+s21], $0x80, s23, s21, $0xb8;
	[tilespmem:$0x1D080] =	vst v63  }
0x10c: {  	_ = 	snop  }
0x10d: {  	[tilespmem:s26], [sflag:$0x3] =	stream.indirect.gather [hbm4b:s2+s21], $0x80, s25, s21, $0xb8;
	[tilespmem:$0x1D080] =	vst v63  }
0x10e: {  	_ = 	snop  }
0x10f: {  	[tilespmem:s29], [sflag:$0x4] =	stream.indirect.gather [hbm4b:s2+s21], $0x80, s28, s21, $0xb8;
	[tilespmem:$0x1D080] =	vst v63  }
0x110: {  	_ =	swait.ge [sflag:s30], $0x1900  }
0x111: {  	[sflag:s30] =	ssyncset.done $0x0  }
0x112: {  	s18 =	simm.s32 $0x1400;
	[sflag:s30] =	ssyncadd.s32 $0xFFFFE700  }
0x113: {  	[spmem:s3] =	stream.indirect.scatter.add.f32 [tilespmem:s22], [sflag:$0x5], $0x80, s18, s21, $0xb8;
	[tilespmem:$0x1D080] =	vst v63  }
0x114: {  	_ =	swait.ge [sflag:s31], $0x1900  }
0x115: {  	[sflag:s31] =	ssyncset.done $0x0  }
0x116: {  	s17 =	simm.s32 $0x1480;
	[sflag:s31] =	ssyncadd.s32 $0xFFFFE700  }
0x117: {  	[spmem:s3] =	stream.indirect.scatter.add.f32 [tilespmem:s24], [sflag:$0x6], $0x80, s17, s21, $0xb8;
	[tilespmem:$0x1D080] =	vst v63  }
0x118: {  	_ =	swait.ge [sflag:s0], $0x1900  }
0x119: {  	[sflag:s0] =	ssyncset.done $0x0  }
0x11a: {  	s18 =	simm.s32 $0x1500;
	[sflag:s0] =	ssyncadd.s32 $0xFFFFE700  }
0x11b: {  	[spmem:s3] =	stream.indirect.scatter.add.f32 [tilespmem:s26], [sflag:$0x7], $0x80, s18, s21, $0xb8;
	[tilespmem:$0x1D080] =	vst v63  }
0x11c: {  	_ =	swait.ge [sflag:s1], $0x1900  }
0x11d: {  	[sflag:s1] =	ssyncset.done $0x0  }
0x11e: {  	s17 =	simm.s32 $0x1580;
	[sflag:s1] =	ssyncadd.s32 $0xFFFFE700  }
0x11f: {  	[spmem:s3] =	stream.indirect.scatter.add.f32 [tilespmem:s29], [sflag:$0x8], $0x80, s17, s21, $0xb8;
	[tilespmem:$0x1D080] =	vst v63  }
0x120: {  	_ =	swait.ge [sflag:s5], $0x1900  }
0x121: {  	[sflag:s5] =	ssyncset.done $0x0  }
0x122: {  	s18 =	simm.s32 $0x200;
	[sflag:s5] =	ssyncadd.s32 $0xFFFFE700  }
0x123: {  	[tilespmem:s22], [sflag:$0x1] =	stream.indirect.gather [hbm4b:s2+s21], $0x80, s18, s21, $0xb8;
	[tilespmem:$0x1D080] =	vst v63  }
0x124: {  	_ =	swait.ge [sflag:s7], $0x1900  }
0x125: {  	[sflag:s7] =	ssyncset.done $0x0  }
0x126: {  	s17 =	simm.s32 $0x280;
	[sflag:s7] =	ssyncadd.s32 $0xFFFFE700  }
0x127: {  	[tilespmem:s24], [sflag:$0x2] =	stream.indirect.gather [hbm4b:s2+s21], $0x80, s17, s21, $0xb8;
	[tilespmem:$0x1D080] =	vst v63  }
0x128: {  	_ =	swait.ge [sflag:s8], $0x1900  }
0x129: {  	[sflag:s8] =	ssyncset.done $0x0  }
0x12a: {  	s18 =	simm.s32 $0x300;
	[sflag:s8] =	ssyncadd.s32 $0xFFFFE700  }
0x12b: {  	[tilespmem:s26], [sflag:$0x3] =	stream.indirect.gather [hbm4b:s2+s21], $0x80, s18, s21, $0xb8;
	[tilespmem:$0x1D080] =	vst v63  }
0x12c: {  	_ =	swait.ge [sflag:s9], $0x1900  }
0x12d: {  	[sflag:s9] =	ssyncset.done $0x0  }
0x12e: {  	s17 =	simm.s32 $0x800;
	s18 =	simm.s32 $0x380;
	[sflag:s9] =	ssyncadd.s32 $0xFFFFE700  }
.LBB2_6:
0x12f: {  	[tilespmem:s29], [sflag:$0x4] =	stream.indirect.gather [hbm4b:s2+s21], $0x80, s18, s21, $0xb8;
	[tilespmem:$0x1D080] =	vst v63  }
0x130: {  	s6 =	smov.u32 s17  }
0x131: {  	p0 =	sne.s32 s17, $0x4000;
	s17 =	sadd.s32 $0x800, s17;
	_ =	swait.ge [sflag:s30], $0x1900  }
0x132: {  	s18 =	sshra.s32 s6, $0x2;
	[sflag:s30] =	ssyncset.done $0x0  }
0x133: {  	s6 =	sadd.s32 $0x1400, s18;
	[sflag:s30] =	ssyncadd.s32 $0xFFFFE700  }
0x134: {  	[spmem:s3] =	stream.indirect.scatter.add.f32 [tilespmem:s22], [sflag:$0x5], $0x80, s6, s21, $0xb8;
	[tilespmem:$0x1D080] =	vst v63  }
0x135: {  	_ =	swait.ge [sflag:s31], $0x1900  }
0x136: {  	[sflag:s31] =	ssyncset.done $0x0  }
0x137: {  	s6 =	sadd.s32 $0x1480, s18;
	[sflag:s31] =	ssyncadd.s32 $0xFFFFE700  }
0x138: {  	[spmem:s3] =	stream.indirect.scatter.add.f32 [tilespmem:s24], [sflag:$0x6], $0x80, s6, s21, $0xb8;
	[tilespmem:$0x1D080] =	vst v63  }
0x139: {  	_ =	swait.ge [sflag:s0], $0x1900  }
0x13a: {  	[sflag:s0] =	ssyncset.done $0x0  }
0x13b: {  	s6 =	sadd.s32 $0x1500, s18;
	[sflag:s0] =	ssyncadd.s32 $0xFFFFE700  }
0x13c: {  	[spmem:s3] =	stream.indirect.scatter.add.f32 [tilespmem:s26], [sflag:$0x7], $0x80, s6, s21, $0xb8;
	[tilespmem:$0x1D080] =	vst v63  }
0x13d: {  	_ =	swait.ge [sflag:s1], $0x1900  }
0x13e: {  	[sflag:s1] =	ssyncset.done $0x0  }
0x13f: {  	s6 =	sadd.s32 $0x1580, s18;
	[sflag:s1] =	ssyncadd.s32 $0xFFFFE700  }
0x140: {  	[spmem:s3] =	stream.indirect.scatter.add.f32 [tilespmem:s29], [sflag:$0x8], $0x80, s6, s21, $0xb8;
	[tilespmem:$0x1D080] =	vst v63  }
0x141: {  	_ =	swait.ge [sflag:s5], $0x1900  }
0x142: {  	[sflag:s5] =	ssyncset.done $0x0  }
0x143: {  	s6 =	sadd.s32 $0x200, s18;
	[sflag:s5] =	ssyncadd.s32 $0xFFFFE700  }
0x144: {  	[tilespmem:s22], [sflag:$0x1] =	stream.indirect.gather [hbm4b:s2+s21], $0x80, s6, s21, $0xb8;
	[tilespmem:$0x1D080] =	vst v63  }
0x145: {  	_ =	swait.ge [sflag:s7], $0x1900  }
0x146: {  	[sflag:s7] =	ssyncset.done $0x0  }
0x147: {  	s6 =	sadd.s32 $0x280, s18;
	[sflag:s7] =	ssyncadd.s32 $0xFFFFE700  }
0x148: {  	[tilespmem:s24], [sflag:$0x2] =	stream.indirect.gather [hbm4b:s2+s21], $0x80, s6, s21, $0xb8;
	[tilespmem:$0x1D080] =	vst v63  }
0x149: {  	_ =	swait.ge [sflag:s8], $0x1900  }
0x14a: {  	[sflag:s8] =	ssyncset.done $0x0  }
.Ltmp2:
0x14b: {  	s6 =	sadd.s32 $0x300, s18;
	[sflag:s8] =	ssyncadd.s32 $0xFFFFE700;
	(pc) =	sbr.rel @p0 .LBB2_6-.Ltmp2, $4  }
0x14c: {  	[tilespmem:s26], [sflag:$0x3] =	stream.indirect.gather [hbm4b:s2+s21], $0x80, s6, s21, $0xb8;
	[tilespmem:$0x1D080] =	vst v63  }
0x14d: {  	_ =	swait.ge [sflag:s9], $0x1900  }
0x14e: {  	[sflag:s9] =	ssyncset.done $0x0  }
0x14f: {  	s18 =	sadd.s32 $0x380, s18;
	[sflag:s9] =	ssyncadd.s32 $0xFFFFE700  }
0x150: {  	[tilespmem:s29], [sflag:$0x4] =	stream.indirect.gather [hbm4b:s2+s21], $0x80, s18, s21, $0xb8;
	[tilespmem:$0x1D080] =	vst v63  }
0x151: {  	_ =	swait.ge [sflag:s30], $0x1900  }
0x152: {  	[sflag:s30] =	ssyncset.done $0x0  }
0x153: {  	[sflag:s30] =	ssyncadd.s32 $0xFFFFE700  }
0x154: {  	[spmem:s3] =	stream.indirect.scatter.add.f32 [tilespmem:s22], [sflag:$0x5], $0x80, s10, s21, $0xb8;
	[tilespmem:$0x1D080] =	vst v63  }
0x155: {  	_ =	swait.ge [sflag:s31], $0x1900  }
0x156: {  	[sflag:s31] =	ssyncset.done $0x0  }
0x157: {  	[sflag:s31] =	ssyncadd.s32 $0xFFFFE700  }
0x158: {  	[spmem:s3] =	stream.indirect.scatter.add.f32 [tilespmem:s24], [sflag:$0x6], $0x80, s11, s21, $0xb8;
	[tilespmem:$0x1D080] =	vst v63  }
0x159: {  	_ =	swait.ge [sflag:s0], $0x1900  }
0x15a: {  	[sflag:s0] =	ssyncset.done $0x0  }
0x15b: {  	[sflag:s0] =	ssyncadd.s32 $0xFFFFE700  }
0x15c: {  	[spmem:s3] =	stream.indirect.scatter.add.f32 [tilespmem:s26], [sflag:$0x7], $0x80, s12, s21, $0xb8;
	[tilespmem:$0x1D080] =	vst v63  }
0x15d: {  	_ =	swait.ge [sflag:s1], $0x1900  }
0x15e: {  	[sflag:s1] =	ssyncset.done $0x0  }
0x15f: {  	[sflag:s1] =	ssyncadd.s32 $0xFFFFE700  }
0x160: {  	[spmem:s3] =	stream.indirect.scatter.add.f32 [tilespmem:s29], [sflag:$0x8], $0x80, s13, s21, $0xb8;
	[tilespmem:$0x1D080] =	vst v63  }
0x161: {  	_ =	swait.ge [sflag:s5], $0x1900  }
0x162: {  	[sflag:s5] =	ssyncset.done $0x0  }
0x163: {  	[sflag:s5] =	ssyncadd.s32 $0xFFFFE700  }
0x164: {  	_ =	swait.ge [sflag:s7], $0x1900  }
0x165: {  	[sflag:s7] =	ssyncset.done $0x0  }
0x166: {  	[sflag:s7] =	ssyncadd.s32 $0xFFFFE700  }
0x167: {  	_ =	swait.ge [sflag:s8], $0x1900  }
0x168: {  	[sflag:s8] =	ssyncset.done $0x0  }
0x169: {  	[sflag:s8] =	ssyncadd.s32 $0xFFFFE700  }
0x16a: {  	_ =	swait.ge [sflag:s9], $0x1900  }
0x16b: {  	[sflag:s9] =	ssyncset.done $0x0  }
0x16c: {  	s6 =	simm.s32 $0x0;
	s17 =	rddreg [dreg:$0xc];
	[sflag:s9] =	ssyncadd.s32 $0xFFFFE700  }
0x16d: {  	[tilespmem:s6], [sflag:$0x9] =	stream.linear.gather [hbm4b:s17+s6], $0x1400, $0x38;
	[tilespmem:$0x1D080] =	vst v63  }
0x16e: {  	_ =	swait.ge [sflag:s19], $0x1400  }
0x16f: {  	[sflag:s19] =	ssyncset.done $0x0  }
0x170: {  	s18 =	rddreg [dreg:$0xd];
	[sflag:s19] =	ssyncadd.s32 $0xFFFFEC00  }
0x171: {  	[tilespmem:s20], [sflag:$0x9] =	stream.linear.gather [hbm4b:s18+s6], $0x1400, $0x38;
	[tilespmem:$0x1D080] =	vst v63  }
0x172: {  	_ =	swait.ge [sflag:s19], $0x1400  }
0x173: {  	[sflag:s19] =	ssyncset.done $0x0  }
0x174: {  	[sflag:s19] =	ssyncadd.s32 $0xFFFFEC00  }
0x175: {  	[tilespmem:s22], [sflag:$0x1] =	stream.indirect.gather [hbm4b:s2+s21], $0x80, s6, s21, $0xb8;
	[tilespmem:$0x1D080] =	vst v63  }
0x176: {  	_ = 	snop  }
0x177: {  	[tilespmem:s24], [sflag:$0x2] =	stream.indirect.gather [hbm4b:s2+s21], $0x80, s23, s21, $0xb8;
	[tilespmem:$0x1D080] =	vst v63  }
0x178: {  	_ = 	snop  }
0x179: {  	[tilespmem:s26], [sflag:$0x3] =	stream.indirect.gather [hbm4b:s2+s21], $0x80, s25, s21, $0xb8;
	[tilespmem:$0x1D080] =	vst v63  }
0x17a: {  	_ = 	snop  }
0x17b: {  	[tilespmem:s29], [sflag:$0x4] =	stream.indirect.gather [hbm4b:s2+s21], $0x80, s28, s21, $0xb8;
	[tilespmem:$0x1D080] =	vst v63  }
0x17c: {  	_ =	swait.ge [sflag:s30], $0x1900  }
0x17d: {  	[sflag:s30] =	ssyncset.done $0x0  }
0x17e: {  	s18 =	simm.s32 $0x1400;
	[sflag:s30] =	ssyncadd.s32 $0xFFFFE700  }
0x17f: {  	[spmem:s3] =	stream.indirect.scatter.add.f32 [tilespmem:s22], [sflag:$0x5], $0x80, s18, s21, $0xb8;
	[tilespmem:$0x1D080] =	vst v63  }
0x180: {  	_ =	swait.ge [sflag:s31], $0x1900  }
0x181: {  	[sflag:s31] =	ssyncset.done $0x0  }
0x182: {  	s17 =	simm.s32 $0x1480;
	[sflag:s31] =	ssyncadd.s32 $0xFFFFE700  }
0x183: {  	[spmem:s3] =	stream.indirect.scatter.add.f32 [tilespmem:s24], [sflag:$0x6], $0x80, s17, s21, $0xb8;
	[tilespmem:$0x1D080] =	vst v63  }
0x184: {  	_ =	swait.ge [sflag:s0], $0x1900  }
0x185: {  	[sflag:s0] =	ssyncset.done $0x0  }
0x186: {  	s18 =	simm.s32 $0x1500;
	[sflag:s0] =	ssyncadd.s32 $0xFFFFE700  }
0x187: {  	[spmem:s3] =	stream.indirect.scatter.add.f32 [tilespmem:s26], [sflag:$0x7], $0x80, s18, s21, $0xb8;
	[tilespmem:$0x1D080] =	vst v63  }
0x188: {  	_ =	swait.ge [sflag:s1], $0x1900  }
0x189: {  	[sflag:s1] =	ssyncset.done $0x0  }
0x18a: {  	s17 =	simm.s32 $0x1580;
	[sflag:s1] =	ssyncadd.s32 $0xFFFFE700  }
0x18b: {  	[spmem:s3] =	stream.indirect.scatter.add.f32 [tilespmem:s29], [sflag:$0x8], $0x80, s17, s21, $0xb8;
	[tilespmem:$0x1D080] =	vst v63  }
0x18c: {  	_ =	swait.ge [sflag:s5], $0x1900  }
0x18d: {  	[sflag:s5] =	ssyncset.done $0x0  }
0x18e: {  	s18 =	simm.s32 $0x200;
	[sflag:s5] =	ssyncadd.s32 $0xFFFFE700  }
0x18f: {  	[tilespmem:s22], [sflag:$0x1] =	stream.indirect.gather [hbm4b:s2+s21], $0x80, s18, s21, $0xb8;
	[tilespmem:$0x1D080] =	vst v63  }
0x190: {  	_ =	swait.ge [sflag:s7], $0x1900  }
0x191: {  	[sflag:s7] =	ssyncset.done $0x0  }
0x192: {  	s17 =	simm.s32 $0x280;
	[sflag:s7] =	ssyncadd.s32 $0xFFFFE700  }
0x193: {  	[tilespmem:s24], [sflag:$0x2] =	stream.indirect.gather [hbm4b:s2+s21], $0x80, s17, s21, $0xb8;
	[tilespmem:$0x1D080] =	vst v63  }
0x194: {  	_ =	swait.ge [sflag:s8], $0x1900  }
0x195: {  	[sflag:s8] =	ssyncset.done $0x0  }
0x196: {  	s18 =	simm.s32 $0x300;
	[sflag:s8] =	ssyncadd.s32 $0xFFFFE700  }
0x197: {  	[tilespmem:s26], [sflag:$0x3] =	stream.indirect.gather [hbm4b:s2+s21], $0x80, s18, s21, $0xb8;
	[tilespmem:$0x1D080] =	vst v63  }
0x198: {  	_ =	swait.ge [sflag:s9], $0x1900  }
0x199: {  	[sflag:s9] =	ssyncset.done $0x0  }
0x19a: {  	s17 =	simm.s32 $0x800;
	s18 =	simm.s32 $0x380;
	[sflag:s9] =	ssyncadd.s32 $0xFFFFE700  }
.LBB2_8:
0x19b: {  	[tilespmem:s29], [sflag:$0x4] =	stream.indirect.gather [hbm4b:s2+s21], $0x80, s18, s21, $0xb8;
	[tilespmem:$0x1D080] =	vst v63  }
0x19c: {  	s6 =	smov.u32 s17  }
0x19d: {  	p0 =	sne.s32 s17, $0x4000;
	s17 =	sadd.s32 $0x800, s17;
	_ =	swait.ge [sflag:s30], $0x1900  }
0x19e: {  	s18 =	sshra.s32 s6, $0x2;
	[sflag:s30] =	ssyncset.done $0x0  }
0x19f: {  	s6 =	sadd.s32 $0x1400, s18;
	[sflag:s30] =	ssyncadd.s32 $0xFFFFE700  }
0x1a0: {  	[spmem:s3] =	stream.indirect.scatter.add.f32 [tilespmem:s22], [sflag:$0x5], $0x80, s6, s21, $0xb8;
	[tilespmem:$0x1D080] =	vst v63  }
0x1a1: {  	_ =	swait.ge [sflag:s31], $0x1900  }
0x1a2: {  	[sflag:s31] =	ssyncset.done $0x0  }
0x1a3: {  	s6 =	sadd.s32 $0x1480, s18;
	[sflag:s31] =	ssyncadd.s32 $0xFFFFE700  }
0x1a4: {  	[spmem:s3] =	stream.indirect.scatter.add.f32 [tilespmem:s24], [sflag:$0x6], $0x80, s6, s21, $0xb8;
	[tilespmem:$0x1D080] =	vst v63  }
0x1a5: {  	_ =	swait.ge [sflag:s0], $0x1900  }
0x1a6: {  	[sflag:s0] =	ssyncset.done $0x0  }
0x1a7: {  	s6 =	sadd.s32 $0x1500, s18;
	[sflag:s0] =	ssyncadd.s32 $0xFFFFE700  }
0x1a8: {  	[spmem:s3] =	stream.indirect.scatter.add.f32 [tilespmem:s26], [sflag:$0x7], $0x80, s6, s21, $0xb8;
	[tilespmem:$0x1D080] =	vst v63  }
0x1a9: {  	_ =	swait.ge [sflag:s1], $0x1900  }
0x1aa: {  	[sflag:s1] =	ssyncset.done $0x0  }
0x1ab: {  	s6 =	sadd.s32 $0x1580, s18;
	[sflag:s1] =	ssyncadd.s32 $0xFFFFE700  }
0x1ac: {  	[spmem:s3] =	stream.indirect.scatter.add.f32 [tilespmem:s29], [sflag:$0x8], $0x80, s6, s21, $0xb8;
	[tilespmem:$0x1D080] =	vst v63  }
0x1ad: {  	_ =	swait.ge [sflag:s5], $0x1900  }
0x1ae: {  	[sflag:s5] =	ssyncset.done $0x0  }
0x1af: {  	s6 =	sadd.s32 $0x200, s18;
	[sflag:s5] =	ssyncadd.s32 $0xFFFFE700  }
0x1b0: {  	[tilespmem:s22], [sflag:$0x1] =	stream.indirect.gather [hbm4b:s2+s21], $0x80, s6, s21, $0xb8;
	[tilespmem:$0x1D080] =	vst v63  }
0x1b1: {  	_ =	swait.ge [sflag:s7], $0x1900  }
0x1b2: {  	[sflag:s7] =	ssyncset.done $0x0  }
0x1b3: {  	s6 =	sadd.s32 $0x280, s18;
	[sflag:s7] =	ssyncadd.s32 $0xFFFFE700  }
0x1b4: {  	[tilespmem:s24], [sflag:$0x2] =	stream.indirect.gather [hbm4b:s2+s21], $0x80, s6, s21, $0xb8;
	[tilespmem:$0x1D080] =	vst v63  }
0x1b5: {  	_ =	swait.ge [sflag:s8], $0x1900  }
0x1b6: {  	[sflag:s8] =	ssyncset.done $0x0  }
.Ltmp3:
0x1b7: {  	s6 =	sadd.s32 $0x300, s18;
	[sflag:s8] =	ssyncadd.s32 $0xFFFFE700;
	(pc) =	sbr.rel @p0 .LBB2_8-.Ltmp3, $4  }
0x1b8: {  	[tilespmem:s26], [sflag:$0x3] =	stream.indirect.gather [hbm4b:s2+s21], $0x80, s6, s21, $0xb8;
	[tilespmem:$0x1D080] =	vst v63  }
0x1b9: {  	_ =	swait.ge [sflag:s9], $0x1900  }
0x1ba: {  	[sflag:s9] =	ssyncset.done $0x0  }
0x1bb: {  	s18 =	sadd.s32 $0x380, s18;
	[sflag:s9] =	ssyncadd.s32 $0xFFFFE700  }
0x1bc: {  	[tilespmem:s29], [sflag:$0x4] =	stream.indirect.gather [hbm4b:s2+s21], $0x80, s18, s21, $0xb8;
	[tilespmem:$0x1D080] =	vst v63  }
0x1bd: {  	_ =	swait.ge [sflag:s30], $0x1900  }
0x1be: {  	[sflag:s30] =	ssyncset.done $0x0  }
0x1bf: {  	[sflag:s30] =	ssyncadd.s32 $0xFFFFE700  }
0x1c0: {  	[spmem:s3] =	stream.indirect.scatter.add.f32 [tilespmem:s22], [sflag:$0x5], $0x80, s10, s21, $0xb8;
	[tilespmem:$0x1D080] =	vst v63  }
0x1c1: {  	_ =	swait.ge [sflag:s31], $0x1900  }
0x1c2: {  	[sflag:s31] =	ssyncset.done $0x0  }
0x1c3: {  	[sflag:s31] =	ssyncadd.s32 $0xFFFFE700  }
0x1c4: {  	[spmem:s3] =	stream.indirect.scatter.add.f32 [tilespmem:s24], [sflag:$0x6], $0x80, s11, s21, $0xb8;
	[tilespmem:$0x1D080] =	vst v63  }
0x1c5: {  	_ =	swait.ge [sflag:s0], $0x1900  }
0x1c6: {  	[sflag:s0] =	ssyncset.done $0x0  }
0x1c7: {  	[sflag:s0] =	ssyncadd.s32 $0xFFFFE700  }
0x1c8: {  	[spmem:s3] =	stream.indirect.scatter.add.f32 [tilespmem:s26], [sflag:$0x7], $0x80, s12, s21, $0xb8;
	[tilespmem:$0x1D080] =	vst v63  }
0x1c9: {  	_ =	swait.ge [sflag:s1], $0x1900  }
0x1ca: {  	[sflag:s1] =	ssyncset.done $0x0  }
0x1cb: {  	[sflag:s1] =	ssyncadd.s32 $0xFFFFE700  }
0x1cc: {  	[spmem:s3] =	stream.indirect.scatter.add.f32 [tilespmem:s29], [sflag:$0x8], $0x80, s13, s21, $0xb8;
	[tilespmem:$0x1D080] =	vst v63  }
0x1cd: {  	_ =	swait.ge [sflag:s5], $0x1900  }
0x1ce: {  	[sflag:s5] =	ssyncset.done $0x0  }
0x1cf: {  	[sflag:s5] =	ssyncadd.s32 $0xFFFFE700  }
0x1d0: {  	_ =	swait.ge [sflag:s7], $0x1900  }
0x1d1: {  	[sflag:s7] =	ssyncset.done $0x0  }
0x1d2: {  	[sflag:s7] =	ssyncadd.s32 $0xFFFFE700  }
0x1d3: {  	_ =	swait.ge [sflag:s8], $0x1900  }
0x1d4: {  	[sflag:s8] =	ssyncset.done $0x0  }
0x1d5: {  	[sflag:s8] =	ssyncadd.s32 $0xFFFFE700  }
0x1d6: {  	_ =	swait.ge [sflag:s9], $0x1900  }
0x1d7: {  	[sflag:s9] =	ssyncset.done $0x0  }
0x1d8: {  	s6 =	simm.s32 $0x0;
	s17 =	rddreg [dreg:$0xe];
	[sflag:s9] =	ssyncadd.s32 $0xFFFFE700  }
0x1d9: {  	[tilespmem:s6], [sflag:$0x9] =	stream.linear.gather [hbm4b:s17+s6], $0x1400, $0x38;
	[tilespmem:$0x1D080] =	vst v63  }
0x1da: {  	_ =	swait.ge [sflag:s19], $0x1400  }
0x1db: {  	[sflag:s19] =	ssyncset.done $0x0  }
0x1dc: {  	s18 =	rddreg [dreg:$0xf];
	[sflag:s19] =	ssyncadd.s32 $0xFFFFEC00  }
0x1dd: {  	[tilespmem:s20], [sflag:$0x9] =	stream.linear.gather [hbm4b:s18+s6], $0x1400, $0x38;
	[tilespmem:$0x1D080] =	vst v63  }
0x1de: {  	_ =	swait.ge [sflag:s19], $0x1400  }
0x1df: {  	[sflag:s19] =	ssyncset.done $0x0  }
0x1e0: {  	[sflag:s19] =	ssyncadd.s32 $0xFFFFEC00  }
0x1e1: {  	[tilespmem:s22], [sflag:$0x1] =	stream.indirect.gather [hbm4b:s2+s21], $0x80, s6, s21, $0xb8;
	[tilespmem:$0x1D080] =	vst v63  }
0x1e2: {  	_ = 	snop  }
0x1e3: {  	[tilespmem:s24], [sflag:$0x2] =	stream.indirect.gather [hbm4b:s2+s21], $0x80, s23, s21, $0xb8;
	[tilespmem:$0x1D080] =	vst v63  }
0x1e4: {  	_ = 	snop  }
0x1e5: {  	[tilespmem:s26], [sflag:$0x3] =	stream.indirect.gather [hbm4b:s2+s21], $0x80, s25, s21, $0xb8;
	[tilespmem:$0x1D080] =	vst v63  }
0x1e6: {  	_ = 	snop  }
0x1e7: {  	[tilespmem:s29], [sflag:$0x4] =	stream.indirect.gather [hbm4b:s2+s21], $0x80, s28, s21, $0xb8;
	[tilespmem:$0x1D080] =	vst v63  }
0x1e8: {  	_ =	swait.ge [sflag:s30], $0x1900  }
0x1e9: {  	[sflag:s30] =	ssyncset.done $0x0  }
0x1ea: {  	s18 =	simm.s32 $0x1400;
	[sflag:s30] =	ssyncadd.s32 $0xFFFFE700  }
0x1eb: {  	[spmem:s3] =	stream.indirect.scatter.add.f32 [tilespmem:s22], [sflag:$0x5], $0x80, s18, s21, $0xb8;
	[tilespmem:$0x1D080] =	vst v63  }
0x1ec: {  	_ =	swait.ge [sflag:s31], $0x1900  }
0x1ed: {  	[sflag:s31] =	ssyncset.done $0x0  }
0x1ee: {  	s17 =	simm.s32 $0x1480;
	[sflag:s31] =	ssyncadd.s32 $0xFFFFE700  }
0x1ef: {  	[spmem:s3] =	stream.indirect.scatter.add.f32 [tilespmem:s24], [sflag:$0x6], $0x80, s17, s21, $0xb8;
	[tilespmem:$0x1D080] =	vst v63  }
0x1f0: {  	_ =	swait.ge [sflag:s0], $0x1900  }
0x1f1: {  	[sflag:s0] =	ssyncset.done $0x0  }
0x1f2: {  	s18 =	simm.s32 $0x1500;
	[sflag:s0] =	ssyncadd.s32 $0xFFFFE700  }
0x1f3: {  	[spmem:s3] =	stream.indirect.scatter.add.f32 [tilespmem:s26], [sflag:$0x7], $0x80, s18, s21, $0xb8;
	[tilespmem:$0x1D080] =	vst v63  }
0x1f4: {  	_ =	swait.ge [sflag:s1], $0x1900  }
0x1f5: {  	[sflag:s1] =	ssyncset.done $0x0  }
0x1f6: {  	s17 =	simm.s32 $0x1580;
	[sflag:s1] =	ssyncadd.s32 $0xFFFFE700  }
0x1f7: {  	[spmem:s3] =	stream.indirect.scatter.add.f32 [tilespmem:s29], [sflag:$0x8], $0x80, s17, s21, $0xb8;
	[tilespmem:$0x1D080] =	vst v63  }
0x1f8: {  	_ =	swait.ge [sflag:s5], $0x1900  }
0x1f9: {  	[sflag:s5] =	ssyncset.done $0x0  }
0x1fa: {  	s18 =	simm.s32 $0x200;
	[sflag:s5] =	ssyncadd.s32 $0xFFFFE700  }
0x1fb: {  	[tilespmem:s22], [sflag:$0x1] =	stream.indirect.gather [hbm4b:s2+s21], $0x80, s18, s21, $0xb8;
	[tilespmem:$0x1D080] =	vst v63  }
0x1fc: {  	_ =	swait.ge [sflag:s7], $0x1900  }
0x1fd: {  	[sflag:s7] =	ssyncset.done $0x0  }
0x1fe: {  	s17 =	simm.s32 $0x280;
	[sflag:s7] =	ssyncadd.s32 $0xFFFFE700  }
0x1ff: {  	[tilespmem:s24], [sflag:$0x2] =	stream.indirect.gather [hbm4b:s2+s21], $0x80, s17, s21, $0xb8;
	[tilespmem:$0x1D080] =	vst v63  }
0x200: {  	_ =	swait.ge [sflag:s8], $0x1900  }
0x201: {  	[sflag:s8] =	ssyncset.done $0x0  }
0x202: {  	s18 =	simm.s32 $0x300;
	[sflag:s8] =	ssyncadd.s32 $0xFFFFE700  }
0x203: {  	[tilespmem:s26], [sflag:$0x3] =	stream.indirect.gather [hbm4b:s2+s21], $0x80, s18, s21, $0xb8;
	[tilespmem:$0x1D080] =	vst v63  }
0x204: {  	_ =	swait.ge [sflag:s9], $0x1900  }
0x205: {  	[sflag:s9] =	ssyncset.done $0x0  }
0x206: {  	s17 =	simm.s32 $0x800;
	s18 =	simm.s32 $0x380;
	[sflag:s9] =	ssyncadd.s32 $0xFFFFE700  }
.LBB2_10:
0x207: {  	[tilespmem:s29], [sflag:$0x4] =	stream.indirect.gather [hbm4b:s2+s21], $0x80, s18, s21, $0xb8;
	[tilespmem:$0x1D080] =	vst v63  }
0x208: {  	s6 =	smov.u32 s17  }
0x209: {  	p0 =	sne.s32 s17, $0x4000;
	s17 =	sadd.s32 $0x800, s17;
	_ =	swait.ge [sflag:s30], $0x1900  }
0x20a: {  	s18 =	sshra.s32 s6, $0x2;
	[sflag:s30] =	ssyncset.done $0x0  }
0x20b: {  	s6 =	sadd.s32 $0x1400, s18;
	[sflag:s30] =	ssyncadd.s32 $0xFFFFE700  }
0x20c: {  	[spmem:s3] =	stream.indirect.scatter.add.f32 [tilespmem:s22], [sflag:$0x5], $0x80, s6, s21, $0xb8;
	[tilespmem:$0x1D080] =	vst v63  }
0x20d: {  	_ =	swait.ge [sflag:s31], $0x1900  }
0x20e: {  	[sflag:s31] =	ssyncset.done $0x0  }
0x20f: {  	s6 =	sadd.s32 $0x1480, s18;
	[sflag:s31] =	ssyncadd.s32 $0xFFFFE700  }
0x210: {  	[spmem:s3] =	stream.indirect.scatter.add.f32 [tilespmem:s24], [sflag:$0x6], $0x80, s6, s21, $0xb8;
	[tilespmem:$0x1D080] =	vst v63  }
0x211: {  	_ =	swait.ge [sflag:s0], $0x1900  }
0x212: {  	[sflag:s0] =	ssyncset.done $0x0  }
0x213: {  	s6 =	sadd.s32 $0x1500, s18;
	[sflag:s0] =	ssyncadd.s32 $0xFFFFE700  }
0x214: {  	[spmem:s3] =	stream.indirect.scatter.add.f32 [tilespmem:s26], [sflag:$0x7], $0x80, s6, s21, $0xb8;
	[tilespmem:$0x1D080] =	vst v63  }
0x215: {  	_ =	swait.ge [sflag:s1], $0x1900  }
0x216: {  	[sflag:s1] =	ssyncset.done $0x0  }
0x217: {  	s6 =	sadd.s32 $0x1580, s18;
	[sflag:s1] =	ssyncadd.s32 $0xFFFFE700  }
0x218: {  	[spmem:s3] =	stream.indirect.scatter.add.f32 [tilespmem:s29], [sflag:$0x8], $0x80, s6, s21, $0xb8;
	[tilespmem:$0x1D080] =	vst v63  }
0x219: {  	_ =	swait.ge [sflag:s5], $0x1900  }
0x21a: {  	[sflag:s5] =	ssyncset.done $0x0  }
0x21b: {  	s6 =	sadd.s32 $0x200, s18;
	[sflag:s5] =	ssyncadd.s32 $0xFFFFE700  }
0x21c: {  	[tilespmem:s22], [sflag:$0x1] =	stream.indirect.gather [hbm4b:s2+s21], $0x80, s6, s21, $0xb8;
	[tilespmem:$0x1D080] =	vst v63  }
0x21d: {  	_ =	swait.ge [sflag:s7], $0x1900  }
0x21e: {  	[sflag:s7] =	ssyncset.done $0x0  }
0x21f: {  	s6 =	sadd.s32 $0x280, s18;
	[sflag:s7] =	ssyncadd.s32 $0xFFFFE700  }
0x220: {  	[tilespmem:s24], [sflag:$0x2] =	stream.indirect.gather [hbm4b:s2+s21], $0x80, s6, s21, $0xb8;
	[tilespmem:$0x1D080] =	vst v63  }
0x221: {  	_ =	swait.ge [sflag:s8], $0x1900  }
0x222: {  	[sflag:s8] =	ssyncset.done $0x0  }
.Ltmp4:
0x223: {  	s6 =	sadd.s32 $0x300, s18;
	[sflag:s8] =	ssyncadd.s32 $0xFFFFE700;
	(pc) =	sbr.rel @p0 .LBB2_10-.Ltmp4, $4  }
0x224: {  	[tilespmem:s26], [sflag:$0x3] =	stream.indirect.gather [hbm4b:s2+s21], $0x80, s6, s21, $0xb8;
	[tilespmem:$0x1D080] =	vst v63  }
0x225: {  	_ =	swait.ge [sflag:s9], $0x1900  }
0x226: {  	[sflag:s9] =	ssyncset.done $0x0  }
0x227: {  	s18 =	sadd.s32 $0x380, s18;
	[sflag:s9] =	ssyncadd.s32 $0xFFFFE700  }
0x228: {  	[tilespmem:s29], [sflag:$0x4] =	stream.indirect.gather [hbm4b:s2+s21], $0x80, s18, s21, $0xb8;
	[tilespmem:$0x1D080] =	vst v63  }
0x229: {  	_ =	swait.ge [sflag:s30], $0x1900  }
0x22a: {  	[sflag:s30] =	ssyncset.done $0x0  }
0x22b: {  	[sflag:s30] =	ssyncadd.s32 $0xFFFFE700  }
0x22c: {  	[spmem:s3] =	stream.indirect.scatter.add.f32 [tilespmem:s22], [sflag:$0x5], $0x80, s10, s21, $0xb8;
	[tilespmem:$0x1D080] =	vst v63  }
0x22d: {  	_ =	swait.ge [sflag:s31], $0x1900  }
0x22e: {  	[sflag:s31] =	ssyncset.done $0x0  }
0x22f: {  	[sflag:s31] =	ssyncadd.s32 $0xFFFFE700  }
0x230: {  	[spmem:s3] =	stream.indirect.scatter.add.f32 [tilespmem:s24], [sflag:$0x6], $0x80, s11, s21, $0xb8;
	[tilespmem:$0x1D080] =	vst v63  }
0x231: {  	_ =	swait.ge [sflag:s0], $0x1900  }
0x232: {  	[sflag:s0] =	ssyncset.done $0x0  }
0x233: {  	[sflag:s0] =	ssyncadd.s32 $0xFFFFE700  }
0x234: {  	[spmem:s3] =	stream.indirect.scatter.add.f32 [tilespmem:s26], [sflag:$0x7], $0x80, s12, s21, $0xb8;
	[tilespmem:$0x1D080] =	vst v63  }
0x235: {  	_ =	swait.ge [sflag:s1], $0x1900  }
0x236: {  	[sflag:s1] =	ssyncset.done $0x0  }
0x237: {  	[sflag:s1] =	ssyncadd.s32 $0xFFFFE700  }
0x238: {  	[spmem:s3] =	stream.indirect.scatter.add.f32 [tilespmem:s29], [sflag:$0x8], $0x80, s13, s21, $0xb8;
	[tilespmem:$0x1D080] =	vst v63  }
0x239: {  	_ =	swait.ge [sflag:s5], $0x1900  }
0x23a: {  	[sflag:s5] =	ssyncset.done $0x0  }
0x23b: {  	[sflag:s5] =	ssyncadd.s32 $0xFFFFE700  }
0x23c: {  	_ =	swait.ge [sflag:s7], $0x1900  }
0x23d: {  	[sflag:s7] =	ssyncset.done $0x0  }
0x23e: {  	[sflag:s7] =	ssyncadd.s32 $0xFFFFE700  }
0x23f: {  	_ =	swait.ge [sflag:s8], $0x1900  }
0x240: {  	[sflag:s8] =	ssyncset.done $0x0  }
0x241: {  	[sflag:s8] =	ssyncadd.s32 $0xFFFFE700  }
0x242: {  	_ =	swait.ge [sflag:s9], $0x1900  }
0x243: {  	[sflag:s9] =	ssyncset.done $0x0  }
0x244: {  	[sflag:s9] =	ssyncadd.s32 $0xFFFFE700  }
0x245: {  	[bflag:$0x0] =	sbarrier.arrive $0xFFFF  }
0x246: {  	s6 =	rddreg [dreg:$0x10]  }
0x247: {  	[hbm:s6], [sflag:s15] =	dma.local [spmem:s16], $0x2710  }
0x248: {  	_ =	swait.ge [sflag:s19], $0x2710  }
0x249: {  	s14 =	sadd.s32 $0x1, s14;
	s18 =	rddreg [dreg:$0x11]  }
0x24a: {  	p0 =	sne.s32 s14, s18  }
.Ltmp5:
0x24b: {  	_ = 	snop;
	(pc) =	sbr.rel @p0 .LBB2_1-.Ltmp5, $3  }
0x24c: {  	_ =	sdelay $0x1  }
0x24d: {  	[sflag:s19] =	ssyncset.done $0x0  }
0x24e: {  	[sflag:s19] =	ssyncadd.s32 $0xFFFFD8F0  }
0x24f: {  	_ =	sfence.sel $0x180000  }
0x250: {  	[bflag:$0x0] =	sbarrier.arrive $0xFFFF  }
0x251: {  	_ =	strace $0x9000004D  }
0x252: {  	s0 =	stileid.u32;
	[bflag:$0x2] =	sbarrier.arrive $0xFFFF  }
0x253: {  	p0 =	sne.s32 s0, $0x0;
	s0 =	rddreg [dreg:$0x3]  }
0x254: {  	s0 =	sadd.s32 @!p0 $0x100000, s0  }
0x255: {  	[sflag:s0] =	ssyncadd.tile.s32 @!p0 $0x1;
	_ =	shalt  }
.Lfunc_end2:
_tile_overlayer_lowered:
.L_overlay_start_2:
0x256: {  	(tag) =	ssettag $0x2  }
0x257: {  	s0 =	rddreg [dreg:$0x0];
	s2 =	stileid.u32  }
0x258: {  	s1 =	rddreg [dreg:$0x1];
	p0 =	sne.s32 s2, $0x0  }
0x259: {  	s3 =	rddreg [dreg:$0x2];
	[bflag:$0x3] =	sbarrier.arrive $0xFFFF;
	s2 =	simm.s32 @!p0 $0x1C09  }
0x25a: {  	[timem:s3], [sflag:s2] =	dma.local @!p0 [hbm:s0], s1  }
0x25b: {  	s0 =	simm.s32 @!p0 $0x9  }
0x25c: {  	_ =	swait.ge @!p0 [sflag:s0], s1  }
0x25d: {  	s1 =	ssub.s32 @!p0 $0x0, s1;
	[sflag:s0] =	ssyncset.done @!p0 $0x0  }
0x25e: {  	[sflag:s0] =	ssyncadd.s32 @!p0 s1  }
0x25f: {  	[bflag:$0x3] =	sbarrier.arrive $0xFFFF  }
0x260: {  	_ =	shalt  }

// kernel: kernel.8.cloned.1.call-start
scs
__scs_entry_jumppad:
0x0: {  	(pc) =	sbr.rel $0x88, $3  }
0x1: {  	(tag) =	ssettag $0x0;
	lr =	simm.s32 $0x1  }
0x2: {  	[smem:$0x3F97] =	sst lr;
	_ =	strace $0xD0000000  }
0x3: {  	_ = 	snop  }
0x4: {  	_ = 	snop  }
0x5: {  	_ = 	snop  }
0x6: {  	_ = 	snop  }
0x7: {  	_ = 	snop  }
__scs_overlays_trampoline_lowered:
0x8: {  	[smem:$0x3FA6] =	sst s0  }
0x9: {  	[smem:$0x3FA7] =	sst s1  }
0xa: {  	[smem:$0x3FA8] =	sst s2  }
0xb: {  	[smem:$0x3FA9] =	sst s3  }
0xc: {  	[smem:$0x3FAA] =	sst s4  }
0xd: {  	[smem:$0x3FAB] =	sst s5  }
0xe: {  	[smem:$0x3FAC] =	sst s6  }
0xf: {  	[smem:$0x3FAD] =	sst s7  }
0x10: {  	[smem:$0x3FAE] =	sst s8  }
0x11: {  	[smem:$0x3FAF] =	sst s9;
	s0 =	simm.s32 @!p0 $0x0  }
0x12: {  	s1 =	sld [smem:$0x3F95];
	s0 =	simm.s32 @p0 $0x1  }
0x13: {  	[smem:$0x3FB0] =	sst s0;
	s0 =	simm.s32 @!p1 $0x0  }
0x14: {  	s2 =	sld [smem:$0x3F94];
	s0 =	simm.s32 @p1 $0x1  }
0x15: {  	[smem:$0x3FB1] =	sst s0;
	s0 =	simm.s32 @!p2 $0x0  }
0x16: {  	s3 =	sld [smem:$0x3FDB];
	s0 =	simm.s32 @p2 $0x1  }
0x17: {  	s4 =	simm.s32 $0x1BF5;
	[smem:$0x3FB3] =	sst s0  }
0x18: {  	s0 =	sld [smem:$0x3F96];
	_ =	swait.ge [sflag:s4], $0x0  }
0x19: {  	s7 =	sld [smem:$0x3F97]  }
0x1a: {  	s8 =	sadd.s32 $0xFFFFE003, lr  }
0x1b: {  	s9 =	sadd.s32 $0xFFFFFEF7, lr;
	s5 =	simm.s32 $0xFFFFFFFF;
	p2 =	slt.u32 s8, $0xFFFFF086  }
0x1c: {  	p1 =	slt.u32 s9, $0xF7A;
	s5 =	simm.s32 @!p2 $0x0  }
0x1d: {  	s5 =	simm.s32 @p1 $0x1;
	p0 =	seq.s32 s7, s2  }
0x1e: {  	s7 =	smul.u32 @!p0 $0xF7A, s2;
	p2 =	seq.s32 @!p0 s5, $0x0  }
0x1f: {  	s9 =	smul.u32 $0xF7A, s1;
	s8 =	simm.s32 @!p0 $0x1BF5;
	p2 =	por !p2, p0  }
0x20: {  	[sflag:s8] =	ssyncset.s32 @!p0 $0xFFFFF086;
	s6 =	sadd.s32 @!p0 s3, s7;
	s7 =	simm.s32 @!p0 $0x108  }
0x21: {  	s3 =	sadd.s32 s3, s9;
	s6 =	sadd.s32 @!p0 $0x88, s6;
	s7 =	simm.s32 @p2 $0x1082  }
0x22: {  	[simem:s7], [sflag:s8] =	dma.local @!p0 [hbm:s6], $0xF7A  }
0x23: {  	s9 =	sor.u32 $0xD0000000, s2;
	s6 =	simm.s32 $0x108;
	_ =	swait.ge @!p0 [sflag:s8], $0x0  }
0x24: {  	s3 =	sadd.s32 $0x88, s3;
	s6 =	simm.s32 @!p1 $0x1082;
	[sflag:s4] =	ssyncset.s32 $0xFFFFF086  }
0x25: {  	[simem:s6], [sflag:s4] =	dma.local [hbm:s3], $0xF7A  }
0x26: {  	[smem:$0x3F97] =	sst s1;
	(tag) =	ssettag s2;
	_ =	strace s9  }
0x27: {  	s1 =	sld [smem:$0x3FA7]  }
0x28: {  	s2 =	sld [smem:$0x3FA8]  }
0x29: {  	s4 =	sld [smem:$0x3FAA]  }
0x2a: {  	p0 =	seq.s32 s5, $0x0;
	s5 =	sld [smem:$0x3FAB]  }
0x2b: {  	s6 =	sld [smem:$0x3FAC]  }
0x2c: {  	s7 =	sld [smem:$0x3FAD]  }
0x2d: {  	s3 =	simm.s32 $0x108;
	s8 =	sld [smem:$0x3FAE]  }
0x2e: {  	s3 =	simm.s32 @!p0 $0x1082;
	s9 =	sld [smem:$0x3FAF]  }
0x2f: {  	lr =	sadd.s32 s0, s3;
	s0 =	sld [smem:$0x3FA6]  }
0x30: {  	s3 =	sld [smem:$0x3FA9]  }
0x31: {  	[smem:$0x3FB2] =	sst s10  }
0x32: {  	s10 =	sld [smem:$0x3FB0];
	_ =	sdelay $0x3  }
0x33: {  	p0 =	seq.s32 s10, $0x1;
	s10 =	sld [smem:$0x3FB2];
	_ =	sdelay $0x3  }
0x34: {  	[smem:$0x3FB2] =	sst s10  }
0x35: {  	s10 =	sld [smem:$0x3FB1];
	_ =	sdelay $0x3  }
0x36: {  	p1 =	seq.s32 s10, $0x1;
	s10 =	sld [smem:$0x3FB2];
	_ =	sdelay $0x3  }
0x37: {  	[smem:$0x3FB2] =	sst s10  }
0x38: {  	s10 =	sld [smem:$0x3FB3]  }
0x39: {  	_ = 	snop;
	(pc) =	sbr.ind lr, $3  }
0x3a: {  	_ = 	snop  }
0x3b: {  	_ = 	snop  }
0x3c: {  	p2 =	seq.s32 s10, $0x1;
	s10 =	sld [smem:$0x3FB2]  }
0x3d: {  	_ =	shalt  }
0x3e: {  	_ =	shalt  }
0x3f: {  	_ =	shalt  }
0x40: {  	_ =	shalt  }
0x41: {  	_ =	shalt  }
0x42: {  	_ =	shalt  }
0x43: {  	_ =	shalt  }
0x44: {  	_ =	shalt  }
0x45: {  	_ =	shalt  }
0x46: {  	_ =	shalt  }
0x47: {  	_ =	shalt  }
0x48: {  	_ =	shalt  }
0x49: {  	_ =	shalt  }
0x4a: {  	_ =	shalt  }
0x4b: {  	_ =	shalt  }
0x4c: {  	_ =	shalt  }
0x4d: {  	_ =	shalt  }
0x4e: {  	_ =	shalt  }
0x4f: {  	_ =	shalt  }
0x50: {  	_ =	shalt  }
0x51: {  	_ =	shalt  }
0x52: {  	_ =	shalt  }
0x53: {  	_ =	shalt  }
0x54: {  	_ =	shalt  }
0x55: {  	_ =	shalt  }
0x56: {  	_ =	shalt  }
0x57: {  	_ =	shalt  }
0x58: {  	_ =	shalt  }
0x59: {  	_ =	shalt  }
0x5a: {  	_ =	shalt  }
0x5b: {  	_ =	shalt  }
0x5c: {  	_ =	shalt  }
0x5d: {  	_ =	shalt  }
0x5e: {  	_ =	shalt  }
0x5f: {  	_ =	shalt  }
0x60: {  	_ =	shalt  }
0x61: {  	_ =	shalt  }
0x62: {  	_ =	shalt  }
0x63: {  	_ =	shalt  }
0x64: {  	_ =	shalt  }
0x65: {  	_ =	shalt  }
0x66: {  	_ =	shalt  }
0x67: {  	_ =	shalt  }
0x68: {  	_ =	shalt  }
0x69: {  	_ =	shalt  }
0x6a: {  	_ =	shalt  }
0x6b: {  	_ =	shalt  }
0x6c: {  	_ =	shalt  }
0x6d: {  	_ =	shalt  }
0x6e: {  	_ =	shalt  }
0x6f: {  	_ =	shalt  }
0x70: {  	_ =	shalt  }
0x71: {  	_ =	shalt  }
0x72: {  	_ =	shalt  }
0x73: {  	_ =	shalt  }
0x74: {  	_ =	shalt  }
0x75: {  	_ =	shalt  }
0x76: {  	_ =	shalt  }
0x77: {  	_ =	shalt  }
0x78: {  	_ =	shalt  }
0x79: {  	_ =	shalt  }
0x7a: {  	_ =	shalt  }
0x7b: {  	_ =	shalt  }
0x7c: {  	_ =	shalt  }
0x7d: {  	_ =	shalt  }
0x7e: {  	_ =	shalt  }
0x7f: {  	_ =	shalt  }
0x80: {  	_ =	shalt  }
0x81: {  	_ =	shalt  }
0x82: {  	_ =	shalt  }
0x83: {  	_ =	shalt  }
0x84: {  	_ =	shalt  }
0x85: {  	_ =	shalt  }
0x86: {  	_ =	shalt  }
0x87: {  	_ =	shalt  }
.Lfunc_end0:
.L_simem_size_0:
called_computation.1_lowered:
.L_overlay_start_0:
0x88: {  	s2 =	sld [smem:$0x3FD9]  }
0x89: {  	s3 =	sld [smem:$0x3FFE];
	_ =	sdelay $0x1  }
0x8a: {  	s1 =	srdreg.scid  }
0x8b: {  	s0 =	sand.u32 $0x1, s1  }
0x8c: {  	s14 =	sshll.u32 s0, $0xA;
	s2 =	sadd.s32 s3, s2  }
0x8d: {  	s2 =	sadd.s32 s2, s14  }
0x8e: {  	[smem:$0x3FBE] =	sst s2  }
0x8f: {  	_ = 	snop  }
0x90: {  	s2 =	sld [smem:$0x3FD0];
	_ =	sdelay $0x2  }
0x91: {  	s15 =	simm.s32 $0xA;
	s4 =	simm.s32 $0x10  }
0x92: {  	[smem:s4], [sflag:s15] =	dma.local [hbm:s2], $0x1  }
0x93: {  	_ =	swait.eq [sflag:s15], $0x1  }
0x94: {  	[sflag:s15] =	ssyncset.done $0x0  }
0x95: {  	[sflag:s15] =	ssyncadd.s32 $0xFFFFFFFF  }
0x96: {  	s16 =	sld [smem:$0x10];
	(tm) =	ssettm $0x1  }
0x97: {  	s17 =	sld [smem:$0x3FFB];
	_ =	sdelay $0x3  }
0x98: {  	_ =	strace s17  }
0x99: {  	s3 =	sld [smem:$0x3FFC];
	_ =	sdelay $0x3  }
0x9a: {  	_ =	strace s3  }
0x9b: {  	s3 =	sld [smem:$0x3FFD];
	_ =	sdelay $0x3  }
0x9c: {  	_ =	strace s3  }
0x9d: {  	_ =	strace $0x8FFFFFFF  }
0x9e: {  	s18 =	sld [smem:$0x3FDB];
	_ =	sdelay $0x1  }
0x9f: {  	s19 =	simm.s32 $_scs_section_size  }
0xa0: {  	s5 =	simm.s32 $_size__tile_overlayer_lowered;
	s6 =	simm.s32 $_tile_overlayer_lowered  }
0xa1: {  	s22 =	simm.s32 $0x1BFF;
	s21 =	sshll.u32 s6, $0x1;
	s3 =	sadd.s32 s19, s18  }
0xa2: {  	s7 =	simm.s32 $0x0;
	s20 =	sshll.u32 s5, $0x1;
	s5 =	sadd.s32 s21, s3  }
0xa3: {  	[timem:s7], [sflag:s22] =	dma.local [hbm:s5], s20  }
0xa4: {  	_ =	swait.ge [sflag:s22], s20  }
0xa5: {  	s4 =	ssub.s32 $0x0, s20;
	[sflag:s22] =	ssyncset.done $0x0  }
0xa6: {  	[sflag:s22] =	ssyncadd.s32 s4;
	_ =	sdelay $0x1  }
0xa7: {  	s23 =	simm.s32 $0x1B8B  }
0xa8: {  	_ =	swait.ge [sflag:s23], $0x1  }
0xa9: {  	[sflag:s23] =	ssyncset.done $0x0  }
0xaa: {  	s25 =	simm.s32 $0x1B8E;
	s24 =	sld [smem:$0x3FFE];
	[sflag:s23] =	ssyncadd.s32 $0xFFFFFFFF  }
0xab: {  	s26 =	simm.s32 $execute0_lowered;
	[smem:$0x3FD2] =	sst s25  }
0xac: {  	s5 =	sshll.u32 s26, $0x1;
	_ =	strace $0x80000049;
	[dreg:$0x1] =	wrdreg $0xFFFFFFFF  }
0xad: {  	s28 =	simm.s32 $_size_execute0_lowered;
	s3 =	sadd.s32 s3, s5;
	[dreg:$0x0] =	wrdreg $0x0  }
0xae: {  	s5 =	sshll.u32 s28, $0x1;
	[dreg:$0x2] =	wrdreg s3  }
0xaf: {  	[dreg:$0x3] =	wrdreg s5  }
0xb0: {  	[dreg:$0x4] =	wrdreg $0xC0  }
0xb1: {  	_ =	task [dreg:s7], $0x5FFFF  }
0xb2: {  	[dreg:$0x1] =	wrdreg $0xFFFFFFFF  }
0xb3: {  	[dreg:$0x0] =	wrdreg $0x60  }
0xb4: {  	[dreg:$0x2] =	wrdreg s16  }
0xb5: {  	[dreg:$0x3] =	wrdreg s24  }
0xb6: {  	[dreg:$0x4] =	wrdreg $0x98000  }
0xb7: {  	[dreg:$0x5] =	wrdreg $0x9  }
0xb8: {  	_ =	task.clear_ibuf [dreg:s7], $0x6FFFF;
	_ =	strace $0x90000049  }
0xb9: {  	s29 =	simm.s32 $0x9;
	_ =	strace $0x8000004B  }
0xba: {  	_ =	swait.ge [sflag:s29], $0x1  }
0xbb: {  	[sflag:s29] =	ssyncadd.s32 $0xFFFFFFFF  }
0xbc: {  	_ =	strace $0x9000004B  }
0xbd: {  	_ =	sfence  }
0xbe: {  	s30 =	sld [smem:$0x0];
	_ =	sdelay $0x2  }
0xbf: {  	s31 =	sshll.u32 s1, $0xD;
	s1 =	sshrl.u32 s1, $0x2  }
0xc0: {  	s3 =	sand.u32 $0x4000, s31;
	s1 =	sadd.s32 s1, s30  }
0xc1: {  	s0 =	sor.u32 s3, s0;
	s1 =	sshll.u32 s1, $0x11  }
0xc2: {  	s0 =	sor.u32 s1, s0  }
0xc3: {  	s0 =	sadd.s32 $0x8F2B, s0  }
0xc4: {  	[sflag:s0] =	ssyncadd.remote.s32 $0x1  }
0xc5: {  	_ =	sfence.sel $0xFFFF  }
0xc6: {  	[dreg:$0x0] =	wrdreg $0xFFFFFFFF;
	(pc) =	sbr.abs _section_cstart, $3  }
0xc7: {  	[dreg:$0x1] =	wrdreg $0xFFFFFFFF  }
0xc8: {  	_ =	task.clear_ibuf [dreg:s7], $0x2FFFF;
	_ =	strace $0x9FFFFFFF  }
0xc9: {  	(tm) =	ssettm $0x7FFFFFFF  }
tec
execute0_lowered:
.L_overlay_start_1:
0x0: {  	(tag) =	ssettag $0x1  }
0x1: {  	s2 =	rddreg [dreg:$0x0]  }
0x2: {  	s0 =	rddreg [dreg:$0x1]  }
0x3: {  	s3 =	rddreg [dreg:$0x2]  }
0x4: {  	s11 =	stileid.u32;
	s1 =	srdreg.scid  }
0x5: {  	s4 =	simm.s32 $0x0;
	s28 =	simm.s32 $0x180;
	s29 =	simm.s32 $0x7C00  }
0x6: {  	s30 =	simm.s32 $0x1;
	s31 =	simm.s32 $0x2;
	s5 =	smul.u32 $0x2780, s11  }
0x7: {  	s1 =	sand.u32 $0x1, s1;
	[smem:$0x7FF] =	sst s4;
	s7 =	smul.u32 $0x13C00, s11  }
0x8: {  	s8 =	sadd.s32 $0x1A400, s0;
	s9 =	sadd.s32 $0x1400, s0;
	s10 =	sadd.s32 $0x5AC00, s0  }
0x9: {  	s6 =	smul.u32 $0x13C000, s1;
	_ =	strace $0x8000004A;
	s25 =	sshll.u32 s1, $0x4  }
0xa: {  	s26 =	ssub.s32 $0x2, s1;
	p0 =	sne.s32 s1, $0x0;
	s1 =	simm.s32 $0x4  }
0xb: {  	s6 =	sadd.s32 s7, s6;
	s7 =	sor.u32 s11, s25;
	s11 =	smul.u32 $0x4E200, s11  }
0xc: {  	s5 =	sadd.s32 s5, s0;
	s13 =	sshrl.u32 s26, $0x1;
	s12 =	smul.u32 $0x6400, s7  }
0xd: {  	s13 =	ssub.s32 s26, s13;
	s6 =	sshrl.u32 s6, $0x3;
	s7 =	smul.u32 $0xC80, s7  }
0xe: {  	s26 =	smax.u32 s13, $0x1;
	s13 =	simm.s32 $0x2780;
	s0 =	sadd.s32 s6, s0  }
0xf: {  	s11 =	sshrl.u32 s11, $0x2;
	s6 =	sadd.s32 $0x33400, s5;
	[dreg:$0x11] =	wrdreg s26  }
0x10: {  	s26 =	simm.s32 $0x6000;
	s14 =	sadd.s32 s11, s3;
	s15 =	sshrl.u32 s12, $0x3  }
0x11: {  	s16 =	sadd.s32 s8, s7;
	s7 =	sadd.s32 s9, s7;
	[dreg:$0x4] =	wrdreg s14  }
0x12: {  	s0 =	sadd.s32 $0x5D400, s0;
	s6 =	smov.u32 @p0 s10;
	[dreg:$0x6] =	wrdreg s16  }
0x13: {  	s10 =	simm.s32 $0x2600;
	s11 =	simm.s32 $0x2680;
	[dreg:$0x7] =	wrdreg s7  }
0x14: {  	s12 =	simm.s32 $0x2700;
	s17 =	sadd.s32 $0x280, s15;
	[dreg:$0x10] =	wrdreg s0  }
0x15: {  	s19 =	sadd.s32 $0x500, s15;
	[dreg:$0x5] =	wrdreg s6;
	s18 =	sadd.s32 s8, s17  }
0x16: {  	s21 =	sadd.s32 $0x780, s15;
	s5 =	sadd.s32 s9, s17;
	[dreg:$0x8] =	wrdreg s18  }
0x17: {  	s23 =	sadd.s32 $0xA00, s15;
	s20 =	sadd.s32 s8, s19;
	[dreg:$0x9] =	wrdreg s5  }
0x18: {  	s0 =	simm.s32 $0x3;
	s7 =	sadd.s32 s9, s19;
	[dreg:$0xa] =	wrdreg s20  }
0x19: {  	s14 =	simm.s32 $0x0;
	s22 =	sadd.s32 s8, s21;
	[dreg:$0xb] =	wrdreg s7  }
0x1a: {  	s24 =	sadd.s32 s8, s23;
	s25 =	sadd.s32 s9, s23;
	[dreg:$0xc] =	wrdreg s22  }
0x1b: {  	s19 =	simm.s32 $0x9;
	s23 =	simm.s32 $0x80;
	[dreg:$0xe] =	wrdreg s24  }
0x1c: {  	s8 =	simm.s32 $0x7;
	s5 =	sadd.s32 s9, s21;
	[dreg:$0xf] =	wrdreg s25  }
0x1d: {  	s20 =	simm.s32 $0x1400;
	s21 =	simm.s32 $0x32;
	s22 =	simm.s32 $0x2800  }
0x1e: {  	s24 =	simm.s32 $0x4400;
	s25 =	simm.s32 $0x100;
	s7 =	simm.s32 $0x6  }
0x1f: {  	s9 =	simm.s32 $0x8;
	[dreg:$0xd] =	wrdreg s5;
	s5 =	simm.s32 $0x5  }
.LBB2_1:
0x20: {  	s6 =	stileid.u32  }
0x21: {  	s17 =	rddreg [dreg:$0x4];
	s15 =	sshll.u32 s6, $0x6  }
0x22: {  	s18 =	rddreg [dreg:$0x5];
	s16 =	sshrl.u32 s17, $0x3;
	s15 =	sor.u32 $0x1C09, s15  }
0x23: {  	[spmem:s16], [sflag:s15] =	dma.local [hbm:s18], $0x2710  }
0x24: {  	_ =	swait.ge [sflag:s19], $0x2710  }
0x25: {  	[sflag:s19] =	ssyncset.done $0x0  }
0x26: {  	[sflag:s19] =	ssyncadd.s32 $0xFFFFD8F0  }
0x27: {  	[bflag:$0x0] =	sbarrier.arrive $0xFFFF  }
0x28: {  	s17 =	rddreg [dreg:$0x6]  }
0x29: {  	[tilespmem:s4], [sflag:$0x9] =	stream.linear.gather [hbm4b:s17+s4], $0x1400, $0x38;
	[tilespmem:$0x1D080] =	vst v63  }
0x2a: {  	_ =	swait.ge [sflag:s19], $0x1400  }
0x2b: {  	[sflag:s19] =	ssyncset.done $0x0  }
0x2c: {  	s18 =	rddreg [dreg:$0x7];
	[sflag:s19] =	ssyncadd.s32 $0xFFFFEC00  }
0x2d: {  	[tilespmem:s20], [sflag:$0x9] =	stream.linear.gather [hbm4b:s18+s4], $0x1400, $0x38;
	[tilespmem:$0x1D080] =	vst v63  }
0x2e: {  	_ =	swait.ge [sflag:s19], $0x1400  }
0x2f: {  	[sflag:s19] =	ssyncset.done $0x0  }
0x30: {  	[sflag:s19] =	ssyncadd.s32 $0xFFFFEC00  }
0x31: {  	[tilespmem:s22], [sflag:$0x1] =	stream.indirect.gather [hbm4b:s2+s21], $0x80, s4, s21, $0xb8;
	[tilespmem:$0x1D080] =	vst v63  }
0x32: {  	_ = 	snop  }
0x33: {  	[tilespmem:s24], [sflag:$0x2] =	stream.indirect.gather [hbm4b:s2+s21], $0x80, s23, s21, $0xb8;
	[tilespmem:$0x1D080] =	vst v63  }
0x34: {  	_ = 	snop  }
0x35: {  	[tilespmem:s26], [sflag:$0x3] =	stream.indirect.gather [hbm4b:s2+s21], $0x80, s25, s21, $0xb8;
	[tilespmem:$0x1D080] =	vst v63  }
0x36: {  	_ = 	snop  }
0x37: {  	[tilespmem:s29], [sflag:$0x4] =	stream.indirect.gather [hbm4b:s2+s21], $0x80, s28, s21, $0xb8;
	[tilespmem:$0x1D080] =	vst v63  }
0x38: {  	_ =	swait.ge [sflag:s30], $0x1900  }
0x39: {  	[sflag:s30] =	ssyncset.done $0x0  }
0x3a: {  	s17 =	simm.s32 $0x1400;
	[sflag:s30] =	ssyncadd.s32 $0xFFFFE700  }
0x3b: {  	[spmem:s3] =	stream.indirect.scatter.add.f32 [tilespmem:s22], [sflag:$0x5], $0x80, s17, s21, $0xb8;
	[tilespmem:$0x1D080] =	vst v63  }
0x3c: {  	_ =	swait.ge [sflag:s31], $0x1900  }
0x3d: {  	[sflag:s31] =	ssyncset.done $0x0  }
0x3e: {  	s6 =	simm.s32 $0x1480;
	[sflag:s31] =	ssyncadd.s32 $0xFFFFE700  }
0x3f: {  	[spmem:s3] =	stream.indirect.scatter.add.f32 [tilespmem:s24], [sflag:$0x6], $0x80, s6, s21, $0xb8;
	[tilespmem:$0x1D080] =	vst v63  }
0x40: {  	_ =	swait.ge [sflag:s0], $0x1900  }
0x41: {  	[sflag:s0] =	ssyncset.done $0x0  }
0x42: {  	s18 =	simm.s32 $0x1500;
	[sflag:s0] =	ssyncadd.s32 $0xFFFFE700  }
0x43: {  	[spmem:s3] =	stream.indirect.scatter.add.f32 [tilespmem:s26], [sflag:$0x7], $0x80, s18, s21, $0xb8;
	[tilespmem:$0x1D080] =	vst v63  }
0x44: {  	_ =	swait.ge [sflag:s1], $0x1900  }
0x45: {  	[sflag:s1] =	ssyncset.done $0x0  }
0x46: {  	s6 =	simm.s32 $0x1580;
	[sflag:s1] =	ssyncadd.s32 $0xFFFFE700  }
0x47: {  	[spmem:s3] =	stream.indirect.scatter.add.f32 [tilespmem:s29], [sflag:$0x8], $0x80, s6, s21, $0xb8;
	[tilespmem:$0x1D080] =	vst v63  }
0x48: {  	_ =	swait.ge [sflag:s5], $0x1900  }
0x49: {  	[sflag:s5] =	ssyncset.done $0x0  }
0x4a: {  	s18 =	simm.s32 $0x200;
	[sflag:s5] =	ssyncadd.s32 $0xFFFFE700  }
0x4b: {  	[tilespmem:s22], [sflag:$0x1] =	stream.indirect.gather [hbm4b:s2+s21], $0x80, s18, s21, $0xb8;
	[tilespmem:$0x1D080] =	vst v63  }
0x4c: {  	_ =	swait.ge [sflag:s7], $0x1900  }
0x4d: {  	[sflag:s7] =	ssyncset.done $0x0  }
0x4e: {  	s6 =	simm.s32 $0x280;
	[sflag:s7] =	ssyncadd.s32 $0xFFFFE700  }
0x4f: {  	[tilespmem:s24], [sflag:$0x2] =	stream.indirect.gather [hbm4b:s2+s21], $0x80, s6, s21, $0xb8;
	[tilespmem:$0x1D080] =	vst v63  }
0x50: {  	_ =	swait.ge [sflag:s8], $0x1900  }
0x51: {  	[sflag:s8] =	ssyncset.done $0x0  }
0x52: {  	s18 =	simm.s32 $0x300;
	[sflag:s8] =	ssyncadd.s32 $0xFFFFE700  }
0x53: {  	[tilespmem:s26], [sflag:$0x3] =	stream.indirect.gather [hbm4b:s2+s21], $0x80, s18, s21, $0xb8;
	[tilespmem:$0x1D080] =	vst v63  }
0x54: {  	_ =	swait.ge [sflag:s9], $0x1900  }
0x55: {  	[sflag:s9] =	ssyncset.done $0x0  }
0x56: {  	s17 =	simm.s32 $0x800;
	s18 =	simm.s32 $0x380;
	[sflag:s9] =	ssyncadd.s32 $0xFFFFE700  }
.LBB2_2:
0x57: {  	[tilespmem:s29], [sflag:$0x4] =	stream.indirect.gather [hbm4b:s2+s21], $0x80, s18, s21, $0xb8;
	[tilespmem:$0x1D080] =	vst v63  }
0x58: {  	s18 =	smov.u32 s17  }
0x59: {  	p0 =	sne.s32 s17, $0x4000;
	s17 =	sadd.s32 $0x800, s17;
	_ =	swait.ge [sflag:s30], $0x1900  }
0x5a: {  	s18 =	sshra.s32 s18, $0x2;
	[sflag:s30] =	ssyncset.done $0x0  }
0x5b: {  	s6 =	sadd.s32 $0x1400, s18;
	[sflag:s30] =	ssyncadd.s32 $0xFFFFE700  }
0x5c: {  	[spmem:s3] =	stream.indirect.scatter.add.f32 [tilespmem:s22], [sflag:$0x5], $0x80, s6, s21, $0xb8;
	[tilespmem:$0x1D080] =	vst v63  }
0x5d: {  	_ =	swait.ge [sflag:s31], $0x1900  }
0x5e: {  	[sflag:s31] =	ssyncset.done $0x0  }
0x5f: {  	s6 =	sadd.s32 $0x1480, s18;
	[sflag:s31] =	ssyncadd.s32 $0xFFFFE700  }
0x60: {  	[spmem:s3] =	stream.indirect.scatter.add.f32 [tilespmem:s24], [sflag:$0x6], $0x80, s6, s21, $0xb8;
	[tilespmem:$0x1D080] =	vst v63  }
0x61: {  	_ =	swait.ge [sflag:s0], $0x1900  }
0x62: {  	[sflag:s0] =	ssyncset.done $0x0  }
0x63: {  	s6 =	sadd.s32 $0x1500, s18;
	[sflag:s0] =	ssyncadd.s32 $0xFFFFE700  }
0x64: {  	[spmem:s3] =	stream.indirect.scatter.add.f32 [tilespmem:s26], [sflag:$0x7], $0x80, s6, s21, $0xb8;
	[tilespmem:$0x1D080] =	vst v63  }
0x65: {  	_ =	swait.ge [sflag:s1], $0x1900  }
0x66: {  	[sflag:s1] =	ssyncset.done $0x0  }
0x67: {  	s6 =	sadd.s32 $0x1580, s18;
	[sflag:s1] =	ssyncadd.s32 $0xFFFFE700  }
0x68: {  	[spmem:s3] =	stream.indirect.scatter.add.f32 [tilespmem:s29], [sflag:$0x8], $0x80, s6, s21, $0xb8;
	[tilespmem:$0x1D080] =	vst v63  }
0x69: {  	_ =	swait.ge [sflag:s5], $0x1900  }
0x6a: {  	[sflag:s5] =	ssyncset.done $0x0  }
0x6b: {  	s6 =	sadd.s32 $0x200, s18;
	[sflag:s5] =	ssyncadd.s32 $0xFFFFE700  }
0x6c: {  	[tilespmem:s22], [sflag:$0x1] =	stream.indirect.gather [hbm4b:s2+s21], $0x80, s6, s21, $0xb8;
	[tilespmem:$0x1D080] =	vst v63  }
0x6d: {  	_ =	swait.ge [sflag:s7], $0x1900  }
0x6e: {  	[sflag:s7] =	ssyncset.done $0x0  }
0x6f: {  	s6 =	sadd.s32 $0x280, s18;
	[sflag:s7] =	ssyncadd.s32 $0xFFFFE700  }
0x70: {  	[tilespmem:s24], [sflag:$0x2] =	stream.indirect.gather [hbm4b:s2+s21], $0x80, s6, s21, $0xb8;
	[tilespmem:$0x1D080] =	vst v63  }
0x71: {  	_ =	swait.ge [sflag:s8], $0x1900  }
0x72: {  	[sflag:s8] =	ssyncset.done $0x0  }
.Ltmp0:
0x73: {  	s6 =	sadd.s32 $0x300, s18;
	[sflag:s8] =	ssyncadd.s32 $0xFFFFE700;
	(pc) =	sbr.rel @p0 .LBB2_2-.Ltmp0, $4  }
0x74: {  	[tilespmem:s26], [sflag:$0x3] =	stream.indirect.gather [hbm4b:s2+s21], $0x80, s6, s21, $0xb8;
	[tilespmem:$0x1D080] =	vst v63  }
0x75: {  	_ =	swait.ge [sflag:s9], $0x1900  }
0x76: {  	[sflag:s9] =	ssyncset.done $0x0  }
0x77: {  	s18 =	sadd.s32 $0x380, s18;
	[sflag:s9] =	ssyncadd.s32 $0xFFFFE700  }
0x78: {  	[tilespmem:s29], [sflag:$0x4] =	stream.indirect.gather [hbm4b:s2+s21], $0x80, s18, s21, $0xb8;
	[tilespmem:$0x1D080] =	vst v63  }
0x79: {  	_ =	swait.ge [sflag:s30], $0x1900  }
0x7a: {  	[sflag:s30] =	ssyncset.done $0x0  }
0x7b: {  	[sflag:s30] =	ssyncadd.s32 $0xFFFFE700  }
0x7c: {  	[spmem:s3] =	stream.indirect.scatter.add.f32 [tilespmem:s22], [sflag:$0x5], $0x80, s10, s21, $0xb8;
	[tilespmem:$0x1D080] =	vst v63  }
0x7d: {  	_ =	swait.ge [sflag:s31], $0x1900  }
0x7e: {  	[sflag:s31] =	ssyncset.done $0x0  }
0x7f: {  	[sflag:s31] =	ssyncadd.s32 $0xFFFFE700  }
0x80: {  	[spmem:s3] =	stream.indirect.scatter.add.f32 [tilespmem:s24], [sflag:$0x6], $0x80, s11, s21, $0xb8;
	[tilespmem:$0x1D080] =	vst v63  }
0x81: {  	_ =	swait.ge [sflag:s0], $0x1900  }
0x82: {  	[sflag:s0] =	ssyncset.done $0x0  }
0x83: {  	[sflag:s0] =	ssyncadd.s32 $0xFFFFE700  }
0x84: {  	[spmem:s3] =	stream.indirect.scatter.add.f32 [tilespmem:s26], [sflag:$0x7], $0x80, s12, s21, $0xb8;
	[tilespmem:$0x1D080] =	vst v63  }
0x85: {  	_ =	swait.ge [sflag:s1], $0x1900  }
0x86: {  	[sflag:s1] =	ssyncset.done $0x0  }
0x87: {  	[sflag:s1] =	ssyncadd.s32 $0xFFFFE700  }
0x88: {  	[spmem:s3] =	stream.indirect.scatter.add.f32 [tilespmem:s29], [sflag:$0x8], $0x80, s13, s21, $0xb8;
	[tilespmem:$0x1D080] =	vst v63  }
0x89: {  	_ =	swait.ge [sflag:s5], $0x1900  }
0x8a: {  	[sflag:s5] =	ssyncset.done $0x0  }
0x8b: {  	[sflag:s5] =	ssyncadd.s32 $0xFFFFE700  }
0x8c: {  	_ =	swait.ge [sflag:s7], $0x1900  }
0x8d: {  	[sflag:s7] =	ssyncset.done $0x0  }
0x8e: {  	[sflag:s7] =	ssyncadd.s32 $0xFFFFE700  }
0x8f: {  	_ =	swait.ge [sflag:s8], $0x1900  }
0x90: {  	[sflag:s8] =	ssyncset.done $0x0  }
0x91: {  	[sflag:s8] =	ssyncadd.s32 $0xFFFFE700  }
0x92: {  	_ =	swait.ge [sflag:s9], $0x1900  }
0x93: {  	[sflag:s9] =	ssyncset.done $0x0  }
0x94: {  	s6 =	simm.s32 $0x0;
	s17 =	rddreg [dreg:$0x8];
	[sflag:s9] =	ssyncadd.s32 $0xFFFFE700  }
0x95: {  	[tilespmem:s6], [sflag:$0x9] =	stream.linear.gather [hbm4b:s17+s6], $0x1400, $0x38;
	[tilespmem:$0x1D080] =	vst v63  }
0x96: {  	_ =	swait.ge [sflag:s19], $0x1400  }
0x97: {  	[sflag:s19] =	ssyncset.done $0x0  }
0x98: {  	s18 =	rddreg [dreg:$0x9];
	[sflag:s19] =	ssyncadd.s32 $0xFFFFEC00  }
0x99: {  	[tilespmem:s20], [sflag:$0x9] =	stream.linear.gather [hbm4b:s18+s6], $0x1400, $0x38;
	[tilespmem:$0x1D080] =	vst v63  }
0x9a: {  	_ =	swait.ge [sflag:s19], $0x1400  }
0x9b: {  	[sflag:s19] =	ssyncset.done $0x0  }
0x9c: {  	[sflag:s19] =	ssyncadd.s32 $0xFFFFEC00  }
0x9d: {  	[tilespmem:s22], [sflag:$0x1] =	stream.indirect.gather [hbm4b:s2+s21], $0x80, s6, s21, $0xb8;
	[tilespmem:$0x1D080] =	vst v63  }
0x9e: {  	_ = 	snop  }
0x9f: {  	[tilespmem:s24], [sflag:$0x2] =	stream.indirect.gather [hbm4b:s2+s21], $0x80, s23, s21, $0xb8;
	[tilespmem:$0x1D080] =	vst v63  }
0xa0: {  	_ = 	snop  }
0xa1: {  	[tilespmem:s26], [sflag:$0x3] =	stream.indirect.gather [hbm4b:s2+s21], $0x80, s25, s21, $0xb8;
	[tilespmem:$0x1D080] =	vst v63  }
0xa2: {  	_ = 	snop  }
0xa3: {  	[tilespmem:s29], [sflag:$0x4] =	stream.indirect.gather [hbm4b:s2+s21], $0x80, s28, s21, $0xb8;
	[tilespmem:$0x1D080] =	vst v63  }
0xa4: {  	_ =	swait.ge [sflag:s30], $0x1900  }
0xa5: {  	[sflag:s30] =	ssyncset.done $0x0  }
0xa6: {  	s18 =	simm.s32 $0x1400;
	[sflag:s30] =	ssyncadd.s32 $0xFFFFE700  }
0xa7: {  	[spmem:s3] =	stream.indirect.scatter.add.f32 [tilespmem:s22], [sflag:$0x5], $0x80, s18, s21, $0xb8;
	[tilespmem:$0x1D080] =	vst v63  }
0xa8: {  	_ =	swait.ge [sflag:s31], $0x1900  }
0xa9: {  	[sflag:s31] =	ssyncset.done $0x0  }
0xaa: {  	s17 =	simm.s32 $0x1480;
	[sflag:s31] =	ssyncadd.s32 $0xFFFFE700  }
0xab: {  	[spmem:s3] =	stream.indirect.scatter.add.f32 [tilespmem:s24], [sflag:$0x6], $0x80, s17, s21, $0xb8;
	[tilespmem:$0x1D080] =	vst v63  }
0xac: {  	_ =	swait.ge [sflag:s0], $0x1900  }
0xad: {  	[sflag:s0] =	ssyncset.done $0x0  }
0xae: {  	s18 =	simm.s32 $0x1500;
	[sflag:s0] =	ssyncadd.s32 $0xFFFFE700  }
0xaf: {  	[spmem:s3] =	stream.indirect.scatter.add.f32 [tilespmem:s26], [sflag:$0x7], $0x80, s18, s21, $0xb8;
	[tilespmem:$0x1D080] =	vst v63  }
0xb0: {  	_ =	swait.ge [sflag:s1], $0x1900  }
0xb1: {  	[sflag:s1] =	ssyncset.done $0x0  }
0xb2: {  	s17 =	simm.s32 $0x1580;
	[sflag:s1] =	ssyncadd.s32 $0xFFFFE700  }
0xb3: {  	[spmem:s3] =	stream.indirect.scatter.add.f32 [tilespmem:s29], [sflag:$0x8], $0x80, s17, s21, $0xb8;
	[tilespmem:$0x1D080] =	vst v63  }
0xb4: {  	_ =	swait.ge [sflag:s5], $0x1900  }
0xb5: {  	[sflag:s5] =	ssyncset.done $0x0  }
0xb6: {  	s18 =	simm.s32 $0x200;
	[sflag:s5] =	ssyncadd.s32 $0xFFFFE700  }
0xb7: {  	[tilespmem:s22], [sflag:$0x1] =	stream.indirect.gather [hbm4b:s2+s21], $0x80, s18, s21, $0xb8;
	[tilespmem:$0x1D080] =	vst v63  }
0xb8: {  	_ =	swait.ge [sflag:s7], $0x1900  }
0xb9: {  	[sflag:s7] =	ssyncset.done $0x0  }
0xba: {  	s17 =	simm.s32 $0x280;
	[sflag:s7] =	ssyncadd.s32 $0xFFFFE700  }
0xbb: {  	[tilespmem:s24], [sflag:$0x2] =	stream.indirect.gather [hbm4b:s2+s21], $0x80, s17, s21, $0xb8;
	[tilespmem:$0x1D080] =	vst v63  }
0xbc: {  	_ =	swait.ge [sflag:s8], $0x1900  }
0xbd: {  	[sflag:s8] =	ssyncset.done $0x0  }
0xbe: {  	s18 =	simm.s32 $0x300;
	[sflag:s8] =	ssyncadd.s32 $0xFFFFE700  }
0xbf: {  	[tilespmem:s26], [sflag:$0x3] =	stream.indirect.gather [hbm4b:s2+s21], $0x80, s18, s21, $0xb8;
	[tilespmem:$0x1D080] =	vst v63  }
0xc0: {  	_ =	swait.ge [sflag:s9], $0x1900  }
0xc1: {  	[sflag:s9] =	ssyncset.done $0x0  }
0xc2: {  	s17 =	simm.s32 $0x800;
	s18 =	simm.s32 $0x380;
	[sflag:s9] =	ssyncadd.s32 $0xFFFFE700  }
.LBB2_4:
0xc3: {  	[tilespmem:s29], [sflag:$0x4] =	stream.indirect.gather [hbm4b:s2+s21], $0x80, s18, s21, $0xb8;
	[tilespmem:$0x1D080] =	vst v63  }
0xc4: {  	s6 =	smov.u32 s17  }
0xc5: {  	p0 =	sne.s32 s17, $0x4000;
	s17 =	sadd.s32 $0x800, s17;
	_ =	swait.ge [sflag:s30], $0x1900  }
0xc6: {  	s18 =	sshra.s32 s6, $0x2;
	[sflag:s30] =	ssyncset.done $0x0  }
0xc7: {  	s6 =	sadd.s32 $0x1400, s18;
	[sflag:s30] =	ssyncadd.s32 $0xFFFFE700  }
0xc8: {  	[spmem:s3] =	stream.indirect.scatter.add.f32 [tilespmem:s22], [sflag:$0x5], $0x80, s6, s21, $0xb8;
	[tilespmem:$0x1D080] =	vst v63  }
0xc9: {  	_ =	swait.ge [sflag:s31], $0x1900  }
0xca: {  	[sflag:s31] =	ssyncset.done $0x0  }
0xcb: {  	s6 =	sadd.s32 $0x1480, s18;
	[sflag:s31] =	ssyncadd.s32 $0xFFFFE700  }
0xcc: {  	[spmem:s3] =	stream.indirect.scatter.add.f32 [tilespmem:s24], [sflag:$0x6], $0x80, s6, s21, $0xb8;
	[tilespmem:$0x1D080] =	vst v63  }
0xcd: {  	_ =	swait.ge [sflag:s0], $0x1900  }
0xce: {  	[sflag:s0] =	ssyncset.done $0x0  }
0xcf: {  	s6 =	sadd.s32 $0x1500, s18;
	[sflag:s0] =	ssyncadd.s32 $0xFFFFE700  }
0xd0: {  	[spmem:s3] =	stream.indirect.scatter.add.f32 [tilespmem:s26], [sflag:$0x7], $0x80, s6, s21, $0xb8;
	[tilespmem:$0x1D080] =	vst v63  }
0xd1: {  	_ =	swait.ge [sflag:s1], $0x1900  }
0xd2: {  	[sflag:s1] =	ssyncset.done $0x0  }
0xd3: {  	s6 =	sadd.s32 $0x1580, s18;
	[sflag:s1] =	ssyncadd.s32 $0xFFFFE700  }
0xd4: {  	[spmem:s3] =	stream.indirect.scatter.add.f32 [tilespmem:s29], [sflag:$0x8], $0x80, s6, s21, $0xb8;
	[tilespmem:$0x1D080] =	vst v63  }
0xd5: {  	_ =	swait.ge [sflag:s5], $0x1900  }
0xd6: {  	[sflag:s5] =	ssyncset.done $0x0  }
0xd7: {  	s6 =	sadd.s32 $0x200, s18;
	[sflag:s5] =	ssyncadd.s32 $0xFFFFE700  }
0xd8: {  	[tilespmem:s22], [sflag:$0x1] =	stream.indirect.gather [hbm4b:s2+s21], $0x80, s6, s21, $0xb8;
	[tilespmem:$0x1D080] =	vst v63  }
0xd9: {  	_ =	swait.ge [sflag:s7], $0x1900  }
0xda: {  	[sflag:s7] =	ssyncset.done $0x0  }
0xdb: {  	s6 =	sadd.s32 $0x280, s18;
	[sflag:s7] =	ssyncadd.s32 $0xFFFFE700  }
0xdc: {  	[tilespmem:s24], [sflag:$0x2] =	stream.indirect.gather [hbm4b:s2+s21], $0x80, s6, s21, $0xb8;
	[tilespmem:$0x1D080] =	vst v63  }
0xdd: {  	_ =	swait.ge [sflag:s8], $0x1900  }
0xde: {  	[sflag:s8] =	ssyncset.done $0x0  }
.Ltmp1:
0xdf: {  	s6 =	sadd.s32 $0x300, s18;
	[sflag:s8] =	ssyncadd.s32 $0xFFFFE700;
	(pc) =	sbr.rel @p0 .LBB2_4-.Ltmp1, $4  }
0xe0: {  	[tilespmem:s26], [sflag:$0x3] =	stream.indirect.gather [hbm4b:s2+s21], $0x80, s6, s21, $0xb8;
	[tilespmem:$0x1D080] =	vst v63  }
0xe1: {  	_ =	swait.ge [sflag:s9], $0x1900  }
0xe2: {  	[sflag:s9] =	ssyncset.done $0x0  }
0xe3: {  	s18 =	sadd.s32 $0x380, s18;
	[sflag:s9] =	ssyncadd.s32 $0xFFFFE700  }
0xe4: {  	[tilespmem:s29], [sflag:$0x4] =	stream.indirect.gather [hbm4b:s2+s21], $0x80, s18, s21, $0xb8;
	[tilespmem:$0x1D080] =	vst v63  }
0xe5: {  	_ =	swait.ge [sflag:s30], $0x1900  }
0xe6: {  	[sflag:s30] =	ssyncset.done $0x0  }
0xe7: {  	[sflag:s30] =	ssyncadd.s32 $0xFFFFE700  }
0xe8: {  	[spmem:s3] =	stream.indirect.scatter.add.f32 [tilespmem:s22], [sflag:$0x5], $0x80, s10, s21, $0xb8;
	[tilespmem:$0x1D080] =	vst v63  }
0xe9: {  	_ =	swait.ge [sflag:s31], $0x1900  }
0xea: {  	[sflag:s31] =	ssyncset.done $0x0  }
0xeb: {  	[sflag:s31] =	ssyncadd.s32 $0xFFFFE700  }
0xec: {  	[spmem:s3] =	stream.indirect.scatter.add.f32 [tilespmem:s24], [sflag:$0x6], $0x80, s11, s21, $0xb8;
	[tilespmem:$0x1D080] =	vst v63  }
0xed: {  	_ =	swait.ge [sflag:s0], $0x1900  }
0xee: {  	[sflag:s0] =	ssyncset.done $0x0  }
0xef: {  	[sflag:s0] =	ssyncadd.s32 $0xFFFFE700  }
0xf0: {  	[spmem:s3] =	stream.indirect.scatter.add.f32 [tilespmem:s26], [sflag:$0x7], $0x80, s12, s21, $0xb8;
	[tilespmem:$0x1D080] =	vst v63  }
0xf1: {  	_ =	swait.ge [sflag:s1], $0x1900  }
0xf2: {  	[sflag:s1] =	ssyncset.done $0x0  }
0xf3: {  	[sflag:s1] =	ssyncadd.s32 $0xFFFFE700  }
0xf4: {  	[spmem:s3] =	stream.indirect.scatter.add.f32 [tilespmem:s29], [sflag:$0x8], $0x80, s13, s21, $0xb8;
	[tilespmem:$0x1D080] =	vst v63  }
0xf5: {  	_ =	swait.ge [sflag:s5], $0x1900  }
0xf6: {  	[sflag:s5] =	ssyncset.done $0x0  }
0xf7: {  	[sflag:s5] =	ssyncadd.s32 $0xFFFFE700  }
0xf8: {  	_ =	swait.ge [sflag:s7], $0x1900  }
0xf9: {  	[sflag:s7] =	ssyncset.done $0x0  }
0xfa: {  	[sflag:s7] =	ssyncadd.s32 $0xFFFFE700  }
0xfb: {  	_ =	swait.ge [sflag:s8], $0x1900  }
0xfc: {  	[sflag:s8] =	ssyncset.done $0x0  }
0xfd: {  	[sflag:s8] =	ssyncadd.s32 $0xFFFFE700  }
0xfe: {  	_ =	swait.ge [sflag:s9], $0x1900  }
0xff: {  	[sflag:s9] =	ssyncset.done $0x0  }
0x100: {  	s6 =	simm.s32 $0x0;
	s17 =	rddreg [dreg:$0xa];
	[sflag:s9] =	ssyncadd.s32 $0xFFFFE700  }
0x101: {  	[tilespmem:s6], [sflag:$0x9] =	stream.linear.gather [hbm4b:s17+s6], $0x1400, $0x38;
	[tilespmem:$0x1D080] =	vst v63  }
0x102: {  	_ =	swait.ge [sflag:s19], $0x1400  }
0x103: {  	[sflag:s19] =	ssyncset.done $0x0  }
0x104: {  	s18 =	rddreg [dreg:$0xb];
	[sflag:s19] =	ssyncadd.s32 $0xFFFFEC00  }
0x105: {  	[tilespmem:s20], [sflag:$0x9] =	stream.linear.gather [hbm4b:s18+s6], $0x1400, $0x38;
	[tilespmem:$0x1D080] =	vst v63  }
0x106: {  	_ =	swait.ge [sflag:s19], $0x1400  }
0x107: {  	[sflag:s19] =	ssyncset.done $0x0  }
0x108: {  	[sflag:s19] =	ssyncadd.s32 $0xFFFFEC00  }
0x109: {  	[tilespmem:s22], [sflag:$0x1] =	stream.indirect.gather [hbm4b:s2+s21], $0x80, s6, s21, $0xb8;
	[tilespmem:$0x1D080] =	vst v63  }
0x10a: {  	_ = 	snop  }
0x10b: {  	[tilespmem:s24], [sflag:$0x2] =	stream.indirect.gather [hbm4b:s2+s21], $0x80, s23, s21, $0xb8;
	[tilespmem:$0x1D080] =	vst v63  }
0x10c: {  	_ = 	snop  }
0x10d: {  	[tilespmem:s26], [sflag:$0x3] =	stream.indirect.gather [hbm4b:s2+s21], $0x80, s25, s21, $0xb8;
	[tilespmem:$0x1D080] =	vst v63  }
0x10e: {  	_ = 	snop  }
0x10f: {  	[tilespmem:s29], [sflag:$0x4] =	stream.indirect.gather [hbm4b:s2+s21], $0x80, s28, s21, $0xb8;
	[tilespmem:$0x1D080] =	vst v63  }
0x110: {  	_ =	swait.ge [sflag:s30], $0x1900  }
0x111: {  	[sflag:s30] =	ssyncset.done $0x0  }
0x112: {  	s18 =	simm.s32 $0x1400;
	[sflag:s30] =	ssyncadd.s32 $0xFFFFE700  }
0x113: {  	[spmem:s3] =	stream.indirect.scatter.add.f32 [tilespmem:s22], [sflag:$0x5], $0x80, s18, s21, $0xb8;
	[tilespmem:$0x1D080] =	vst v63  }
0x114: {  	_ =	swait.ge [sflag:s31], $0x1900  }
0x115: {  	[sflag:s31] =	ssyncset.done $0x0  }
0x116: {  	s17 =	simm.s32 $0x1480;
	[sflag:s31] =	ssyncadd.s32 $0xFFFFE700  }
0x117: {  	[spmem:s3] =	stream.indirect.scatter.add.f32 [tilespmem:s24], [sflag:$0x6], $0x80, s17, s21, $0xb8;
	[tilespmem:$0x1D080] =	vst v63  }
0x118: {  	_ =	swait.ge [sflag:s0], $0x1900  }
0x119: {  	[sflag:s0] =	ssyncset.done $0x0  }
0x11a: {  	s18 =	simm.s32 $0x1500;
	[sflag:s0] =	ssyncadd.s32 $0xFFFFE700  }
0x11b: {  	[spmem:s3] =	stream.indirect.scatter.add.f32 [tilespmem:s26], [sflag:$0x7], $0x80, s18, s21, $0xb8;
	[tilespmem:$0x1D080] =	vst v63  }
0x11c: {  	_ =	swait.ge [sflag:s1], $0x1900  }
0x11d: {  	[sflag:s1] =	ssyncset.done $0x0  }
0x11e: {  	s17 =	simm.s32 $0x1580;
	[sflag:s1] =	ssyncadd.s32 $0xFFFFE700  }
0x11f: {  	[spmem:s3] =	stream.indirect.scatter.add.f32 [tilespmem:s29], [sflag:$0x8], $0x80, s17, s21, $0xb8;
	[tilespmem:$0x1D080] =	vst v63  }
0x120: {  	_ =	swait.ge [sflag:s5], $0x1900  }
0x121: {  	[sflag:s5] =	ssyncset.done $0x0  }
0x122: {  	s18 =	simm.s32 $0x200;
	[sflag:s5] =	ssyncadd.s32 $0xFFFFE700  }
0x123: {  	[tilespmem:s22], [sflag:$0x1] =	stream.indirect.gather [hbm4b:s2+s21], $0x80, s18, s21, $0xb8;
	[tilespmem:$0x1D080] =	vst v63  }
0x124: {  	_ =	swait.ge [sflag:s7], $0x1900  }
0x125: {  	[sflag:s7] =	ssyncset.done $0x0  }
0x126: {  	s17 =	simm.s32 $0x280;
	[sflag:s7] =	ssyncadd.s32 $0xFFFFE700  }
0x127: {  	[tilespmem:s24], [sflag:$0x2] =	stream.indirect.gather [hbm4b:s2+s21], $0x80, s17, s21, $0xb8;
	[tilespmem:$0x1D080] =	vst v63  }
0x128: {  	_ =	swait.ge [sflag:s8], $0x1900  }
0x129: {  	[sflag:s8] =	ssyncset.done $0x0  }
0x12a: {  	s18 =	simm.s32 $0x300;
	[sflag:s8] =	ssyncadd.s32 $0xFFFFE700  }
0x12b: {  	[tilespmem:s26], [sflag:$0x3] =	stream.indirect.gather [hbm4b:s2+s21], $0x80, s18, s21, $0xb8;
	[tilespmem:$0x1D080] =	vst v63  }
0x12c: {  	_ =	swait.ge [sflag:s9], $0x1900  }
0x12d: {  	[sflag:s9] =	ssyncset.done $0x0  }
0x12e: {  	s17 =	simm.s32 $0x800;
	s18 =	simm.s32 $0x380;
	[sflag:s9] =	ssyncadd.s32 $0xFFFFE700  }
.LBB2_6:
0x12f: {  	[tilespmem:s29], [sflag:$0x4] =	stream.indirect.gather [hbm4b:s2+s21], $0x80, s18, s21, $0xb8;
	[tilespmem:$0x1D080] =	vst v63  }
0x130: {  	s6 =	smov.u32 s17  }
0x131: {  	p0 =	sne.s32 s17, $0x4000;
	s17 =	sadd.s32 $0x800, s17;
	_ =	swait.ge [sflag:s30], $0x1900  }
0x132: {  	s18 =	sshra.s32 s6, $0x2;
	[sflag:s30] =	ssyncset.done $0x0  }
0x133: {  	s6 =	sadd.s32 $0x1400, s18;
	[sflag:s30] =	ssyncadd.s32 $0xFFFFE700  }
0x134: {  	[spmem:s3] =	stream.indirect.scatter.add.f32 [tilespmem:s22], [sflag:$0x5], $0x80, s6, s21, $0xb8;
	[tilespmem:$0x1D080] =	vst v63  }
0x135: {  	_ =	swait.ge [sflag:s31], $0x1900  }
0x136: {  	[sflag:s31] =	ssyncset.done $0x0  }
0x137: {  	s6 =	sadd.s32 $0x1480, s18;
	[sflag:s31] =	ssyncadd.s32 $0xFFFFE700  }
0x138: {  	[spmem:s3] =	stream.indirect.scatter.add.f32 [tilespmem:s24], [sflag:$0x6], $0x80, s6, s21, $0xb8;
	[tilespmem:$0x1D080] =	vst v63  }
0x139: {  	_ =	swait.ge [sflag:s0], $0x1900  }
0x13a: {  	[sflag:s0] =	ssyncset.done $0x0  }
0x13b: {  	s6 =	sadd.s32 $0x1500, s18;
	[sflag:s0] =	ssyncadd.s32 $0xFFFFE700  }
0x13c: {  	[spmem:s3] =	stream.indirect.scatter.add.f32 [tilespmem:s26], [sflag:$0x7], $0x80, s6, s21, $0xb8;
	[tilespmem:$0x1D080] =	vst v63  }
0x13d: {  	_ =	swait.ge [sflag:s1], $0x1900  }
0x13e: {  	[sflag:s1] =	ssyncset.done $0x0  }
0x13f: {  	s6 =	sadd.s32 $0x1580, s18;
	[sflag:s1] =	ssyncadd.s32 $0xFFFFE700  }
0x140: {  	[spmem:s3] =	stream.indirect.scatter.add.f32 [tilespmem:s29], [sflag:$0x8], $0x80, s6, s21, $0xb8;
	[tilespmem:$0x1D080] =	vst v63  }
0x141: {  	_ =	swait.ge [sflag:s5], $0x1900  }
0x142: {  	[sflag:s5] =	ssyncset.done $0x0  }
0x143: {  	s6 =	sadd.s32 $0x200, s18;
	[sflag:s5] =	ssyncadd.s32 $0xFFFFE700  }
0x144: {  	[tilespmem:s22], [sflag:$0x1] =	stream.indirect.gather [hbm4b:s2+s21], $0x80, s6, s21, $0xb8;
	[tilespmem:$0x1D080] =	vst v63  }
0x145: {  	_ =	swait.ge [sflag:s7], $0x1900  }
0x146: {  	[sflag:s7] =	ssyncset.done $0x0  }
0x147: {  	s6 =	sadd.s32 $0x280, s18;
	[sflag:s7] =	ssyncadd.s32 $0xFFFFE700  }
0x148: {  	[tilespmem:s24], [sflag:$0x2] =	stream.indirect.gather [hbm4b:s2+s21], $0x80, s6, s21, $0xb8;
	[tilespmem:$0x1D080] =	vst v63  }
0x149: {  	_ =	swait.ge [sflag:s8], $0x1900  }
0x14a: {  	[sflag:s8] =	ssyncset.done $0x0  }
.Ltmp2:
0x14b: {  	s6 =	sadd.s32 $0x300, s18;
	[sflag:s8] =	ssyncadd.s32 $0xFFFFE700;
	(pc) =	sbr.rel @p0 .LBB2_6-.Ltmp2, $4  }
0x14c: {  	[tilespmem:s26], [sflag:$0x3] =	stream.indirect.gather [hbm4b:s2+s21], $0x80, s6, s21, $0xb8;
	[tilespmem:$0x1D080] =	vst v63  }
0x14d: {  	_ =	swait.ge [sflag:s9], $0x1900  }
0x14e: {  	[sflag:s9] =	ssyncset.done $0x0  }
0x14f: {  	s18 =	sadd.s32 $0x380, s18;
	[sflag:s9] =	ssyncadd.s32 $0xFFFFE700  }
0x150: {  	[tilespmem:s29], [sflag:$0x4] =	stream.indirect.gather [hbm4b:s2+s21], $0x80, s18, s21, $0xb8;
	[tilespmem:$0x1D080] =	vst v63  }
0x151: {  	_ =	swait.ge [sflag:s30], $0x1900  }
0x152: {  	[sflag:s30] =	ssyncset.done $0x0  }
0x153: {  	[sflag:s30] =	ssyncadd.s32 $0xFFFFE700  }
0x154: {  	[spmem:s3] =	stream.indirect.scatter.add.f32 [tilespmem:s22], [sflag:$0x5], $0x80, s10, s21, $0xb8;
	[tilespmem:$0x1D080] =	vst v63  }
0x155: {  	_ =	swait.ge [sflag:s31], $0x1900  }
0x156: {  	[sflag:s31] =	ssyncset.done $0x0  }
0x157: {  	[sflag:s31] =	ssyncadd.s32 $0xFFFFE700  }
0x158: {  	[spmem:s3] =	stream.indirect.scatter.add.f32 [tilespmem:s24], [sflag:$0x6], $0x80, s11, s21, $0xb8;
	[tilespmem:$0x1D080] =	vst v63  }
0x159: {  	_ =	swait.ge [sflag:s0], $0x1900  }
0x15a: {  	[sflag:s0] =	ssyncset.done $0x0  }
0x15b: {  	[sflag:s0] =	ssyncadd.s32 $0xFFFFE700  }
0x15c: {  	[spmem:s3] =	stream.indirect.scatter.add.f32 [tilespmem:s26], [sflag:$0x7], $0x80, s12, s21, $0xb8;
	[tilespmem:$0x1D080] =	vst v63  }
0x15d: {  	_ =	swait.ge [sflag:s1], $0x1900  }
0x15e: {  	[sflag:s1] =	ssyncset.done $0x0  }
0x15f: {  	[sflag:s1] =	ssyncadd.s32 $0xFFFFE700  }
0x160: {  	[spmem:s3] =	stream.indirect.scatter.add.f32 [tilespmem:s29], [sflag:$0x8], $0x80, s13, s21, $0xb8;
	[tilespmem:$0x1D080] =	vst v63  }
0x161: {  	_ =	swait.ge [sflag:s5], $0x1900  }
0x162: {  	[sflag:s5] =	ssyncset.done $0x0  }
0x163: {  	[sflag:s5] =	ssyncadd.s32 $0xFFFFE700  }
0x164: {  	_ =	swait.ge [sflag:s7], $0x1900  }
0x165: {  	[sflag:s7] =	ssyncset.done $0x0  }
0x166: {  	[sflag:s7] =	ssyncadd.s32 $0xFFFFE700  }
0x167: {  	_ =	swait.ge [sflag:s8], $0x1900  }
0x168: {  	[sflag:s8] =	ssyncset.done $0x0  }
0x169: {  	[sflag:s8] =	ssyncadd.s32 $0xFFFFE700  }
0x16a: {  	_ =	swait.ge [sflag:s9], $0x1900  }
0x16b: {  	[sflag:s9] =	ssyncset.done $0x0  }
0x16c: {  	s6 =	simm.s32 $0x0;
	s17 =	rddreg [dreg:$0xc];
	[sflag:s9] =	ssyncadd.s32 $0xFFFFE700  }
0x16d: {  	[tilespmem:s6], [sflag:$0x9] =	stream.linear.gather [hbm4b:s17+s6], $0x1400, $0x38;
	[tilespmem:$0x1D080] =	vst v63  }
0x16e: {  	_ =	swait.ge [sflag:s19], $0x1400  }
0x16f: {  	[sflag:s19] =	ssyncset.done $0x0  }
0x170: {  	s18 =	rddreg [dreg:$0xd];
	[sflag:s19] =	ssyncadd.s32 $0xFFFFEC00  }
0x171: {  	[tilespmem:s20], [sflag:$0x9] =	stream.linear.gather [hbm4b:s18+s6], $0x1400, $0x38;
	[tilespmem:$0x1D080] =	vst v63  }
0x172: {  	_ =	swait.ge [sflag:s19], $0x1400  }
0x173: {  	[sflag:s19] =	ssyncset.done $0x0  }
0x174: {  	[sflag:s19] =	ssyncadd.s32 $0xFFFFEC00  }
0x175: {  	[tilespmem:s22], [sflag:$0x1] =	stream.indirect.gather [hbm4b:s2+s21], $0x80, s6, s21, $0xb8;
	[tilespmem:$0x1D080] =	vst v63  }
0x176: {  	_ = 	snop  }
0x177: {  	[tilespmem:s24], [sflag:$0x2] =	stream.indirect.gather [hbm4b:s2+s21], $0x80, s23, s21, $0xb8;
	[tilespmem:$0x1D080] =	vst v63  }
0x178: {  	_ = 	snop  }
0x179: {  	[tilespmem:s26], [sflag:$0x3] =	stream.indirect.gather [hbm4b:s2+s21], $0x80, s25, s21, $0xb8;
	[tilespmem:$0x1D080] =	vst v63  }
0x17a: {  	_ = 	snop  }
0x17b: {  	[tilespmem:s29], [sflag:$0x4] =	stream.indirect.gather [hbm4b:s2+s21], $0x80, s28, s21, $0xb8;
	[tilespmem:$0x1D080] =	vst v63  }
0x17c: {  	_ =	swait.ge [sflag:s30], $0x1900  }
0x17d: {  	[sflag:s30] =	ssyncset.done $0x0  }
0x17e: {  	s18 =	simm.s32 $0x1400;
	[sflag:s30] =	ssyncadd.s32 $0xFFFFE700  }
0x17f: {  	[spmem:s3] =	stream.indirect.scatter.add.f32 [tilespmem:s22], [sflag:$0x5], $0x80, s18, s21, $0xb8;
	[tilespmem:$0x1D080] =	vst v63  }
0x180: {  	_ =	swait.ge [sflag:s31], $0x1900  }
0x181: {  	[sflag:s31] =	ssyncset.done $0x0  }
0x182: {  	s17 =	simm.s32 $0x1480;
	[sflag:s31] =	ssyncadd.s32 $0xFFFFE700  }
0x183: {  	[spmem:s3] =	stream.indirect.scatter.add.f32 [tilespmem:s24], [sflag:$0x6], $0x80, s17, s21, $0xb8;
	[tilespmem:$0x1D080] =	vst v63  }
0x184: {  	_ =	swait.ge [sflag:s0], $0x1900  }
0x185: {  	[sflag:s0] =	ssyncset.done $0x0  }
0x186: {  	s18 =	simm.s32 $0x1500;
	[sflag:s0] =	ssyncadd.s32 $0xFFFFE700  }
0x187: {  	[spmem:s3] =	stream.indirect.scatter.add.f32 [tilespmem:s26], [sflag:$0x7], $0x80, s18, s21, $0xb8;
	[tilespmem:$0x1D080] =	vst v63  }
0x188: {  	_ =	swait.ge [sflag:s1], $0x1900  }
0x189: {  	[sflag:s1] =	ssyncset.done $0x0  }
0x18a: {  	s17 =	simm.s32 $0x1580;
	[sflag:s1] =	ssyncadd.s32 $0xFFFFE700  }
0x18b: {  	[spmem:s3] =	stream.indirect.scatter.add.f32 [tilespmem:s29], [sflag:$0x8], $0x80, s17, s21, $0xb8;
	[tilespmem:$0x1D080] =	vst v63  }
0x18c: {  	_ =	swait.ge [sflag:s5], $0x1900  }
0x18d: {  	[sflag:s5] =	ssyncset.done $0x0  }
0x18e: {  	s18 =	simm.s32 $0x200;
	[sflag:s5] =	ssyncadd.s32 $0xFFFFE700  }
0x18f: {  	[tilespmem:s22], [sflag:$0x1] =	stream.indirect.gather [hbm4b:s2+s21], $0x80, s18, s21, $0xb8;
	[tilespmem:$0x1D080] =	vst v63  }
0x190: {  	_ =	swait.ge [sflag:s7], $0x1900  }
0x191: {  	[sflag:s7] =	ssyncset.done $0x0  }
0x192: {  	s17 =	simm.s32 $0x280;
	[sflag:s7] =	ssyncadd.s32 $0xFFFFE700  }
0x193: {  	[tilespmem:s24], [sflag:$0x2] =	stream.indirect.gather [hbm4b:s2+s21], $0x80, s17, s21, $0xb8;
	[tilespmem:$0x1D080] =	vst v63  }
0x194: {  	_ =	swait.ge [sflag:s8], $0x1900  }
0x195: {  	[sflag:s8] =	ssyncset.done $0x0  }
0x196: {  	s18 =	simm.s32 $0x300;
	[sflag:s8] =	ssyncadd.s32 $0xFFFFE700  }
0x197: {  	[tilespmem:s26], [sflag:$0x3] =	stream.indirect.gather [hbm4b:s2+s21], $0x80, s18, s21, $0xb8;
	[tilespmem:$0x1D080] =	vst v63  }
0x198: {  	_ =	swait.ge [sflag:s9], $0x1900  }
0x199: {  	[sflag:s9] =	ssyncset.done $0x0  }
0x19a: {  	s17 =	simm.s32 $0x800;
	s18 =	simm.s32 $0x380;
	[sflag:s9] =	ssyncadd.s32 $0xFFFFE700  }
.LBB2_8:
0x19b: {  	[tilespmem:s29], [sflag:$0x4] =	stream.indirect.gather [hbm4b:s2+s21], $0x80, s18, s21, $0xb8;
	[tilespmem:$0x1D080] =	vst v63  }
0x19c: {  	s6 =	smov.u32 s17  }
0x19d: {  	p0 =	sne.s32 s17, $0x4000;
	s17 =	sadd.s32 $0x800, s17;
	_ =	swait.ge [sflag:s30], $0x1900  }
0x19e: {  	s18 =	sshra.s32 s6, $0x2;
	[sflag:s30] =	ssyncset.done $0x0  }
0x19f: {  	s6 =	sadd.s32 $0x1400, s18;
	[sflag:s30] =	ssyncadd.s32 $0xFFFFE700  }
0x1a0: {  	[spmem:s3] =	stream.indirect.scatter.add.f32 [tilespmem:s22], [sflag:$0x5], $0x80, s6, s21, $0xb8;
	[tilespmem:$0x1D080] =	vst v63  }
0x1a1: {  	_ =	swait.ge [sflag:s31], $0x1900  }
0x1a2: {  	[sflag:s31] =	ssyncset.done $0x0  }
0x1a3: {  	s6 =	sadd.s32 $0x1480, s18;
	[sflag:s31] =	ssyncadd.s32 $0xFFFFE700  }
0x1a4: {  	[spmem:s3] =	stream.indirect.scatter.add.f32 [tilespmem:s24], [sflag:$0x6], $0x80, s6, s21, $0xb8;
	[tilespmem:$0x1D080] =	vst v63  }
0x1a5: {  	_ =	swait.ge [sflag:s0], $0x1900  }
0x1a6: {  	[sflag:s0] =	ssyncset.done $0x0  }
0x1a7: {  	s6 =	sadd.s32 $0x1500, s18;
	[sflag:s0] =	ssyncadd.s32 $0xFFFFE700  }
0x1a8: {  	[spmem:s3] =	stream.indirect.scatter.add.f32 [tilespmem:s26], [sflag:$0x7], $0x80, s6, s21, $0xb8;
	[tilespmem:$0x1D080] =	vst v63  }
0x1a9: {  	_ =	swait.ge [sflag:s1], $0x1900  }
0x1aa: {  	[sflag:s1] =	ssyncset.done $0x0  }
0x1ab: {  	s6 =	sadd.s32 $0x1580, s18;
	[sflag:s1] =	ssyncadd.s32 $0xFFFFE700  }
0x1ac: {  	[spmem:s3] =	stream.indirect.scatter.add.f32 [tilespmem:s29], [sflag:$0x8], $0x80, s6, s21, $0xb8;
	[tilespmem:$0x1D080] =	vst v63  }
0x1ad: {  	_ =	swait.ge [sflag:s5], $0x1900  }
0x1ae: {  	[sflag:s5] =	ssyncset.done $0x0  }
0x1af: {  	s6 =	sadd.s32 $0x200, s18;
	[sflag:s5] =	ssyncadd.s32 $0xFFFFE700  }
0x1b0: {  	[tilespmem:s22], [sflag:$0x1] =	stream.indirect.gather [hbm4b:s2+s21], $0x80, s6, s21, $0xb8;
	[tilespmem:$0x1D080] =	vst v63  }
0x1b1: {  	_ =	swait.ge [sflag:s7], $0x1900  }
0x1b2: {  	[sflag:s7] =	ssyncset.done $0x0  }
0x1b3: {  	s6 =	sadd.s32 $0x280, s18;
	[sflag:s7] =	ssyncadd.s32 $0xFFFFE700  }
0x1b4: {  	[tilespmem:s24], [sflag:$0x2] =	stream.indirect.gather [hbm4b:s2+s21], $0x80, s6, s21, $0xb8;
	[tilespmem:$0x1D080] =	vst v63  }
0x1b5: {  	_ =	swait.ge [sflag:s8], $0x1900  }
0x1b6: {  	[sflag:s8] =	ssyncset.done $0x0  }
.Ltmp3:
0x1b7: {  	s6 =	sadd.s32 $0x300, s18;
	[sflag:s8] =	ssyncadd.s32 $0xFFFFE700;
	(pc) =	sbr.rel @p0 .LBB2_8-.Ltmp3, $4  }
0x1b8: {  	[tilespmem:s26], [sflag:$0x3] =	stream.indirect.gather [hbm4b:s2+s21], $0x80, s6, s21, $0xb8;
	[tilespmem:$0x1D080] =	vst v63  }
0x1b9: {  	_ =	swait.ge [sflag:s9], $0x1900  }
0x1ba: {  	[sflag:s9] =	ssyncset.done $0x0  }
0x1bb: {  	s18 =	sadd.s32 $0x380, s18;
	[sflag:s9] =	ssyncadd.s32 $0xFFFFE700  }
0x1bc: {  	[tilespmem:s29], [sflag:$0x4] =	stream.indirect.gather [hbm4b:s2+s21], $0x80, s18, s21, $0xb8;
	[tilespmem:$0x1D080] =	vst v63  }
0x1bd: {  	_ =	swait.ge [sflag:s30], $0x1900  }
0x1be: {  	[sflag:s30] =	ssyncset.done $0x0  }
0x1bf: {  	[sflag:s30] =	ssyncadd.s32 $0xFFFFE700  }
0x1c0: {  	[spmem:s3] =	stream.indirect.scatter.add.f32 [tilespmem:s22], [sflag:$0x5], $0x80, s10, s21, $0xb8;
	[tilespmem:$0x1D080] =	vst v63  }
0x1c1: {  	_ =	swait.ge [sflag:s31], $0x1900  }
0x1c2: {  	[sflag:s31] =	ssyncset.done $0x0  }
0x1c3: {  	[sflag:s31] =	ssyncadd.s32 $0xFFFFE700  }
0x1c4: {  	[spmem:s3] =	stream.indirect.scatter.add.f32 [tilespmem:s24], [sflag:$0x6], $0x80, s11, s21, $0xb8;
	[tilespmem:$0x1D080] =	vst v63  }
0x1c5: {  	_ =	swait.ge [sflag:s0], $0x1900  }
0x1c6: {  	[sflag:s0] =	ssyncset.done $0x0  }
0x1c7: {  	[sflag:s0] =	ssyncadd.s32 $0xFFFFE700  }
0x1c8: {  	[spmem:s3] =	stream.indirect.scatter.add.f32 [tilespmem:s26], [sflag:$0x7], $0x80, s12, s21, $0xb8;
	[tilespmem:$0x1D080] =	vst v63  }
0x1c9: {  	_ =	swait.ge [sflag:s1], $0x1900  }
0x1ca: {  	[sflag:s1] =	ssyncset.done $0x0  }
0x1cb: {  	[sflag:s1] =	ssyncadd.s32 $0xFFFFE700  }
0x1cc: {  	[spmem:s3] =	stream.indirect.scatter.add.f32 [tilespmem:s29], [sflag:$0x8], $0x80, s13, s21, $0xb8;
	[tilespmem:$0x1D080] =	vst v63  }
0x1cd: {  	_ =	swait.ge [sflag:s5], $0x1900  }
0x1ce: {  	[sflag:s5] =	ssyncset.done $0x0  }
0x1cf: {  	[sflag:s5] =	ssyncadd.s32 $0xFFFFE700  }
0x1d0: {  	_ =	swait.ge [sflag:s7], $0x1900  }
0x1d1: {  	[sflag:s7] =	ssyncset.done $0x0  }
0x1d2: {  	[sflag:s7] =	ssyncadd.s32 $0xFFFFE700  }
0x1d3: {  	_ =	swait.ge [sflag:s8], $0x1900  }
0x1d4: {  	[sflag:s8] =	ssyncset.done $0x0  }
0x1d5: {  	[sflag:s8] =	ssyncadd.s32 $0xFFFFE700  }
0x1d6: {  	_ =	swait.ge [sflag:s9], $0x1900  }
0x1d7: {  	[sflag:s9] =	ssyncset.done $0x0  }
0x1d8: {  	s6 =	simm.s32 $0x0;
	s17 =	rddreg [dreg:$0xe];
	[sflag:s9] =	ssyncadd.s32 $0xFFFFE700  }
0x1d9: {  	[tilespmem:s6], [sflag:$0x9] =	stream.linear.gather [hbm4b:s17+s6], $0x1400, $0x38;
	[tilespmem:$0x1D080] =	vst v63  }
0x1da: {  	_ =	swait.ge [sflag:s19], $0x1400  }
0x1db: {  	[sflag:s19] =	ssyncset.done $0x0  }
0x1dc: {  	s18 =	rddreg [dreg:$0xf];
	[sflag:s19] =	ssyncadd.s32 $0xFFFFEC00  }
0x1dd: {  	[tilespmem:s20], [sflag:$0x9] =	stream.linear.gather [hbm4b:s18+s6], $0x1400, $0x38;
	[tilespmem:$0x1D080] =	vst v63  }
0x1de: {  	_ =	swait.ge [sflag:s19], $0x1400  }
0x1df: {  	[sflag:s19] =	ssyncset.done $0x0  }
0x1e0: {  	[sflag:s19] =	ssyncadd.s32 $0xFFFFEC00  }
0x1e1: {  	[tilespmem:s22], [sflag:$0x1] =	stream.indirect.gather [hbm4b:s2+s21], $0x80, s6, s21, $0xb8;
	[tilespmem:$0x1D080] =	vst v63  }
0x1e2: {  	_ = 	snop  }
0x1e3: {  	[tilespmem:s24], [sflag:$0x2] =	stream.indirect.gather [hbm4b:s2+s21], $0x80, s23, s21, $0xb8;
	[tilespmem:$0x1D080] =	vst v63  }
0x1e4: {  	_ = 	snop  }
0x1e5: {  	[tilespmem:s26], [sflag:$0x3] =	stream.indirect.gather [hbm4b:s2+s21], $0x80, s25, s21, $0xb8;
	[tilespmem:$0x1D080] =	vst v63  }
0x1e6: {  	_ = 	snop  }
0x1e7: {  	[tilespmem:s29], [sflag:$0x4] =	stream.indirect.gather [hbm4b:s2+s21], $0x80, s28, s21, $0xb8;
	[tilespmem:$0x1D080] =	vst v63  }
0x1e8: {  	_ =	swait.ge [sflag:s30], $0x1900  }
0x1e9: {  	[sflag:s30] =	ssyncset.done $0x0  }
0x1ea: {  	s18 =	simm.s32 $0x1400;
	[sflag:s30] =	ssyncadd.s32 $0xFFFFE700  }
0x1eb: {  	[spmem:s3] =	stream.indirect.scatter.add.f32 [tilespmem:s22], [sflag:$0x5], $0x80, s18, s21, $0xb8;
	[tilespmem:$0x1D080] =	vst v63  }
0x1ec: {  	_ =	swait.ge [sflag:s31], $0x1900  }
0x1ed: {  	[sflag:s31] =	ssyncset.done $0x0  }
0x1ee: {  	s17 =	simm.s32 $0x1480;
	[sflag:s31] =	ssyncadd.s32 $0xFFFFE700  }
0x1ef: {  	[spmem:s3] =	stream.indirect.scatter.add.f32 [tilespmem:s24], [sflag:$0x6], $0x80, s17, s21, $0xb8;
	[tilespmem:$0x1D080] =	vst v63  }
0x1f0: {  	_ =	swait.ge [sflag:s0], $0x1900  }
0x1f1: {  	[sflag:s0] =	ssyncset.done $0x0  }
0x1f2: {  	s18 =	simm.s32 $0x1500;
	[sflag:s0] =	ssyncadd.s32 $0xFFFFE700  }
0x1f3: {  	[spmem:s3] =	stream.indirect.scatter.add.f32 [tilespmem:s26], [sflag:$0x7], $0x80, s18, s21, $0xb8;
	[tilespmem:$0x1D080] =	vst v63  }
0x1f4: {  	_ =	swait.ge [sflag:s1], $0x1900  }
0x1f5: {  	[sflag:s1] =	ssyncset.done $0x0  }
0x1f6: {  	s17 =	simm.s32 $0x1580;
	[sflag:s1] =	ssyncadd.s32 $0xFFFFE700  }
0x1f7: {  	[spmem:s3] =	stream.indirect.scatter.add.f32 [tilespmem:s29], [sflag:$0x8], $0x80, s17, s21, $0xb8;
	[tilespmem:$0x1D080] =	vst v63  }
0x1f8: {  	_ =	swait.ge [sflag:s5], $0x1900  }
0x1f9: {  	[sflag:s5] =	ssyncset.done $0x0  }
0x1fa: {  	s18 =	simm.s32 $0x200;
	[sflag:s5] =	ssyncadd.s32 $0xFFFFE700  }
0x1fb: {  	[tilespmem:s22], [sflag:$0x1] =	stream.indirect.gather [hbm4b:s2+s21], $0x80, s18, s21, $0xb8;
	[tilespmem:$0x1D080] =	vst v63  }
0x1fc: {  	_ =	swait.ge [sflag:s7], $0x1900  }
0x1fd: {  	[sflag:s7] =	ssyncset.done $0x0  }
0x1fe: {  	s17 =	simm.s32 $0x280;
	[sflag:s7] =	ssyncadd.s32 $0xFFFFE700  }
0x1ff: {  	[tilespmem:s24], [sflag:$0x2] =	stream.indirect.gather [hbm4b:s2+s21], $0x80, s17, s21, $0xb8;
	[tilespmem:$0x1D080] =	vst v63  }
0x200: {  	_ =	swait.ge [sflag:s8], $0x1900  }
0x201: {  	[sflag:s8] =	ssyncset.done $0x0  }
0x202: {  	s18 =	simm.s32 $0x300;
	[sflag:s8] =	ssyncadd.s32 $0xFFFFE700  }
0x203: {  	[tilespmem:s26], [sflag:$0x3] =	stream.indirect.gather [hbm4b:s2+s21], $0x80, s18, s21, $0xb8;
	[tilespmem:$0x1D080] =	vst v63  }
0x204: {  	_ =	swait.ge [sflag:s9], $0x1900  }
0x205: {  	[sflag:s9] =	ssyncset.done $0x0  }
0x206: {  	s17 =	simm.s32 $0x800;
	s18 =	simm.s32 $0x380;
	[sflag:s9] =	ssyncadd.s32 $0xFFFFE700  }
.LBB2_10:
0x207: {  	[tilespmem:s29], [sflag:$0x4] =	stream.indirect.gather [hbm4b:s2+s21], $0x80, s18, s21, $0xb8;
	[tilespmem:$0x1D080] =	vst v63  }
0x208: {  	s6 =	smov.u32 s17  }
0x209: {  	p0 =	sne.s32 s17, $0x4000;
	s17 =	sadd.s32 $0x800, s17;
	_ =	swait.ge [sflag:s30], $0x1900  }
0x20a: {  	s18 =	sshra.s32 s6, $0x2;
	[sflag:s30] =	ssyncset.done $0x0  }
0x20b: {  	s6 =	sadd.s32 $0x1400, s18;
	[sflag:s30] =	ssyncadd.s32 $0xFFFFE700  }
0x20c: {  	[spmem:s3] =	stream.indirect.scatter.add.f32 [tilespmem:s22], [sflag:$0x5], $0x80, s6, s21, $0xb8;
	[tilespmem:$0x1D080] =	vst v63  }
0x20d: {  	_ =	swait.ge [sflag:s31], $0x1900  }
0x20e: {  	[sflag:s31] =	ssyncset.done $0x0  }
0x20f: {  	s6 =	sadd.s32 $0x1480, s18;
	[sflag:s31] =	ssyncadd.s32 $0xFFFFE700  }
0x210: {  	[spmem:s3] =	stream.indirect.scatter.add.f32 [tilespmem:s24], [sflag:$0x6], $0x80, s6, s21, $0xb8;
	[tilespmem:$0x1D080] =	vst v63  }
0x211: {  	_ =	swait.ge [sflag:s0], $0x1900  }
0x212: {  	[sflag:s0] =	ssyncset.done $0x0  }
0x213: {  	s6 =	sadd.s32 $0x1500, s18;
	[sflag:s0] =	ssyncadd.s32 $0xFFFFE700  }
0x214: {  	[spmem:s3] =	stream.indirect.scatter.add.f32 [tilespmem:s26], [sflag:$0x7], $0x80, s6, s21, $0xb8;
	[tilespmem:$0x1D080] =	vst v63  }
0x215: {  	_ =	swait.ge [sflag:s1], $0x1900  }
0x216: {  	[sflag:s1] =	ssyncset.done $0x0  }
0x217: {  	s6 =	sadd.s32 $0x1580, s18;
	[sflag:s1] =	ssyncadd.s32 $0xFFFFE700  }
0x218: {  	[spmem:s3] =	stream.indirect.scatter.add.f32 [tilespmem:s29], [sflag:$0x8], $0x80, s6, s21, $0xb8;
	[tilespmem:$0x1D080] =	vst v63  }
0x219: {  	_ =	swait.ge [sflag:s5], $0x1900  }
0x21a: {  	[sflag:s5] =	ssyncset.done $0x0  }
0x21b: {  	s6 =	sadd.s32 $0x200, s18;
	[sflag:s5] =	ssyncadd.s32 $0xFFFFE700  }
0x21c: {  	[tilespmem:s22], [sflag:$0x1] =	stream.indirect.gather [hbm4b:s2+s21], $0x80, s6, s21, $0xb8;
	[tilespmem:$0x1D080] =	vst v63  }
0x21d: {  	_ =	swait.ge [sflag:s7], $0x1900  }
0x21e: {  	[sflag:s7] =	ssyncset.done $0x0  }
0x21f: {  	s6 =	sadd.s32 $0x280, s18;
	[sflag:s7] =	ssyncadd.s32 $0xFFFFE700  }
0x220: {  	[tilespmem:s24], [sflag:$0x2] =	stream.indirect.gather [hbm4b:s2+s21], $0x80, s6, s21, $0xb8;
	[tilespmem:$0x1D080] =	vst v63  }
0x221: {  	_ =	swait.ge [sflag:s8], $0x1900  }
0x222: {  	[sflag:s8] =	ssyncset.done $0x0  }
.Ltmp4:
0x223: {  	s6 =	sadd.s32 $0x300, s18;
	[sflag:s8] =	ssyncadd.s32 $0xFFFFE700;
	(pc) =	sbr.rel @p0 .LBB2_10-.Ltmp4, $4  }
0x224: {  	[tilespmem:s26], [sflag:$0x3] =	stream.indirect.gather [hbm4b:s2+s21], $0x80, s6, s21, $0xb8;
	[tilespmem:$0x1D080] =	vst v63  }
0x225: {  	_ =	swait.ge [sflag:s9], $0x1900  }
0x226: {  	[sflag:s9] =	ssyncset.done $0x0  }
0x227: {  	s18 =	sadd.s32 $0x380, s18;
	[sflag:s9] =	ssyncadd.s32 $0xFFFFE700  }
0x228: {  	[tilespmem:s29], [sflag:$0x4] =	stream.indirect.gather [hbm4b:s2+s21], $0x80, s18, s21, $0xb8;
	[tilespmem:$0x1D080] =	vst v63  }
0x229: {  	_ =	swait.ge [sflag:s30], $0x1900  }
0x22a: {  	[sflag:s30] =	ssyncset.done $0x0  }
0x22b: {  	[sflag:s30] =	ssyncadd.s32 $0xFFFFE700  }
0x22c: {  	[spmem:s3] =	stream.indirect.scatter.add.f32 [tilespmem:s22], [sflag:$0x5], $0x80, s10, s21, $0xb8;
	[tilespmem:$0x1D080] =	vst v63  }
0x22d: {  	_ =	swait.ge [sflag:s31], $0x1900  }
0x22e: {  	[sflag:s31] =	ssyncset.done $0x0  }
0x22f: {  	[sflag:s31] =	ssyncadd.s32 $0xFFFFE700  }
0x230: {  	[spmem:s3] =	stream.indirect.scatter.add.f32 [tilespmem:s24], [sflag:$0x6], $0x80, s11, s21, $0xb8;
	[tilespmem:$0x1D080] =	vst v63  }
0x231: {  	_ =	swait.ge [sflag:s0], $0x1900  }
0x232: {  	[sflag:s0] =	ssyncset.done $0x0  }
0x233: {  	[sflag:s0] =	ssyncadd.s32 $0xFFFFE700  }
0x234: {  	[spmem:s3] =	stream.indirect.scatter.add.f32 [tilespmem:s26], [sflag:$0x7], $0x80, s12, s21, $0xb8;
	[tilespmem:$0x1D080] =	vst v63  }
0x235: {  	_ =	swait.ge [sflag:s1], $0x1900  }
0x236: {  	[sflag:s1] =	ssyncset.done $0x0  }
0x237: {  	[sflag:s1] =	ssyncadd.s32 $0xFFFFE700  }
0x238: {  	[spmem:s3] =	stream.indirect.scatter.add.f32 [tilespmem:s29], [sflag:$0x8], $0x80, s13, s21, $0xb8;
	[tilespmem:$0x1D080] =	vst v63  }
0x239: {  	_ =	swait.ge [sflag:s5], $0x1900  }
0x23a: {  	[sflag:s5] =	ssyncset.done $0x0  }
0x23b: {  	[sflag:s5] =	ssyncadd.s32 $0xFFFFE700  }
0x23c: {  	_ =	swait.ge [sflag:s7], $0x1900  }
0x23d: {  	[sflag:s7] =	ssyncset.done $0x0  }
0x23e: {  	[sflag:s7] =	ssyncadd.s32 $0xFFFFE700  }
0x23f: {  	_ =	swait.ge [sflag:s8], $0x1900  }
0x240: {  	[sflag:s8] =	ssyncset.done $0x0  }
0x241: {  	[sflag:s8] =	ssyncadd.s32 $0xFFFFE700  }
0x242: {  	_ =	swait.ge [sflag:s9], $0x1900  }
0x243: {  	[sflag:s9] =	ssyncset.done $0x0  }
0x244: {  	[sflag:s9] =	ssyncadd.s32 $0xFFFFE700  }
0x245: {  	[bflag:$0x0] =	sbarrier.arrive $0xFFFF  }
0x246: {  	s6 =	rddreg [dreg:$0x10]  }
0x247: {  	[hbm:s6], [sflag:s15] =	dma.local [spmem:s16], $0x2710  }
0x248: {  	_ =	swait.ge [sflag:s19], $0x2710  }
0x249: {  	s14 =	sadd.s32 $0x1, s14;
	s18 =	rddreg [dreg:$0x11]  }
0x24a: {  	p0 =	sne.s32 s14, s18  }
.Ltmp5:
0x24b: {  	_ = 	snop;
	(pc) =	sbr.rel @p0 .LBB2_1-.Ltmp5, $3  }
0x24c: {  	_ =	sdelay $0x1  }
0x24d: {  	[sflag:s19] =	ssyncset.done $0x0  }
0x24e: {  	[sflag:s19] =	ssyncadd.s32 $0xFFFFD8F0  }
0x24f: {  	_ =	sfence.sel $0x180000  }
0x250: {  	[bflag:$0x0] =	sbarrier.arrive $0xFFFF  }
0x251: {  	_ =	strace $0x9000004A  }
0x252: {  	s0 =	stileid.u32;
	[bflag:$0x2] =	sbarrier.arrive $0xFFFF  }
0x253: {  	p0 =	sne.s32 s0, $0x0;
	s0 =	rddreg [dreg:$0x3]  }
0x254: {  	s0 =	sadd.s32 @!p0 $0x100000, s0  }
0x255: {  	[sflag:s0] =	ssyncadd.tile.s32 @!p0 $0x1;
	_ =	shalt  }
.Lfunc_end2:
_tile_overlayer_lowered:
.L_overlay_start_2:
0x256: {  	(tag) =	ssettag $0x2  }
0x257: {  	s0 =	rddreg [dreg:$0x0];
	s2 =	stileid.u32  }
0x258: {  	s1 =	rddreg [dreg:$0x1];
	p0 =	sne.s32 s2, $0x0  }
0x259: {  	s3 =	rddreg [dreg:$0x2];
	[bflag:$0x3] =	sbarrier.arrive $0xFFFF;
	s2 =	simm.s32 @!p0 $0x1C09  }
0x25a: {  	[timem:s3], [sflag:s2] =	dma.local @!p0 [hbm:s0], s1  }
0x25b: {  	s0 =	simm.s32 @!p0 $0x9  }
0x25c: {  	_ =	swait.ge @!p0 [sflag:s0], s1  }
0x25d: {  	s1 =	ssub.s32 @!p0 $0x0, s1;
	[sflag:s0] =	ssyncset.done @!p0 $0x0  }
0x25e: {  	[sflag:s0] =	ssyncadd.s32 @!p0 s1  }
0x25f: {  	[bflag:$0x3] =	sbarrier.arrive $0xFFFF  }
0x260: {  	_ =	shalt  }

// kernel: scatter_offload_async_start
scs
__scs_entry_jumppad:
0x0: {  	(pc) =	sbr.rel $0x88, $3  }
0x1: {  	(tag) =	ssettag $0x0;
	lr =	simm.s32 $0x1  }
0x2: {  	[smem:$0x3F97] =	sst lr;
	_ =	strace $0xD0000000  }
0x3: {  	_ = 	snop  }
0x4: {  	_ = 	snop  }
0x5: {  	_ = 	snop  }
0x6: {  	_ = 	snop  }
0x7: {  	_ = 	snop  }
__scs_overlays_trampoline_lowered:
0x8: {  	[smem:$0x3FA6] =	sst s0  }
0x9: {  	[smem:$0x3FA7] =	sst s1  }
0xa: {  	[smem:$0x3FA8] =	sst s2  }
0xb: {  	[smem:$0x3FA9] =	sst s3  }
0xc: {  	[smem:$0x3FAA] =	sst s4  }
0xd: {  	[smem:$0x3FAB] =	sst s5  }
0xe: {  	[smem:$0x3FAC] =	sst s6  }
0xf: {  	[smem:$0x3FAD] =	sst s7  }
0x10: {  	[smem:$0x3FAE] =	sst s8  }
0x11: {  	[smem:$0x3FAF] =	sst s9;
	s0 =	simm.s32 @!p0 $0x0  }
0x12: {  	s1 =	sld [smem:$0x3F95];
	s0 =	simm.s32 @p0 $0x1  }
0x13: {  	[smem:$0x3FB0] =	sst s0;
	s0 =	simm.s32 @!p1 $0x0  }
0x14: {  	s2 =	sld [smem:$0x3F94];
	s0 =	simm.s32 @p1 $0x1  }
0x15: {  	[smem:$0x3FB1] =	sst s0;
	s0 =	simm.s32 @!p2 $0x0  }
0x16: {  	s3 =	sld [smem:$0x3FDB];
	s0 =	simm.s32 @p2 $0x1  }
0x17: {  	s4 =	simm.s32 $0x1BF5;
	[smem:$0x3FB3] =	sst s0  }
0x18: {  	s0 =	sld [smem:$0x3F96];
	_ =	swait.ge [sflag:s4], $0x0  }
0x19: {  	s7 =	sld [smem:$0x3F97]  }
0x1a: {  	s8 =	sadd.s32 $0xFFFFE003, lr  }
0x1b: {  	s9 =	sadd.s32 $0xFFFFFEF7, lr;
	s5 =	simm.s32 $0xFFFFFFFF;
	p2 =	slt.u32 s8, $0xFFFFF086  }
0x1c: {  	p1 =	slt.u32 s9, $0xF7A;
	s5 =	simm.s32 @!p2 $0x0  }
0x1d: {  	s5 =	simm.s32 @p1 $0x1;
	p0 =	seq.s32 s7, s2  }
0x1e: {  	s7 =	smul.u32 @!p0 $0xF7A, s2;
	p2 =	seq.s32 @!p0 s5, $0x0  }
0x1f: {  	s9 =	smul.u32 $0xF7A, s1;
	s8 =	simm.s32 @!p0 $0x1BF5;
	p2 =	por !p2, p0  }
0x20: {  	[sflag:s8] =	ssyncset.s32 @!p0 $0xFFFFF086;
	s6 =	sadd.s32 @!p0 s3, s7;
	s7 =	simm.s32 @!p0 $0x108  }
0x21: {  	s3 =	sadd.s32 s3, s9;
	s6 =	sadd.s32 @!p0 $0x88, s6;
	s7 =	simm.s32 @p2 $0x1082  }
0x22: {  	[simem:s7], [sflag:s8] =	dma.local @!p0 [hbm:s6], $0xF7A  }
0x23: {  	s9 =	sor.u32 $0xD0000000, s2;
	s6 =	simm.s32 $0x108;
	_ =	swait.ge @!p0 [sflag:s8], $0x0  }
0x24: {  	s3 =	sadd.s32 $0x88, s3;
	s6 =	simm.s32 @!p1 $0x1082;
	[sflag:s4] =	ssyncset.s32 $0xFFFFF086  }
0x25: {  	[simem:s6], [sflag:s4] =	dma.local [hbm:s3], $0xF7A  }
0x26: {  	[smem:$0x3F97] =	sst s1;
	(tag) =	ssettag s2;
	_ =	strace s9  }
0x27: {  	s1 =	sld [smem:$0x3FA7]  }
0x28: {  	s2 =	sld [smem:$0x3FA8]  }
0x29: {  	s4 =	sld [smem:$0x3FAA]  }
0x2a: {  	p0 =	seq.s32 s5, $0x0;
	s5 =	sld [smem:$0x3FAB]  }
0x2b: {  	s6 =	sld [smem:$0x3FAC]  }
0x2c: {  	s7 =	sld [smem:$0x3FAD]  }
0x2d: {  	s3 =	simm.s32 $0x108;
	s8 =	sld [smem:$0x3FAE]  }
0x2e: {  	s3 =	simm.s32 @!p0 $0x1082;
	s9 =	sld [smem:$0x3FAF]  }
0x2f: {  	lr =	sadd.s32 s0, s3;
	s0 =	sld [smem:$0x3FA6]  }
0x30: {  	s3 =	sld [smem:$0x3FA9]  }
0x31: {  	[smem:$0x3FB2] =	sst s10  }
0x32: {  	s10 =	sld [smem:$0x3FB0];
	_ =	sdelay $0x3  }
0x33: {  	p0 =	seq.s32 s10, $0x1;
	s10 =	sld [smem:$0x3FB2];
	_ =	sdelay $0x3  }
0x34: {  	[smem:$0x3FB2] =	sst s10  }
0x35: {  	s10 =	sld [smem:$0x3FB1];
	_ =	sdelay $0x3  }
0x36: {  	p1 =	seq.s32 s10, $0x1;
	s10 =	sld [smem:$0x3FB2];
	_ =	sdelay $0x3  }
0x37: {  	[smem:$0x3FB2] =	sst s10  }
0x38: {  	s10 =	sld [smem:$0x3FB3]  }
0x39: {  	_ = 	snop;
	(pc) =	sbr.ind lr, $3  }
0x3a: {  	_ = 	snop  }
0x3b: {  	_ = 	snop  }
0x3c: {  	p2 =	seq.s32 s10, $0x1;
	s10 =	sld [smem:$0x3FB2]  }
0x3d: {  	_ =	shalt  }
0x3e: {  	_ =	shalt  }
0x3f: {  	_ =	shalt  }
0x40: {  	_ =	shalt  }
0x41: {  	_ =	shalt  }
0x42: {  	_ =	shalt  }
0x43: {  	_ =	shalt  }
0x44: {  	_ =	shalt  }
0x45: {  	_ =	shalt  }
0x46: {  	_ =	shalt  }
0x47: {  	_ =	shalt  }
0x48: {  	_ =	shalt  }
0x49: {  	_ =	shalt  }
0x4a: {  	_ =	shalt  }
0x4b: {  	_ =	shalt  }
0x4c: {  	_ =	shalt  }
0x4d: {  	_ =	shalt  }
0x4e: {  	_ =	shalt  }
0x4f: {  	_ =	shalt  }
0x50: {  	_ =	shalt  }
0x51: {  	_ =	shalt  }
0x52: {  	_ =	shalt  }
0x53: {  	_ =	shalt  }
0x54: {  	_ =	shalt  }
0x55: {  	_ =	shalt  }
0x56: {  	_ =	shalt  }
0x57: {  	_ =	shalt  }
0x58: {  	_ =	shalt  }
0x59: {  	_ =	shalt  }
0x5a: {  	_ =	shalt  }
0x5b: {  	_ =	shalt  }
0x5c: {  	_ =	shalt  }
0x5d: {  	_ =	shalt  }
0x5e: {  	_ =	shalt  }
0x5f: {  	_ =	shalt  }
0x60: {  	_ =	shalt  }
0x61: {  	_ =	shalt  }
0x62: {  	_ =	shalt  }
0x63: {  	_ =	shalt  }
0x64: {  	_ =	shalt  }
0x65: {  	_ =	shalt  }
0x66: {  	_ =	shalt  }
0x67: {  	_ =	shalt  }
0x68: {  	_ =	shalt  }
0x69: {  	_ =	shalt  }
0x6a: {  	_ =	shalt  }
0x6b: {  	_ =	shalt  }
0x6c: {  	_ =	shalt  }
0x6d: {  	_ =	shalt  }
0x6e: {  	_ =	shalt  }
0x6f: {  	_ =	shalt  }
0x70: {  	_ =	shalt  }
0x71: {  	_ =	shalt  }
0x72: {  	_ =	shalt  }
0x73: {  	_ =	shalt  }
0x74: {  	_ =	shalt  }
0x75: {  	_ =	shalt  }
0x76: {  	_ =	shalt  }
0x77: {  	_ =	shalt  }
0x78: {  	_ =	shalt  }
0x79: {  	_ =	shalt  }
0x7a: {  	_ =	shalt  }
0x7b: {  	_ =	shalt  }
0x7c: {  	_ =	shalt  }
0x7d: {  	_ =	shalt  }
0x7e: {  	_ =	shalt  }
0x7f: {  	_ =	shalt  }
0x80: {  	_ =	shalt  }
0x81: {  	_ =	shalt  }
0x82: {  	_ =	shalt  }
0x83: {  	_ =	shalt  }
0x84: {  	_ =	shalt  }
0x85: {  	_ =	shalt  }
0x86: {  	_ =	shalt  }
0x87: {  	_ =	shalt  }
.Lfunc_end0:
.L_simem_size_0:
called_computation_lowered:
.L_overlay_start_0:
0x88: {  	s0 =	sld [smem:$0x3FD9]  }
0x89: {  	s1 =	sld [smem:$0x3FFE];
	_ =	sdelay $0x3  }
0x8a: {  	s0 =	sadd.s32 s1, s0  }
0x8b: {  	[smem:$0x3FBE] =	sst s0  }
0x8c: {  	_ = 	snop  }
0x8d: {  	s0 =	sld [smem:$0x3FD0];
	_ =	sdelay $0x2  }
0x8e: {  	s14 =	simm.s32 $0xA;
	s2 =	simm.s32 $0x10  }
0x8f: {  	[smem:s2], [sflag:s14] =	dma.local [hbm:s0], $0x1  }
0x90: {  	_ =	swait.eq [sflag:s14], $0x1  }
0x91: {  	s15 =	sld [smem:$0x10];
	[sflag:s14] =	ssyncset.done $0x0  }
0x92: {  	s16 =	sld [smem:$0x11];
	[sflag:s14] =	ssyncadd.s32 $0xFFFFFFFF  }
0x93: {  	s17 =	sld [smem:$0x12];
	(tm) =	ssettm $0x1  }
0x94: {  	s3 =	sld [smem:$0x3FFB];
	_ =	sdelay $0x3  }
0x95: {  	_ =	strace s3  }
0x96: {  	s3 =	sld [smem:$0x3FFC];
	_ =	sdelay $0x3  }
0x97: {  	_ =	strace s3  }
0x98: {  	s3 =	sld [smem:$0x3FFD];
	_ =	sdelay $0x3  }
0x99: {  	_ =	strace s3  }
0x9a: {  	_ =	strace $0x8FFFFFFF  }
0x9b: {  	s18 =	sld [smem:$0x3FDB];
	_ =	sdelay $0x1  }
0x9c: {  	s4 =	simm.s32 $_scs_section_size  }
0x9d: {  	s5 =	simm.s32 $_size__tile_overlayer_lowered;
	s6 =	simm.s32 $_tile_overlayer_lowered  }
0x9e: {  	s21 =	simm.s32 $0x1BFF;
	s20 =	sshll.u32 s6, $0x1;
	s3 =	sadd.s32 s4, s18  }
0x9f: {  	s7 =	simm.s32 $0x0;
	s19 =	sshll.u32 s5, $0x1;
	s5 =	sadd.s32 s20, s3  }
0xa0: {  	[timem:s7], [sflag:s21] =	dma.local [hbm:s5], s19  }
0xa1: {  	_ =	swait.ge [sflag:s21], s19  }
0xa2: {  	s4 =	ssub.s32 $0x0, s19;
	[sflag:s21] =	ssyncset.done $0x0  }
0xa3: {  	[sflag:s21] =	ssyncadd.s32 s4;
	_ =	sdelay $0x1  }
0xa4: {  	s22 =	simm.s32 $0x1B8B  }
0xa5: {  	_ =	swait.ge [sflag:s22], $0x1  }
0xa6: {  	[sflag:s22] =	ssyncset.done $0x0  }
0xa7: {  	s23 =	simm.s32 $0x1B8E;
	[sflag:s22] =	ssyncadd.s32 $0xFFFFFFFF  }
0xa8: {  	s24 =	simm.s32 $execute0_lowered;
	[smem:$0x3FD2] =	sst s23  }
0xa9: {  	s4 =	sshll.u32 s24, $0x1;
	_ =	strace $0x80000046;
	[dreg:$0x1] =	wrdreg $0xFFFFFFFF  }
0xaa: {  	s25 =	simm.s32 $_size_execute0_lowered;
	s3 =	sadd.s32 s3, s4;
	[dreg:$0x0] =	wrdreg $0x0  }
0xab: {  	s4 =	sshll.u32 s25, $0x1;
	[dreg:$0x2] =	wrdreg s3  }
0xac: {  	[dreg:$0x3] =	wrdreg s4  }
0xad: {  	[dreg:$0x4] =	wrdreg $0xC0  }
0xae: {  	_ =	task [dreg:s7], $0x5FFFF  }
0xaf: {  	[dreg:$0x1] =	wrdreg $0xFFFFFFFF  }
0xb0: {  	[dreg:$0x0] =	wrdreg $0x60  }
0xb1: {  	[dreg:$0x2] =	wrdreg s16  }
0xb2: {  	[dreg:$0x3] =	wrdreg s15  }
0xb3: {  	[dreg:$0x4] =	wrdreg s17  }
0xb4: {  	[dreg:$0x5] =	wrdreg $0x9  }
0xb5: {  	_ =	task.clear_ibuf [dreg:s7], $0x6FFFF;
	_ =	strace $0x90000046  }
0xb6: {  	s26 =	simm.s32 $0x9;
	_ =	strace $0x80000048  }
0xb7: {  	_ =	swait.ge [sflag:s26], $0x1  }
0xb8: {  	[sflag:s26] =	ssyncadd.s32 $0xFFFFFFFF  }
0xb9: {  	_ =	strace $0x90000048  }
0xba: {  	_ =	sfence  }
0xbb: {  	s28 =	sld [smem:$0x0];
	_ =	sdelay $0x1  }
0xbc: {  	s29 =	srdreg.scid  }
0xbd: {  	s30 =	sshll.u32 s29, $0xD;
	s31 =	sshrl.u32 s29, $0x2  }
0xbe: {  	s1 =	sand.u32 $0x1, s29;
	s2 =	sand.u32 $0x4000, s30;
	s0 =	sadd.s32 s31, s28  }
0xbf: {  	s1 =	sor.u32 s2, s1;
	s0 =	sshll.u32 s0, $0x11  }
0xc0: {  	s0 =	sor.u32 s0, s1  }
0xc1: {  	s0 =	sadd.s32 $0x8F2B, s0  }
0xc2: {  	[sflag:s0] =	ssyncadd.remote.s32 $0x1  }
0xc3: {  	_ =	sfence.sel $0xFFFF  }
0xc4: {  	[dreg:$0x0] =	wrdreg $0xFFFFFFFF;
	(pc) =	sbr.abs _section_cstart, $3  }
0xc5: {  	[dreg:$0x1] =	wrdreg $0xFFFFFFFF  }
0xc6: {  	_ =	task.clear_ibuf [dreg:s7], $0x2FFFF;
	_ =	strace $0x9FFFFFFF  }
0xc7: {  	(tm) =	ssettm $0x7FFFFFFF  }
tec
execute0_lowered:
.L_overlay_start_1:
0x0: {  	(tag) =	ssettag $0x1  }
0x1: {  	s1 =	rddreg [dreg:$0x0]  }
0x2: {  	s3 =	rddreg [dreg:$0x1];
	_ =	strace $0x80000047;
	s15 =	stileid.u32  }
0x3: {  	s0 =	simm.s32 $0x1;
	s2 =	smin.u32 s15, $0x8;
	s5 =	sshll.u32 s15, $0x1  }
0x4: {  	[sflag:s0] =	ssyncpa.u1 $0x0;
	s2 =	sadd.s32 s2, s5  }
0x5: {  	v1 =	vimm.s32 $0xFFFFFFFF;
	p0 =	slt.u32 s15, $0x8;
	s6 =	smul.u32 $0x1F40, s2;
	s2 =	simm.s32 $0x5DC0  }
0x6: {  	[tilespmem:$0x10] =	vst v1;
	s2 =	simm.s32 @!p0 $0x3E80  }
0x7: {  	v0 =	vimm.f32 $0.0e+00;
	[tilespmem:$0x20] =	vst v1;
	s2 =	sadd.s32 s2, s6  }
0x8: {  	[tilespmem:$0x30] =	vst v0;
	s7 =	smin.u32 s2, $0x4E200  }
0x9: {  	[tilespmem:$0x40] =	vst v0;
	s2 =	ssub.s32 s7, s6  }
0xa: {  	s8 =	simm.s32 $0x2;
	s9 =	simm.s32 $0x8;
	[tilespmem:$0x50] =	vst v0;
	p0 =	sgt.s32 s2, $0x0  }
0xb: {  	s31 =	simm.s32 $0x9;
	s16 =	simm.s32 $0x0;
	[tilespmem:$0x60] =	vst v1;
	s2 =	simm.s32 @!p0 $0x0  }
0xc: {  	s17 =	simm.s32 $0xF0;
	s18 =	simm.s32 $0xFFFFFFFF;
	[tilespmem:$0x70] =	vst v1;
	s4 =	smulhi.u32 $0x10624DD3, s2  }
0xd: {  	s19 =	simm.s32 $0xFFFFC280;
	s20 =	simm.s32 $0xFFFFFFFE;
	s21 =	simm.s32 $0xF;
	[tilespmem:$0x80] =	vst v1  }
0xe: {  	s22 =	simm.s32 $0x30;
	s25 =	simm.s32 $0x0;
	v1 =	vimm.s32 $0x0;
	[tilespmem:$0xB0] =	vst v0;
	s4 =	sshrl.u32 s4, $0x9  }
0xf: {  	s24 =	simm.s32 $0x0;
	s15 =	sshllo.u32 s15, $0x1;
	[tilespmem:$0x90] =	vst v1;
	s10 =	smul.u32 $0x1F40, s4  }
.Ltmp0:
0x10: {  	[tilespmem:$0xA0] =	vst v1;
	[sflag:s8] =	ssyncpa.u1 $0x0;
	s8 =	simm.s32 $0x7;
	(pc) =	sbr.rel .LBB2_1-.Ltmp0, $4  }
0x11: {  	s13 =	sor.u32 $0x80, s5;
	[sflag:s8] =	ssyncpa.u1 $0x0;
	p0 =	sne.s32 s2, s10  }
0x12: {  	s14 =	sor.u32 $0x81, s5;
	[sflag:s9] =	ssyncpa.u1 $0x0;
	s0 =	simm.s32 @!p0 $0x0  }
0x13: {  	vm0 =	vmmov $0xffff;
	v2 =	vlaneseq.u32;
	s23 =	smov.u32 s6;
	[sflag:s31] =	ssyncpa.u1 $0x0;
	s10 =	sadd.s32 s0, s4  }
0x14: {  	vm1 =	vmxor vm1, vm1;
	vm2 =	vmmov $0x1;
	vm3 =	vcmask $0x3F3C;
	p0 =	por $0x0, $0x0;
	s11 =	sadd.s32 $0x1, s10;
	s12 =	sadd.s32 $0x2, s10  }
.LBB2_9:
0x15: {  	p1 =	slt.u32 s24, $0x3  }
0x16: {  	s0 =	simm.s32 @!p1 $0x2  }
0x17: {  	_ =	swait.ge @!p1 [sflag:s0], $0x1F40  }
0x18: {  	[sflag:s0] =	ssyncset.done @!p1 $0x0  }
0x19: {  	[sflag:s0] =	ssyncadd.s32 @!p1 $0xFFFFE0C0;
	s0 =	simm.s32 @!p1 $0x9  }
0x1a: {  	_ =	swait.ge @!p1 [sflag:s0], $0x10  }
0x1b: {  	[sflag:s0] =	ssyncset.done @!p1 $0x0  }
0x1c: {  	[sflag:s0] =	ssyncadd.s32 @!p1 $0xFFFFFFF0;
	p1 =	sne.s32 s24, s12  }
.Ltmp1:
0x1d: {  	s2 =	sadd.s32 $0x1F40, s23;
	(pc) =	sbr.rel @!p1 .LBB2_10-.Ltmp1, $4  }
0x1e: {  	s4 =	smov.u32 s6;
	s31 =	sadd.s32 $0x1, s24;
	s17 =	sadd.s32 $0x1F40, s17  }
0x1f: {  	s18 =	sadd.s32 $0x1, s18;
	s25 =	smov.u32 s23;
	p2 =	slt.s32 s2, s7  }
0x20: {  	p0 =	por !p0, !p0;
	s19 =	sadd.s32 $0x1F40, s19;
	s4 =	smov.u32 @p2 s2  }
0x21: {  	s20 =	sadd.s32 $0x1, s20;
	s23 =	smov.u32 s4;
	s24 =	smov.u32 s31  }
.LBB2_1:
0x22: {  	p1 =	sge.u32 s24, s10  }
0x23: {  	s0 =	smulhi.u32 @!p1 $0xAAAAAAAB, s24;
	_ =	sdelay $0x1  }
0x24: {  	s0 =	sshrl.u32 @!p1 s0, $0x1  }
0x25: {  	s0 =	smul.u32 @!p1 $0x3, s0;
	_ =	sdelay $0x1  }
0x26: {  	s0 =	ssub.s32 @!p1 s24, s0  }
0x27: {  	s0 =	smul.u32 @!p1 $0x7D00, s0;
	_ =	sdelay $0x1  }
0x28: {  	s2 =	sshrl.u32 @!p1 s23, $0x3;
	s0 =	sshrl.u32 @!p1 s0, $0x2  }
0x29: {  	s4 =	sand.u32 @!p1 $0x7, s23;
	s2 =	sadd.s32 @!p1 s3, s2;
	s0 =	sadd.s32 @!p1 $0x100, s0  }
0x2a: {  	[tilespmem:s0], [sflag:$0x7] =	stream.linear.gather @!p1 [hbm4b:s2+s4], $0x1F40, $0x38;
	[tilespmem:$0x11A60] =	vst v63  }
0x2b: {  	s0 =	sadd.s32 $0xFFFFFFFF, s24  }
0x2c: {  	p1 =	sge.u32 s0, s10  }
.Ltmp2:
0x2d: {  	_ = 	snop;
	(pc) =	sbr.rel @p1 .LBB2_5-.Ltmp2, $1  }
0x2e: {  	_ =	sdelay $0x3  }
0x2f: {  	s2 =	smulhi.u32 $0xAAAAAAAB, s0;
	_ =	sdelay $0x1  }
0x30: {  	s2 =	sshrl.u32 s2, $0x1  }
0x31: {  	s2 =	smul.u32 $0x3, s2;
	_ =	sdelay $0x1  }
0x32: {  	s2 =	ssub.s32 s0, s2  }
0x33: {  	s2 =	smul.u32 $0x7D00, s2  }
0x34: {  	_ =	swait.ge [sflag:s8], $0x1F40  }
0x35: {  	[sflag:s8] =	ssyncset.done $0x0;
	s2 =	sshrl.u32 s2, $0x2  }
0x36: {  	[sflag:s8] =	ssyncadd.s32 $0xFFFFE0C0;
	(ifvalue) =	ssetifvalue $0xFFFFFFFF;
	v3 =	vld.msk [tilespmem:s2+$0x100 ss:$0x1], $0xffff;
	_ =	sdelay $0x2  }
0x37: {  	s30 =	smulhi.u32 $0xAAAAAAAB, s18;
	p1 =	sne.s32 s24, $0x1  }
0x38: {  	v4 =	vimm.s32 @!p1 $0x0  }
0x39: {  	s2 =	sshrl.u32 s30, $0x1;
	v4 =	vperm.xlane @!p1 v3, v4  }
0x3a: {  	s4 =	sshll.u32 s24, $0x4;
	s2 =	smul.u32 $0xFFFE8900, s2;
	vm4 =	vlt.u32 v3, $0x2800  }
0x3b: {  	s4 =	sand.u32 $0x10, s4;
	v3 =	vnsel vm4, $0xFFFFFFFE, v3;
	vm4 =	vlt.u32 @!p1 v4, $0x2800  }
0x3c: {  	s2 =	sshra.s32 s2, $0x2;
	[tilespmem:s4+$0x60] =	vst v3;
	v3 =	vnsel @!p1 vm4, $0xFFFFFFFE, v4  }
0x3d: {  	s28 =	sadd.s32 s2, s17;
	[tilespmem:$0x80] =	vst @!p1 v3  }
0x3e: {  	v3 =	vld.msk [tilespmem:s28+$0x0 ss:$0x1], $0xffff;
	_ =	sdelay $0x4  }
0x3f: {  	(xrf1) =	vunique.msk.u32 $0xffff, v3;
	_ =	sdelay $0xd  }
0x40: {  	v4 =	vimm.s32 $0xFFFFFFFF;
	v5, _, _ =	vpop (xrf1)  }
0x41: {  	vm5 =	vne.s32 v3, v4;
	vm4 =	veq.s32 v5, v2  }
0x42: {  	vm6 =	vlt.u32 v3, $0x2800;
	vm4 =	vmand vm5, vm4  }
0x43: {  	vm4 =	vmand vm6, vm4  }
0x44: {  	v4 =	vnsel vm4, $0xFFFFFFFF, v3  }
0x45: {  	s31 =	sand.u32 $0x1, s0  }
0x46: {  	s0 =	simm.s32 $0x1F40;
	p1 =	seq.s32 s31, $0x1  }
0x47: {  	s0 =	simm.s32 @!p1 $0x0  }
0x48: {  	s26 =	sadd.s32 $0x7DF0, s0;
	(ifvalue) =	ssetifvalue $0xFFFFFFFF  }
0x49: {  	v3 =	vperm.xlane v3, v1;
	[tilespmem:s26], [sflag:$0x8] =	stream.indirect_vreg.gather [hbm4b:s1+s16], $0x1, v4, vm0, $0x4038;
	v4 =	vnsel vm6, $0xFFFFFFFE, v4;
	[tilespmem:$0x11A60] =	vst v63  }
0x4a: {  	s2 =	simm.s32 $0x0;
	s4 =	sadd.s32 $0xFFFFFFF0, s28;
	[tilespmem:s28+$0x0] =	vst v4  }
.LBB2_3:
0x4b: {  	v4 =	vld.msk [tilespmem:s4+$0x0 ss:$0x1], $0xffff;
	s2 =	sadd.s32 $0x10, s2;
	v5 =	vmov v3;
	s28 =	smov.u32 s4  }
0x4c: {  	p1 =	slt.u32 s2, $0x1F30;
	_ =	sdelay $0x4  }
0x4d: {  	v3 =	vperm.xlane v4, v1;
	(xrf1) =	vunique.msk.u32 $0xffff, v4;
	_ =	sdelay $0xd  }
0x4e: {  	v6, _, _ =	vpop (xrf1)  }
0x4f: {  	vm5 =	vne.s32 v4, v5;
	vm4 =	veq.s32 v6, v2  }
0x50: {  	vm6 =	vlt.u32 v4, $0x2800;
	vm4 =	vmand vm5, vm4  }
0x51: {  	vm4 =	vmand vm6, vm4  }
0x52: {  	v4 =	vnsel vm4, $0xFFFFFFFF, v4  }
.Ltmp3:
0x53: {  	v5 =	vnsel vm6, $0xFFFFFFFE, v4;
	(pc) =	sbr.rel @p1 .LBB2_3-.Ltmp3, $3  }
0x54: {  	_ =	sdelay $0x1  }
0x55: {  	s4 =	sadd.s32 $0xFFFFFFF0, s4;
	s26 =	sadd.s32 $0xFFFFFFF0, s26;
	(ifvalue) =	ssetifvalue $0xFFFFFFFF  }
0x56: {  	[tilespmem:s26], [sflag:$0x8] =	stream.indirect_vreg.gather [hbm4b:s1+s16], $0x1, v4, vm0, $0x4038;
	[tilespmem:s28+$0x0] =	vst v5  }
0x57: {  	s2 =	sshrl.u32 s25, $0x3;
	s4 =	rddreg [dreg:$0x2]  }
0x58: {  	s0 =	sadd.s32 $0x9D40, s0;
	s2 =	sadd.s32 s4, s2  }
0x59: {  	[tilespmem:s0], [sflag:$0x8] =	stream.linear.gather [hbm:s2], $0x1F40, $0x38;
	[tilespmem:$0x11A60] =	vst v63  }
.LBB2_5:
0x5a: {  	p1 =	slt.u32 s24, $0x2  }
0x5b: {  	p2 =	sge.u32 @!p1 s24, s12  }
0x5c: {  	p1 =	por p1, p2  }
.Ltmp4:
0x5d: {  	_ = 	snop;
	(pc) =	sbr.rel @p1 .LBB2_9-.Ltmp4, $1  }
0x5e: {  	_ =	sdelay $0x3  }
0x5f: {  	s0 =	sadd.s32 $0xFFFFFFFE, s24  }
0x60: {  	s2 =	smulhi.u32 $0xAAAAAAAB, s0;
	_ =	sdelay $0x1  }
0x61: {  	s2 =	sshrl.u32 s2, $0x1  }
0x62: {  	s2 =	smul.u32 $0x3, s2;
	_ =	sdelay $0x1  }
0x63: {  	s0 =	ssub.s32 s0, s2  }
0x64: {  	_ =	swait.ge [sflag:s9], $0x3E80;
	s0 =	smul.u32 $0x1F40, s0  }
0x65: {  	p1 =	sne.s32 s24, s11;
	[sflag:s9] =	ssyncset.done $0x0  }
0x66: {  	[sflag:s9] =	ssyncadd.s32 $0xFFFFC180;
	s2 =	sadd.s32 @!p1 $0x203F, s0  }
0x67: {  	[spmem:s14] =	stream.linear.scatter @!p1 [tilespmem:s2], [sflag:$0x1], $0x1, $0x38;
	[tilespmem:$0x11A60] =	vst v63  }
0x68: {  	s2 =	simm.s32 @!p1 $0x1  }
0x69: {  	_ =	swait.ge @!p1 [sflag:s2], $0x1  }
0x6a: {  	s4 =	sshll.u32 s24, $0x4;
	[sflag:s2] =	ssyncset.done @!p1 $0x0  }
0x6b: {  	s25 =	sand.u32 $0x10, s4;
	[sflag:s2] =	ssyncadd.s32 @!p1 $0xFFFFFFFF  }
0x6c: {  	s2 =	sxor.u32 $0x10, s25;
	v4 =	vld [tilespmem:s25+$0x10]  }
0x6d: {  	v5 =	vld [tilespmem:s2+$0x60]  }
0x6e: {  	v3 =	vld [tilespmem:$0x80];
	_ =	sdelay $0x2  }
0x6f: {  	(v2sf) =	vpush v4, $0x0  }
0x70: {  	(v2sf) =	vpush v5, $0x0  }
0x71: {  	(v2sf) =	vpush v3, $0x0;
	_ =	sdelay $0xc  }
0x72: {  	s4 =	spop (v2sf)  }
0x73: {  	s26 =	spop (v2sf)  }
0x74: {  	s28 =	spop (v2sf)  }
0x75: {  	p2 =	seq.s32 s4, s26;
	p3 =	seq.s32 s28, s4  }
0x76: {  	p3 =	por p2, p3  }
0x77: {  	s26 =	sand.u32 $0x1, s24;
	v4 =	vpsel p3, $0xFFFFFFFF, v4  }
0x78: {  	s29 =	smul.u32 $0x1F40, s26;
	[tilespmem:s25+$0x10] =	vst.msk $0x1, v4  }
0x79: {  	v4 =	vld [tilespmem:$0x30]  }
0x7a: {  	v5 =	vld [tilespmem:s29+$0x9D40]  }
0x7b: {  	v6 =	vld [tilespmem:s25+$0x40];
	_ =	sdelay $0x3  }
0x7c: {  	vm4 =	vmmov vm1;
	v5 =	vadd.f32 v5, v4  }
0x7d: {  	vm5 =	vmmov vm2;
	vm4 =	vmmov @p2 vm2;
	s4 =	sshll.u32 s26, $0x4;
	v4 =	vadd.f32 v6, v4  }
0x7e: {  	s26 =	sor.u32 $0x11A40, s4;
	vm5 =	vmmov @p3 vm1;
	[tilespmem:s29+$0x9D40] =	vst.msk vm4, v5  }
0x7f: {  	[tilespmem:s26+$0x0] =	vst.msk vm5, v4  }
0x80: {  	v4 =	vld [tilespmem:s29+$0x7DF0];
	_ =	sdelay $0x3  }
0x81: {  	v5 =	vimm.f32 $0.0e+00  }
0x82: {  	v4 =	vshift.insert v4, v5, s21  }
0x83: {  	s4 =	sor.u32 $0x40, s2  }
0x84: {  	[tilespmem:s4+$0x0] =	vst.msk $0x1, v4  }
0x85: {  	[tilespmem:s29+$0x7DFF] =	vst.msk $0x1, v5  }
0x86: {  	v4 =	vld [tilespmem:s0+$0x2030];
	_ =	sdelay $0x1  }
0x87: {  	s4 =	smulhi.u32 $0xAAAAAAAB, s20;
	s0 =	simm.s32 $0x1  }
0x88: {  	s0 =	simm.s32 @!p0 $0x0  }
0x89: {  	s4 =	sshrl.u32 s4, $0x1;
	s0 =	smul.u32 $0x7D00, s0  }
0x8a: {  	s4 =	smul.u32 $0xFFFE8900, s4;
	v4 =	vshift.insert v4, v1, s21  }
0x8b: {  	s0 =	sshrl.u32 s0, $0x2  }
0x8c: {  	s4 =	sshra.s32 s4, $0x2;
	s30 =	sadd.s32 $0x9D40, s0;
	[tilespmem:s2+$0x10] =	vst.msk $0x1, v4  }
0x8d: {  	s4 =	sadd.s32 s4, s19;
	v6 =	vld [tilespmem:s30+$0x0]  }
0x8e: {  	v7 =	vld [tilespmem:s4+$0x0];
	_ =	sdelay $0x3  }
0x8f: {  	v5 =	vadd.f32 v6, v5  }
0x90: {  	vm4 =	vne.s32 v7, $0xFFFFFFFF  }
0x91: {  	(xrf2) =	vadd.seg.scan.f32 vm4, v5;
	_ =	sdelay $0x3  }
0x92: {  	s31 =	sadd.s32 $0x5EC0, s0;
	v5 =	vperm.xlane v4, v1  }
0x93: {  	v6 =	vld [tilespmem:s31+$0x0]  }
0x94: {  	vm5 =	veq.s32 v7, v3;
	vm6 =	veq.s32 v7, v5  }
0x95: {  	vm7 =	vgt.u32 v7, $0xFFFFFFFD;
	vm6 =	vmor vm6, vm5  }
0x96: {  	vm6 =	vmor vm6, vm7  }
0x97: {  	v9 =	vld [tilespmem:$0xA0];
	v7 =	vsel vm6, $0xFFFFFFFF, v7  }
0x98: {  	v10 =	vld [tilespmem:$0x90];
	v6 =	vsel vm5, $0x0, v6;
	v8, _, _ =	vpop (xrf2)  }
0x99: {  	v6 =	vadd.f32 v8, v6  }
0x9a: {  	s0 =	sadd.s32 $0xDBC0, s0  }
0x9b: {  	vm4 =	vmand vm4, vm3;
	[tilespmem:s0+$0x0] =	vst v6;
	(ifvalue) =	ssetifvalue $0xFFFFFFFF  }
0x9c: {  	vm6 =	veq.s32 v9, $0x1;
	[hbm4b:s1+s16] =	stream.indirect_vreg.scatter [tilespmem:s0], [sflag:$0x2], $0x1, v7, vm0, $0x4038;
	v7 =	vsel vm4, $0x0, v8;
	[tilespmem:$0x11A60] =	vst v63  }
0x9d: {  	s2 =	simm.s32 $0x0;
	s4 =	sadd.s32 $0x10, s4;
	vm4 =	vmor vm6, vm5;
	v6 =	vsel vm5, v8, v10;
	v7 =	vshift.insert v7, v0, s21  }
.LBB2_7:
0x9e: {  	v8 =	vld [tilespmem:s4+$0x0];
	s30 =	sadd.s32 $0x10, s30  }
0x9f: {  	s31 =	sadd.s32 $0x10, s31;
	v9 =	vld [tilespmem:s30+$0x0]  }
0xa0: {  	s2 =	sadd.s32 $0x10, s2;
	v10 =	vld [tilespmem:s31+$0x0]  }
0xa1: {  	p2 =	slt.u32 s2, $0x1F30;
	_ =	sdelay $0x2  }
0xa2: {  	v7 =	vadd.f32 v9, v7  }
0xa3: {  	vm5 =	vne.s32 v8, $0xFFFFFFFF  }
0xa4: {  	vm6 =	vmand vm5, vm3;
	(xrf2) =	vadd.seg.scan.f32 vm5, v7;
	_ =	sdelay $0x5  }
0xa5: {  	vm7 =	veq.s32 v8, v5;
	vm5 =	veq.s32 v8, v3  }
0xa6: {  	vm8 =	vgt.u32 v8, $0xFFFFFFFD;
	vm4 =	vmor vm4, vm5;
	vm7 =	vmor vm7, vm5  }
0xa7: {  	vm7 =	vmor vm7, vm8  }
0xa8: {  	v8 =	vsel vm7, $0xFFFFFFFF, v8  }
.Ltmp5:
0xa9: {  	v7 =	vsel vm5, $0x0, v10;
	v9, _, _ =	vpop (xrf2);
	(pc) =	sbr.rel @p2 .LBB2_7-.Ltmp5, $4  }
0xaa: {  	v6 =	vsel vm5, v9, v6;
	v10 =	vadd.f32 v9, v7;
	v7 =	vsel vm6, $0x0, v9  }
0xab: {  	s0 =	sadd.s32 $0x10, s0;
	v7 =	vshift.insert v7, v0, s21  }
0xac: {  	s4 =	sadd.s32 $0x10, s4;
	[tilespmem:s0+$0x0] =	vst v10;
	(ifvalue) =	ssetifvalue $0xFFFFFFFF  }
0xad: {  	[hbm4b:s1+s16] =	stream.indirect_vreg.scatter [tilespmem:s0], [sflag:$0x2], $0x1, v8, vm0, $0x4038;
	[tilespmem:$0x11A60] =	vst v63  }
0xae: {  	v3 =	vld [tilespmem:s29+$0xFAF0];
	_ =	sdelay $0x4  }
0xaf: {  	v3 =	vshift.insert v3, v0, s21;
	_ =	sdelay $0x1  }
0xb0: {  	[tilespmem:s22+$0x0] =	vst.msk $0x1, v3  }
0xb1: {  	v3 =	vsel vm4, $0x1, v1;
	[tilespmem:$0x90] =	vst v6  }
0xb2: {  	s0 =	sadd.s32 @!p1 $0xFAFF, s29;
	[tilespmem:$0xA0] =	vst v3  }
0xb3: {  	[spmem:s15] =	stream.linear.scatter @!p1 [tilespmem:s0], [sflag:$0x1], $0x1, $0x38;
	[tilespmem:$0x11A60] =	vst v63  }
0xb4: {  	s0 =	simm.s32 @!p1 $0x1  }
0xb5: {  	v3 =	vmctz.xlane @!p1 vm4;
	_ =	swait.ge @!p1 [sflag:s0], $0x1  }
0xb6: {  	(v2sf) =	vpush @!p1 v4, $0x0  }
0xb7: {  	(v2sf) =	vpush @!p1 v3, $0x0;
	_ =	sdelay $0xd  }
0xb8: {  	s2 =	spop @!p1 (v2sf)  }
0xb9: {  	s4 =	spop @!p1 (v2sf)  }
0xba: {  	p2 =	sne.s32 @!p1 s28, s2;
	p3 =	slt.s32 @!p1 s4, $0xF  }
0xbb: {  	[sflag:s0] =	ssyncset.done @!p1 $0x0;
	p2 =	por p2, p1;
	p3 =	por !p3, p1  }
0xbc: {  	[sflag:s0] =	ssyncadd.s32 @!p1 $0xFFFFFFFF;
	v3 =	vimm.s32 @!p2 $0xFFFFFFFF;
	s4 =	simm.s32 @p3 $0xF  }
0xbd: {  	[tilespmem:$0x80] =	vst @!p2 v3;
	s2 =	sadd.s32 @!p1 $0x90, s4  }
0xbe: {  	[spmem:s5] =	stream.linear.scatter @!p1 [tilespmem:s2], [sflag:$0x1], $0x1, $0x38;
	[tilespmem:$0x11A60] =	vst v63  }
0xbf: {  	_ =	swait.ge @!p1 [sflag:s0], $0x1  }
0xc0: {  	[sflag:s0] =	ssyncset.done @!p1 $0x0  }
0xc1: {  	s2 =	simm.s32 @!p1 $0x80;
	[sflag:s0] =	ssyncadd.s32 @!p1 $0xFFFFFFFF  }
0xc2: {  	[spmem:s13] =	stream.linear.scatter @!p1 [tilespmem:s2], [sflag:$0x1], $0x1, $0x38;
	[tilespmem:$0x11A60] =	vst v63  }
0xc3: {  	_ =	swait.ge @!p1 [sflag:s0], $0x1  }
0xc4: {  	[sflag:s0] =	ssyncset.done @!p1 $0x0  }
0xc5: {  	[sflag:s0] =	ssyncadd.s32 @!p1 $0xFFFFFFFF;
	(ifvalue) =	ssetifvalue $0xFFFFFFFF;
	v3 =	vld [tilespmem:s25+$0x10];
	_ =	sdelay $0x3  }
.Ltmp6:
0xc6: {  	_ = 	snop;
	(pc) =	sbr.rel .LBB2_9-.Ltmp6, $3  }
0xc7: {  	_ =	sdelay $0x1  }
0xc8: {  	(ifvalue) =	ssetifvalue $0xFFFFFFFF  }
0xc9: {  	[hbm4b:s1+s16] =	stream.indirect_vreg.scatter [tilespmem:s26], [sflag:$0x9], $0x1, v3, vm0, $0x4038;
	[tilespmem:$0x11A60] =	vst v63  }
.LBB2_10:
0xca: {  	_ =	sfence.sel $0x180000  }
0xcb: {  	s0 =	simm.s32 $0x7;
	[bflag:$0x0] =	sbarrier.arrive $0xFFFF  }
0xcc: {  	s26 =	simm.s32 $0x8;
	[sflag:s0] =	ssyncpa.u1 $0x1  }
0xcd: {  	s28 =	simm.s32 $0x9;
	[sflag:s26] =	ssyncpa.u1 $0x1  }
0xce: {  	[sflag:s28] =	ssyncpa.u1 $0x1  }
0xcf: {  	_ =	sfence.stream.spmem  }
0xd0: {  	s29 =	simm.s32 $0x3;
	[bflag:$0x0] =	sbarrier.arrive $0xFFFF  }
0xd1: {  	s30 =	simm.s32 $0x4;
	[sflag:s29] =	ssyncpa.u1 $0x1  }
0xd2: {  	s31 =	simm.s32 $0x3C;
	s2 =	stileid.u32;
	[sflag:s30] =	ssyncpa.u1 $0x1  }
0xd3: {  	p0 =	sne.s32 s2, $0x0;
	[sflag:s31] =	ssyncpa.u1 $0x1  }
0xd4: {  	s0 =	simm.s32 @p0 $0x1;
	_ =	sfence @p0  }
0xd5: {  	[sflag:s0] =	ssyncpa.u1 @p0 $0x1;
	s0 =	simm.s32 @p0 $0x2  }
0xd6: {  	[sflag:s0] =	ssyncpa.u1 @p0 $0x1  }
0xd7: {  	_ =	strace @p0 $0x90000047  }
0xd8: {  	[bflag:$0x2] =	sbarrier.arrive @p0 $0xFFFF  }
0xd9: {  	_ =	shalt @p0  }
.LBB2_11:
0xda: {  	_ =	sfence.stream.spmem;
	s0 =	simm.s32 $0x5  }
0xdb: {  	s2 =	simm.s32 $0x80;
	s3 =	simm.s32 $0xC0;
	[sflag:s0] =	ssyncpa.u1 $0x0  }
0xdc: {  	[tilespmem:s3], [sflag:$0x5] =	stream.linear.gather [spmem:s2], $0x20, $0x38;
	[tilespmem:$0x11A60] =	vst v63  }
0xdd: {  	s2 =	simm.s32 $0x0;
	s3 =	simm.s32 $0xE0  }
0xde: {  	[tilespmem:s3], [sflag:$0x5] =	stream.linear.gather [spmem:s2], $0x20, $0x38;
	[tilespmem:$0x11A60] =	vst v63  }
.Ltmp7:
0xdf: {  	_ = 	snop;
	(pc) =	sbr.rel .LBB2_12-.Ltmp7, $4  }
0xe0: {  	_ =	swait.ge [sflag:s0], $0x40  }
0xe1: {  	[sflag:s0] =	ssyncset.done $0x0  }
0xe2: {  	s31 =	simm.s32 $0x6;
	[sflag:s0] =	ssyncadd.s32 $0xFFFFFFC0  }
0xe3: {  	s4 =	simm.s32 $0x0;
	[sflag:s31] =	ssyncpa.u1 $0x0  }
.LBB2_17:
0xe4: {  	p0 =	sgt.u32 s5, $0x27FF  }
0xe5: {  	s0 =	sshrl.u32 @!p0 s5, $0x3  }
0xe6: {  	s5 =	sand.u32 @!p0 $0x7, s5;
	s6 =	simm.s32 @!p0 $0xB0;
	s0 =	sadd.s32 @!p0 s1, s0  }
0xe7: {  	[tilespmem:s6], [sflag:$0x6] =	stream.linear.gather @!p0 [hbm4b:s0+s5], $0x1, $0x38;
	[tilespmem:$0x11A60] =	vst v63  }
0xe8: {  	s0 =	simm.s32 @!p0 $0x6  }
0xe9: {  	_ =	swait.ge @!p0 [sflag:s0], $0x1  }
0xea: {  	[sflag:s0] =	ssyncset.done @!p0 $0x0  }
0xeb: {  	[sflag:s0] =	ssyncadd.s32 @!p0 $0xFFFFFFFF  }
0xec: {  	v2 =	vmov @!p0 s4;
	v1 =	vld.msk @!p0 [tilespmem:$0xB0], $0x1;
	_ =	sdelay $0x3  }
0xed: {  	s0 =	simm.s32 @!p0 $0xE0  }
0xee: {  	[tilespmem:v2+s0+$0x0], v1 =	vst.idx.ret.add.f32.msk @!p0 $0x1, v1  }
0xef: {  	[tilespmem:s2+$0xC0] =	vst.msk $0x1, v0  }
0xf0: {  	v0 =	vld.msk [tilespmem:s4+$0xE0], $0x1;
	_ =	sdelay $0x4  }
0xf1: {  	[tilespmem:s2+$0xE0] =	vst.msk $0x1, v0;
	s2 =	sadd.s32 $0x1, s2  }
.LBB2_19:
0xf2: {  	s4 =	sadd.s32 $0x1, s4  }
0xf3: {  	p0 =	sne.s32 s4, $0x20  }
.Ltmp8:
0xf4: {  	_ = 	snop;
	(pc) =	sbr.rel @!p0 .LBB2_20-.Ltmp8, $1  }
0xf5: {  	_ =	sdelay $0x3  }
.LBB2_12:
0xf6: {  	v0 =	vld.msk [tilespmem:s4+$0xC0], $0x1;
	_ =	sdelay $0x4  }
0xf7: {  	(v2sf) =	vpush v0, $0x0;
	_ =	sdelay $0xe  }
0xf8: {  	s5 =	spop (v2sf)  }
0xf9: {  	p0 =	seq.s32 s5, $0xFFFFFFFF  }
.Ltmp9:
0xfa: {  	_ = 	snop;
	(pc) =	sbr.rel @p0 .LBB2_19-.Ltmp9, $1  }
0xfb: {  	_ =	sdelay $0x3  }
0xfc: {  	p0 =	slt.s32 s2, $0x1  }
.Ltmp10:
0xfd: {  	_ = 	snop;
	(pc) =	sbr.rel @p0 .LBB2_17-.Ltmp10, $1  }
0xfe: {  	_ =	sdelay $0x3  }
0xff: {  	s0 =	simm.s32 $0xC0;
	p0 =	por $0x0, $0x0  }
0x100: {  	v1 =	vld.msk @!p0 [tilespmem:s0+$0x0], $0x1;
	_ =	sdelay $0x4  }
0x101: {  	(v2sf) =	vpush @!p0 v1, $0x0;
	_ =	sdelay $0xd  }
0x102: {  	p2 =	sne.s32 s2, $0x1  }
.Ltmp11:
0x103: {  	s6 =	spop @!p0 (v2sf);
	(pc) =	sbr.rel @!p2 .LBB2_16-.Ltmp11, $4  }
0x104: {  	p1 =	seq.s32 @!p0 s5, s6  }
0x105: {  	s6 =	simm.s32 $0x0;
	p1 =	por !p1, p0  }
0x106: {  	s8 =	simm.s32 $0xFFFFFFFF;
	s6 =	simm.s32 @p1 $0xFFFFFFFF  }
0x107: {  	s7 =	simm.s32 $0x1;
	s6 =	smov.u32 @p0 s8  }
.LBB2_15:
0x108: {  	s8 =	smov.u32 s6;
	p0 =	sne.s32 s6, $0xFFFFFFFF  }
0x109: {  	s0 =	sadd.s32 $0x1, s0;
	s6 =	smov.u32 s7;
	s7 =	sadd.s32 $0x1, s7  }
0x10a: {  	p1 =	sne.s32 s2, s7;
	v1 =	vld.msk @!p0 [tilespmem:s0+$0x0], $0x1;
	_ =	sdelay $0x4  }
0x10b: {  	(v2sf) =	vpush @!p0 v1, $0x0;
	_ =	sdelay $0xe  }
.Ltmp12:
0x10c: {  	s9 =	spop @!p0 (v2sf);
	(pc) =	sbr.rel @p1 .LBB2_15-.Ltmp12, $4  }
0x10d: {  	p2 =	seq.s32 @!p0 s5, s9  }
0x10e: {  	p2 =	por !p2, p0  }
0x10f: {  	s6 =	simm.s32 @p2 $0xFFFFFFFF  }
0x110: {  	s6 =	smov.u32 @p0 s8  }
.LBB2_16:
0x111: {  	p0 =	sne.s32 s6, $0xFFFFFFFF  }
.Ltmp13:
0x112: {  	_ = 	snop;
	(pc) =	sbr.rel @!p0 .LBB2_17-.Ltmp13, $1  }
0x113: {  	_ =	sdelay $0x3  }
0x114: {  	v0 =	vld.msk [tilespmem:s4+$0xE0], $0x1;
	v1 =	vmov s6  }
.Ltmp14:
0x115: {  	_ = 	snop;
	(pc) =	sbr.rel .LBB2_19-.Ltmp14, $2  }
0x116: {  	_ =	sdelay $0x2  }
0x117: {  	[tilespmem:v1+s3+$0x0], v0 =	vst.idx.ret.add.f32.msk $0x1, v0  }
.LBB2_20:
0x118: {  	p0 =	slt.s32 s2, $0x1  }
.Ltmp15:
0x119: {  	_ = 	snop;
	(pc) =	sbr.rel @p0 .LBB2_24-.Ltmp15, $3  }
0x11a: {  	_ =	sdelay $0x1  }
0x11b: {  	s0 =	simm.s32 $0x6  }
0x11c: {  	s3 =	simm.s32 $0x0;
	[sflag:s0] =	ssyncpa.u1 $0x1  }
0x11d: {  	s0 =	simm.s32 $0xC0  }
0x11e: {  	v0 =	vld.msk [tilespmem:s0+$0x0], $0x1;
	_ =	sdelay $0x4  }
0x11f: {  	(v2sf) =	vpush v0, $0x0;
	_ =	sdelay $0xe  }
0x120: {  	s2 =	sadd.s32 $0xFFFFFFFF, s2;
	s4 =	spop (v2sf)  }
0x121: {  	p1 =	sne.s32 s2, $0x0;
	p0 =	sgt.u32 s4, $0x27FF  }
.Ltmp16:
0x122: {  	s5 =	sshrl.u32 @!p0 s4, $0x3;
	(pc) =	sbr.rel @!p1 .LBB2_23-.Ltmp16, $4  }
0x123: {  	s0 =	simm.s32 $0xE0;
	s4 =	sand.u32 @!p0 $0x7, s4;
	s5 =	sadd.s32 @!p0 s1, s5  }
0x124: {  	[hbm4b:s5+s4] =	stream.linear.scatter @!p0 [tilespmem:s0], [sflag:$0x5], $0x1, $0x38;
	[tilespmem:$0x11A60] =	vst v63  }
0x125: {  	s5 =	simm.s32 $0x0  }
0x126: {  	s4 =	simm.s32 $0xC1;
	s5 =	simm.s32 @!p0 $0x4  }
.LBB2_22:
0x127: {  	v0 =	vld.msk [tilespmem:s4+$0x0], $0x1;
	s2 =	sadd.s32 $0xFFFFFFFF, s2;
	s3 =	sadd.s32 s3, s5  }
0x128: {  	p0 =	sne.s32 s2, $0x0;
	_ =	sdelay $0x3  }
0x129: {  	(v2sf) =	vpush v0, $0x0;
	_ =	sdelay $0xe  }
.Ltmp17:
0x12a: {  	s6 =	spop (v2sf);
	(pc) =	sbr.rel @p0 .LBB2_22-.Ltmp17, $4  }
0x12b: {  	s5 =	simm.s32 $0x0;
	p1 =	sgt.u32 s6, $0x27FF  }
0x12c: {  	s0 =	sadd.s32 $0x1, s0;
	s5 =	simm.s32 @!p1 $0x4;
	s7 =	sshrl.u32 @!p1 s6, $0x3  }
0x12d: {  	s4 =	sadd.s32 $0x1, s4;
	s6 =	sand.u32 @!p1 $0x7, s6;
	s7 =	sadd.s32 @!p1 s1, s7  }
0x12e: {  	[hbm4b:s7+s6] =	stream.linear.scatter @!p1 [tilespmem:s0], [sflag:$0x5], $0x1, $0x38;
	[tilespmem:$0x11A60] =	vst v63  }
.LBB2_23:
0x12f: {  	s0 =	sadd.s32 s3, s5  }
0x130: {  	s3 =	sshrl.u32 s0, $0x2  }
.LBB2_24:
0x131: {  	s0 =	simm.s32 $0x5  }
0x132: {  	_ =	swait.ge [sflag:s0], s3  }
0x133: {  	s1 =	ssub.s32 $0x0, s3;
	[sflag:s0] =	ssyncset.done $0x0  }
0x134: {  	[sflag:s0] =	ssyncadd.s32 s1  }
0x135: {  	[sflag:s0] =	ssyncpa.u1 $0x1  }
0x136: {  	s29 =	simm.s32 $0x1;
	_ =	sfence  }
0x137: {  	s30 =	simm.s32 $0x2;
	[sflag:s29] =	ssyncpa.u1 $0x1  }
0x138: {  	[sflag:s30] =	ssyncpa.u1 $0x1  }
0x139: {  	_ =	strace $0x90000047  }
0x13a: {  	[bflag:$0x2] =	sbarrier.arrive $0xFFFF  }
0x13b: {  	s31 =	rddreg [dreg:$0x3]  }
0x13c: {  	s0 =	sadd.s32 $0x100000, s31  }
0x13d: {  	[sflag:s0] =	ssyncadd.tile.s32 $0x1;
	_ =	shalt  }
.Lfunc_end2:
_tile_overlayer_lowered:
.L_overlay_start_2:
0x13e: {  	(tag) =	ssettag $0x2  }
0x13f: {  	s0 =	rddreg [dreg:$0x0];
	s2 =	stileid.u32  }
0x140: {  	s1 =	rddreg [dreg:$0x1];
	p0 =	sne.s32 s2, $0x0  }
0x141: {  	s3 =	rddreg [dreg:$0x2];
	[bflag:$0x3] =	sbarrier.arrive $0xFFFF;
	s2 =	simm.s32 @!p0 $0x1C01  }
0x142: {  	[timem:s3], [sflag:s2] =	dma.local @!p0 [hbm:s0], s1  }
0x143: {  	s0 =	simm.s32 @!p0 $0x1  }
0x144: {  	_ =	swait.ge @!p0 [sflag:s0], s1  }
0x145: {  	s1 =	ssub.s32 @!p0 $0x0, s1;
	[sflag:s0] =	ssyncset.done @!p0 $0x0  }
0x146: {  	[sflag:s0] =	ssyncadd.s32 @!p0 s1  }
0x147: {  	[bflag:$0x3] =	sbarrier.arrive $0xFFFF  }
0x148: {  	_ =	shalt  }

</sc_bundles>
